<compile_context>
chip_gen: v7x
topology: tpu7x:2x2x1
jax: 0.10.2.dev20260603
libtpu: 0.0.44.dev20260713+nightly
codegen_flags: <defaults>
</compile_context>

<pallas_src>
import jax
import jax.numpy as jnp
from jax import lax
from jax.experimental import pallas as pl
from jax.experimental.pallas import tpu as pltpu
from jax.experimental.pallas import tpu_sc as plsc

B, P, L, M, L_EVAL = 8, 16, 256, 64, 2048
LANES = 16
NCORES = 2
NSUB = 16
NW = NCORES * NSUB
PAIRS = B * P
PAIRS_PER_W = PAIRS // NW
QCHUNK = 512
NCHUNK = L_EVAL // QCHUNK
JV_PER_CHUNK = QCHUNK // LANES
MGROUP = 8
SEARCH_WAY = 4


def _sc_body(q_hbm, et_hbm, mu_hbm, al_hbm, be_hbm, nc_hbm, invnc_hbm,
             out_hbm,
             mu_v, al_v, be_v, et_v, q_v, nc_v, invnc_v, idx_v, ndt_v,
             outb0, outb1, sem_p, sem_o0, sem_o1):
    wid = lax.axis_index("s") * NCORES + lax.axis_index("c")

    idx_v[pl.ds(L_EVAL, LANES)] = jnp.zeros((LANES,), jnp.int32)
    ndt_v[pl.ds(L_EVAL, LANES)] = jnp.zeros((LANES,), jnp.float32)

    def drain(buf, sem):
        pltpu.make_async_copy(
            out_hbm.at[0, :, 0, pl.ds(0, QCHUNK)], buf, sem).wait()

    def pair_body(k, carry):
        pid = wid * PAIRS_PER_W + k
        b = pid // P
        p = pid % P

        cp_mu = pltpu.async_copy(mu_hbm.at[b, :, p, :], mu_v, sem_p)
        cp_al = pltpu.async_copy(al_hbm.at[b, :, p, :], al_v, sem_p)
        cp_be = pltpu.async_copy(be_hbm.at[b, :, p, :], be_v, sem_p)
        pltpu.sync_copy(et_hbm.at[b, p], et_v)
        pltpu.sync_copy(q_hbm.at[b, p], q_v)
        pltpu.sync_copy(nc_hbm.at[b], nc_v)
        pltpu.sync_copy(invnc_hbm.at[b], invnc_v)

        ncv = nc_v[...]

        def search_body(jj, carry):
            qns = []
            poss = []
            for w in range(SEARCH_WAY):
                jv = jj * SEARCH_WAY + w
                q = q_v[pl.ds(jv * LANES, LANES)]
                qns.append(q / ncv)
                poss.append(jnp.zeros((LANES,), jnp.int32))
            for sz in (128, 64, 32, 16, 8, 4, 2, 1):
                vals = [plsc.load_gather(et_v, [poss[w] + (sz - 1)])
                        for w in range(SEARCH_WAY)]
                poss = [jnp.where(vals[w] < qns[w], poss[w] + sz, poss[w])
                        for w in range(SEARCH_WAY)]
            vals = [plsc.load_gather(et_v, [poss[w]])
                    for w in range(SEARCH_WAY)]
            sss = [jnp.where(vals[w] < qns[w], poss[w] + 1, poss[w])
                   for w in range(SEARCH_WAY)]
            idxs = [jnp.maximum(sss[w] - 1, 0) for w in range(SEARCH_WAY)]
            tls = [plsc.load_gather(et_v, [idxs[w]])
                   for w in range(SEARCH_WAY)]
            for w in range(SEARCH_WAY):
                jv = jj * SEARCH_WAY + w
                tl = jnp.where(sss[w] == 0,
                               jnp.zeros((LANES,), jnp.float32), tls[w])
                idx_v[pl.ds(jv * LANES, LANES)] = idxs[w]
                ndt_v[pl.ds(jv * LANES, LANES)] = tl - qns[w]
            return carry

        lax.fori_loop(0, (L_EVAL // LANES) // SEARCH_WAY, search_body, 0)

        cp_mu.wait()
        cp_al.wait()
        cp_be.wait()

        invncv = invnc_v[...]

        def scale_body(m, carry):
            for t in range(L // LANES):
                sl = pl.ds(t * LANES, LANES)
                muv = mu_v[m, sl]
                alv = al_v[m, sl]
                mu_s = muv * invncv
                d_s = (alv - muv) * invncv
                packed = plsc.pack(mu_s, d_s,
                                   format=plsc.PackFormat.INTERLEAVED)
                mu_v[m, sl] = plsc.bitcast(packed, jnp.float32)
            return carry

        lax.fori_loop(0, M, scale_body, 0)

        def be_pack_body(mp, carry):
            for t in range(L // LANES):
                sl = pl.ds(t * LANES, LANES)
                b0 = be_v[2 * mp, sl]
                b1 = be_v[2 * mp + 1, sl]
                packed = plsc.pack(b0, b1,
                                   format=plsc.PackFormat.INTERLEAVED)
                be_v[mp, sl] = plsc.bitcast(packed, jnp.float32)
            return carry

        lax.fori_loop(0, M // 2, be_pack_body, 0)

        NG = M // MGROUP

        def gload(g, idxq):
            ms = [jnp.full((LANES,), g * MGROUP + i, jnp.int32)
                  for i in range(MGROUP)]
            mps = [jnp.full((LANES,), (g * MGROUP) // 2 + i, jnp.int32)
                   for i in range(MGROUP // 2)]
            g_w = [plsc.load_gather(mu_v, [mv, idxq]) for mv in ms]
            g_bw = [plsc.load_gather(be_v, [mv, idxq]) for mv in mps]
            return g_w, g_bw

        def run_chunk(outb, base):
            def jv_body(jv, carry):
                idxq, ndt, g_w, g_bw = carry
                for g in range(NG):
                    if g + 1 < NG:
                        nxt = gload(g + 1, idxq)
                    else:
                        qoff_n = base + (jv + 1) * LANES
                        idxq_n = idx_v[pl.ds(qoff_n, LANES)]
                        ndt_n = ndt_v[pl.ds(qoff_n, LANES)]
                        nxt = gload(0, idxq_n)
                    for i in range(MGROUP // 2):
                        m = g * MGROUP + 2 * i
                        be0, be1 = plsc.unpack(
                            plsc.bitcast(g_bw[i], jnp.bfloat16),
                            format=plsc.PackFormat.INTERLEAVED)
                        mu0, d0 = plsc.unpack(
                            plsc.bitcast(g_w[2 * i], jnp.bfloat16),
                            format=plsc.PackFormat.INTERLEAVED)
                        mu1, d1 = plsc.unpack(
                            plsc.bitcast(g_w[2 * i + 1], jnp.bfloat16),
                            format=plsc.PackFormat.INTERLEAVED)
                        outb[m, pl.ds(jv * LANES, LANES)] = (
                            mu0 + d0 * jnp.exp(be0 * ndt))
                        outb[m + 1, pl.ds(jv * LANES, LANES)] = (
                            mu1 + d1 * jnp.exp(be1 * ndt))
                    g_w, g_bw = nxt
                return (idxq_n, ndt_n, *nxt)

            idxq0 = idx_v[pl.ds(base, LANES)]
            ndt0 = ndt_v[pl.ds(base, LANES)]
            lax.fori_loop(0, JV_PER_CHUNK, jv_body,
                          (idxq0, ndt0, *gload(0, idxq0)))

        def cc_body(cc, carry):
            c0 = cc * 2
            pred = (k * NCHUNK + c0) > 0

            @pl.when(pred)
            def _():
                drain(outb0, sem_o0)

            run_chunk(outb0, c0 * QCHUNK)
            pltpu.async_copy(
                outb0, out_hbm.at[b, :, p, pl.ds(c0 * QCHUNK, QCHUNK)],
                sem_o0)

            @pl.when(pred)
            def _():
                drain(outb1, sem_o1)

            run_chunk(outb1, (c0 + 1) * QCHUNK)
            pltpu.async_copy(
                outb1,
                out_hbm.at[b, :, p, pl.ds((c0 + 1) * QCHUNK, QCHUNK)],
                sem_o1)
            return carry

        lax.fori_loop(0, NCHUNK // 2, cc_body, 0)
        return carry

    lax.fori_loop(0, PAIRS_PER_W, pair_body, 0)
    drain(outb0, sem_o0)
    drain(outb1, sem_o1)


def kernel(query_times, event_times, mu, alpha, beta, norm_constants):
    nc_b = jnp.broadcast_to(norm_constants[:, None], (B, LANES))
    invnc_b = jnp.broadcast_to((1.0 / norm_constants)[:, None], (B, LANES))

    mesh = plsc.VectorSubcoreMesh(core_axis_name="c", subcore_axis_name="s")
    run = pl.kernel(
        _sc_body,
        out_type=jax.ShapeDtypeStruct((B, M, P, L_EVAL), jnp.float32),
        mesh=mesh,
        compiler_params=pltpu.CompilerParams(needs_layout_passes=False),
        scratch_types=[
            pltpu.VMEM((M, L), jnp.float32),
            pltpu.VMEM((M, L), jnp.float32),
            pltpu.VMEM((M, L), jnp.float32),
            pltpu.VMEM((L,), jnp.float32),
            pltpu.VMEM((L_EVAL,), jnp.float32),
            pltpu.VMEM((LANES,), jnp.float32),
            pltpu.VMEM((LANES,), jnp.float32),
            pltpu.VMEM((L_EVAL + LANES,), jnp.int32),
            pltpu.VMEM((L_EVAL + LANES,), jnp.float32),
            pltpu.VMEM((M, QCHUNK), jnp.float32),
            pltpu.VMEM((M, QCHUNK), jnp.float32),
            pltpu.SemaphoreType.DMA,
            pltpu.SemaphoreType.DMA,
            pltpu.SemaphoreType.DMA,
        ],
    )
    return run(query_times, event_times, mu, alpha, beta, nc_b, invnc_b)

# --- scband reference (transcript-rebuilt; emitter-appended) ---
"""Pipeline reference for scband-piecewise-hawkes-intensity-74792560492738 (READ-ONLY COPY).

The authoritative reference and input builder live on the scoring server;
editing this copy changes nothing except your own understanding.
"""

import jax, jax.numpy as jnp
import numpy as np

B, P, L, M, L_EVAL = 8, 16, 256, 64, 2048


def setup_inputs(seed: int = 0) -> dict:
    key = jax.random.key(seed)
    k1, k2, k3, k4, k5, k6 = jax.random.split(key, 6)
    # sorted event times on the normalised axis in [0, 1]
    event_times = jnp.sort(jax.random.uniform(k1, (B, P, L), dtype=jnp.float32), axis=-1)
    # positive Hawkes parameters (as if post-Softplus)
    mu = jax.nn.softplus(jax.random.normal(k2, (B, M, P, L), dtype=jnp.float32))
    alpha = jax.nn.softplus(jax.random.normal(k3, (B, M, P, L), dtype=jnp.float32))
    beta = jax.nn.softplus(jax.random.normal(k4, (B, M, P, L), dtype=jnp.float32))
    norm_constants = jax.random.uniform(k5, (B,), dtype=jnp.float32, minval=0.5, maxval=2.0)
    # query times on the ORIGINAL (unnormalised) axis; normalised values land in [0, 1]
    query_times = jax.random.uniform(k6, (B, P, L_EVAL), dtype=jnp.float32) * norm_constants[:, None, None]
    return {
        'query_times': query_times,
        'event_times': event_times,
        'mu': mu,
        'alpha': alpha,
        'beta': beta,
        'norm_constants': norm_constants,
    }


def reference(query_times, event_times, mu, alpha, beta, norm_constants):
    # PiecewiseHawkesIntensity.forward with normalized_times=False
    Bq, Pq, Le = query_times.shape
    Mq = mu.shape[1]
    nc = norm_constants.reshape(Bq, 1, 1)
    query_times_norm = query_times / nc
    # torch.searchsorted(event_times, q, right=False) over batched [B, P] rows
    ss = jax.vmap(jax.vmap(lambda et, qt: jnp.searchsorted(et, qt, side='left')))(event_times, query_times_norm)
    last_idx = ss - 1
    last_idx_clamped = jnp.clip(last_idx, 0, None)
    gather_idx = jnp.broadcast_to(last_idx_clamped[:, None, :, :], (Bq, Mq, Pq, Le))
    mu_last = jnp.take_along_axis(mu, gather_idx, axis=3)
    alpha_last = jnp.take_along_axis(alpha, gather_idx, axis=3)
    beta_last = jnp.take_along_axis(beta, gather_idx, axis=3)
    t_last = jnp.take_along_axis(event_times, last_idx_clamped, axis=2)
    t_last = jnp.where(last_idx == -1, jnp.zeros_like(t_last), t_last)
    delta_t = (query_times_norm - t_last)[:, None, :, :]
    exponent = jnp.exp(-beta_last * delta_t)
    intensity = mu_last + (alpha_last - mu_last) * exponent
    intensity = intensity / norm_constants.reshape(Bq, 1, 1, 1)
    return intensity

if __name__ == "__main__":
    import jax
    _d = setup_inputs()
    print(jax.jit(kernel)(*tuple(_d.values())))

</pallas_src>

<mosaic_0001>
#map = affine_map<(d0, d1) -> (0, 0, 0)>
#map1 = affine_map<(d0, d1) -> (0, 0, 0, 0)>
#map2 = affine_map<(d0, d1) -> (0, 0)>
module attributes {stable_mosaic.version = 14 : i64} {
  func.func @_sc_body(%arg0: i32, %arg1: i32, %arg2: memref<8x16x2048xf32, #tpu.memory_space<hbm>>, %arg3: memref<8x16x256xf32, #tpu.memory_space<hbm>>, %arg4: memref<8x64x16x256xf32, #tpu.memory_space<hbm>>, %arg5: memref<8x64x16x256xf32, #tpu.memory_space<hbm>>, %arg6: memref<8x64x16x256xf32, #tpu.memory_space<hbm>>, %arg7: memref<8x16xf32, #tpu.memory_space<hbm>>, %arg8: memref<8x16xf32, #tpu.memory_space<hbm>>, %arg9: memref<8x64x16x2048xf32, #tpu.memory_space<hbm>>, %arg10: memref<64x256xf32, #tpu.memory_space<vmem>>, %arg11: memref<64x256xf32, #tpu.memory_space<vmem>>, %arg12: memref<64x256xf32, #tpu.memory_space<vmem>>, %arg13: memref<256xf32, #tpu.memory_space<vmem>>, %arg14: memref<2048xf32, #tpu.memory_space<vmem>>, %arg15: memref<16xf32, #tpu.memory_space<vmem>>, %arg16: memref<16xf32, #tpu.memory_space<vmem>>, %arg17: memref<2064xi32, #tpu.memory_space<vmem>>, %arg18: memref<2064xf32, #tpu.memory_space<vmem>>, %arg19: memref<64x512xf32, #tpu.memory_space<vmem>>, %arg20: memref<64x512xf32, #tpu.memory_space<vmem>>, %arg21: memref<!tpu.dma_semaphore, #tpu.memory_space<semaphore_mem>>, %arg22: memref<!tpu.dma_semaphore, #tpu.memory_space<semaphore_mem>>, %arg23: memref<!tpu.dma_semaphore, #tpu.memory_space<semaphore_mem>>) attributes {dimension_semantics = [#tpu.dimension_semantics<core_parallel>, #tpu.dimension_semantics<subcore_parallel>], iteration_bounds = array<i64: 2, 16>, scalar_prefetch = 0 : i64, scratch_operands = 14 : i64, tpu.core_type = #tpu.core_type<sc_vector_subcore>, window_params = [{transform_indices = #map}, {transform_indices = #map}, {transform_indices = #map1}, {transform_indices = #map1}, {transform_indices = #map1}, {transform_indices = #map2}, {transform_indices = #map2}, {transform_indices = #map1}]} {
    %mul3A = arith.constant 2 : i32
    %mul3A_0 = arith.muli %arg1, %mul3A : i32
    %add3A = arith.addi %mul3A_0, %arg0 : i32
    %broadcast_in_dim3A = arith.constant 0 : i32
    %broadcast_in_dim3A_1 = vector.broadcast %broadcast_in_dim3A : i32 to vector<16xi32>
    %swap3A = arith.constant 2048 : index
    %swap3A_2 = tpu.vector_load %arg17[%swap3A] {strides = array<i32>} : memref<2064xi32, #tpu.memory_space<vmem>>, vector<16xi32>,
    tpu.vector_store %arg17[%swap3A], %broadcast_in_dim3A_1 {strides = array<i32>} : memref<2064xi32, #tpu.memory_space<vmem>>, vector<16xi32>,
    %broadcast_in_dim3A_3 = arith.constant 0.000000e+00 : f32
    %broadcast_in_dim3A_4 = vector.broadcast %broadcast_in_dim3A_3 : f32 to vector<16xf32>
    %swap3A_5 = arith.constant 2048 : index
    %swap3A_6 = tpu.vector_load %arg18[%swap3A_5] {strides = array<i32>} : memref<2064xf32, #tpu.memory_space<vmem>>, vector<16xf32>,
    tpu.vector_store %arg18[%swap3A_5], %broadcast_in_dim3A_4 {strides = array<i32>} : memref<2064xf32, #tpu.memory_space<vmem>>, vector<16xf32>,
    %scan3A = arith.constant 0 : i32
    %scan3A_7 = arith.constant 0 : i32
    %scan3A_8 = arith.constant 4 : i32
    %scan3A_9 = arith.addi %scan3A_7, %scan3A_8 : i32
    %scan3A_10 = arith.constant 1 : i32
    scf.for %scan3A_31 = %scan3A_7 to %scan3A_9 step %scan3A_10  : i32 {
      %mul3A_32 = arith.constant 4 : i32
      %mul3A_33 = arith.muli %add3A, %mul3A_32 : i32
      %add3A_34 = arith.addi %mul3A_33, %scan3A_31 : i32
      %jit3A = arith.constant 16 : i32
      %div3A = arith.divsi %add3A_34, %jit3A : i32
      %sign3A = arith.constant 0 : i32
      %sign3A_35 = arith.cmpi sgt, %add3A_34, %sign3A : i32
      %sign3A_36 = arith.extui %sign3A_35 : i1 to i32
      %sign3A_37 = arith.constant 0 : i32
      %sign3A_38 = arith.cmpi slt, %add3A_34, %sign3A_37 : i32
      %sign3A_39 = arith.extui %sign3A_38 : i1 to i32
      %sign3A_40 = arith.subi %sign3A_36, %sign3A_39 : i32
      %sign3A_41 = arith.constant 0 : i32
      %sign3A_42 = arith.cmpi sgt, %jit3A, %sign3A_41 : i32
      %sign3A_43 = arith.extui %sign3A_42 : i1 to i32
      %sign3A_44 = arith.constant 0 : i32
      %sign3A_45 = arith.cmpi slt, %jit3A, %sign3A_44 : i32
      %sign3A_46 = arith.extui %sign3A_45 : i1 to i32
      %sign3A_47 = arith.subi %sign3A_43, %sign3A_46 : i32
      %ne3A = arith.cmpi ne, %sign3A_40, %sign3A_47 : i32
      %rem3A = arith.remsi %add3A_34, %jit3A : i32
      %ne3A_48 = arith.constant 0 : i32
      %ne3A_49 = arith.cmpi ne, %rem3A, %ne3A_48 : i32
      %and3A = arith.andi %ne3A, %ne3A_49 : i1
      %sub3A = arith.constant 1 : i32
      %sub3A_50 = arith.subi %div3A, %sub3A : i32
      %select_n3A = arith.select %and3A, %sub3A_50, %div3A : i32
      %jit3A_51 = arith.constant 16 : i32
      %eq3A = arith.constant 0 : i32
      %eq3A_52 = arith.cmpi eq, %jit3A_51, %eq3A : i32
      %jit3A_53 = arith.constant 1 : i32
      %select_n3A_54 = arith.select %eq3A_52, %jit3A_53, %jit3A_51 : i32
      %rem3A_55 = arith.remsi %add3A_34, %select_n3A_54 : i32
      %ne3A_56 = arith.constant 0 : i32
      %ne3A_57 = arith.cmpi ne, %rem3A_55, %ne3A_56 : i32
      %lt3A = arith.constant 0 : i32
      %lt3A_58 = arith.cmpi slt, %rem3A_55, %lt3A : i32
      %lt3A_59 = arith.constant 0 : i32
      %lt3A_60 = arith.cmpi slt, %select_n3A_54, %lt3A_59 : i32
      %ne3A_61 = arith.xori %lt3A_58, %lt3A_60 : i1
      %and3A_62 = arith.andi %ne3A_61, %ne3A_57 : i1
      %add3A_63 = arith.addi %rem3A_55, %select_n3A_54 : i32
      %select_n3A_64 = arith.select %and3A_62, %add3A_63, %rem3A_55 : i32
      %dma_start3A = arith.constant 0 : i32
      %dma_start3A_65 = arith.constant 0 : i32
      %dma_start3A_66 = tpu.memref_slice %arg4[%select_n3A, %dma_start3A, %select_n3A_64, %dma_start3A_65] : memref<8x64x16x256xf32, #tpu.memory_space<hbm>> -> memref<1x64x1x256xf32, #tpu.memory_space<hbm>>
      %dma_start3A_67 = tpu.memref_squeeze %dma_start3A_66 : memref<1x64x1x256xf32, #tpu.memory_space<hbm>> -> memref<64x256xf32, #tpu.memory_space<hbm>>
      %dma_start3A_68 = arith.constant 0 : i32
      %dma_start3A_69 = arith.constant 0 : i32
      %dma_start3A_70 = tpu.memref_slice %arg4[%select_n3A, %dma_start3A_68, %select_n3A_64, %dma_start3A_69] : memref<8x64x16x256xf32, #tpu.memory_space<hbm>> -> memref<1x64x1x256xf32, #tpu.memory_space<hbm>>
      %dma_start3A_71 = tpu.memref_squeeze %dma_start3A_70 : memref<1x64x1x256xf32, #tpu.memory_space<hbm>> -> memref<64x256xf32, #tpu.memory_space<hbm>>
      tpu.enqueue_dma source(%dma_start3A_71 : memref<64x256xf32, #tpu.memory_space<hbm>>) target(%arg10 : memref<64x256xf32, #tpu.memory_space<vmem>>) target_semaphore(%arg21 : memref<!tpu.dma_semaphore, #tpu.memory_space<semaphore_mem>>)
      %dma_start3A_72 = arith.constant 0 : i32
      %dma_start3A_73 = arith.constant 0 : i32
      %dma_start3A_74 = tpu.memref_slice %arg5[%select_n3A, %dma_start3A_72, %select_n3A_64, %dma_start3A_73] : memref<8x64x16x256xf32, #tpu.memory_space<hbm>> -> memref<1x64x1x256xf32, #tpu.memory_space<hbm>>
      %dma_start3A_75 = tpu.memref_squeeze %dma_start3A_74 : memref<1x64x1x256xf32, #tpu.memory_space<hbm>> -> memref<64x256xf32, #tpu.memory_space<hbm>>
      %dma_start3A_76 = arith.constant 0 : i32
      %dma_start3A_77 = arith.constant 0 : i32
      %dma_start3A_78 = tpu.memref_slice %arg5[%select_n3A, %dma_start3A_76, %select_n3A_64, %dma_start3A_77] : memref<8x64x16x256xf32, #tpu.memory_space<hbm>> -> memref<1x64x1x256xf32, #tpu.memory_space<hbm>>
      %dma_start3A_79 = tpu.memref_squeeze %dma_start3A_78 : memref<1x64x1x256xf32, #tpu.memory_space<hbm>> -> memref<64x256xf32, #tpu.memory_space<hbm>>
      tpu.enqueue_dma source(%dma_start3A_79 : memref<64x256xf32, #tpu.memory_space<hbm>>) target(%arg11 : memref<64x256xf32, #tpu.memory_space<vmem>>) target_semaphore(%arg21 : memref<!tpu.dma_semaphore, #tpu.memory_space<semaphore_mem>>)
      %dma_start3A_80 = arith.constant 0 : i32
      %dma_start3A_81 = arith.constant 0 : i32
      %dma_start3A_82 = tpu.memref_slice %arg6[%select_n3A, %dma_start3A_80, %select_n3A_64, %dma_start3A_81] : memref<8x64x16x256xf32, #tpu.memory_space<hbm>> -> memref<1x64x1x256xf32, #tpu.memory_space<hbm>>
      %dma_start3A_83 = tpu.memref_squeeze %dma_start3A_82 : memref<1x64x1x256xf32, #tpu.memory_space<hbm>> -> memref<64x256xf32, #tpu.memory_space<hbm>>
      %dma_start3A_84 = arith.constant 0 : i32
      %dma_start3A_85 = arith.constant 0 : i32
      %dma_start3A_86 = tpu.memref_slice %arg6[%select_n3A, %dma_start3A_84, %select_n3A_64, %dma_start3A_85] : memref<8x64x16x256xf32, #tpu.memory_space<hbm>> -> memref<1x64x1x256xf32, #tpu.memory_space<hbm>>
      %dma_start3A_87 = tpu.memref_squeeze %dma_start3A_86 : memref<1x64x1x256xf32, #tpu.memory_space<hbm>> -> memref<64x256xf32, #tpu.memory_space<hbm>>
      tpu.enqueue_dma source(%dma_start3A_87 : memref<64x256xf32, #tpu.memory_space<hbm>>) target(%arg12 : memref<64x256xf32, #tpu.memory_space<vmem>>) target_semaphore(%arg21 : memref<!tpu.dma_semaphore, #tpu.memory_space<semaphore_mem>>)
      "tpu.region"() ({
        %run_scoped3A = tpu.sem_alloc : memref<!tpu.dma_semaphore, #tpu.memory_space<semaphore_mem>>
        %dma_start3A_139 = arith.constant 0 : i32
        %dma_start3A_140 = tpu.memref_slice %arg3[%select_n3A, %select_n3A_64, %dma_start3A_139] : memref<8x16x256xf32, #tpu.memory_space<hbm>> -> memref<1x1x256xf32, #tpu.memory_space<hbm>>
        %dma_start3A_141 = tpu.memref_squeeze %dma_start3A_140 : memref<1x1x256xf32, #tpu.memory_space<hbm>> -> memref<256xf32, #tpu.memory_space<hbm>>
        %dma_start3A_142 = arith.constant 0 : i32
        %dma_start3A_143 = tpu.memref_slice %arg3[%select_n3A, %select_n3A_64, %dma_start3A_142] : memref<8x16x256xf32, #tpu.memory_space<hbm>> -> memref<1x1x256xf32, #tpu.memory_space<hbm>>
        %dma_start3A_144 = tpu.memref_squeeze %dma_start3A_143 : memref<1x1x256xf32, #tpu.memory_space<hbm>> -> memref<256xf32, #tpu.memory_space<hbm>>
        tpu.enqueue_dma source(%dma_start3A_144 : memref<256xf32, #tpu.memory_space<hbm>>) target(%arg13 : memref<256xf32, #tpu.memory_space<vmem>>) target_semaphore(%run_scoped3A : memref<!tpu.dma_semaphore, #tpu.memory_space<semaphore_mem>>)
        %dma_wait3A_145 = arith.constant 0 : i32
        %dma_wait3A_146 = tpu.memref_slice %arg3[%select_n3A, %select_n3A_64, %dma_wait3A_145] : memref<8x16x256xf32, #tpu.memory_space<hbm>> -> memref<1x1x256xf32, #tpu.memory_space<hbm>>
        %dma_wait3A_147 = tpu.memref_squeeze %dma_wait3A_146 : memref<1x1x256xf32, #tpu.memory_space<hbm>> -> memref<256xf32, #tpu.memory_space<hbm>>
        %dma_wait3A_148 = arith.constant 0 : i32
        %dma_wait3A_149 = tpu.memref_slice %arg3[%select_n3A, %select_n3A_64, %dma_wait3A_148] : memref<8x16x256xf32, #tpu.memory_space<hbm>> -> memref<1x1x256xf32, #tpu.memory_space<hbm>>
        %dma_wait3A_150 = tpu.memref_squeeze %dma_wait3A_149 : memref<1x1x256xf32, #tpu.memory_space<hbm>> -> memref<256xf32, #tpu.memory_space<hbm>>
        tpu.wait_dma2 semaphore(%run_scoped3A : memref<!tpu.dma_semaphore, #tpu.memory_space<semaphore_mem>>) src(%dma_wait3A_150 : memref<256xf32, #tpu.memory_space<hbm>>) dst(%arg13 : memref<256xf32, #tpu.memory_space<vmem>>)
        tpu.yield
      }) : () -> ()
      "tpu.region"() ({
        %run_scoped3A = tpu.sem_alloc : memref<!tpu.dma_semaphore, #tpu.memory_space<semaphore_mem>>
        %dma_start3A_139 = arith.constant 0 : i32
        %dma_start3A_140 = tpu.memref_slice %arg2[%select_n3A, %select_n3A_64, %dma_start3A_139] : memref<8x16x2048xf32, #tpu.memory_space<hbm>> -> memref<1x1x2048xf32, #tpu.memory_space<hbm>>
        %dma_start3A_141 = tpu.memref_squeeze %dma_start3A_140 : memref<1x1x2048xf32, #tpu.memory_space<hbm>> -> memref<2048xf32, #tpu.memory_space<hbm>>
        %dma_start3A_142 = arith.constant 0 : i32
        %dma_start3A_143 = tpu.memref_slice %arg2[%select_n3A, %select_n3A_64, %dma_start3A_142] : memref<8x16x2048xf32, #tpu.memory_space<hbm>> -> memref<1x1x2048xf32, #tpu.memory_space<hbm>>
        %dma_start3A_144 = tpu.memref_squeeze %dma_start3A_143 : memref<1x1x2048xf32, #tpu.memory_space<hbm>> -> memref<2048xf32, #tpu.memory_space<hbm>>
        tpu.enqueue_dma source(%dma_start3A_144 : memref<2048xf32, #tpu.memory_space<hbm>>) target(%arg14 : memref<2048xf32, #tpu.memory_space<vmem>>) target_semaphore(%run_scoped3A : memref<!tpu.dma_semaphore, #tpu.memory_space<semaphore_mem>>)
        %dma_wait3A_145 = arith.constant 0 : i32
        %dma_wait3A_146 = tpu.memref_slice %arg2[%select_n3A, %select_n3A_64, %dma_wait3A_145] : memref<8x16x2048xf32, #tpu.memory_space<hbm>> -> memref<1x1x2048xf32, #tpu.memory_space<hbm>>
        %dma_wait3A_147 = tpu.memref_squeeze %dma_wait3A_146 : memref<1x1x2048xf32, #tpu.memory_space<hbm>> -> memref<2048xf32, #tpu.memory_space<hbm>>
        %dma_wait3A_148 = arith.constant 0 : i32
        %dma_wait3A_149 = tpu.memref_slice %arg2[%select_n3A, %select_n3A_64, %dma_wait3A_148] : memref<8x16x2048xf32, #tpu.memory_space<hbm>> -> memref<1x1x2048xf32, #tpu.memory_space<hbm>>
        %dma_wait3A_150 = tpu.memref_squeeze %dma_wait3A_149 : memref<1x1x2048xf32, #tpu.memory_space<hbm>> -> memref<2048xf32, #tpu.memory_space<hbm>>
        tpu.wait_dma2 semaphore(%run_scoped3A : memref<!tpu.dma_semaphore, #tpu.memory_space<semaphore_mem>>) src(%dma_wait3A_150 : memref<2048xf32, #tpu.memory_space<hbm>>) dst(%arg14 : memref<2048xf32, #tpu.memory_space<vmem>>)
        tpu.yield
      }) : () -> ()
      "tpu.region"() ({
        %run_scoped3A = tpu.sem_alloc : memref<!tpu.dma_semaphore, #tpu.memory_space<semaphore_mem>>
        %dma_start3A_139 = arith.constant 0 : i32
        %dma_start3A_140 = tpu.memref_slice %arg7[%select_n3A, %dma_start3A_139] : memref<8x16xf32, #tpu.memory_space<hbm>> -> memref<1x16xf32, #tpu.memory_space<hbm>>
        %dma_start3A_141 = tpu.memref_squeeze %dma_start3A_140 : memref<1x16xf32, #tpu.memory_space<hbm>> -> memref<16xf32, #tpu.memory_space<hbm>>
        %dma_start3A_142 = arith.constant 0 : i32
        %dma_start3A_143 = tpu.memref_slice %arg7[%select_n3A, %dma_start3A_142] : memref<8x16xf32, #tpu.memory_space<hbm>> -> memref<1x16xf32, #tpu.memory_space<hbm>>
        %dma_start3A_144 = tpu.memref_squeeze %dma_start3A_143 : memref<1x16xf32, #tpu.memory_space<hbm>> -> memref<16xf32, #tpu.memory_space<hbm>>
        tpu.enqueue_dma source(%dma_start3A_144 : memref<16xf32, #tpu.memory_space<hbm>>) target(%arg15 : memref<16xf32, #tpu.memory_space<vmem>>) target_semaphore(%run_scoped3A : memref<!tpu.dma_semaphore, #tpu.memory_space<semaphore_mem>>)
        %dma_wait3A_145 = arith.constant 0 : i32
        %dma_wait3A_146 = tpu.memref_slice %arg7[%select_n3A, %dma_wait3A_145] : memref<8x16xf32, #tpu.memory_space<hbm>> -> memref<1x16xf32, #tpu.memory_space<hbm>>
        %dma_wait3A_147 = tpu.memref_squeeze %dma_wait3A_146 : memref<1x16xf32, #tpu.memory_space<hbm>> -> memref<16xf32, #tpu.memory_space<hbm>>
        %dma_wait3A_148 = arith.constant 0 : i32
        %dma_wait3A_149 = tpu.memref_slice %arg7[%select_n3A, %dma_wait3A_148] : memref<8x16xf32, #tpu.memory_space<hbm>> -> memref<1x16xf32, #tpu.memory_space<hbm>>
        %dma_wait3A_150 = tpu.memref_squeeze %dma_wait3A_149 : memref<1x16xf32, #tpu.memory_space<hbm>> -> memref<16xf32, #tpu.memory_space<hbm>>
        tpu.wait_dma2 semaphore(%run_scoped3A : memref<!tpu.dma_semaphore, #tpu.memory_space<semaphore_mem>>) src(%dma_wait3A_150 : memref<16xf32, #tpu.memory_space<hbm>>) dst(%arg15 : memref<16xf32, #tpu.memory_space<vmem>>)
        tpu.yield
      }) : () -> ()
      "tpu.region"() ({
        %run_scoped3A = tpu.sem_alloc : memref<!tpu.dma_semaphore, #tpu.memory_space<semaphore_mem>>
        %dma_start3A_139 = arith.constant 0 : i32
        %dma_start3A_140 = tpu.memref_slice %arg8[%select_n3A, %dma_start3A_139] : memref<8x16xf32, #tpu.memory_space<hbm>> -> memref<1x16xf32, #tpu.memory_space<hbm>>
        %dma_start3A_141 = tpu.memref_squeeze %dma_start3A_140 : memref<1x16xf32, #tpu.memory_space<hbm>> -> memref<16xf32, #tpu.memory_space<hbm>>
        %dma_start3A_142 = arith.constant 0 : i32
        %dma_start3A_143 = tpu.memref_slice %arg8[%select_n3A, %dma_start3A_142] : memref<8x16xf32, #tpu.memory_space<hbm>> -> memref<1x16xf32, #tpu.memory_space<hbm>>
        %dma_start3A_144 = tpu.memref_squeeze %dma_start3A_143 : memref<1x16xf32, #tpu.memory_space<hbm>> -> memref<16xf32, #tpu.memory_space<hbm>>
        tpu.enqueue_dma source(%dma_start3A_144 : memref<16xf32, #tpu.memory_space<hbm>>) target(%arg16 : memref<16xf32, #tpu.memory_space<vmem>>) target_semaphore(%run_scoped3A : memref<!tpu.dma_semaphore, #tpu.memory_space<semaphore_mem>>)
        %dma_wait3A_145 = arith.constant 0 : i32
        %dma_wait3A_146 = tpu.memref_slice %arg8[%select_n3A, %dma_wait3A_145] : memref<8x16xf32, #tpu.memory_space<hbm>> -> memref<1x16xf32, #tpu.memory_space<hbm>>
        %dma_wait3A_147 = tpu.memref_squeeze %dma_wait3A_146 : memref<1x16xf32, #tpu.memory_space<hbm>> -> memref<16xf32, #tpu.memory_space<hbm>>
        %dma_wait3A_148 = arith.constant 0 : i32
        %dma_wait3A_149 = tpu.memref_slice %arg8[%select_n3A, %dma_wait3A_148] : memref<8x16xf32, #tpu.memory_space<hbm>> -> memref<1x16xf32, #tpu.memory_space<hbm>>
        %dma_wait3A_150 = tpu.memref_squeeze %dma_wait3A_149 : memref<1x16xf32, #tpu.memory_space<hbm>> -> memref<16xf32, #tpu.memory_space<hbm>>
        tpu.wait_dma2 semaphore(%run_scoped3A : memref<!tpu.dma_semaphore, #tpu.memory_space<semaphore_mem>>) src(%dma_wait3A_150 : memref<16xf32, #tpu.memory_space<hbm>>) dst(%arg16 : memref<16xf32, #tpu.memory_space<vmem>>)
        tpu.yield
      }) : () -> ()
      %get3A = arith.constant 0 : index
      %get3A_88 = tpu.vector_load %arg15[%get3A] {strides = array<i32>} : memref<16xf32, #tpu.memory_space<vmem>>, vector<16xf32>,
      %scan3A_89 = arith.constant 0 : i32
      %scan3A_90 = arith.constant 0 : i32
      %scan3A_91 = arith.constant 32 : i32
      %scan3A_92 = arith.addi %scan3A_90, %scan3A_91 : i32
      %scan3A_93 = arith.constant 1 : i32
      scf.for %scan3A_139 = %scan3A_90 to %scan3A_92 step %scan3A_93  : i32 {
        %mul3A_140 = arith.constant 4 : i32
        %mul3A_141 = arith.muli %scan3A_139, %mul3A_140 : i32
        %add3A_142 = arith.constant 0 : i32
        %add3A_143 = arith.addi %mul3A_141, %add3A_142 : i32
        %mul3A_144 = arith.constant 16 : i32
        %mul3A_145 = arith.muli %add3A_143, %mul3A_144 : i32
        %get3A_146 = arith.index_cast %mul3A_145 : i32 to index
        %get3A_147 = tpu.vector_load %arg14[%get3A_146] {strides = array<i32>} : memref<2048xf32, #tpu.memory_space<vmem>>, vector<16xf32>,
        %div3A_148 = arith.divf %get3A_147, %get3A_88 : vector<16xf32>
        %broadcast_in_dim3A_149 = arith.constant 0 : i32
        %broadcast_in_dim3A_150 = vector.broadcast %broadcast_in_dim3A_149 : i32 to vector<16xi32>
        %mul3A_151 = arith.constant 4 : i32
        %mul3A_152 = arith.muli %scan3A_139, %mul3A_151 : i32
        %add3A_153 = arith.constant 1 : i32
        %add3A_154 = arith.addi %mul3A_152, %add3A_153 : i32
        %mul3A_155 = arith.constant 16 : i32
        %mul3A_156 = arith.muli %add3A_154, %mul3A_155 : i32
        %get3A_157 = arith.index_cast %mul3A_156 : i32 to index
        %get3A_158 = tpu.vector_load %arg14[%get3A_157] {strides = array<i32>} : memref<2048xf32, #tpu.memory_space<vmem>>, vector<16xf32>,
        %div3A_159 = arith.divf %get3A_158, %get3A_88 : vector<16xf32>
        %broadcast_in_dim3A_160 = arith.constant 0 : i32
        %broadcast_in_dim3A_161 = vector.broadcast %broadcast_in_dim3A_160 : i32 to vector<16xi32>
        %mul3A_162 = arith.constant 4 : i32
        %mul3A_163 = arith.muli %scan3A_139, %mul3A_162 : i32
        %add3A_164 = arith.constant 2 : i32
        %add3A_165 = arith.addi %mul3A_163, %add3A_164 : i32
        %mul3A_166 = arith.constant 16 : i32
        %mul3A_167 = arith.muli %add3A_165, %mul3A_166 : i32
        %get3A_168 = arith.index_cast %mul3A_167 : i32 to index
        %get3A_169 = tpu.vector_load %arg14[%get3A_168] {strides = array<i32>} : memref<2048xf32, #tpu.memory_space<vmem>>, vector<16xf32>,
        %div3A_170 = arith.divf %get3A_169, %get3A_88 : vector<16xf32>
        %broadcast_in_dim3A_171 = arith.constant 0 : i32
        %broadcast_in_dim3A_172 = vector.broadcast %broadcast_in_dim3A_171 : i32 to vector<16xi32>
        %mul3A_173 = arith.constant 4 : i32
        %mul3A_174 = arith.muli %scan3A_139, %mul3A_173 : i32
        %add3A_175 = arith.constant 3 : i32
        %add3A_176 = arith.addi %mul3A_174, %add3A_175 : i32
        %mul3A_177 = arith.constant 16 : i32
        %mul3A_178 = arith.muli %add3A_176, %mul3A_177 : i32
        %get3A_179 = arith.index_cast %mul3A_178 : i32 to index
        %get3A_180 = tpu.vector_load %arg14[%get3A_179] {strides = array<i32>} : memref<2048xf32, #tpu.memory_space<vmem>>, vector<16xf32>,
        %div3A_181 = arith.divf %get3A_180, %get3A_88 : vector<16xf32>
        %broadcast_in_dim3A_182 = arith.constant 0 : i32
        %broadcast_in_dim3A_183 = vector.broadcast %broadcast_in_dim3A_182 : i32 to vector<16xi32>
        %add3A_184 = arith.constant 127 : i32
        %add3A_185 = vector.broadcast %add3A_184 : i32 to vector<16xi32>
        %add3A_186 = arith.addi %broadcast_in_dim3A_150, %add3A_185 : vector<16xi32>
        %gather3A = tpu.vector_load_idx %arg13[%add3A_186] : memref<256xf32, #tpu.memory_space<vmem>>[vector<16xi32>], vector<16xf32>,
        %add3A_187 = arith.constant 127 : i32
        %add3A_188 = vector.broadcast %add3A_187 : i32 to vector<16xi32>
        %add3A_189 = arith.addi %broadcast_in_dim3A_161, %add3A_188 : vector<16xi32>
        %gather3A_190 = tpu.vector_load_idx %arg13[%add3A_189] : memref<256xf32, #tpu.memory_space<vmem>>[vector<16xi32>], vector<16xf32>,
        %add3A_191 = arith.constant 127 : i32
        %add3A_192 = vector.broadcast %add3A_191 : i32 to vector<16xi32>
        %add3A_193 = arith.addi %broadcast_in_dim3A_172, %add3A_192 : vector<16xi32>
        %gather3A_194 = tpu.vector_load_idx %arg13[%add3A_193] : memref<256xf32, #tpu.memory_space<vmem>>[vector<16xi32>], vector<16xf32>,
        %add3A_195 = arith.constant 127 : i32
        %add3A_196 = vector.broadcast %add3A_195 : i32 to vector<16xi32>
        %add3A_197 = arith.addi %broadcast_in_dim3A_183, %add3A_196 : vector<16xi32>
        %gather3A_198 = tpu.vector_load_idx %arg13[%add3A_197] : memref<256xf32, #tpu.memory_space<vmem>>[vector<16xi32>], vector<16xf32>,
        %lt3A_199 = arith.cmpf olt, %gather3A, %div3A_148 : vector<16xf32>
        %add3A_200 = arith.constant 128 : i32
        %add3A_201 = vector.broadcast %add3A_200 : i32 to vector<16xi32>
        %add3A_202 = arith.addi %broadcast_in_dim3A_150, %add3A_201 : vector<16xi32>
        %select_n3A_203 = arith.select %lt3A_199, %add3A_202, %broadcast_in_dim3A_150 : vector<16xi1>, vector<16xi32>
        %lt3A_204 = arith.cmpf olt, %gather3A_190, %div3A_159 : vector<16xf32>
        %add3A_205 = arith.constant 128 : i32
        %add3A_206 = vector.broadcast %add3A_205 : i32 to vector<16xi32>
        %add3A_207 = arith.addi %broadcast_in_dim3A_161, %add3A_206 : vector<16xi32>
        %select_n3A_208 = arith.select %lt3A_204, %add3A_207, %broadcast_in_dim3A_161 : vector<16xi1>, vector<16xi32>
        %lt3A_209 = arith.cmpf olt, %gather3A_194, %div3A_170 : vector<16xf32>
        %add3A_210 = arith.constant 128 : i32
        %add3A_211 = vector.broadcast %add3A_210 : i32 to vector<16xi32>
        %add3A_212 = arith.addi %broadcast_in_dim3A_172, %add3A_211 : vector<16xi32>
        %select_n3A_213 = arith.select %lt3A_209, %add3A_212, %broadcast_in_dim3A_172 : vector<16xi1>, vector<16xi32>
        %lt3A_214 = arith.cmpf olt, %gather3A_198, %div3A_181 : vector<16xf32>
        %add3A_215 = arith.constant 128 : i32
        %add3A_216 = vector.broadcast %add3A_215 : i32 to vector<16xi32>
        %add3A_217 = arith.addi %broadcast_in_dim3A_183, %add3A_216 : vector<16xi32>
        %select_n3A_218 = arith.select %lt3A_214, %add3A_217, %broadcast_in_dim3A_183 : vector<16xi1>, vector<16xi32>
        %add3A_219 = arith.constant 63 : i32
        %add3A_220 = vector.broadcast %add3A_219 : i32 to vector<16xi32>
        %add3A_221 = arith.addi %select_n3A_203, %add3A_220 : vector<16xi32>
        %gather3A_222 = tpu.vector_load_idx %arg13[%add3A_221] : memref<256xf32, #tpu.memory_space<vmem>>[vector<16xi32>], vector<16xf32>,
        %add3A_223 = arith.constant 63 : i32
        %add3A_224 = vector.broadcast %add3A_223 : i32 to vector<16xi32>
        %add3A_225 = arith.addi %select_n3A_208, %add3A_224 : vector<16xi32>
        %gather3A_226 = tpu.vector_load_idx %arg13[%add3A_225] : memref<256xf32, #tpu.memory_space<vmem>>[vector<16xi32>], vector<16xf32>,
        %add3A_227 = arith.constant 63 : i32
        %add3A_228 = vector.broadcast %add3A_227 : i32 to vector<16xi32>
        %add3A_229 = arith.addi %select_n3A_213, %add3A_228 : vector<16xi32>
        %gather3A_230 = tpu.vector_load_idx %arg13[%add3A_229] : memref<256xf32, #tpu.memory_space<vmem>>[vector<16xi32>], vector<16xf32>,
        %add3A_231 = arith.constant 63 : i32
        %add3A_232 = vector.broadcast %add3A_231 : i32 to vector<16xi32>
        %add3A_233 = arith.addi %select_n3A_218, %add3A_232 : vector<16xi32>
        %gather3A_234 = tpu.vector_load_idx %arg13[%add3A_233] : memref<256xf32, #tpu.memory_space<vmem>>[vector<16xi32>], vector<16xf32>,
        %lt3A_235 = arith.cmpf olt, %gather3A_222, %div3A_148 : vector<16xf32>
        %add3A_236 = arith.constant 64 : i32
        %add3A_237 = vector.broadcast %add3A_236 : i32 to vector<16xi32>
        %add3A_238 = arith.addi %select_n3A_203, %add3A_237 : vector<16xi32>
        %select_n3A_239 = arith.select %lt3A_235, %add3A_238, %select_n3A_203 : vector<16xi1>, vector<16xi32>
        %lt3A_240 = arith.cmpf olt, %gather3A_226, %div3A_159 : vector<16xf32>
        %add3A_241 = arith.constant 64 : i32
        %add3A_242 = vector.broadcast %add3A_241 : i32 to vector<16xi32>
        %add3A_243 = arith.addi %select_n3A_208, %add3A_242 : vector<16xi32>
        %select_n3A_244 = arith.select %lt3A_240, %add3A_243, %select_n3A_208 : vector<16xi1>, vector<16xi32>
        %lt3A_245 = arith.cmpf olt, %gather3A_230, %div3A_170 : vector<16xf32>
        %add3A_246 = arith.constant 64 : i32
        %add3A_247 = vector.broadcast %add3A_246 : i32 to vector<16xi32>
        %add3A_248 = arith.addi %select_n3A_213, %add3A_247 : vector<16xi32>
        %select_n3A_249 = arith.select %lt3A_245, %add3A_248, %select_n3A_213 : vector<16xi1>, vector<16xi32>
        %lt3A_250 = arith.cmpf olt, %gather3A_234, %div3A_181 : vector<16xf32>
        %add3A_251 = arith.constant 64 : i32
        %add3A_252 = vector.broadcast %add3A_251 : i32 to vector<16xi32>
        %add3A_253 = arith.addi %select_n3A_218, %add3A_252 : vector<16xi32>
        %select_n3A_254 = arith.select %lt3A_250, %add3A_253, %select_n3A_218 : vector<16xi1>, vector<16xi32>
        %add3A_255 = arith.constant 31 : i32
        %add3A_256 = vector.broadcast %add3A_255 : i32 to vector<16xi32>
        %add3A_257 = arith.addi %select_n3A_239, %add3A_256 : vector<16xi32>
        %gather3A_258 = tpu.vector_load_idx %arg13[%add3A_257] : memref<256xf32, #tpu.memory_space<vmem>>[vector<16xi32>], vector<16xf32>,
        %add3A_259 = arith.constant 31 : i32
        %add3A_260 = vector.broadcast %add3A_259 : i32 to vector<16xi32>
        %add3A_261 = arith.addi %select_n3A_244, %add3A_260 : vector<16xi32>
        %gather3A_262 = tpu.vector_load_idx %arg13[%add3A_261] : memref<256xf32, #tpu.memory_space<vmem>>[vector<16xi32>], vector<16xf32>,
        %add3A_263 = arith.constant 31 : i32
        %add3A_264 = vector.broadcast %add3A_263 : i32 to vector<16xi32>
        %add3A_265 = arith.addi %select_n3A_249, %add3A_264 : vector<16xi32>
        %gather3A_266 = tpu.vector_load_idx %arg13[%add3A_265] : memref<256xf32, #tpu.memory_space<vmem>>[vector<16xi32>], vector<16xf32>,
        %add3A_267 = arith.constant 31 : i32
        %add3A_268 = vector.broadcast %add3A_267 : i32 to vector<16xi32>
        %add3A_269 = arith.addi %select_n3A_254, %add3A_268 : vector<16xi32>
        %gather3A_270 = tpu.vector_load_idx %arg13[%add3A_269] : memref<256xf32, #tpu.memory_space<vmem>>[vector<16xi32>], vector<16xf32>,
        %lt3A_271 = arith.cmpf olt, %gather3A_258, %div3A_148 : vector<16xf32>
        %add3A_272 = arith.constant 32 : i32
        %add3A_273 = vector.broadcast %add3A_272 : i32 to vector<16xi32>
        %add3A_274 = arith.addi %select_n3A_239, %add3A_273 : vector<16xi32>
        %select_n3A_275 = arith.select %lt3A_271, %add3A_274, %select_n3A_239 : vector<16xi1>, vector<16xi32>
        %lt3A_276 = arith.cmpf olt, %gather3A_262, %div3A_159 : vector<16xf32>
        %add3A_277 = arith.constant 32 : i32
        %add3A_278 = vector.broadcast %add3A_277 : i32 to vector<16xi32>
        %add3A_279 = arith.addi %select_n3A_244, %add3A_278 : vector<16xi32>
        %select_n3A_280 = arith.select %lt3A_276, %add3A_279, %select_n3A_244 : vector<16xi1>, vector<16xi32>
        %lt3A_281 = arith.cmpf olt, %gather3A_266, %div3A_170 : vector<16xf32>
        %add3A_282 = arith.constant 32 : i32
        %add3A_283 = vector.broadcast %add3A_282 : i32 to vector<16xi32>
        %add3A_284 = arith.addi %select_n3A_249, %add3A_283 : vector<16xi32>
        %select_n3A_285 = arith.select %lt3A_281, %add3A_284, %select_n3A_249 : vector<16xi1>, vector<16xi32>
        %lt3A_286 = arith.cmpf olt, %gather3A_270, %div3A_181 : vector<16xf32>
        %add3A_287 = arith.constant 32 : i32
        %add3A_288 = vector.broadcast %add3A_287 : i32 to vector<16xi32>
        %add3A_289 = arith.addi %select_n3A_254, %add3A_288 : vector<16xi32>
        %select_n3A_290 = arith.select %lt3A_286, %add3A_289, %select_n3A_254 : vector<16xi1>, vector<16xi32>
        %add3A_291 = arith.constant 15 : i32
        %add3A_292 = vector.broadcast %add3A_291 : i32 to vector<16xi32>
        %add3A_293 = arith.addi %select_n3A_275, %add3A_292 : vector<16xi32>
        %gather3A_294 = tpu.vector_load_idx %arg13[%add3A_293] : memref<256xf32, #tpu.memory_space<vmem>>[vector<16xi32>], vector<16xf32>,
        %add3A_295 = arith.constant 15 : i32
        %add3A_296 = vector.broadcast %add3A_295 : i32 to vector<16xi32>
        %add3A_297 = arith.addi %select_n3A_280, %add3A_296 : vector<16xi32>
        %gather3A_298 = tpu.vector_load_idx %arg13[%add3A_297] : memref<256xf32, #tpu.memory_space<vmem>>[vector<16xi32>], vector<16xf32>,
        %add3A_299 = arith.constant 15 : i32
        %add3A_300 = vector.broadcast %add3A_299 : i32 to vector<16xi32>
        %add3A_301 = arith.addi %select_n3A_285, %add3A_300 : vector<16xi32>
        %gather3A_302 = tpu.vector_load_idx %arg13[%add3A_301] : memref<256xf32, #tpu.memory_space<vmem>>[vector<16xi32>], vector<16xf32>,
        %add3A_303 = arith.constant 15 : i32
        %add3A_304 = vector.broadcast %add3A_303 : i32 to vector<16xi32>
        %add3A_305 = arith.addi %select_n3A_290, %add3A_304 : vector<16xi32>
        %gather3A_306 = tpu.vector_load_idx %arg13[%add3A_305] : memref<256xf32, #tpu.memory_space<vmem>>[vector<16xi32>], vector<16xf32>,
        %lt3A_307 = arith.cmpf olt, %gather3A_294, %div3A_148 : vector<16xf32>
        %add3A_308 = arith.constant 16 : i32
        %add3A_309 = vector.broadcast %add3A_308 : i32 to vector<16xi32>
        %add3A_310 = arith.addi %select_n3A_275, %add3A_309 : vector<16xi32>
        %select_n3A_311 = arith.select %lt3A_307, %add3A_310, %select_n3A_275 : vector<16xi1>, vector<16xi32>
        %lt3A_312 = arith.cmpf olt, %gather3A_298, %div3A_159 : vector<16xf32>
        %add3A_313 = arith.constant 16 : i32
        %add3A_314 = vector.broadcast %add3A_313 : i32 to vector<16xi32>
        %add3A_315 = arith.addi %select_n3A_280, %add3A_314 : vector<16xi32>
        %select_n3A_316 = arith.select %lt3A_312, %add3A_315, %select_n3A_280 : vector<16xi1>, vector<16xi32>
        %lt3A_317 = arith.cmpf olt, %gather3A_302, %div3A_170 : vector<16xf32>
        %add3A_318 = arith.constant 16 : i32
        %add3A_319 = vector.broadcast %add3A_318 : i32 to vector<16xi32>
        %add3A_320 = arith.addi %select_n3A_285, %add3A_319 : vector<16xi32>
        %select_n3A_321 = arith.select %lt3A_317, %add3A_320, %select_n3A_285 : vector<16xi1>, vector<16xi32>
        %lt3A_322 = arith.cmpf olt, %gather3A_306, %div3A_181 : vector<16xf32>
        %add3A_323 = arith.constant 16 : i32
        %add3A_324 = vector.broadcast %add3A_323 : i32 to vector<16xi32>
        %add3A_325 = arith.addi %select_n3A_290, %add3A_324 : vector<16xi32>
        %select_n3A_326 = arith.select %lt3A_322, %add3A_325, %select_n3A_290 : vector<16xi1>, vector<16xi32>
        %add3A_327 = arith.constant 7 : i32
        %add3A_328 = vector.broadcast %add3A_327 : i32 to vector<16xi32>
        %add3A_329 = arith.addi %select_n3A_311, %add3A_328 : vector<16xi32>
        %gather3A_330 = tpu.vector_load_idx %arg13[%add3A_329] : memref<256xf32, #tpu.memory_space<vmem>>[vector<16xi32>], vector<16xf32>,
        %add3A_331 = arith.constant 7 : i32
        %add3A_332 = vector.broadcast %add3A_331 : i32 to vector<16xi32>
        %add3A_333 = arith.addi %select_n3A_316, %add3A_332 : vector<16xi32>
        %gather3A_334 = tpu.vector_load_idx %arg13[%add3A_333] : memref<256xf32, #tpu.memory_space<vmem>>[vector<16xi32>], vector<16xf32>,
        %add3A_335 = arith.constant 7 : i32
        %add3A_336 = vector.broadcast %add3A_335 : i32 to vector<16xi32>
        %add3A_337 = arith.addi %select_n3A_321, %add3A_336 : vector<16xi32>
        %gather3A_338 = tpu.vector_load_idx %arg13[%add3A_337] : memref<256xf32, #tpu.memory_space<vmem>>[vector<16xi32>], vector<16xf32>,
        %add3A_339 = arith.constant 7 : i32
        %add3A_340 = vector.broadcast %add3A_339 : i32 to vector<16xi32>
        %add3A_341 = arith.addi %select_n3A_326, %add3A_340 : vector<16xi32>
        %gather3A_342 = tpu.vector_load_idx %arg13[%add3A_341] : memref<256xf32, #tpu.memory_space<vmem>>[vector<16xi32>], vector<16xf32>,
        %lt3A_343 = arith.cmpf olt, %gather3A_330, %div3A_148 : vector<16xf32>
        %add3A_344 = arith.constant 8 : i32
        %add3A_345 = vector.broadcast %add3A_344 : i32 to vector<16xi32>
        %add3A_346 = arith.addi %select_n3A_311, %add3A_345 : vector<16xi32>
        %select_n3A_347 = arith.select %lt3A_343, %add3A_346, %select_n3A_311 : vector<16xi1>, vector<16xi32>
        %lt3A_348 = arith.cmpf olt, %gather3A_334, %div3A_159 : vector<16xf32>
        %add3A_349 = arith.constant 8 : i32
        %add3A_350 = vector.broadcast %add3A_349 : i32 to vector<16xi32>
        %add3A_351 = arith.addi %select_n3A_316, %add3A_350 : vector<16xi32>
        %select_n3A_352 = arith.select %lt3A_348, %add3A_351, %select_n3A_316 : vector<16xi1>, vector<16xi32>
        %lt3A_353 = arith.cmpf olt, %gather3A_338, %div3A_170 : vector<16xf32>
        %add3A_354 = arith.constant 8 : i32
        %add3A_355 = vector.broadcast %add3A_354 : i32 to vector<16xi32>
        %add3A_356 = arith.addi %select_n3A_321, %add3A_355 : vector<16xi32>
        %select_n3A_357 = arith.select %lt3A_353, %add3A_356, %select_n3A_321 : vector<16xi1>, vector<16xi32>
        %lt3A_358 = arith.cmpf olt, %gather3A_342, %div3A_181 : vector<16xf32>
        %add3A_359 = arith.constant 8 : i32
        %add3A_360 = vector.broadcast %add3A_359 : i32 to vector<16xi32>
        %add3A_361 = arith.addi %select_n3A_326, %add3A_360 : vector<16xi32>
        %select_n3A_362 = arith.select %lt3A_358, %add3A_361, %select_n3A_326 : vector<16xi1>, vector<16xi32>
        %add3A_363 = arith.constant 3 : i32
        %add3A_364 = vector.broadcast %add3A_363 : i32 to vector<16xi32>
        %add3A_365 = arith.addi %select_n3A_347, %add3A_364 : vector<16xi32>
        %gather3A_366 = tpu.vector_load_idx %arg13[%add3A_365] : memref<256xf32, #tpu.memory_space<vmem>>[vector<16xi32>], vector<16xf32>,
        %add3A_367 = arith.constant 3 : i32
        %add3A_368 = vector.broadcast %add3A_367 : i32 to vector<16xi32>
        %add3A_369 = arith.addi %select_n3A_352, %add3A_368 : vector<16xi32>
        %gather3A_370 = tpu.vector_load_idx %arg13[%add3A_369] : memref<256xf32, #tpu.memory_space<vmem>>[vector<16xi32>], vector<16xf32>,
        %add3A_371 = arith.constant 3 : i32
        %add3A_372 = vector.broadcast %add3A_371 : i32 to vector<16xi32>
        %add3A_373 = arith.addi %select_n3A_357, %add3A_372 : vector<16xi32>
        %gather3A_374 = tpu.vector_load_idx %arg13[%add3A_373] : memref<256xf32, #tpu.memory_space<vmem>>[vector<16xi32>], vector<16xf32>,
        %add3A_375 = arith.constant 3 : i32
        %add3A_376 = vector.broadcast %add3A_375 : i32 to vector<16xi32>
        %add3A_377 = arith.addi %select_n3A_362, %add3A_376 : vector<16xi32>
        %gather3A_378 = tpu.vector_load_idx %arg13[%add3A_377] : memref<256xf32, #tpu.memory_space<vmem>>[vector<16xi32>], vector<16xf32>,
        %lt3A_379 = arith.cmpf olt, %gather3A_366, %div3A_148 : vector<16xf32>
        %add3A_380 = arith.constant 4 : i32
        %add3A_381 = vector.broadcast %add3A_380 : i32 to vector<16xi32>
        %add3A_382 = arith.addi %select_n3A_347, %add3A_381 : vector<16xi32>
        %select_n3A_383 = arith.select %lt3A_379, %add3A_382, %select_n3A_347 : vector<16xi1>, vector<16xi32>
        %lt3A_384 = arith.cmpf olt, %gather3A_370, %div3A_159 : vector<16xf32>
        %add3A_385 = arith.constant 4 : i32
        %add3A_386 = vector.broadcast %add3A_385 : i32 to vector<16xi32>
        %add3A_387 = arith.addi %select_n3A_352, %add3A_386 : vector<16xi32>
        %select_n3A_388 = arith.select %lt3A_384, %add3A_387, %select_n3A_352 : vector<16xi1>, vector<16xi32>
        %lt3A_389 = arith.cmpf olt, %gather3A_374, %div3A_170 : vector<16xf32>
        %add3A_390 = arith.constant 4 : i32
        %add3A_391 = vector.broadcast %add3A_390 : i32 to vector<16xi32>
        %add3A_392 = arith.addi %select_n3A_357, %add3A_391 : vector<16xi32>
        %select_n3A_393 = arith.select %lt3A_389, %add3A_392, %select_n3A_357 : vector<16xi1>, vector<16xi32>
        %lt3A_394 = arith.cmpf olt, %gather3A_378, %div3A_181 : vector<16xf32>
        %add3A_395 = arith.constant 4 : i32
        %add3A_396 = vector.broadcast %add3A_395 : i32 to vector<16xi32>
        %add3A_397 = arith.addi %select_n3A_362, %add3A_396 : vector<16xi32>
        %select_n3A_398 = arith.select %lt3A_394, %add3A_397, %select_n3A_362 : vector<16xi1>, vector<16xi32>
        %add3A_399 = arith.constant 1 : i32
        %add3A_400 = vector.broadcast %add3A_399 : i32 to vector<16xi32>
        %add3A_401 = arith.addi %select_n3A_383, %add3A_400 : vector<16xi32>
        %gather3A_402 = tpu.vector_load_idx %arg13[%add3A_401] : memref<256xf32, #tpu.memory_space<vmem>>[vector<16xi32>], vector<16xf32>,
        %add3A_403 = arith.constant 1 : i32
        %add3A_404 = vector.broadcast %add3A_403 : i32 to vector<16xi32>
        %add3A_405 = arith.addi %select_n3A_388, %add3A_404 : vector<16xi32>
        %gather3A_406 = tpu.vector_load_idx %arg13[%add3A_405] : memref<256xf32, #tpu.memory_space<vmem>>[vector<16xi32>], vector<16xf32>,
        %add3A_407 = arith.constant 1 : i32
        %add3A_408 = vector.broadcast %add3A_407 : i32 to vector<16xi32>
        %add3A_409 = arith.addi %select_n3A_393, %add3A_408 : vector<16xi32>
        %gather3A_410 = tpu.vector_load_idx %arg13[%add3A_409] : memref<256xf32, #tpu.memory_space<vmem>>[vector<16xi32>], vector<16xf32>,
        %add3A_411 = arith.constant 1 : i32
        %add3A_412 = vector.broadcast %add3A_411 : i32 to vector<16xi32>
        %add3A_413 = arith.addi %select_n3A_398, %add3A_412 : vector<16xi32>
        %gather3A_414 = tpu.vector_load_idx %arg13[%add3A_413] : memref<256xf32, #tpu.memory_space<vmem>>[vector<16xi32>], vector<16xf32>,
        %lt3A_415 = arith.cmpf olt, %gather3A_402, %div3A_148 : vector<16xf32>
        %add3A_416 = arith.constant 2 : i32
        %add3A_417 = vector.broadcast %add3A_416 : i32 to vector<16xi32>
        %add3A_418 = arith.addi %select_n3A_383, %add3A_417 : vector<16xi32>
        %select_n3A_419 = arith.select %lt3A_415, %add3A_418, %select_n3A_383 : vector<16xi1>, vector<16xi32>
        %lt3A_420 = arith.cmpf olt, %gather3A_406, %div3A_159 : vector<16xf32>
        %add3A_421 = arith.constant 2 : i32
        %add3A_422 = vector.broadcast %add3A_421 : i32 to vector<16xi32>
        %add3A_423 = arith.addi %select_n3A_388, %add3A_422 : vector<16xi32>
        %select_n3A_424 = arith.select %lt3A_420, %add3A_423, %select_n3A_388 : vector<16xi1>, vector<16xi32>
        %lt3A_425 = arith.cmpf olt, %gather3A_410, %div3A_170 : vector<16xf32>
        %add3A_426 = arith.constant 2 : i32
        %add3A_427 = vector.broadcast %add3A_426 : i32 to vector<16xi32>
        %add3A_428 = arith.addi %select_n3A_393, %add3A_427 : vector<16xi32>
        %select_n3A_429 = arith.select %lt3A_425, %add3A_428, %select_n3A_393 : vector<16xi1>, vector<16xi32>
        %lt3A_430 = arith.cmpf olt, %gather3A_414, %div3A_181 : vector<16xf32>
        %add3A_431 = arith.constant 2 : i32
        %add3A_432 = vector.broadcast %add3A_431 : i32 to vector<16xi32>
        %add3A_433 = arith.addi %select_n3A_398, %add3A_432 : vector<16xi32>
        %select_n3A_434 = arith.select %lt3A_430, %add3A_433, %select_n3A_398 : vector<16xi1>, vector<16xi32>
        %add3A_435 = arith.constant 0 : i32
        %add3A_436 = vector.broadcast %add3A_435 : i32 to vector<16xi32>
        %add3A_437 = arith.addi %select_n3A_419, %add3A_436 : vector<16xi32>
        %gather3A_438 = tpu.vector_load_idx %arg13[%add3A_437] : memref<256xf32, #tpu.memory_space<vmem>>[vector<16xi32>], vector<16xf32>,
        %add3A_439 = arith.constant 0 : i32
        %add3A_440 = vector.broadcast %add3A_439 : i32 to vector<16xi32>
        %add3A_441 = arith.addi %select_n3A_424, %add3A_440 : vector<16xi32>
        %gather3A_442 = tpu.vector_load_idx %arg13[%add3A_441] : memref<256xf32, #tpu.memory_space<vmem>>[vector<16xi32>], vector<16xf32>,
        %add3A_443 = arith.constant 0 : i32
        %add3A_444 = vector.broadcast %add3A_443 : i32 to vector<16xi32>
        %add3A_445 = arith.addi %select_n3A_429, %add3A_444 : vector<16xi32>
        %gather3A_446 = tpu.vector_load_idx %arg13[%add3A_445] : memref<256xf32, #tpu.memory_space<vmem>>[vector<16xi32>], vector<16xf32>,
        %add3A_447 = arith.constant 0 : i32
        %add3A_448 = vector.broadcast %add3A_447 : i32 to vector<16xi32>
        %add3A_449 = arith.addi %select_n3A_434, %add3A_448 : vector<16xi32>
        %gather3A_450 = tpu.vector_load_idx %arg13[%add3A_449] : memref<256xf32, #tpu.memory_space<vmem>>[vector<16xi32>], vector<16xf32>,
        %lt3A_451 = arith.cmpf olt, %gather3A_438, %div3A_148 : vector<16xf32>
        %add3A_452 = arith.constant 1 : i32
        %add3A_453 = vector.broadcast %add3A_452 : i32 to vector<16xi32>
        %add3A_454 = arith.addi %select_n3A_419, %add3A_453 : vector<16xi32>
        %select_n3A_455 = arith.select %lt3A_451, %add3A_454, %select_n3A_419 : vector<16xi1>, vector<16xi32>
        %lt3A_456 = arith.cmpf olt, %gather3A_442, %div3A_159 : vector<16xf32>
        %add3A_457 = arith.constant 1 : i32
        %add3A_458 = vector.broadcast %add3A_457 : i32 to vector<16xi32>
        %add3A_459 = arith.addi %select_n3A_424, %add3A_458 : vector<16xi32>
        %select_n3A_460 = arith.select %lt3A_456, %add3A_459, %select_n3A_424 : vector<16xi1>, vector<16xi32>
        %lt3A_461 = arith.cmpf olt, %gather3A_446, %div3A_170 : vector<16xf32>
        %add3A_462 = arith.constant 1 : i32
        %add3A_463 = vector.broadcast %add3A_462 : i32 to vector<16xi32>
        %add3A_464 = arith.addi %select_n3A_429, %add3A_463 : vector<16xi32>
        %select_n3A_465 = arith.select %lt3A_461, %add3A_464, %select_n3A_429 : vector<16xi1>, vector<16xi32>
        %lt3A_466 = arith.cmpf olt, %gather3A_450, %div3A_181 : vector<16xf32>
        %add3A_467 = arith.constant 1 : i32
        %add3A_468 = vector.broadcast %add3A_467 : i32 to vector<16xi32>
        %add3A_469 = arith.addi %select_n3A_434, %add3A_468 : vector<16xi32>
        %select_n3A_470 = arith.select %lt3A_466, %add3A_469, %select_n3A_434 : vector<16xi1>, vector<16xi32>
        %gather3A_471 = tpu.vector_load_idx %arg13[%select_n3A_455] : memref<256xf32, #tpu.memory_space<vmem>>[vector<16xi32>], vector<16xf32>,
        %gather3A_472 = tpu.vector_load_idx %arg13[%select_n3A_460] : memref<256xf32, #tpu.memory_space<vmem>>[vector<16xi32>], vector<16xf32>,
        %gather3A_473 = tpu.vector_load_idx %arg13[%select_n3A_465] : memref<256xf32, #tpu.memory_space<vmem>>[vector<16xi32>], vector<16xf32>,
        %gather3A_474 = tpu.vector_load_idx %arg13[%select_n3A_470] : memref<256xf32, #tpu.memory_space<vmem>>[vector<16xi32>], vector<16xf32>,
        %lt3A_475 = arith.cmpf olt, %gather3A_471, %div3A_148 : vector<16xf32>
        %add3A_476 = arith.constant 1 : i32
        %add3A_477 = vector.broadcast %add3A_476 : i32 to vector<16xi32>
        %add3A_478 = arith.addi %select_n3A_455, %add3A_477 : vector<16xi32>
        %select_n3A_479 = arith.select %lt3A_475, %add3A_478, %select_n3A_455 : vector<16xi1>, vector<16xi32>
        %lt3A_480 = arith.cmpf olt, %gather3A_472, %div3A_159 : vector<16xf32>
        %add3A_481 = arith.constant 1 : i32
        %add3A_482 = vector.broadcast %add3A_481 : i32 to vector<16xi32>
        %add3A_483 = arith.addi %select_n3A_460, %add3A_482 : vector<16xi32>
        %select_n3A_484 = arith.select %lt3A_480, %add3A_483, %select_n3A_460 : vector<16xi1>, vector<16xi32>
        %lt3A_485 = arith.cmpf olt, %gather3A_473, %div3A_170 : vector<16xf32>
        %add3A_486 = arith.constant 1 : i32
        %add3A_487 = vector.broadcast %add3A_486 : i32 to vector<16xi32>
        %add3A_488 = arith.addi %select_n3A_465, %add3A_487 : vector<16xi32>
        %select_n3A_489 = arith.select %lt3A_485, %add3A_488, %select_n3A_465 : vector<16xi1>, vector<16xi32>
        %lt3A_490 = arith.cmpf olt, %gather3A_474, %div3A_181 : vector<16xf32>
        %add3A_491 = arith.constant 1 : i32
        %add3A_492 = vector.broadcast %add3A_491 : i32 to vector<16xi32>
        %add3A_493 = arith.addi %select_n3A_470, %add3A_492 : vector<16xi32>
        %select_n3A_494 = arith.select %lt3A_490, %add3A_493, %select_n3A_470 : vector<16xi1>, vector<16xi32>
        %sub3A_495 = arith.constant 1 : i32
        %sub3A_496 = vector.broadcast %sub3A_495 : i32 to vector<16xi32>
        %sub3A_497 = arith.subi %select_n3A_479, %sub3A_496 : vector<16xi32>
        %max3A = arith.constant 0 : i32
        %max3A_498 = vector.broadcast %max3A : i32 to vector<16xi32>
        %max3A_499 = arith.maxsi %sub3A_497, %max3A_498 : vector<16xi32>
        %sub3A_500 = arith.constant 1 : i32
        %sub3A_501 = vector.broadcast %sub3A_500 : i32 to vector<16xi32>
        %sub3A_502 = arith.subi %select_n3A_484, %sub3A_501 : vector<16xi32>
        %max3A_503 = arith.constant 0 : i32
        %max3A_504 = vector.broadcast %max3A_503 : i32 to vector<16xi32>
        %max3A_505 = arith.maxsi %sub3A_502, %max3A_504 : vector<16xi32>
        %sub3A_506 = arith.constant 1 : i32
        %sub3A_507 = vector.broadcast %sub3A_506 : i32 to vector<16xi32>
        %sub3A_508 = arith.subi %select_n3A_489, %sub3A_507 : vector<16xi32>
        %max3A_509 = arith.constant 0 : i32
        %max3A_510 = vector.broadcast %max3A_509 : i32 to vector<16xi32>
        %max3A_511 = arith.maxsi %sub3A_508, %max3A_510 : vector<16xi32>
        %sub3A_512 = arith.constant 1 : i32
        %sub3A_513 = vector.broadcast %sub3A_512 : i32 to vector<16xi32>
        %sub3A_514 = arith.subi %select_n3A_494, %sub3A_513 : vector<16xi32>
        %max3A_515 = arith.constant 0 : i32
        %max3A_516 = vector.broadcast %max3A_515 : i32 to vector<16xi32>
        %max3A_517 = arith.maxsi %sub3A_514, %max3A_516 : vector<16xi32>
        %gather3A_518 = tpu.vector_load_idx %arg13[%max3A_499] : memref<256xf32, #tpu.memory_space<vmem>>[vector<16xi32>], vector<16xf32>,
        %gather3A_519 = tpu.vector_load_idx %arg13[%max3A_505] : memref<256xf32, #tpu.memory_space<vmem>>[vector<16xi32>], vector<16xf32>,
        %gather3A_520 = tpu.vector_load_idx %arg13[%max3A_511] : memref<256xf32, #tpu.memory_space<vmem>>[vector<16xi32>], vector<16xf32>,
        %gather3A_521 = tpu.vector_load_idx %arg13[%max3A_517] : memref<256xf32, #tpu.memory_space<vmem>>[vector<16xi32>], vector<16xf32>,
        %mul3A_522 = arith.constant 4 : i32
        %mul3A_523 = arith.muli %scan3A_139, %mul3A_522 : i32
        %add3A_524 = arith.constant 0 : i32
        %add3A_525 = arith.addi %mul3A_523, %add3A_524 : i32
        %eq3A_526 = arith.constant 0 : i32
        %eq3A_527 = vector.broadcast %eq3A_526 : i32 to vector<16xi32>
        %eq3A_528 = arith.cmpi eq, %select_n3A_479, %eq3A_527 : vector<16xi32>
        %broadcast_in_dim3A_529 = arith.constant 0.000000e+00 : f32
        %broadcast_in_dim3A_530 = vector.broadcast %broadcast_in_dim3A_529 : f32 to vector<16xf32>
        %select_n3A_531 = arith.select %eq3A_528, %broadcast_in_dim3A_530, %gather3A_518 : vector<16xi1>, vector<16xf32>
        %mul3A_532 = arith.constant 16 : i32
        %mul3A_533 = arith.muli %add3A_525, %mul3A_532 : i32
        %swap3A_534 = arith.index_cast %mul3A_533 : i32 to index
        %swap3A_535 = tpu.vector_load %arg17[%swap3A_534] {strides = array<i32>} : memref<2064xi32, #tpu.memory_space<vmem>>, vector<16xi32>,
        tpu.vector_store %arg17[%swap3A_534], %max3A_499 {strides = array<i32>} : memref<2064xi32, #tpu.memory_space<vmem>>, vector<16xi32>,
        %sub3A_536 = arith.subf %select_n3A_531, %div3A_148 : vector<16xf32>
        %mul3A_537 = arith.constant 16 : i32
        %mul3A_538 = arith.muli %add3A_525, %mul3A_537 : i32
        %swap3A_539 = arith.index_cast %mul3A_538 : i32 to index
        %swap3A_540 = tpu.vector_load %arg18[%swap3A_539] {strides = array<i32>} : memref<2064xf32, #tpu.memory_space<vmem>>, vector<16xf32>,
        tpu.vector_store %arg18[%swap3A_539], %sub3A_536 {strides = array<i32>} : memref<2064xf32, #tpu.memory_space<vmem>>, vector<16xf32>,
        %mul3A_541 = arith.constant 4 : i32
        %mul3A_542 = arith.muli %scan3A_139, %mul3A_541 : i32
        %add3A_543 = arith.constant 1 : i32
        %add3A_544 = arith.addi %mul3A_542, %add3A_543 : i32
        %eq3A_545 = arith.constant 0 : i32
        %eq3A_546 = vector.broadcast %eq3A_545 : i32 to vector<16xi32>
        %eq3A_547 = arith.cmpi eq, %select_n3A_484, %eq3A_546 : vector<16xi32>
        %broadcast_in_dim3A_548 = arith.constant 0.000000e+00 : f32
        %broadcast_in_dim3A_549 = vector.broadcast %broadcast_in_dim3A_548 : f32 to vector<16xf32>
        %select_n3A_550 = arith.select %eq3A_547, %broadcast_in_dim3A_549, %gather3A_519 : vector<16xi1>, vector<16xf32>
        %mul3A_551 = arith.constant 16 : i32
        %mul3A_552 = arith.muli %add3A_544, %mul3A_551 : i32
        %swap3A_553 = arith.index_cast %mul3A_552 : i32 to index
        %swap3A_554 = tpu.vector_load %arg17[%swap3A_553] {strides = array<i32>} : memref<2064xi32, #tpu.memory_space<vmem>>, vector<16xi32>,
        tpu.vector_store %arg17[%swap3A_553], %max3A_505 {strides = array<i32>} : memref<2064xi32, #tpu.memory_space<vmem>>, vector<16xi32>,
        %sub3A_555 = arith.subf %select_n3A_550, %div3A_159 : vector<16xf32>
        %mul3A_556 = arith.constant 16 : i32
        %mul3A_557 = arith.muli %add3A_544, %mul3A_556 : i32
        %swap3A_558 = arith.index_cast %mul3A_557 : i32 to index
        %swap3A_559 = tpu.vector_load %arg18[%swap3A_558] {strides = array<i32>} : memref<2064xf32, #tpu.memory_space<vmem>>, vector<16xf32>,
        tpu.vector_store %arg18[%swap3A_558], %sub3A_555 {strides = array<i32>} : memref<2064xf32, #tpu.memory_space<vmem>>, vector<16xf32>,
        %mul3A_560 = arith.constant 4 : i32
        %mul3A_561 = arith.muli %scan3A_139, %mul3A_560 : i32
        %add3A_562 = arith.constant 2 : i32
        %add3A_563 = arith.addi %mul3A_561, %add3A_562 : i32
        %eq3A_564 = arith.constant 0 : i32
        %eq3A_565 = vector.broadcast %eq3A_564 : i32 to vector<16xi32>
        %eq3A_566 = arith.cmpi eq, %select_n3A_489, %eq3A_565 : vector<16xi32>
        %broadcast_in_dim3A_567 = arith.constant 0.000000e+00 : f32
        %broadcast_in_dim3A_568 = vector.broadcast %broadcast_in_dim3A_567 : f32 to vector<16xf32>
        %select_n3A_569 = arith.select %eq3A_566, %broadcast_in_dim3A_568, %gather3A_520 : vector<16xi1>, vector<16xf32>
        %mul3A_570 = arith.constant 16 : i32
        %mul3A_571 = arith.muli %add3A_563, %mul3A_570 : i32
        %swap3A_572 = arith.index_cast %mul3A_571 : i32 to index
        %swap3A_573 = tpu.vector_load %arg17[%swap3A_572] {strides = array<i32>} : memref<2064xi32, #tpu.memory_space<vmem>>, vector<16xi32>,
        tpu.vector_store %arg17[%swap3A_572], %max3A_511 {strides = array<i32>} : memref<2064xi32, #tpu.memory_space<vmem>>, vector<16xi32>,
        %sub3A_574 = arith.subf %select_n3A_569, %div3A_170 : vector<16xf32>
        %mul3A_575 = arith.constant 16 : i32
        %mul3A_576 = arith.muli %add3A_563, %mul3A_575 : i32
        %swap3A_577 = arith.index_cast %mul3A_576 : i32 to index
        %swap3A_578 = tpu.vector_load %arg18[%swap3A_577] {strides = array<i32>} : memref<2064xf32, #tpu.memory_space<vmem>>, vector<16xf32>,
        tpu.vector_store %arg18[%swap3A_577], %sub3A_574 {strides = array<i32>} : memref<2064xf32, #tpu.memory_space<vmem>>, vector<16xf32>,
        %mul3A_579 = arith.constant 4 : i32
        %mul3A_580 = arith.muli %scan3A_139, %mul3A_579 : i32
        %add3A_581 = arith.constant 3 : i32
        %add3A_582 = arith.addi %mul3A_580, %add3A_581 : i32
        %eq3A_583 = arith.constant 0 : i32
        %eq3A_584 = vector.broadcast %eq3A_583 : i32 to vector<16xi32>
        %eq3A_585 = arith.cmpi eq, %select_n3A_494, %eq3A_584 : vector<16xi32>
        %broadcast_in_dim3A_586 = arith.constant 0.000000e+00 : f32
        %broadcast_in_dim3A_587 = vector.broadcast %broadcast_in_dim3A_586 : f32 to vector<16xf32>
        %select_n3A_588 = arith.select %eq3A_585, %broadcast_in_dim3A_587, %gather3A_521 : vector<16xi1>, vector<16xf32>
        %mul3A_589 = arith.constant 16 : i32
        %mul3A_590 = arith.muli %add3A_582, %mul3A_589 : i32
        %swap3A_591 = arith.index_cast %mul3A_590 : i32 to index
        %swap3A_592 = tpu.vector_load %arg17[%swap3A_591] {strides = array<i32>} : memref<2064xi32, #tpu.memory_space<vmem>>, vector<16xi32>,
        tpu.vector_store %arg17[%swap3A_591], %max3A_517 {strides = array<i32>} : memref<2064xi32, #tpu.memory_space<vmem>>, vector<16xi32>,
        %sub3A_593 = arith.subf %select_n3A_588, %div3A_181 : vector<16xf32>
        %mul3A_594 = arith.constant 16 : i32
        %mul3A_595 = arith.muli %add3A_582, %mul3A_594 : i32
        %swap3A_596 = arith.index_cast %mul3A_595 : i32 to index
        %swap3A_597 = tpu.vector_load %arg18[%swap3A_596] {strides = array<i32>} : memref<2064xf32, #tpu.memory_space<vmem>>, vector<16xf32>,
        tpu.vector_store %arg18[%swap3A_596], %sub3A_593 {strides = array<i32>} : memref<2064xf32, #tpu.memory_space<vmem>>, vector<16xf32>,
      }
      %scan3A_94 = arith.constant 32 : i32
      %dma_wait3A_95 = arith.constant 0 : i32
      %dma_wait3A_96 = arith.constant 0 : i32
      %dma_wait3A_97 = tpu.memref_slice %arg4[%select_n3A, %dma_wait3A_95, %select_n3A_64, %dma_wait3A_96] : memref<8x64x16x256xf32, #tpu.memory_space<hbm>> -> memref<1x64x1x256xf32, #tpu.memory_space<hbm>>
      %dma_wait3A_98 = tpu.memref_squeeze %dma_wait3A_97 : memref<1x64x1x256xf32, #tpu.memory_space<hbm>> -> memref<64x256xf32, #tpu.memory_space<hbm>>
      %dma_wait3A_99 = arith.constant 0 : i32
      %dma_wait3A_100 = arith.constant 0 : i32
      %dma_wait3A_101 = tpu.memref_slice %arg4[%select_n3A, %dma_wait3A_99, %select_n3A_64, %dma_wait3A_100] : memref<8x64x16x256xf32, #tpu.memory_space<hbm>> -> memref<1x64x1x256xf32, #tpu.memory_space<hbm>>
      %dma_wait3A_102 = tpu.memref_squeeze %dma_wait3A_101 : memref<1x64x1x256xf32, #tpu.memory_space<hbm>> -> memref<64x256xf32, #tpu.memory_space<hbm>>
      tpu.wait_dma2 semaphore(%arg21 : memref<!tpu.dma_semaphore, #tpu.memory_space<semaphore_mem>>) src(%dma_wait3A_102 : memref<64x256xf32, #tpu.memory_space<hbm>>) dst(%arg10 : memref<64x256xf32, #tpu.memory_space<vmem>>)
      %dma_wait3A_103 = arith.constant 0 : i32
      %dma_wait3A_104 = arith.constant 0 : i32
      %dma_wait3A_105 = tpu.memref_slice %arg5[%select_n3A, %dma_wait3A_103, %select_n3A_64, %dma_wait3A_104] : memref<8x64x16x256xf32, #tpu.memory_space<hbm>> -> memref<1x64x1x256xf32, #tpu.memory_space<hbm>>
      %dma_wait3A_106 = tpu.memref_squeeze %dma_wait3A_105 : memref<1x64x1x256xf32, #tpu.memory_space<hbm>> -> memref<64x256xf32, #tpu.memory_space<hbm>>
      %dma_wait3A_107 = arith.constant 0 : i32
      %dma_wait3A_108 = arith.constant 0 : i32
      %dma_wait3A_109 = tpu.memref_slice %arg5[%select_n3A, %dma_wait3A_107, %select_n3A_64, %dma_wait3A_108] : memref<8x64x16x256xf32, #tpu.memory_space<hbm>> -> memref<1x64x1x256xf32, #tpu.memory_space<hbm>>
      %dma_wait3A_110 = tpu.memref_squeeze %dma_wait3A_109 : memref<1x64x1x256xf32, #tpu.memory_space<hbm>> -> memref<64x256xf32, #tpu.memory_space<hbm>>
      tpu.wait_dma2 semaphore(%arg21 : memref<!tpu.dma_semaphore, #tpu.memory_space<semaphore_mem>>) src(%dma_wait3A_110 : memref<64x256xf32, #tpu.memory_space<hbm>>) dst(%arg11 : memref<64x256xf32, #tpu.memory_space<vmem>>)
      %dma_wait3A_111 = arith.constant 0 : i32
      %dma_wait3A_112 = arith.constant 0 : i32
      %dma_wait3A_113 = tpu.memref_slice %arg6[%select_n3A, %dma_wait3A_111, %select_n3A_64, %dma_wait3A_112] : memref<8x64x16x256xf32, #tpu.memory_space<hbm>> -> memref<1x64x1x256xf32, #tpu.memory_space<hbm>>
      %dma_wait3A_114 = tpu.memref_squeeze %dma_wait3A_113 : memref<1x64x1x256xf32, #tpu.memory_space<hbm>> -> memref<64x256xf32, #tpu.memory_space<hbm>>
      %dma_wait3A_115 = arith.constant 0 : i32
      %dma_wait3A_116 = arith.constant 0 : i32
      %dma_wait3A_117 = tpu.memref_slice %arg6[%select_n3A, %dma_wait3A_115, %select_n3A_64, %dma_wait3A_116] : memref<8x64x16x256xf32, #tpu.memory_space<hbm>> -> memref<1x64x1x256xf32, #tpu.memory_space<hbm>>
      %dma_wait3A_118 = tpu.memref_squeeze %dma_wait3A_117 : memref<1x64x1x256xf32, #tpu.memory_space<hbm>> -> memref<64x256xf32, #tpu.memory_space<hbm>>
      tpu.wait_dma2 semaphore(%arg21 : memref<!tpu.dma_semaphore, #tpu.memory_space<semaphore_mem>>) src(%dma_wait3A_118 : memref<64x256xf32, #tpu.memory_space<hbm>>) dst(%arg12 : memref<64x256xf32, #tpu.memory_space<vmem>>)
      %get3A_119 = arith.constant 0 : index
      %get3A_120 = tpu.vector_load %arg16[%get3A_119] {strides = array<i32>} : memref<16xf32, #tpu.memory_space<vmem>>, vector<16xf32>,
      %scan3A_121 = arith.constant 0 : i32
      %scan3A_122 = arith.constant 0 : i32
      %scan3A_123 = arith.constant 64 : i32
      %scan3A_124 = arith.addi %scan3A_122, %scan3A_123 : i32
      %scan3A_125 = arith.constant 1 : i32
      scf.for %scan3A_139 = %scan3A_122 to %scan3A_124 step %scan3A_125  : i32 {
        %get3A_140 = arith.index_cast %scan3A_139 : i32 to index
        %get3A_141 = arith.constant 0 : index
        %get3A_142 = tpu.vector_load %arg10[%get3A_140, %get3A_141] {strides = array<i32>} : memref<64x256xf32, #tpu.memory_space<vmem>>, vector<16xf32>,
        %get3A_143 = arith.index_cast %scan3A_139 : i32 to index
        %get3A_144 = arith.constant 0 : index
        %get3A_145 = tpu.vector_load %arg11[%get3A_143, %get3A_144] {strides = array<i32>} : memref<64x256xf32, #tpu.memory_space<vmem>>, vector<16xf32>,
        %mul3A_146 = arith.mulf %get3A_142, %get3A_120 : vector<16xf32>
        %sub3A_147 = arith.subf %get3A_145, %get3A_142 : vector<16xf32>
        %mul3A_148 = arith.mulf %sub3A_147, %get3A_120 : vector<16xf32>
        %pack3A = tpu.pack_subelements %mul3A_146, %mul3A_148 {pack_format = #tpu.pack_format<interleaved>, positions = array<i32: 0, 1>} : vector<16xf32>, vector<16xf32> -> vector<32xbf16>
        %bitcast3A = vector.bitcast %pack3A : vector<32xbf16> to vector<16xf32>
        %swap3A_149 = arith.index_cast %scan3A_139 : i32 to index
        %swap3A_150 = arith.constant 0 : index
        %swap3A_151 = tpu.vector_load %arg10[%swap3A_149, %swap3A_150] {strides = array<i32>} : memref<64x256xf32, #tpu.memory_space<vmem>>, vector<16xf32>,
        tpu.vector_store %arg10[%swap3A_149, %swap3A_150], %bitcast3A {strides = array<i32>} : memref<64x256xf32, #tpu.memory_space<vmem>>, vector<16xf32>,
        %get3A_152 = arith.index_cast %scan3A_139 : i32 to index
        %get3A_153 = arith.constant 16 : index
        %get3A_154 = tpu.vector_load %arg10[%get3A_152, %get3A_153] {strides = array<i32>} : memref<64x256xf32, #tpu.memory_space<vmem>>, vector<16xf32>,
        %get3A_155 = arith.index_cast %scan3A_139 : i32 to index
        %get3A_156 = arith.constant 16 : index
        %get3A_157 = tpu.vector_load %arg11[%get3A_155, %get3A_156] {strides = array<i32>} : memref<64x256xf32, #tpu.memory_space<vmem>>, vector<16xf32>,
        %mul3A_158 = arith.mulf %get3A_154, %get3A_120 : vector<16xf32>
        %sub3A_159 = arith.subf %get3A_157, %get3A_154 : vector<16xf32>
        %mul3A_160 = arith.mulf %sub3A_159, %get3A_120 : vector<16xf32>
        %pack3A_161 = tpu.pack_subelements %mul3A_158, %mul3A_160 {pack_format = #tpu.pack_format<interleaved>, positions = array<i32: 0, 1>} : vector<16xf32>, vector<16xf32> -> vector<32xbf16>
        %bitcast3A_162 = vector.bitcast %pack3A_161 : vector<32xbf16> to vector<16xf32>
        %swap3A_163 = arith.index_cast %scan3A_139 : i32 to index
        %swap3A_164 = arith.constant 16 : index
        %swap3A_165 = tpu.vector_load %arg10[%swap3A_163, %swap3A_164] {strides = array<i32>} : memref<64x256xf32, #tpu.memory_space<vmem>>, vector<16xf32>,
        tpu.vector_store %arg10[%swap3A_163, %swap3A_164], %bitcast3A_162 {strides = array<i32>} : memref<64x256xf32, #tpu.memory_space<vmem>>, vector<16xf32>,
        %get3A_166 = arith.index_cast %scan3A_139 : i32 to index
        %get3A_167 = arith.constant 32 : index
        %get3A_168 = tpu.vector_load %arg10[%get3A_166, %get3A_167] {strides = array<i32>} : memref<64x256xf32, #tpu.memory_space<vmem>>, vector<16xf32>,
        %get3A_169 = arith.index_cast %scan3A_139 : i32 to index
        %get3A_170 = arith.constant 32 : index
        %get3A_171 = tpu.vector_load %arg11[%get3A_169, %get3A_170] {strides = array<i32>} : memref<64x256xf32, #tpu.memory_space<vmem>>, vector<16xf32>,
        %mul3A_172 = arith.mulf %get3A_168, %get3A_120 : vector<16xf32>
        %sub3A_173 = arith.subf %get3A_171, %get3A_168 : vector<16xf32>
        %mul3A_174 = arith.mulf %sub3A_173, %get3A_120 : vector<16xf32>
        %pack3A_175 = tpu.pack_subelements %mul3A_172, %mul3A_174 {pack_format = #tpu.pack_format<interleaved>, positions = array<i32: 0, 1>} : vector<16xf32>, vector<16xf32> -> vector<32xbf16>
        %bitcast3A_176 = vector.bitcast %pack3A_175 : vector<32xbf16> to vector<16xf32>
        %swap3A_177 = arith.index_cast %scan3A_139 : i32 to index
        %swap3A_178 = arith.constant 32 : index
        %swap3A_179 = tpu.vector_load %arg10[%swap3A_177, %swap3A_178] {strides = array<i32>} : memref<64x256xf32, #tpu.memory_space<vmem>>, vector<16xf32>,
        tpu.vector_store %arg10[%swap3A_177, %swap3A_178], %bitcast3A_176 {strides = array<i32>} : memref<64x256xf32, #tpu.memory_space<vmem>>, vector<16xf32>,
        %get3A_180 = arith.index_cast %scan3A_139 : i32 to index
        %get3A_181 = arith.constant 48 : index
        %get3A_182 = tpu.vector_load %arg10[%get3A_180, %get3A_181] {strides = array<i32>} : memref<64x256xf32, #tpu.memory_space<vmem>>, vector<16xf32>,
        %get3A_183 = arith.index_cast %scan3A_139 : i32 to index
        %get3A_184 = arith.constant 48 : index
        %get3A_185 = tpu.vector_load %arg11[%get3A_183, %get3A_184] {strides = array<i32>} : memref<64x256xf32, #tpu.memory_space<vmem>>, vector<16xf32>,
        %mul3A_186 = arith.mulf %get3A_182, %get3A_120 : vector<16xf32>
        %sub3A_187 = arith.subf %get3A_185, %get3A_182 : vector<16xf32>
        %mul3A_188 = arith.mulf %sub3A_187, %get3A_120 : vector<16xf32>
        %pack3A_189 = tpu.pack_subelements %mul3A_186, %mul3A_188 {pack_format = #tpu.pack_format<interleaved>, positions = array<i32: 0, 1>} : vector<16xf32>, vector<16xf32> -> vector<32xbf16>
        %bitcast3A_190 = vector.bitcast %pack3A_189 : vector<32xbf16> to vector<16xf32>
        %swap3A_191 = arith.index_cast %scan3A_139 : i32 to index
        %swap3A_192 = arith.constant 48 : index
        %swap3A_193 = tpu.vector_load %arg10[%swap3A_191, %swap3A_192] {strides = array<i32>} : memref<64x256xf32, #tpu.memory_space<vmem>>, vector<16xf32>,
        tpu.vector_store %arg10[%swap3A_191, %swap3A_192], %bitcast3A_190 {strides = array<i32>} : memref<64x256xf32, #tpu.memory_space<vmem>>, vector<16xf32>,
        %get3A_194 = arith.index_cast %scan3A_139 : i32 to index
        %get3A_195 = arith.constant 64 : index
        %get3A_196 = tpu.vector_load %arg10[%get3A_194, %get3A_195] {strides = array<i32>} : memref<64x256xf32, #tpu.memory_space<vmem>>, vector<16xf32>,
        %get3A_197 = arith.index_cast %scan3A_139 : i32 to index
        %get3A_198 = arith.constant 64 : index
        %get3A_199 = tpu.vector_load %arg11[%get3A_197, %get3A_198] {strides = array<i32>} : memref<64x256xf32, #tpu.memory_space<vmem>>, vector<16xf32>,
        %mul3A_200 = arith.mulf %get3A_196, %get3A_120 : vector<16xf32>
        %sub3A_201 = arith.subf %get3A_199, %get3A_196 : vector<16xf32>
        %mul3A_202 = arith.mulf %sub3A_201, %get3A_120 : vector<16xf32>
        %pack3A_203 = tpu.pack_subelements %mul3A_200, %mul3A_202 {pack_format = #tpu.pack_format<interleaved>, positions = array<i32: 0, 1>} : vector<16xf32>, vector<16xf32> -> vector<32xbf16>
        %bitcast3A_204 = vector.bitcast %pack3A_203 : vector<32xbf16> to vector<16xf32>
        %swap3A_205 = arith.index_cast %scan3A_139 : i32 to index
        %swap3A_206 = arith.constant 64 : index
        %swap3A_207 = tpu.vector_load %arg10[%swap3A_205, %swap3A_206] {strides = array<i32>} : memref<64x256xf32, #tpu.memory_space<vmem>>, vector<16xf32>,
        tpu.vector_store %arg10[%swap3A_205, %swap3A_206], %bitcast3A_204 {strides = array<i32>} : memref<64x256xf32, #tpu.memory_space<vmem>>, vector<16xf32>,
        %get3A_208 = arith.index_cast %scan3A_139 : i32 to index
        %get3A_209 = arith.constant 80 : index
        %get3A_210 = tpu.vector_load %arg10[%get3A_208, %get3A_209] {strides = array<i32>} : memref<64x256xf32, #tpu.memory_space<vmem>>, vector<16xf32>,
        %get3A_211 = arith.index_cast %scan3A_139 : i32 to index
        %get3A_212 = arith.constant 80 : index
        %get3A_213 = tpu.vector_load %arg11[%get3A_211, %get3A_212] {strides = array<i32>} : memref<64x256xf32, #tpu.memory_space<vmem>>, vector<16xf32>,
        %mul3A_214 = arith.mulf %get3A_210, %get3A_120 : vector<16xf32>
        %sub3A_215 = arith.subf %get3A_213, %get3A_210 : vector<16xf32>
        %mul3A_216 = arith.mulf %sub3A_215, %get3A_120 : vector<16xf32>
        %pack3A_217 = tpu.pack_subelements %mul3A_214, %mul3A_216 {pack_format = #tpu.pack_format<interleaved>, positions = array<i32: 0, 1>} : vector<16xf32>, vector<16xf32> -> vector<32xbf16>
        %bitcast3A_218 = vector.bitcast %pack3A_217 : vector<32xbf16> to vector<16xf32>
        %swap3A_219 = arith.index_cast %scan3A_139 : i32 to index
        %swap3A_220 = arith.constant 80 : index
        %swap3A_221 = tpu.vector_load %arg10[%swap3A_219, %swap3A_220] {strides = array<i32>} : memref<64x256xf32, #tpu.memory_space<vmem>>, vector<16xf32>,
        tpu.vector_store %arg10[%swap3A_219, %swap3A_220], %bitcast3A_218 {strides = array<i32>} : memref<64x256xf32, #tpu.memory_space<vmem>>, vector<16xf32>,
        %get3A_222 = arith.index_cast %scan3A_139 : i32 to index
        %get3A_223 = arith.constant 96 : index
        %get3A_224 = tpu.vector_load %arg10[%get3A_222, %get3A_223] {strides = array<i32>} : memref<64x256xf32, #tpu.memory_space<vmem>>, vector<16xf32>,
        %get3A_225 = arith.index_cast %scan3A_139 : i32 to index
        %get3A_226 = arith.constant 96 : index
        %get3A_227 = tpu.vector_load %arg11[%get3A_225, %get3A_226] {strides = array<i32>} : memref<64x256xf32, #tpu.memory_space<vmem>>, vector<16xf32>,
        %mul3A_228 = arith.mulf %get3A_224, %get3A_120 : vector<16xf32>
        %sub3A_229 = arith.subf %get3A_227, %get3A_224 : vector<16xf32>
        %mul3A_230 = arith.mulf %sub3A_229, %get3A_120 : vector<16xf32>
        %pack3A_231 = tpu.pack_subelements %mul3A_228, %mul3A_230 {pack_format = #tpu.pack_format<interleaved>, positions = array<i32: 0, 1>} : vector<16xf32>, vector<16xf32> -> vector<32xbf16>
        %bitcast3A_232 = vector.bitcast %pack3A_231 : vector<32xbf16> to vector<16xf32>
        %swap3A_233 = arith.index_cast %scan3A_139 : i32 to index
        %swap3A_234 = arith.constant 96 : index
        %swap3A_235 = tpu.vector_load %arg10[%swap3A_233, %swap3A_234] {strides = array<i32>} : memref<64x256xf32, #tpu.memory_space<vmem>>, vector<16xf32>,
        tpu.vector_store %arg10[%swap3A_233, %swap3A_234], %bitcast3A_232 {strides = array<i32>} : memref<64x256xf32, #tpu.memory_space<vmem>>, vector<16xf32>,
        %get3A_236 = arith.index_cast %scan3A_139 : i32 to index
        %get3A_237 = arith.constant 112 : index
        %get3A_238 = tpu.vector_load %arg10[%get3A_236, %get3A_237] {strides = array<i32>} : memref<64x256xf32, #tpu.memory_space<vmem>>, vector<16xf32>,
        %get3A_239 = arith.index_cast %scan3A_139 : i32 to index
        %get3A_240 = arith.constant 112 : index
        %get3A_241 = tpu.vector_load %arg11[%get3A_239, %get3A_240] {strides = array<i32>} : memref<64x256xf32, #tpu.memory_space<vmem>>, vector<16xf32>,
        %mul3A_242 = arith.mulf %get3A_238, %get3A_120 : vector<16xf32>
        %sub3A_243 = arith.subf %get3A_241, %get3A_238 : vector<16xf32>
        %mul3A_244 = arith.mulf %sub3A_243, %get3A_120 : vector<16xf32>
        %pack3A_245 = tpu.pack_subelements %mul3A_242, %mul3A_244 {pack_format = #tpu.pack_format<interleaved>, positions = array<i32: 0, 1>} : vector<16xf32>, vector<16xf32> -> vector<32xbf16>
        %bitcast3A_246 = vector.bitcast %pack3A_245 : vector<32xbf16> to vector<16xf32>
        %swap3A_247 = arith.index_cast %scan3A_139 : i32 to index
        %swap3A_248 = arith.constant 112 : index
        %swap3A_249 = tpu.vector_load %arg10[%swap3A_247, %swap3A_248] {strides = array<i32>} : memref<64x256xf32, #tpu.memory_space<vmem>>, vector<16xf32>,
        tpu.vector_store %arg10[%swap3A_247, %swap3A_248], %bitcast3A_246 {strides = array<i32>} : memref<64x256xf32, #tpu.memory_space<vmem>>, vector<16xf32>,
        %get3A_250 = arith.index_cast %scan3A_139 : i32 to index
        %get3A_251 = arith.constant 128 : index
        %get3A_252 = tpu.vector_load %arg10[%get3A_250, %get3A_251] {strides = array<i32>} : memref<64x256xf32, #tpu.memory_space<vmem>>, vector<16xf32>,
        %get3A_253 = arith.index_cast %scan3A_139 : i32 to index
        %get3A_254 = arith.constant 128 : index
        %get3A_255 = tpu.vector_load %arg11[%get3A_253, %get3A_254] {strides = array<i32>} : memref<64x256xf32, #tpu.memory_space<vmem>>, vector<16xf32>,
        %mul3A_256 = arith.mulf %get3A_252, %get3A_120 : vector<16xf32>
        %sub3A_257 = arith.subf %get3A_255, %get3A_252 : vector<16xf32>
        %mul3A_258 = arith.mulf %sub3A_257, %get3A_120 : vector<16xf32>
        %pack3A_259 = tpu.pack_subelements %mul3A_256, %mul3A_258 {pack_format = #tpu.pack_format<interleaved>, positions = array<i32: 0, 1>} : vector<16xf32>, vector<16xf32> -> vector<32xbf16>
        %bitcast3A_260 = vector.bitcast %pack3A_259 : vector<32xbf16> to vector<16xf32>
        %swap3A_261 = arith.index_cast %scan3A_139 : i32 to index
        %swap3A_262 = arith.constant 128 : index
        %swap3A_263 = tpu.vector_load %arg10[%swap3A_261, %swap3A_262] {strides = array<i32>} : memref<64x256xf32, #tpu.memory_space<vmem>>, vector<16xf32>,
        tpu.vector_store %arg10[%swap3A_261, %swap3A_262], %bitcast3A_260 {strides = array<i32>} : memref<64x256xf32, #tpu.memory_space<vmem>>, vector<16xf32>,
        %get3A_264 = arith.index_cast %scan3A_139 : i32 to index
        %get3A_265 = arith.constant 144 : index
        %get3A_266 = tpu.vector_load %arg10[%get3A_264, %get3A_265] {strides = array<i32>} : memref<64x256xf32, #tpu.memory_space<vmem>>, vector<16xf32>,
        %get3A_267 = arith.index_cast %scan3A_139 : i32 to index
        %get3A_268 = arith.constant 144 : index
        %get3A_269 = tpu.vector_load %arg11[%get3A_267, %get3A_268] {strides = array<i32>} : memref<64x256xf32, #tpu.memory_space<vmem>>, vector<16xf32>,
        %mul3A_270 = arith.mulf %get3A_266, %get3A_120 : vector<16xf32>
        %sub3A_271 = arith.subf %get3A_269, %get3A_266 : vector<16xf32>
        %mul3A_272 = arith.mulf %sub3A_271, %get3A_120 : vector<16xf32>
        %pack3A_273 = tpu.pack_subelements %mul3A_270, %mul3A_272 {pack_format = #tpu.pack_format<interleaved>, positions = array<i32: 0, 1>} : vector<16xf32>, vector<16xf32> -> vector<32xbf16>
        %bitcast3A_274 = vector.bitcast %pack3A_273 : vector<32xbf16> to vector<16xf32>
        %swap3A_275 = arith.index_cast %scan3A_139 : i32 to index
        %swap3A_276 = arith.constant 144 : index
        %swap3A_277 = tpu.vector_load %arg10[%swap3A_275, %swap3A_276] {strides = array<i32>} : memref<64x256xf32, #tpu.memory_space<vmem>>, vector<16xf32>,
        tpu.vector_store %arg10[%swap3A_275, %swap3A_276], %bitcast3A_274 {strides = array<i32>} : memref<64x256xf32, #tpu.memory_space<vmem>>, vector<16xf32>,
        %get3A_278 = arith.index_cast %scan3A_139 : i32 to index
        %get3A_279 = arith.constant 160 : index
        %get3A_280 = tpu.vector_load %arg10[%get3A_278, %get3A_279] {strides = array<i32>} : memref<64x256xf32, #tpu.memory_space<vmem>>, vector<16xf32>,
        %get3A_281 = arith.index_cast %scan3A_139 : i32 to index
        %get3A_282 = arith.constant 160 : index
        %get3A_283 = tpu.vector_load %arg11[%get3A_281, %get3A_282] {strides = array<i32>} : memref<64x256xf32, #tpu.memory_space<vmem>>, vector<16xf32>,
        %mul3A_284 = arith.mulf %get3A_280, %get3A_120 : vector<16xf32>
        %sub3A_285 = arith.subf %get3A_283, %get3A_280 : vector<16xf32>
        %mul3A_286 = arith.mulf %sub3A_285, %get3A_120 : vector<16xf32>
        %pack3A_287 = tpu.pack_subelements %mul3A_284, %mul3A_286 {pack_format = #tpu.pack_format<interleaved>, positions = array<i32: 0, 1>} : vector<16xf32>, vector<16xf32> -> vector<32xbf16>
        %bitcast3A_288 = vector.bitcast %pack3A_287 : vector<32xbf16> to vector<16xf32>
        %swap3A_289 = arith.index_cast %scan3A_139 : i32 to index
        %swap3A_290 = arith.constant 160 : index
        %swap3A_291 = tpu.vector_load %arg10[%swap3A_289, %swap3A_290] {strides = array<i32>} : memref<64x256xf32, #tpu.memory_space<vmem>>, vector<16xf32>,
        tpu.vector_store %arg10[%swap3A_289, %swap3A_290], %bitcast3A_288 {strides = array<i32>} : memref<64x256xf32, #tpu.memory_space<vmem>>, vector<16xf32>,
        %get3A_292 = arith.index_cast %scan3A_139 : i32 to index
        %get3A_293 = arith.constant 176 : index
        %get3A_294 = tpu.vector_load %arg10[%get3A_292, %get3A_293] {strides = array<i32>} : memref<64x256xf32, #tpu.memory_space<vmem>>, vector<16xf32>,
        %get3A_295 = arith.index_cast %scan3A_139 : i32 to index
        %get3A_296 = arith.constant 176 : index
        %get3A_297 = tpu.vector_load %arg11[%get3A_295, %get3A_296] {strides = array<i32>} : memref<64x256xf32, #tpu.memory_space<vmem>>, vector<16xf32>,
        %mul3A_298 = arith.mulf %get3A_294, %get3A_120 : vector<16xf32>
        %sub3A_299 = arith.subf %get3A_297, %get3A_294 : vector<16xf32>
        %mul3A_300 = arith.mulf %sub3A_299, %get3A_120 : vector<16xf32>
        %pack3A_301 = tpu.pack_subelements %mul3A_298, %mul3A_300 {pack_format = #tpu.pack_format<interleaved>, positions = array<i32: 0, 1>} : vector<16xf32>, vector<16xf32> -> vector<32xbf16>
        %bitcast3A_302 = vector.bitcast %pack3A_301 : vector<32xbf16> to vector<16xf32>
        %swap3A_303 = arith.index_cast %scan3A_139 : i32 to index
        %swap3A_304 = arith.constant 176 : index
        %swap3A_305 = tpu.vector_load %arg10[%swap3A_303, %swap3A_304] {strides = array<i32>} : memref<64x256xf32, #tpu.memory_space<vmem>>, vector<16xf32>,
        tpu.vector_store %arg10[%swap3A_303, %swap3A_304], %bitcast3A_302 {strides = array<i32>} : memref<64x256xf32, #tpu.memory_space<vmem>>, vector<16xf32>,
        %get3A_306 = arith.index_cast %scan3A_139 : i32 to index
        %get3A_307 = arith.constant 192 : index
        %get3A_308 = tpu.vector_load %arg10[%get3A_306, %get3A_307] {strides = array<i32>} : memref<64x256xf32, #tpu.memory_space<vmem>>, vector<16xf32>,
        %get3A_309 = arith.index_cast %scan3A_139 : i32 to index
        %get3A_310 = arith.constant 192 : index
        %get3A_311 = tpu.vector_load %arg11[%get3A_309, %get3A_310] {strides = array<i32>} : memref<64x256xf32, #tpu.memory_space<vmem>>, vector<16xf32>,
        %mul3A_312 = arith.mulf %get3A_308, %get3A_120 : vector<16xf32>
        %sub3A_313 = arith.subf %get3A_311, %get3A_308 : vector<16xf32>
        %mul3A_314 = arith.mulf %sub3A_313, %get3A_120 : vector<16xf32>
        %pack3A_315 = tpu.pack_subelements %mul3A_312, %mul3A_314 {pack_format = #tpu.pack_format<interleaved>, positions = array<i32: 0, 1>} : vector<16xf32>, vector<16xf32> -> vector<32xbf16>
        %bitcast3A_316 = vector.bitcast %pack3A_315 : vector<32xbf16> to vector<16xf32>
        %swap3A_317 = arith.index_cast %scan3A_139 : i32 to index
        %swap3A_318 = arith.constant 192 : index
        %swap3A_319 = tpu.vector_load %arg10[%swap3A_317, %swap3A_318] {strides = array<i32>} : memref<64x256xf32, #tpu.memory_space<vmem>>, vector<16xf32>,
        tpu.vector_store %arg10[%swap3A_317, %swap3A_318], %bitcast3A_316 {strides = array<i32>} : memref<64x256xf32, #tpu.memory_space<vmem>>, vector<16xf32>,
        %get3A_320 = arith.index_cast %scan3A_139 : i32 to index
        %get3A_321 = arith.constant 208 : index
        %get3A_322 = tpu.vector_load %arg10[%get3A_320, %get3A_321] {strides = array<i32>} : memref<64x256xf32, #tpu.memory_space<vmem>>, vector<16xf32>,
        %get3A_323 = arith.index_cast %scan3A_139 : i32 to index
        %get3A_324 = arith.constant 208 : index
        %get3A_325 = tpu.vector_load %arg11[%get3A_323, %get3A_324] {strides = array<i32>} : memref<64x256xf32, #tpu.memory_space<vmem>>, vector<16xf32>,
        %mul3A_326 = arith.mulf %get3A_322, %get3A_120 : vector<16xf32>
        %sub3A_327 = arith.subf %get3A_325, %get3A_322 : vector<16xf32>
        %mul3A_328 = arith.mulf %sub3A_327, %get3A_120 : vector<16xf32>
        %pack3A_329 = tpu.pack_subelements %mul3A_326, %mul3A_328 {pack_format = #tpu.pack_format<interleaved>, positions = array<i32: 0, 1>} : vector<16xf32>, vector<16xf32> -> vector<32xbf16>
        %bitcast3A_330 = vector.bitcast %pack3A_329 : vector<32xbf16> to vector<16xf32>
        %swap3A_331 = arith.index_cast %scan3A_139 : i32 to index
        %swap3A_332 = arith.constant 208 : index
        %swap3A_333 = tpu.vector_load %arg10[%swap3A_331, %swap3A_332] {strides = array<i32>} : memref<64x256xf32, #tpu.memory_space<vmem>>, vector<16xf32>,
        tpu.vector_store %arg10[%swap3A_331, %swap3A_332], %bitcast3A_330 {strides = array<i32>} : memref<64x256xf32, #tpu.memory_space<vmem>>, vector<16xf32>,
        %get3A_334 = arith.index_cast %scan3A_139 : i32 to index
        %get3A_335 = arith.constant 224 : index
        %get3A_336 = tpu.vector_load %arg10[%get3A_334, %get3A_335] {strides = array<i32>} : memref<64x256xf32, #tpu.memory_space<vmem>>, vector<16xf32>,
        %get3A_337 = arith.index_cast %scan3A_139 : i32 to index
        %get3A_338 = arith.constant 224 : index
        %get3A_339 = tpu.vector_load %arg11[%get3A_337, %get3A_338] {strides = array<i32>} : memref<64x256xf32, #tpu.memory_space<vmem>>, vector<16xf32>,
        %mul3A_340 = arith.mulf %get3A_336, %get3A_120 : vector<16xf32>
        %sub3A_341 = arith.subf %get3A_339, %get3A_336 : vector<16xf32>
        %mul3A_342 = arith.mulf %sub3A_341, %get3A_120 : vector<16xf32>
        %pack3A_343 = tpu.pack_subelements %mul3A_340, %mul3A_342 {pack_format = #tpu.pack_format<interleaved>, positions = array<i32: 0, 1>} : vector<16xf32>, vector<16xf32> -> vector<32xbf16>
        %bitcast3A_344 = vector.bitcast %pack3A_343 : vector<32xbf16> to vector<16xf32>
        %swap3A_345 = arith.index_cast %scan3A_139 : i32 to index
        %swap3A_346 = arith.constant 224 : index
        %swap3A_347 = tpu.vector_load %arg10[%swap3A_345, %swap3A_346] {strides = array<i32>} : memref<64x256xf32, #tpu.memory_space<vmem>>, vector<16xf32>,
        tpu.vector_store %arg10[%swap3A_345, %swap3A_346], %bitcast3A_344 {strides = array<i32>} : memref<64x256xf32, #tpu.memory_space<vmem>>, vector<16xf32>,
        %get3A_348 = arith.index_cast %scan3A_139 : i32 to index
        %get3A_349 = arith.constant 240 : index
        %get3A_350 = tpu.vector_load %arg10[%get3A_348, %get3A_349] {strides = array<i32>} : memref<64x256xf32, #tpu.memory_space<vmem>>, vector<16xf32>,
        %get3A_351 = arith.index_cast %scan3A_139 : i32 to index
        %get3A_352 = arith.constant 240 : index
        %get3A_353 = tpu.vector_load %arg11[%get3A_351, %get3A_352] {strides = array<i32>} : memref<64x256xf32, #tpu.memory_space<vmem>>, vector<16xf32>,
        %mul3A_354 = arith.mulf %get3A_350, %get3A_120 : vector<16xf32>
        %sub3A_355 = arith.subf %get3A_353, %get3A_350 : vector<16xf32>
        %mul3A_356 = arith.mulf %sub3A_355, %get3A_120 : vector<16xf32>
        %pack3A_357 = tpu.pack_subelements %mul3A_354, %mul3A_356 {pack_format = #tpu.pack_format<interleaved>, positions = array<i32: 0, 1>} : vector<16xf32>, vector<16xf32> -> vector<32xbf16>
        %bitcast3A_358 = vector.bitcast %pack3A_357 : vector<32xbf16> to vector<16xf32>
        %swap3A_359 = arith.index_cast %scan3A_139 : i32 to index
        %swap3A_360 = arith.constant 240 : index
        %swap3A_361 = tpu.vector_load %arg10[%swap3A_359, %swap3A_360] {strides = array<i32>} : memref<64x256xf32, #tpu.memory_space<vmem>>, vector<16xf32>,
        tpu.vector_store %arg10[%swap3A_359, %swap3A_360], %bitcast3A_358 {strides = array<i32>} : memref<64x256xf32, #tpu.memory_space<vmem>>, vector<16xf32>,
      }
      %scan3A_126 = arith.constant 64 : i32
      %scan3A_127 = arith.constant 0 : i32
      %scan3A_128 = arith.constant 0 : i32
      %scan3A_129 = arith.constant 32 : i32
      %scan3A_130 = arith.addi %scan3A_128, %scan3A_129 : i32
      %scan3A_131 = arith.constant 1 : i32
      scf.for %scan3A_139 = %scan3A_128 to %scan3A_130 step %scan3A_131  : i32 {
        %mul3A_140 = arith.constant 2 : i32
        %mul3A_141 = arith.muli %mul3A_140, %scan3A_139 : i32
        %get3A_142 = arith.index_cast %mul3A_141 : i32 to index
        %get3A_143 = arith.constant 0 : index
        %get3A_144 = tpu.vector_load %arg12[%get3A_142, %get3A_143] {strides = array<i32>} : memref<64x256xf32, #tpu.memory_space<vmem>>, vector<16xf32>,
        %mul3A_145 = arith.constant 2 : i32
        %mul3A_146 = arith.muli %mul3A_145, %scan3A_139 : i32
        %add3A_147 = arith.constant 1 : i32
        %add3A_148 = arith.addi %mul3A_146, %add3A_147 : i32
        %get3A_149 = arith.index_cast %add3A_148 : i32 to index
        %get3A_150 = arith.constant 0 : index
        %get3A_151 = tpu.vector_load %arg12[%get3A_149, %get3A_150] {strides = array<i32>} : memref<64x256xf32, #tpu.memory_space<vmem>>, vector<16xf32>,
        %pack3A = tpu.pack_subelements %get3A_144, %get3A_151 {pack_format = #tpu.pack_format<interleaved>, positions = array<i32: 0, 1>} : vector<16xf32>, vector<16xf32> -> vector<32xbf16>
        %bitcast3A = vector.bitcast %pack3A : vector<32xbf16> to vector<16xf32>
        %swap3A_152 = arith.index_cast %scan3A_139 : i32 to index
        %swap3A_153 = arith.constant 0 : index
        %swap3A_154 = tpu.vector_load %arg12[%swap3A_152, %swap3A_153] {strides = array<i32>} : memref<64x256xf32, #tpu.memory_space<vmem>>, vector<16xf32>,
        tpu.vector_store %arg12[%swap3A_152, %swap3A_153], %bitcast3A {strides = array<i32>} : memref<64x256xf32, #tpu.memory_space<vmem>>, vector<16xf32>,
        %mul3A_155 = arith.constant 2 : i32
        %mul3A_156 = arith.muli %mul3A_155, %scan3A_139 : i32
        %get3A_157 = arith.index_cast %mul3A_156 : i32 to index
        %get3A_158 = arith.constant 16 : index
        %get3A_159 = tpu.vector_load %arg12[%get3A_157, %get3A_158] {strides = array<i32>} : memref<64x256xf32, #tpu.memory_space<vmem>>, vector<16xf32>,
        %mul3A_160 = arith.constant 2 : i32
        %mul3A_161 = arith.muli %mul3A_160, %scan3A_139 : i32
        %add3A_162 = arith.constant 1 : i32
        %add3A_163 = arith.addi %mul3A_161, %add3A_162 : i32
        %get3A_164 = arith.index_cast %add3A_163 : i32 to index
        %get3A_165 = arith.constant 16 : index
        %get3A_166 = tpu.vector_load %arg12[%get3A_164, %get3A_165] {strides = array<i32>} : memref<64x256xf32, #tpu.memory_space<vmem>>, vector<16xf32>,
        %pack3A_167 = tpu.pack_subelements %get3A_159, %get3A_166 {pack_format = #tpu.pack_format<interleaved>, positions = array<i32: 0, 1>} : vector<16xf32>, vector<16xf32> -> vector<32xbf16>
        %bitcast3A_168 = vector.bitcast %pack3A_167 : vector<32xbf16> to vector<16xf32>
        %swap3A_169 = arith.index_cast %scan3A_139 : i32 to index
        %swap3A_170 = arith.constant 16 : index
        %swap3A_171 = tpu.vector_load %arg12[%swap3A_169, %swap3A_170] {strides = array<i32>} : memref<64x256xf32, #tpu.memory_space<vmem>>, vector<16xf32>,
        tpu.vector_store %arg12[%swap3A_169, %swap3A_170], %bitcast3A_168 {strides = array<i32>} : memref<64x256xf32, #tpu.memory_space<vmem>>, vector<16xf32>,
        %mul3A_172 = arith.constant 2 : i32
        %mul3A_173 = arith.muli %mul3A_172, %scan3A_139 : i32
        %get3A_174 = arith.index_cast %mul3A_173 : i32 to index
        %get3A_175 = arith.constant 32 : index
        %get3A_176 = tpu.vector_load %arg12[%get3A_174, %get3A_175] {strides = array<i32>} : memref<64x256xf32, #tpu.memory_space<vmem>>, vector<16xf32>,
        %mul3A_177 = arith.constant 2 : i32
        %mul3A_178 = arith.muli %mul3A_177, %scan3A_139 : i32
        %add3A_179 = arith.constant 1 : i32
        %add3A_180 = arith.addi %mul3A_178, %add3A_179 : i32
        %get3A_181 = arith.index_cast %add3A_180 : i32 to index
        %get3A_182 = arith.constant 32 : index
        %get3A_183 = tpu.vector_load %arg12[%get3A_181, %get3A_182] {strides = array<i32>} : memref<64x256xf32, #tpu.memory_space<vmem>>, vector<16xf32>,
        %pack3A_184 = tpu.pack_subelements %get3A_176, %get3A_183 {pack_format = #tpu.pack_format<interleaved>, positions = array<i32: 0, 1>} : vector<16xf32>, vector<16xf32> -> vector<32xbf16>
        %bitcast3A_185 = vector.bitcast %pack3A_184 : vector<32xbf16> to vector<16xf32>
        %swap3A_186 = arith.index_cast %scan3A_139 : i32 to index
        %swap3A_187 = arith.constant 32 : index
        %swap3A_188 = tpu.vector_load %arg12[%swap3A_186, %swap3A_187] {strides = array<i32>} : memref<64x256xf32, #tpu.memory_space<vmem>>, vector<16xf32>,
        tpu.vector_store %arg12[%swap3A_186, %swap3A_187], %bitcast3A_185 {strides = array<i32>} : memref<64x256xf32, #tpu.memory_space<vmem>>, vector<16xf32>,
        %mul3A_189 = arith.constant 2 : i32
        %mul3A_190 = arith.muli %mul3A_189, %scan3A_139 : i32
        %get3A_191 = arith.index_cast %mul3A_190 : i32 to index
        %get3A_192 = arith.constant 48 : index
        %get3A_193 = tpu.vector_load %arg12[%get3A_191, %get3A_192] {strides = array<i32>} : memref<64x256xf32, #tpu.memory_space<vmem>>, vector<16xf32>,
        %mul3A_194 = arith.constant 2 : i32
        %mul3A_195 = arith.muli %mul3A_194, %scan3A_139 : i32
        %add3A_196 = arith.constant 1 : i32
        %add3A_197 = arith.addi %mul3A_195, %add3A_196 : i32
        %get3A_198 = arith.index_cast %add3A_197 : i32 to index
        %get3A_199 = arith.constant 48 : index
        %get3A_200 = tpu.vector_load %arg12[%get3A_198, %get3A_199] {strides = array<i32>} : memref<64x256xf32, #tpu.memory_space<vmem>>, vector<16xf32>,
        %pack3A_201 = tpu.pack_subelements %get3A_193, %get3A_200 {pack_format = #tpu.pack_format<interleaved>, positions = array<i32: 0, 1>} : vector<16xf32>, vector<16xf32> -> vector<32xbf16>
        %bitcast3A_202 = vector.bitcast %pack3A_201 : vector<32xbf16> to vector<16xf32>
        %swap3A_203 = arith.index_cast %scan3A_139 : i32 to index
        %swap3A_204 = arith.constant 48 : index
        %swap3A_205 = tpu.vector_load %arg12[%swap3A_203, %swap3A_204] {strides = array<i32>} : memref<64x256xf32, #tpu.memory_space<vmem>>, vector<16xf32>,
        tpu.vector_store %arg12[%swap3A_203, %swap3A_204], %bitcast3A_202 {strides = array<i32>} : memref<64x256xf32, #tpu.memory_space<vmem>>, vector<16xf32>,
        %mul3A_206 = arith.constant 2 : i32
        %mul3A_207 = arith.muli %mul3A_206, %scan3A_139 : i32
        %get3A_208 = arith.index_cast %mul3A_207 : i32 to index
        %get3A_209 = arith.constant 64 : index
        %get3A_210 = tpu.vector_load %arg12[%get3A_208, %get3A_209] {strides = array<i32>} : memref<64x256xf32, #tpu.memory_space<vmem>>, vector<16xf32>,
        %mul3A_211 = arith.constant 2 : i32
        %mul3A_212 = arith.muli %mul3A_211, %scan3A_139 : i32
        %add3A_213 = arith.constant 1 : i32
        %add3A_214 = arith.addi %mul3A_212, %add3A_213 : i32
        %get3A_215 = arith.index_cast %add3A_214 : i32 to index
        %get3A_216 = arith.constant 64 : index
        %get3A_217 = tpu.vector_load %arg12[%get3A_215, %get3A_216] {strides = array<i32>} : memref<64x256xf32, #tpu.memory_space<vmem>>, vector<16xf32>,
        %pack3A_218 = tpu.pack_subelements %get3A_210, %get3A_217 {pack_format = #tpu.pack_format<interleaved>, positions = array<i32: 0, 1>} : vector<16xf32>, vector<16xf32> -> vector<32xbf16>
        %bitcast3A_219 = vector.bitcast %pack3A_218 : vector<32xbf16> to vector<16xf32>
        %swap3A_220 = arith.index_cast %scan3A_139 : i32 to index
        %swap3A_221 = arith.constant 64 : index
        %swap3A_222 = tpu.vector_load %arg12[%swap3A_220, %swap3A_221] {strides = array<i32>} : memref<64x256xf32, #tpu.memory_space<vmem>>, vector<16xf32>,
        tpu.vector_store %arg12[%swap3A_220, %swap3A_221], %bitcast3A_219 {strides = array<i32>} : memref<64x256xf32, #tpu.memory_space<vmem>>, vector<16xf32>,
        %mul3A_223 = arith.constant 2 : i32
        %mul3A_224 = arith.muli %mul3A_223, %scan3A_139 : i32
        %get3A_225 = arith.index_cast %mul3A_224 : i32 to index
        %get3A_226 = arith.constant 80 : index
        %get3A_227 = tpu.vector_load %arg12[%get3A_225, %get3A_226] {strides = array<i32>} : memref<64x256xf32, #tpu.memory_space<vmem>>, vector<16xf32>,
        %mul3A_228 = arith.constant 2 : i32
        %mul3A_229 = arith.muli %mul3A_228, %scan3A_139 : i32
        %add3A_230 = arith.constant 1 : i32
        %add3A_231 = arith.addi %mul3A_229, %add3A_230 : i32
        %get3A_232 = arith.index_cast %add3A_231 : i32 to index
        %get3A_233 = arith.constant 80 : index
        %get3A_234 = tpu.vector_load %arg12[%get3A_232, %get3A_233] {strides = array<i32>} : memref<64x256xf32, #tpu.memory_space<vmem>>, vector<16xf32>,
        %pack3A_235 = tpu.pack_subelements %get3A_227, %get3A_234 {pack_format = #tpu.pack_format<interleaved>, positions = array<i32: 0, 1>} : vector<16xf32>, vector<16xf32> -> vector<32xbf16>
        %bitcast3A_236 = vector.bitcast %pack3A_235 : vector<32xbf16> to vector<16xf32>
        %swap3A_237 = arith.index_cast %scan3A_139 : i32 to index
        %swap3A_238 = arith.constant 80 : index
        %swap3A_239 = tpu.vector_load %arg12[%swap3A_237, %swap3A_238] {strides = array<i32>} : memref<64x256xf32, #tpu.memory_space<vmem>>, vector<16xf32>,
        tpu.vector_store %arg12[%swap3A_237, %swap3A_238], %bitcast3A_236 {strides = array<i32>} : memref<64x256xf32, #tpu.memory_space<vmem>>, vector<16xf32>,
        %mul3A_240 = arith.constant 2 : i32
        %mul3A_241 = arith.muli %mul3A_240, %scan3A_139 : i32
        %get3A_242 = arith.index_cast %mul3A_241 : i32 to index
        %get3A_243 = arith.constant 96 : index
        %get3A_244 = tpu.vector_load %arg12[%get3A_242, %get3A_243] {strides = array<i32>} : memref<64x256xf32, #tpu.memory_space<vmem>>, vector<16xf32>,
        %mul3A_245 = arith.constant 2 : i32
        %mul3A_246 = arith.muli %mul3A_245, %scan3A_139 : i32
        %add3A_247 = arith.constant 1 : i32
        %add3A_248 = arith.addi %mul3A_246, %add3A_247 : i32
        %get3A_249 = arith.index_cast %add3A_248 : i32 to index
        %get3A_250 = arith.constant 96 : index
        %get3A_251 = tpu.vector_load %arg12[%get3A_249, %get3A_250] {strides = array<i32>} : memref<64x256xf32, #tpu.memory_space<vmem>>, vector<16xf32>,
        %pack3A_252 = tpu.pack_subelements %get3A_244, %get3A_251 {pack_format = #tpu.pack_format<interleaved>, positions = array<i32: 0, 1>} : vector<16xf32>, vector<16xf32> -> vector<32xbf16>
        %bitcast3A_253 = vector.bitcast %pack3A_252 : vector<32xbf16> to vector<16xf32>
        %swap3A_254 = arith.index_cast %scan3A_139 : i32 to index
        %swap3A_255 = arith.constant 96 : index
        %swap3A_256 = tpu.vector_load %arg12[%swap3A_254, %swap3A_255] {strides = array<i32>} : memref<64x256xf32, #tpu.memory_space<vmem>>, vector<16xf32>,
        tpu.vector_store %arg12[%swap3A_254, %swap3A_255], %bitcast3A_253 {strides = array<i32>} : memref<64x256xf32, #tpu.memory_space<vmem>>, vector<16xf32>,
        %mul3A_257 = arith.constant 2 : i32
        %mul3A_258 = arith.muli %mul3A_257, %scan3A_139 : i32
        %get3A_259 = arith.index_cast %mul3A_258 : i32 to index
        %get3A_260 = arith.constant 112 : index
        %get3A_261 = tpu.vector_load %arg12[%get3A_259, %get3A_260] {strides = array<i32>} : memref<64x256xf32, #tpu.memory_space<vmem>>, vector<16xf32>,
        %mul3A_262 = arith.constant 2 : i32
        %mul3A_263 = arith.muli %mul3A_262, %scan3A_139 : i32
        %add3A_264 = arith.constant 1 : i32
        %add3A_265 = arith.addi %mul3A_263, %add3A_264 : i32
        %get3A_266 = arith.index_cast %add3A_265 : i32 to index
        %get3A_267 = arith.constant 112 : index
        %get3A_268 = tpu.vector_load %arg12[%get3A_266, %get3A_267] {strides = array<i32>} : memref<64x256xf32, #tpu.memory_space<vmem>>, vector<16xf32>,
        %pack3A_269 = tpu.pack_subelements %get3A_261, %get3A_268 {pack_format = #tpu.pack_format<interleaved>, positions = array<i32: 0, 1>} : vector<16xf32>, vector<16xf32> -> vector<32xbf16>
        %bitcast3A_270 = vector.bitcast %pack3A_269 : vector<32xbf16> to vector<16xf32>
        %swap3A_271 = arith.index_cast %scan3A_139 : i32 to index
        %swap3A_272 = arith.constant 112 : index
        %swap3A_273 = tpu.vector_load %arg12[%swap3A_271, %swap3A_272] {strides = array<i32>} : memref<64x256xf32, #tpu.memory_space<vmem>>, vector<16xf32>,
        tpu.vector_store %arg12[%swap3A_271, %swap3A_272], %bitcast3A_270 {strides = array<i32>} : memref<64x256xf32, #tpu.memory_space<vmem>>, vector<16xf32>,
        %mul3A_274 = arith.constant 2 : i32
        %mul3A_275 = arith.muli %mul3A_274, %scan3A_139 : i32
        %get3A_276 = arith.index_cast %mul3A_275 : i32 to index
        %get3A_277 = arith.constant 128 : index
        %get3A_278 = tpu.vector_load %arg12[%get3A_276, %get3A_277] {strides = array<i32>} : memref<64x256xf32, #tpu.memory_space<vmem>>, vector<16xf32>,
        %mul3A_279 = arith.constant 2 : i32
        %mul3A_280 = arith.muli %mul3A_279, %scan3A_139 : i32
        %add3A_281 = arith.constant 1 : i32
        %add3A_282 = arith.addi %mul3A_280, %add3A_281 : i32
        %get3A_283 = arith.index_cast %add3A_282 : i32 to index
        %get3A_284 = arith.constant 128 : index
        %get3A_285 = tpu.vector_load %arg12[%get3A_283, %get3A_284] {strides = array<i32>} : memref<64x256xf32, #tpu.memory_space<vmem>>, vector<16xf32>,
        %pack3A_286 = tpu.pack_subelements %get3A_278, %get3A_285 {pack_format = #tpu.pack_format<interleaved>, positions = array<i32: 0, 1>} : vector<16xf32>, vector<16xf32> -> vector<32xbf16>
        %bitcast3A_287 = vector.bitcast %pack3A_286 : vector<32xbf16> to vector<16xf32>
        %swap3A_288 = arith.index_cast %scan3A_139 : i32 to index
        %swap3A_289 = arith.constant 128 : index
        %swap3A_290 = tpu.vector_load %arg12[%swap3A_288, %swap3A_289] {strides = array<i32>} : memref<64x256xf32, #tpu.memory_space<vmem>>, vector<16xf32>,
        tpu.vector_store %arg12[%swap3A_288, %swap3A_289], %bitcast3A_287 {strides = array<i32>} : memref<64x256xf32, #tpu.memory_space<vmem>>, vector<16xf32>,
        %mul3A_291 = arith.constant 2 : i32
        %mul3A_292 = arith.muli %mul3A_291, %scan3A_139 : i32
        %get3A_293 = arith.index_cast %mul3A_292 : i32 to index
        %get3A_294 = arith.constant 144 : index
        %get3A_295 = tpu.vector_load %arg12[%get3A_293, %get3A_294] {strides = array<i32>} : memref<64x256xf32, #tpu.memory_space<vmem>>, vector<16xf32>,
        %mul3A_296 = arith.constant 2 : i32
        %mul3A_297 = arith.muli %mul3A_296, %scan3A_139 : i32
        %add3A_298 = arith.constant 1 : i32
        %add3A_299 = arith.addi %mul3A_297, %add3A_298 : i32
        %get3A_300 = arith.index_cast %add3A_299 : i32 to index
        %get3A_301 = arith.constant 144 : index
        %get3A_302 = tpu.vector_load %arg12[%get3A_300, %get3A_301] {strides = array<i32>} : memref<64x256xf32, #tpu.memory_space<vmem>>, vector<16xf32>,
        %pack3A_303 = tpu.pack_subelements %get3A_295, %get3A_302 {pack_format = #tpu.pack_format<interleaved>, positions = array<i32: 0, 1>} : vector<16xf32>, vector<16xf32> -> vector<32xbf16>
        %bitcast3A_304 = vector.bitcast %pack3A_303 : vector<32xbf16> to vector<16xf32>
        %swap3A_305 = arith.index_cast %scan3A_139 : i32 to index
        %swap3A_306 = arith.constant 144 : index
        %swap3A_307 = tpu.vector_load %arg12[%swap3A_305, %swap3A_306] {strides = array<i32>} : memref<64x256xf32, #tpu.memory_space<vmem>>, vector<16xf32>,
        tpu.vector_store %arg12[%swap3A_305, %swap3A_306], %bitcast3A_304 {strides = array<i32>} : memref<64x256xf32, #tpu.memory_space<vmem>>, vector<16xf32>,
        %mul3A_308 = arith.constant 2 : i32
        %mul3A_309 = arith.muli %mul3A_308, %scan3A_139 : i32
        %get3A_310 = arith.index_cast %mul3A_309 : i32 to index
        %get3A_311 = arith.constant 160 : index
        %get3A_312 = tpu.vector_load %arg12[%get3A_310, %get3A_311] {strides = array<i32>} : memref<64x256xf32, #tpu.memory_space<vmem>>, vector<16xf32>,
        %mul3A_313 = arith.constant 2 : i32
        %mul3A_314 = arith.muli %mul3A_313, %scan3A_139 : i32
        %add3A_315 = arith.constant 1 : i32
        %add3A_316 = arith.addi %mul3A_314, %add3A_315 : i32
        %get3A_317 = arith.index_cast %add3A_316 : i32 to index
        %get3A_318 = arith.constant 160 : index
        %get3A_319 = tpu.vector_load %arg12[%get3A_317, %get3A_318] {strides = array<i32>} : memref<64x256xf32, #tpu.memory_space<vmem>>, vector<16xf32>,
        %pack3A_320 = tpu.pack_subelements %get3A_312, %get3A_319 {pack_format = #tpu.pack_format<interleaved>, positions = array<i32: 0, 1>} : vector<16xf32>, vector<16xf32> -> vector<32xbf16>
        %bitcast3A_321 = vector.bitcast %pack3A_320 : vector<32xbf16> to vector<16xf32>
        %swap3A_322 = arith.index_cast %scan3A_139 : i32 to index
        %swap3A_323 = arith.constant 160 : index
        %swap3A_324 = tpu.vector_load %arg12[%swap3A_322, %swap3A_323] {strides = array<i32>} : memref<64x256xf32, #tpu.memory_space<vmem>>, vector<16xf32>,
        tpu.vector_store %arg12[%swap3A_322, %swap3A_323], %bitcast3A_321 {strides = array<i32>} : memref<64x256xf32, #tpu.memory_space<vmem>>, vector<16xf32>,
        %mul3A_325 = arith.constant 2 : i32
        %mul3A_326 = arith.muli %mul3A_325, %scan3A_139 : i32
        %get3A_327 = arith.index_cast %mul3A_326 : i32 to index
        %get3A_328 = arith.constant 176 : index
        %get3A_329 = tpu.vector_load %arg12[%get3A_327, %get3A_328] {strides = array<i32>} : memref<64x256xf32, #tpu.memory_space<vmem>>, vector<16xf32>,
        %mul3A_330 = arith.constant 2 : i32
        %mul3A_331 = arith.muli %mul3A_330, %scan3A_139 : i32
        %add3A_332 = arith.constant 1 : i32
        %add3A_333 = arith.addi %mul3A_331, %add3A_332 : i32
        %get3A_334 = arith.index_cast %add3A_333 : i32 to index
        %get3A_335 = arith.constant 176 : index
        %get3A_336 = tpu.vector_load %arg12[%get3A_334, %get3A_335] {strides = array<i32>} : memref<64x256xf32, #tpu.memory_space<vmem>>, vector<16xf32>,
        %pack3A_337 = tpu.pack_subelements %get3A_329, %get3A_336 {pack_format = #tpu.pack_format<interleaved>, positions = array<i32: 0, 1>} : vector<16xf32>, vector<16xf32> -> vector<32xbf16>
        %bitcast3A_338 = vector.bitcast %pack3A_337 : vector<32xbf16> to vector<16xf32>
        %swap3A_339 = arith.index_cast %scan3A_139 : i32 to index
        %swap3A_340 = arith.constant 176 : index
        %swap3A_341 = tpu.vector_load %arg12[%swap3A_339, %swap3A_340] {strides = array<i32>} : memref<64x256xf32, #tpu.memory_space<vmem>>, vector<16xf32>,
        tpu.vector_store %arg12[%swap3A_339, %swap3A_340], %bitcast3A_338 {strides = array<i32>} : memref<64x256xf32, #tpu.memory_space<vmem>>, vector<16xf32>,
        %mul3A_342 = arith.constant 2 : i32
        %mul3A_343 = arith.muli %mul3A_342, %scan3A_139 : i32
        %get3A_344 = arith.index_cast %mul3A_343 : i32 to index
        %get3A_345 = arith.constant 192 : index
        %get3A_346 = tpu.vector_load %arg12[%get3A_344, %get3A_345] {strides = array<i32>} : memref<64x256xf32, #tpu.memory_space<vmem>>, vector<16xf32>,
        %mul3A_347 = arith.constant 2 : i32
        %mul3A_348 = arith.muli %mul3A_347, %scan3A_139 : i32
        %add3A_349 = arith.constant 1 : i32
        %add3A_350 = arith.addi %mul3A_348, %add3A_349 : i32
        %get3A_351 = arith.index_cast %add3A_350 : i32 to index
        %get3A_352 = arith.constant 192 : index
        %get3A_353 = tpu.vector_load %arg12[%get3A_351, %get3A_352] {strides = array<i32>} : memref<64x256xf32, #tpu.memory_space<vmem>>, vector<16xf32>,
        %pack3A_354 = tpu.pack_subelements %get3A_346, %get3A_353 {pack_format = #tpu.pack_format<interleaved>, positions = array<i32: 0, 1>} : vector<16xf32>, vector<16xf32> -> vector<32xbf16>
        %bitcast3A_355 = vector.bitcast %pack3A_354 : vector<32xbf16> to vector<16xf32>
        %swap3A_356 = arith.index_cast %scan3A_139 : i32 to index
        %swap3A_357 = arith.constant 192 : index
        %swap3A_358 = tpu.vector_load %arg12[%swap3A_356, %swap3A_357] {strides = array<i32>} : memref<64x256xf32, #tpu.memory_space<vmem>>, vector<16xf32>,
        tpu.vector_store %arg12[%swap3A_356, %swap3A_357], %bitcast3A_355 {strides = array<i32>} : memref<64x256xf32, #tpu.memory_space<vmem>>, vector<16xf32>,
        %mul3A_359 = arith.constant 2 : i32
        %mul3A_360 = arith.muli %mul3A_359, %scan3A_139 : i32
        %get3A_361 = arith.index_cast %mul3A_360 : i32 to index
        %get3A_362 = arith.constant 208 : index
        %get3A_363 = tpu.vector_load %arg12[%get3A_361, %get3A_362] {strides = array<i32>} : memref<64x256xf32, #tpu.memory_space<vmem>>, vector<16xf32>,
        %mul3A_364 = arith.constant 2 : i32
        %mul3A_365 = arith.muli %mul3A_364, %scan3A_139 : i32
        %add3A_366 = arith.constant 1 : i32
        %add3A_367 = arith.addi %mul3A_365, %add3A_366 : i32
        %get3A_368 = arith.index_cast %add3A_367 : i32 to index
        %get3A_369 = arith.constant 208 : index
        %get3A_370 = tpu.vector_load %arg12[%get3A_368, %get3A_369] {strides = array<i32>} : memref<64x256xf32, #tpu.memory_space<vmem>>, vector<16xf32>,
        %pack3A_371 = tpu.pack_subelements %get3A_363, %get3A_370 {pack_format = #tpu.pack_format<interleaved>, positions = array<i32: 0, 1>} : vector<16xf32>, vector<16xf32> -> vector<32xbf16>
        %bitcast3A_372 = vector.bitcast %pack3A_371 : vector<32xbf16> to vector<16xf32>
        %swap3A_373 = arith.index_cast %scan3A_139 : i32 to index
        %swap3A_374 = arith.constant 208 : index
        %swap3A_375 = tpu.vector_load %arg12[%swap3A_373, %swap3A_374] {strides = array<i32>} : memref<64x256xf32, #tpu.memory_space<vmem>>, vector<16xf32>,
        tpu.vector_store %arg12[%swap3A_373, %swap3A_374], %bitcast3A_372 {strides = array<i32>} : memref<64x256xf32, #tpu.memory_space<vmem>>, vector<16xf32>,
        %mul3A_376 = arith.constant 2 : i32
        %mul3A_377 = arith.muli %mul3A_376, %scan3A_139 : i32
        %get3A_378 = arith.index_cast %mul3A_377 : i32 to index
        %get3A_379 = arith.constant 224 : index
        %get3A_380 = tpu.vector_load %arg12[%get3A_378, %get3A_379] {strides = array<i32>} : memref<64x256xf32, #tpu.memory_space<vmem>>, vector<16xf32>,
        %mul3A_381 = arith.constant 2 : i32
        %mul3A_382 = arith.muli %mul3A_381, %scan3A_139 : i32
        %add3A_383 = arith.constant 1 : i32
        %add3A_384 = arith.addi %mul3A_382, %add3A_383 : i32
        %get3A_385 = arith.index_cast %add3A_384 : i32 to index
        %get3A_386 = arith.constant 224 : index
        %get3A_387 = tpu.vector_load %arg12[%get3A_385, %get3A_386] {strides = array<i32>} : memref<64x256xf32, #tpu.memory_space<vmem>>, vector<16xf32>,
        %pack3A_388 = tpu.pack_subelements %get3A_380, %get3A_387 {pack_format = #tpu.pack_format<interleaved>, positions = array<i32: 0, 1>} : vector<16xf32>, vector<16xf32> -> vector<32xbf16>
        %bitcast3A_389 = vector.bitcast %pack3A_388 : vector<32xbf16> to vector<16xf32>
        %swap3A_390 = arith.index_cast %scan3A_139 : i32 to index
        %swap3A_391 = arith.constant 224 : index
        %swap3A_392 = tpu.vector_load %arg12[%swap3A_390, %swap3A_391] {strides = array<i32>} : memref<64x256xf32, #tpu.memory_space<vmem>>, vector<16xf32>,
        tpu.vector_store %arg12[%swap3A_390, %swap3A_391], %bitcast3A_389 {strides = array<i32>} : memref<64x256xf32, #tpu.memory_space<vmem>>, vector<16xf32>,
        %mul3A_393 = arith.constant 2 : i32
        %mul3A_394 = arith.muli %mul3A_393, %scan3A_139 : i32
        %get3A_395 = arith.index_cast %mul3A_394 : i32 to index
        %get3A_396 = arith.constant 240 : index
        %get3A_397 = tpu.vector_load %arg12[%get3A_395, %get3A_396] {strides = array<i32>} : memref<64x256xf32, #tpu.memory_space<vmem>>, vector<16xf32>,
        %mul3A_398 = arith.constant 2 : i32
        %mul3A_399 = arith.muli %mul3A_398, %scan3A_139 : i32
        %add3A_400 = arith.constant 1 : i32
        %add3A_401 = arith.addi %mul3A_399, %add3A_400 : i32
        %get3A_402 = arith.index_cast %add3A_401 : i32 to index
        %get3A_403 = arith.constant 240 : index
        %get3A_404 = tpu.vector_load %arg12[%get3A_402, %get3A_403] {strides = array<i32>} : memref<64x256xf32, #tpu.memory_space<vmem>>, vector<16xf32>,
        %pack3A_405 = tpu.pack_subelements %get3A_397, %get3A_404 {pack_format = #tpu.pack_format<interleaved>, positions = array<i32: 0, 1>} : vector<16xf32>, vector<16xf32> -> vector<32xbf16>
        %bitcast3A_406 = vector.bitcast %pack3A_405 : vector<32xbf16> to vector<16xf32>
        %swap3A_407 = arith.index_cast %scan3A_139 : i32 to index
        %swap3A_408 = arith.constant 240 : index
        %swap3A_409 = tpu.vector_load %arg12[%swap3A_407, %swap3A_408] {strides = array<i32>} : memref<64x256xf32, #tpu.memory_space<vmem>>, vector<16xf32>,
        tpu.vector_store %arg12[%swap3A_407, %swap3A_408], %bitcast3A_406 {strides = array<i32>} : memref<64x256xf32, #tpu.memory_space<vmem>>, vector<16xf32>,
      }
      %scan3A_132 = arith.constant 32 : i32
      %scan3A_133 = arith.constant 0 : i32
      %scan3A_134 = arith.constant 0 : i32
      %scan3A_135 = arith.constant 2 : i32
      %scan3A_136 = arith.addi %scan3A_134, %scan3A_135 : i32
      %scan3A_137 = arith.constant 1 : i32
      scf.for %scan3A_139 = %scan3A_134 to %scan3A_136 step %scan3A_137  : i32 {
        %mul3A_140 = arith.constant 2 : i32
        %mul3A_141 = arith.muli %scan3A_139, %mul3A_140 : i32
        %mul3A_142 = arith.constant 4 : i32
        %mul3A_143 = arith.muli %scan3A_31, %mul3A_142 : i32
        %add3A_144 = arith.addi %mul3A_143, %mul3A_141 : i32
        %gt3A = arith.constant 0 : i32
        %gt3A_145 = arith.cmpi sgt, %add3A_144, %gt3A : i32
        %convert_element_type3A = arith.extui %gt3A_145 : i1 to i32
        %cond3A = arith.constant 0 : i32
        %cond3A_146 = arith.cmpi ne, %convert_element_type3A, %cond3A : i32
        scf.if %cond3A_146 {
          %dma_wait3A_265 = arith.constant 0 : i32
          %dma_wait3A_266 = arith.constant 0 : i32
          %dma_wait3A_267 = arith.constant 0 : i32
          %dma_wait3A_268 = arith.constant 0 : i32
          %dma_wait3A_269 = tpu.memref_slice %arg9[%dma_wait3A_265, %dma_wait3A_267, %dma_wait3A_266, %dma_wait3A_268] : memref<8x64x16x2048xf32, #tpu.memory_space<hbm>> -> memref<1x64x1x512xf32, #tpu.memory_space<hbm>>
          %dma_wait3A_270 = tpu.memref_squeeze %dma_wait3A_269 : memref<1x64x1x512xf32, #tpu.memory_space<hbm>> -> memref<64x512xf32, #tpu.memory_space<hbm>>
          %dma_wait3A_271 = arith.constant 0 : i32
          %dma_wait3A_272 = arith.constant 0 : i32
          %dma_wait3A_273 = tpu.memref_slice %arg9[%dma_wait3A_265, %dma_wait3A_271, %dma_wait3A_266, %dma_wait3A_272] : memref<8x64x16x2048xf32, #tpu.memory_space<hbm>> -> memref<1x64x1x512xf32, #tpu.memory_space<hbm>>
          %dma_wait3A_274 = tpu.memref_squeeze %dma_wait3A_273 : memref<1x64x1x512xf32, #tpu.memory_space<hbm>> -> memref<64x512xf32, #tpu.memory_space<hbm>>
          tpu.wait_dma2 semaphore(%arg22 : memref<!tpu.dma_semaphore, #tpu.memory_space<semaphore_mem>>) src(%dma_wait3A_274 : memref<64x512xf32, #tpu.memory_space<hbm>>) dst(%arg19 : memref<64x512xf32, #tpu.memory_space<vmem>>)
        } else {
        }
        %mul3A_147 = arith.constant 512 : i32
        %mul3A_148 = arith.muli %mul3A_141, %mul3A_147 : i32
        %get3A_149 = arith.index_cast %mul3A_148 : i32 to index
        %get3A_150 = tpu.vector_load %arg17[%get3A_149] {strides = array<i32>} : memref<2064xi32, #tpu.memory_space<vmem>>, vector<16xi32>,
        %get3A_151 = arith.index_cast %mul3A_148 : i32 to index
        %get3A_152 = tpu.vector_load %arg18[%get3A_151] {strides = array<i32>} : memref<2064xf32, #tpu.memory_space<vmem>>, vector<16xf32>,
        %broadcast_in_dim3A_153 = arith.constant 0 : i32
        %broadcast_in_dim3A_154 = vector.broadcast %broadcast_in_dim3A_153 : i32 to vector<16xi32>
        %broadcast_in_dim3A_155 = arith.constant 1 : i32
        %broadcast_in_dim3A_156 = vector.broadcast %broadcast_in_dim3A_155 : i32 to vector<16xi32>
        %broadcast_in_dim3A_157 = arith.constant 2 : i32
        %broadcast_in_dim3A_158 = vector.broadcast %broadcast_in_dim3A_157 : i32 to vector<16xi32>
        %broadcast_in_dim3A_159 = arith.constant 3 : i32
        %broadcast_in_dim3A_160 = vector.broadcast %broadcast_in_dim3A_159 : i32 to vector<16xi32>
        %broadcast_in_dim3A_161 = arith.constant 4 : i32
        %broadcast_in_dim3A_162 = vector.broadcast %broadcast_in_dim3A_161 : i32 to vector<16xi32>
        %broadcast_in_dim3A_163 = arith.constant 5 : i32
        %broadcast_in_dim3A_164 = vector.broadcast %broadcast_in_dim3A_163 : i32 to vector<16xi32>
        %broadcast_in_dim3A_165 = arith.constant 6 : i32
        %broadcast_in_dim3A_166 = vector.broadcast %broadcast_in_dim3A_165 : i32 to vector<16xi32>
        %broadcast_in_dim3A_167 = arith.constant 7 : i32
        %broadcast_in_dim3A_168 = vector.broadcast %broadcast_in_dim3A_167 : i32 to vector<16xi32>
        %broadcast_in_dim3A_169 = arith.constant 0 : i32
        %broadcast_in_dim3A_170 = vector.broadcast %broadcast_in_dim3A_169 : i32 to vector<16xi32>
        %broadcast_in_dim3A_171 = arith.constant 1 : i32
        %broadcast_in_dim3A_172 = vector.broadcast %broadcast_in_dim3A_171 : i32 to vector<16xi32>
        %broadcast_in_dim3A_173 = arith.constant 2 : i32
        %broadcast_in_dim3A_174 = vector.broadcast %broadcast_in_dim3A_173 : i32 to vector<16xi32>
        %broadcast_in_dim3A_175 = arith.constant 3 : i32
        %broadcast_in_dim3A_176 = vector.broadcast %broadcast_in_dim3A_175 : i32 to vector<16xi32>
        %gather3A = tpu.vector_load_idx %arg10[%broadcast_in_dim3A_154, %get3A_150] : memref<64x256xf32, #tpu.memory_space<vmem>>[vector<16xi32>, vector<16xi32>], vector<16xf32>,
        %gather3A_177 = tpu.vector_load_idx %arg10[%broadcast_in_dim3A_156, %get3A_150] : memref<64x256xf32, #tpu.memory_space<vmem>>[vector<16xi32>, vector<16xi32>], vector<16xf32>,
        %gather3A_178 = tpu.vector_load_idx %arg10[%broadcast_in_dim3A_158, %get3A_150] : memref<64x256xf32, #tpu.memory_space<vmem>>[vector<16xi32>, vector<16xi32>], vector<16xf32>,
        %gather3A_179 = tpu.vector_load_idx %arg10[%broadcast_in_dim3A_160, %get3A_150] : memref<64x256xf32, #tpu.memory_space<vmem>>[vector<16xi32>, vector<16xi32>], vector<16xf32>,
        %gather3A_180 = tpu.vector_load_idx %arg10[%broadcast_in_dim3A_162, %get3A_150] : memref<64x256xf32, #tpu.memory_space<vmem>>[vector<16xi32>, vector<16xi32>], vector<16xf32>,
        %gather3A_181 = tpu.vector_load_idx %arg10[%broadcast_in_dim3A_164, %get3A_150] : memref<64x256xf32, #tpu.memory_space<vmem>>[vector<16xi32>, vector<16xi32>], vector<16xf32>,
        %gather3A_182 = tpu.vector_load_idx %arg10[%broadcast_in_dim3A_166, %get3A_150] : memref<64x256xf32, #tpu.memory_space<vmem>>[vector<16xi32>, vector<16xi32>], vector<16xf32>,
        %gather3A_183 = tpu.vector_load_idx %arg10[%broadcast_in_dim3A_168, %get3A_150] : memref<64x256xf32, #tpu.memory_space<vmem>>[vector<16xi32>, vector<16xi32>], vector<16xf32>,
        %gather3A_184 = tpu.vector_load_idx %arg12[%broadcast_in_dim3A_170, %get3A_150] : memref<64x256xf32, #tpu.memory_space<vmem>>[vector<16xi32>, vector<16xi32>], vector<16xf32>,
        %gather3A_185 = tpu.vector_load_idx %arg12[%broadcast_in_dim3A_172, %get3A_150] : memref<64x256xf32, #tpu.memory_space<vmem>>[vector<16xi32>, vector<16xi32>], vector<16xf32>,
        %gather3A_186 = tpu.vector_load_idx %arg12[%broadcast_in_dim3A_174, %get3A_150] : memref<64x256xf32, #tpu.memory_space<vmem>>[vector<16xi32>, vector<16xi32>], vector<16xf32>,
        %gather3A_187 = tpu.vector_load_idx %arg12[%broadcast_in_dim3A_176, %get3A_150] : memref<64x256xf32, #tpu.memory_space<vmem>>[vector<16xi32>, vector<16xi32>], vector<16xf32>,
        %scan3A_188 = arith.constant 0 : i32
        %scan3A_189 = arith.constant 32 : i32
        %scan3A_190 = arith.addi %scan3A_188, %scan3A_189 : i32
        %scan3A_191 = arith.constant 1 : i32
        %scan3A_192:14 = scf.for %scan3A_265 = %scan3A_188 to %scan3A_190 step %scan3A_191 iter_args(%scan3A_266 = %get3A_150, %scan3A_267 = %get3A_152, %scan3A_268 = %gather3A, %scan3A_269 = %gather3A_177, %scan3A_270 = %gather3A_178, %scan3A_271 = %gather3A_179, %scan3A_272 = %gather3A_180, %scan3A_273 = %gather3A_181, %scan3A_274 = %gather3A_182, %scan3A_275 = %gather3A_183, %scan3A_276 = %gather3A_184, %scan3A_277 = %gather3A_185, %scan3A_278 = %gather3A_186, %scan3A_279 = %gather3A_187) -> (vector<16xi32>, vector<16xf32>, vector<16xf32>, vector<16xf32>, vector<16xf32>, vector<16xf32>, vector<16xf32>, vector<16xf32>, vector<16xf32>, vector<16xf32>, vector<16xf32>, vector<16xf32>, vector<16xf32>, vector<16xf32>)  : i32 {
          %broadcast_in_dim3A_280 = arith.constant 8 : i32
          %broadcast_in_dim3A_281 = vector.broadcast %broadcast_in_dim3A_280 : i32 to vector<16xi32>
          %broadcast_in_dim3A_282 = arith.constant 9 : i32
          %broadcast_in_dim3A_283 = vector.broadcast %broadcast_in_dim3A_282 : i32 to vector<16xi32>
          %broadcast_in_dim3A_284 = arith.constant 10 : i32
          %broadcast_in_dim3A_285 = vector.broadcast %broadcast_in_dim3A_284 : i32 to vector<16xi32>
          %broadcast_in_dim3A_286 = arith.constant 11 : i32
          %broadcast_in_dim3A_287 = vector.broadcast %broadcast_in_dim3A_286 : i32 to vector<16xi32>
          %broadcast_in_dim3A_288 = arith.constant 12 : i32
          %broadcast_in_dim3A_289 = vector.broadcast %broadcast_in_dim3A_288 : i32 to vector<16xi32>
          %broadcast_in_dim3A_290 = arith.constant 13 : i32
          %broadcast_in_dim3A_291 = vector.broadcast %broadcast_in_dim3A_290 : i32 to vector<16xi32>
          %broadcast_in_dim3A_292 = arith.constant 14 : i32
          %broadcast_in_dim3A_293 = vector.broadcast %broadcast_in_dim3A_292 : i32 to vector<16xi32>
          %broadcast_in_dim3A_294 = arith.constant 15 : i32
          %broadcast_in_dim3A_295 = vector.broadcast %broadcast_in_dim3A_294 : i32 to vector<16xi32>
          %broadcast_in_dim3A_296 = arith.constant 4 : i32
          %broadcast_in_dim3A_297 = vector.broadcast %broadcast_in_dim3A_296 : i32 to vector<16xi32>
          %broadcast_in_dim3A_298 = arith.constant 5 : i32
          %broadcast_in_dim3A_299 = vector.broadcast %broadcast_in_dim3A_298 : i32 to vector<16xi32>
          %broadcast_in_dim3A_300 = arith.constant 6 : i32
          %broadcast_in_dim3A_301 = vector.broadcast %broadcast_in_dim3A_300 : i32 to vector<16xi32>
          %broadcast_in_dim3A_302 = arith.constant 7 : i32
          %broadcast_in_dim3A_303 = vector.broadcast %broadcast_in_dim3A_302 : i32 to vector<16xi32>
          %gather3A_304 = tpu.vector_load_idx %arg10[%broadcast_in_dim3A_281, %scan3A_266] : memref<64x256xf32, #tpu.memory_space<vmem>>[vector<16xi32>, vector<16xi32>], vector<16xf32>,
          %gather3A_305 = tpu.vector_load_idx %arg10[%broadcast_in_dim3A_283, %scan3A_266] : memref<64x256xf32, #tpu.memory_space<vmem>>[vector<16xi32>, vector<16xi32>], vector<16xf32>,
          %gather3A_306 = tpu.vector_load_idx %arg10[%broadcast_in_dim3A_285, %scan3A_266] : memref<64x256xf32, #tpu.memory_space<vmem>>[vector<16xi32>, vector<16xi32>], vector<16xf32>,
          %gather3A_307 = tpu.vector_load_idx %arg10[%broadcast_in_dim3A_287, %scan3A_266] : memref<64x256xf32, #tpu.memory_space<vmem>>[vector<16xi32>, vector<16xi32>], vector<16xf32>,
          %gather3A_308 = tpu.vector_load_idx %arg10[%broadcast_in_dim3A_289, %scan3A_266] : memref<64x256xf32, #tpu.memory_space<vmem>>[vector<16xi32>, vector<16xi32>], vector<16xf32>,
          %gather3A_309 = tpu.vector_load_idx %arg10[%broadcast_in_dim3A_291, %scan3A_266] : memref<64x256xf32, #tpu.memory_space<vmem>>[vector<16xi32>, vector<16xi32>], vector<16xf32>,
          %gather3A_310 = tpu.vector_load_idx %arg10[%broadcast_in_dim3A_293, %scan3A_266] : memref<64x256xf32, #tpu.memory_space<vmem>>[vector<16xi32>, vector<16xi32>], vector<16xf32>,
          %gather3A_311 = tpu.vector_load_idx %arg10[%broadcast_in_dim3A_295, %scan3A_266] : memref<64x256xf32, #tpu.memory_space<vmem>>[vector<16xi32>, vector<16xi32>], vector<16xf32>,
          %gather3A_312 = tpu.vector_load_idx %arg12[%broadcast_in_dim3A_297, %scan3A_266] : memref<64x256xf32, #tpu.memory_space<vmem>>[vector<16xi32>, vector<16xi32>], vector<16xf32>,
          %gather3A_313 = tpu.vector_load_idx %arg12[%broadcast_in_dim3A_299, %scan3A_266] : memref<64x256xf32, #tpu.memory_space<vmem>>[vector<16xi32>, vector<16xi32>], vector<16xf32>,
          %gather3A_314 = tpu.vector_load_idx %arg12[%broadcast_in_dim3A_301, %scan3A_266] : memref<64x256xf32, #tpu.memory_space<vmem>>[vector<16xi32>, vector<16xi32>], vector<16xf32>,
          %gather3A_315 = tpu.vector_load_idx %arg12[%broadcast_in_dim3A_303, %scan3A_266] : memref<64x256xf32, #tpu.memory_space<vmem>>[vector<16xi32>, vector<16xi32>], vector<16xf32>,
          %bitcast3A = vector.bitcast %scan3A_276 : vector<16xf32> to vector<32xbf16>
          %unpack3A = tpu.unpack_subelements %bitcast3A, 0 {pack_format = #tpu.pack_format<interleaved>} : vector<32xbf16> -> vector<16xf32>
          %unpack3A_316 = tpu.unpack_subelements %bitcast3A, 1 {pack_format = #tpu.pack_format<interleaved>} : vector<32xbf16> -> vector<16xf32>
          %bitcast3A_317 = vector.bitcast %scan3A_268 : vector<16xf32> to vector<32xbf16>
          %unpack3A_318 = tpu.unpack_subelements %bitcast3A_317, 0 {pack_format = #tpu.pack_format<interleaved>} : vector<32xbf16> -> vector<16xf32>
          %unpack3A_319 = tpu.unpack_subelements %bitcast3A_317, 1 {pack_format = #tpu.pack_format<interleaved>} : vector<32xbf16> -> vector<16xf32>
          %bitcast3A_320 = vector.bitcast %scan3A_269 : vector<16xf32> to vector<32xbf16>
          %unpack3A_321 = tpu.unpack_subelements %bitcast3A_320, 0 {pack_format = #tpu.pack_format<interleaved>} : vector<32xbf16> -> vector<16xf32>
          %unpack3A_322 = tpu.unpack_subelements %bitcast3A_320, 1 {pack_format = #tpu.pack_format<interleaved>} : vector<32xbf16> -> vector<16xf32>
          %mul3A_323 = arith.mulf %unpack3A, %scan3A_267 : vector<16xf32>
          %exp3A = math.exp %mul3A_323 : vector<16xf32>
          %mul3A_324 = arith.mulf %unpack3A_319, %exp3A : vector<16xf32>
          %add3A_325 = arith.addf %unpack3A_318, %mul3A_324 : vector<16xf32>
          %mul3A_326 = arith.constant 16 : i32
          %mul3A_327 = arith.muli %scan3A_265, %mul3A_326 : i32
          %swap3A_328 = arith.constant 0 : i32
          %swap3A_329 = arith.index_cast %swap3A_328 : i32 to index
          %swap3A_330 = arith.index_cast %mul3A_327 : i32 to index
          %swap3A_331 = tpu.vector_load %arg19[%swap3A_329, %swap3A_330] {strides = array<i32>} : memref<64x512xf32, #tpu.memory_space<vmem>>, vector<16xf32>,
          tpu.vector_store %arg19[%swap3A_329, %swap3A_330], %add3A_325 {strides = array<i32>} : memref<64x512xf32, #tpu.memory_space<vmem>>, vector<16xf32>,
          %mul3A_332 = arith.mulf %unpack3A_316, %scan3A_267 : vector<16xf32>
          %exp3A_333 = math.exp %mul3A_332 : vector<16xf32>
          %mul3A_334 = arith.mulf %unpack3A_322, %exp3A_333 : vector<16xf32>
          %add3A_335 = arith.addf %unpack3A_321, %mul3A_334 : vector<16xf32>
          %mul3A_336 = arith.constant 16 : i32
          %mul3A_337 = arith.muli %scan3A_265, %mul3A_336 : i32
          %swap3A_338 = arith.constant 1 : i32
          %swap3A_339 = arith.index_cast %swap3A_338 : i32 to index
          %swap3A_340 = arith.index_cast %mul3A_337 : i32 to index
          %swap3A_341 = tpu.vector_load %arg19[%swap3A_339, %swap3A_340] {strides = array<i32>} : memref<64x512xf32, #tpu.memory_space<vmem>>, vector<16xf32>,
          tpu.vector_store %arg19[%swap3A_339, %swap3A_340], %add3A_335 {strides = array<i32>} : memref<64x512xf32, #tpu.memory_space<vmem>>, vector<16xf32>,
          %bitcast3A_342 = vector.bitcast %scan3A_277 : vector<16xf32> to vector<32xbf16>
          %unpack3A_343 = tpu.unpack_subelements %bitcast3A_342, 0 {pack_format = #tpu.pack_format<interleaved>} : vector<32xbf16> -> vector<16xf32>
          %unpack3A_344 = tpu.unpack_subelements %bitcast3A_342, 1 {pack_format = #tpu.pack_format<interleaved>} : vector<32xbf16> -> vector<16xf32>
          %bitcast3A_345 = vector.bitcast %scan3A_270 : vector<16xf32> to vector<32xbf16>
          %unpack3A_346 = tpu.unpack_subelements %bitcast3A_345, 0 {pack_format = #tpu.pack_format<interleaved>} : vector<32xbf16> -> vector<16xf32>
          %unpack3A_347 = tpu.unpack_subelements %bitcast3A_345, 1 {pack_format = #tpu.pack_format<interleaved>} : vector<32xbf16> -> vector<16xf32>
          %bitcast3A_348 = vector.bitcast %scan3A_271 : vector<16xf32> to vector<32xbf16>
          %unpack3A_349 = tpu.unpack_subelements %bitcast3A_348, 0 {pack_format = #tpu.pack_format<interleaved>} : vector<32xbf16> -> vector<16xf32>
          %unpack3A_350 = tpu.unpack_subelements %bitcast3A_348, 1 {pack_format = #tpu.pack_format<interleaved>} : vector<32xbf16> -> vector<16xf32>
          %mul3A_351 = arith.mulf %unpack3A_343, %scan3A_267 : vector<16xf32>
          %exp3A_352 = math.exp %mul3A_351 : vector<16xf32>
          %mul3A_353 = arith.mulf %unpack3A_347, %exp3A_352 : vector<16xf32>
          %add3A_354 = arith.addf %unpack3A_346, %mul3A_353 : vector<16xf32>
          %mul3A_355 = arith.constant 16 : i32
          %mul3A_356 = arith.muli %scan3A_265, %mul3A_355 : i32
          %swap3A_357 = arith.constant 2 : i32
          %swap3A_358 = arith.index_cast %swap3A_357 : i32 to index
          %swap3A_359 = arith.index_cast %mul3A_356 : i32 to index
          %swap3A_360 = tpu.vector_load %arg19[%swap3A_358, %swap3A_359] {strides = array<i32>} : memref<64x512xf32, #tpu.memory_space<vmem>>, vector<16xf32>,
          tpu.vector_store %arg19[%swap3A_358, %swap3A_359], %add3A_354 {strides = array<i32>} : memref<64x512xf32, #tpu.memory_space<vmem>>, vector<16xf32>,
          %mul3A_361 = arith.mulf %unpack3A_344, %scan3A_267 : vector<16xf32>
          %exp3A_362 = math.exp %mul3A_361 : vector<16xf32>
          %mul3A_363 = arith.mulf %unpack3A_350, %exp3A_362 : vector<16xf32>
          %add3A_364 = arith.addf %unpack3A_349, %mul3A_363 : vector<16xf32>
          %mul3A_365 = arith.constant 16 : i32
          %mul3A_366 = arith.muli %scan3A_265, %mul3A_365 : i32
          %swap3A_367 = arith.constant 3 : i32
          %swap3A_368 = arith.index_cast %swap3A_367 : i32 to index
          %swap3A_369 = arith.index_cast %mul3A_366 : i32 to index
          %swap3A_370 = tpu.vector_load %arg19[%swap3A_368, %swap3A_369] {strides = array<i32>} : memref<64x512xf32, #tpu.memory_space<vmem>>, vector<16xf32>,
          tpu.vector_store %arg19[%swap3A_368, %swap3A_369], %add3A_364 {strides = array<i32>} : memref<64x512xf32, #tpu.memory_space<vmem>>, vector<16xf32>,
          %bitcast3A_371 = vector.bitcast %scan3A_278 : vector<16xf32> to vector<32xbf16>
          %unpack3A_372 = tpu.unpack_subelements %bitcast3A_371, 0 {pack_format = #tpu.pack_format<interleaved>} : vector<32xbf16> -> vector<16xf32>
          %unpack3A_373 = tpu.unpack_subelements %bitcast3A_371, 1 {pack_format = #tpu.pack_format<interleaved>} : vector<32xbf16> -> vector<16xf32>
          %bitcast3A_374 = vector.bitcast %scan3A_272 : vector<16xf32> to vector<32xbf16>
          %unpack3A_375 = tpu.unpack_subelements %bitcast3A_374, 0 {pack_format = #tpu.pack_format<interleaved>} : vector<32xbf16> -> vector<16xf32>
          %unpack3A_376 = tpu.unpack_subelements %bitcast3A_374, 1 {pack_format = #tpu.pack_format<interleaved>} : vector<32xbf16> -> vector<16xf32>
          %bitcast3A_377 = vector.bitcast %scan3A_273 : vector<16xf32> to vector<32xbf16>
          %unpack3A_378 = tpu.unpack_subelements %bitcast3A_377, 0 {pack_format = #tpu.pack_format<interleaved>} : vector<32xbf16> -> vector<16xf32>
          %unpack3A_379 = tpu.unpack_subelements %bitcast3A_377, 1 {pack_format = #tpu.pack_format<interleaved>} : vector<32xbf16> -> vector<16xf32>
          %mul3A_380 = arith.mulf %unpack3A_372, %scan3A_267 : vector<16xf32>
          %exp3A_381 = math.exp %mul3A_380 : vector<16xf32>
          %mul3A_382 = arith.mulf %unpack3A_376, %exp3A_381 : vector<16xf32>
          %add3A_383 = arith.addf %unpack3A_375, %mul3A_382 : vector<16xf32>
          %mul3A_384 = arith.constant 16 : i32
          %mul3A_385 = arith.muli %scan3A_265, %mul3A_384 : i32
          %swap3A_386 = arith.constant 4 : i32
          %swap3A_387 = arith.index_cast %swap3A_386 : i32 to index
          %swap3A_388 = arith.index_cast %mul3A_385 : i32 to index
          %swap3A_389 = tpu.vector_load %arg19[%swap3A_387, %swap3A_388] {strides = array<i32>} : memref<64x512xf32, #tpu.memory_space<vmem>>, vector<16xf32>,
          tpu.vector_store %arg19[%swap3A_387, %swap3A_388], %add3A_383 {strides = array<i32>} : memref<64x512xf32, #tpu.memory_space<vmem>>, vector<16xf32>,
          %mul3A_390 = arith.mulf %unpack3A_373, %scan3A_267 : vector<16xf32>
          %exp3A_391 = math.exp %mul3A_390 : vector<16xf32>
          %mul3A_392 = arith.mulf %unpack3A_379, %exp3A_391 : vector<16xf32>
          %add3A_393 = arith.addf %unpack3A_378, %mul3A_392 : vector<16xf32>
          %mul3A_394 = arith.constant 16 : i32
          %mul3A_395 = arith.muli %scan3A_265, %mul3A_394 : i32
          %swap3A_396 = arith.constant 5 : i32
          %swap3A_397 = arith.index_cast %swap3A_396 : i32 to index
          %swap3A_398 = arith.index_cast %mul3A_395 : i32 to index
          %swap3A_399 = tpu.vector_load %arg19[%swap3A_397, %swap3A_398] {strides = array<i32>} : memref<64x512xf32, #tpu.memory_space<vmem>>, vector<16xf32>,
          tpu.vector_store %arg19[%swap3A_397, %swap3A_398], %add3A_393 {strides = array<i32>} : memref<64x512xf32, #tpu.memory_space<vmem>>, vector<16xf32>,
          %bitcast3A_400 = vector.bitcast %scan3A_279 : vector<16xf32> to vector<32xbf16>
          %unpack3A_401 = tpu.unpack_subelements %bitcast3A_400, 0 {pack_format = #tpu.pack_format<interleaved>} : vector<32xbf16> -> vector<16xf32>
          %unpack3A_402 = tpu.unpack_subelements %bitcast3A_400, 1 {pack_format = #tpu.pack_format<interleaved>} : vector<32xbf16> -> vector<16xf32>
          %bitcast3A_403 = vector.bitcast %scan3A_274 : vector<16xf32> to vector<32xbf16>
          %unpack3A_404 = tpu.unpack_subelements %bitcast3A_403, 0 {pack_format = #tpu.pack_format<interleaved>} : vector<32xbf16> -> vector<16xf32>
          %unpack3A_405 = tpu.unpack_subelements %bitcast3A_403, 1 {pack_format = #tpu.pack_format<interleaved>} : vector<32xbf16> -> vector<16xf32>
          %bitcast3A_406 = vector.bitcast %scan3A_275 : vector<16xf32> to vector<32xbf16>
          %unpack3A_407 = tpu.unpack_subelements %bitcast3A_406, 0 {pack_format = #tpu.pack_format<interleaved>} : vector<32xbf16> -> vector<16xf32>
          %unpack3A_408 = tpu.unpack_subelements %bitcast3A_406, 1 {pack_format = #tpu.pack_format<interleaved>} : vector<32xbf16> -> vector<16xf32>
          %mul3A_409 = arith.mulf %unpack3A_401, %scan3A_267 : vector<16xf32>
          %exp3A_410 = math.exp %mul3A_409 : vector<16xf32>
          %mul3A_411 = arith.mulf %unpack3A_405, %exp3A_410 : vector<16xf32>
          %add3A_412 = arith.addf %unpack3A_404, %mul3A_411 : vector<16xf32>
          %mul3A_413 = arith.constant 16 : i32
          %mul3A_414 = arith.muli %scan3A_265, %mul3A_413 : i32
          %swap3A_415 = arith.constant 6 : i32
          %swap3A_416 = arith.index_cast %swap3A_415 : i32 to index
          %swap3A_417 = arith.index_cast %mul3A_414 : i32 to index
          %swap3A_418 = tpu.vector_load %arg19[%swap3A_416, %swap3A_417] {strides = array<i32>} : memref<64x512xf32, #tpu.memory_space<vmem>>, vector<16xf32>,
          tpu.vector_store %arg19[%swap3A_416, %swap3A_417], %add3A_412 {strides = array<i32>} : memref<64x512xf32, #tpu.memory_space<vmem>>, vector<16xf32>,
          %mul3A_419 = arith.mulf %unpack3A_402, %scan3A_267 : vector<16xf32>
          %exp3A_420 = math.exp %mul3A_419 : vector<16xf32>
          %mul3A_421 = arith.mulf %unpack3A_408, %exp3A_420 : vector<16xf32>
          %add3A_422 = arith.addf %unpack3A_407, %mul3A_421 : vector<16xf32>
          %mul3A_423 = arith.constant 16 : i32
          %mul3A_424 = arith.muli %scan3A_265, %mul3A_423 : i32
          %swap3A_425 = arith.constant 7 : i32
          %swap3A_426 = arith.index_cast %swap3A_425 : i32 to index
          %swap3A_427 = arith.index_cast %mul3A_424 : i32 to index
          %swap3A_428 = tpu.vector_load %arg19[%swap3A_426, %swap3A_427] {strides = array<i32>} : memref<64x512xf32, #tpu.memory_space<vmem>>, vector<16xf32>,
          tpu.vector_store %arg19[%swap3A_426, %swap3A_427], %add3A_422 {strides = array<i32>} : memref<64x512xf32, #tpu.memory_space<vmem>>, vector<16xf32>,
          %broadcast_in_dim3A_429 = arith.constant 16 : i32
          %broadcast_in_dim3A_430 = vector.broadcast %broadcast_in_dim3A_429 : i32 to vector<16xi32>
          %broadcast_in_dim3A_431 = arith.constant 17 : i32
          %broadcast_in_dim3A_432 = vector.broadcast %broadcast_in_dim3A_431 : i32 to vector<16xi32>
          %broadcast_in_dim3A_433 = arith.constant 18 : i32
          %broadcast_in_dim3A_434 = vector.broadcast %broadcast_in_dim3A_433 : i32 to vector<16xi32>
          %broadcast_in_dim3A_435 = arith.constant 19 : i32
          %broadcast_in_dim3A_436 = vector.broadcast %broadcast_in_dim3A_435 : i32 to vector<16xi32>
          %broadcast_in_dim3A_437 = arith.constant 20 : i32
          %broadcast_in_dim3A_438 = vector.broadcast %broadcast_in_dim3A_437 : i32 to vector<16xi32>
          %broadcast_in_dim3A_439 = arith.constant 21 : i32
          %broadcast_in_dim3A_440 = vector.broadcast %broadcast_in_dim3A_439 : i32 to vector<16xi32>
          %broadcast_in_dim3A_441 = arith.constant 22 : i32
          %broadcast_in_dim3A_442 = vector.broadcast %broadcast_in_dim3A_441 : i32 to vector<16xi32>
          %broadcast_in_dim3A_443 = arith.constant 23 : i32
          %broadcast_in_dim3A_444 = vector.broadcast %broadcast_in_dim3A_443 : i32 to vector<16xi32>
          %broadcast_in_dim3A_445 = arith.constant 8 : i32
          %broadcast_in_dim3A_446 = vector.broadcast %broadcast_in_dim3A_445 : i32 to vector<16xi32>
          %broadcast_in_dim3A_447 = arith.constant 9 : i32
          %broadcast_in_dim3A_448 = vector.broadcast %broadcast_in_dim3A_447 : i32 to vector<16xi32>
          %broadcast_in_dim3A_449 = arith.constant 10 : i32
          %broadcast_in_dim3A_450 = vector.broadcast %broadcast_in_dim3A_449 : i32 to vector<16xi32>
          %broadcast_in_dim3A_451 = arith.constant 11 : i32
          %broadcast_in_dim3A_452 = vector.broadcast %broadcast_in_dim3A_451 : i32 to vector<16xi32>
          %gather3A_453 = tpu.vector_load_idx %arg10[%broadcast_in_dim3A_430, %scan3A_266] : memref<64x256xf32, #tpu.memory_space<vmem>>[vector<16xi32>, vector<16xi32>], vector<16xf32>,
          %gather3A_454 = tpu.vector_load_idx %arg10[%broadcast_in_dim3A_432, %scan3A_266] : memref<64x256xf32, #tpu.memory_space<vmem>>[vector<16xi32>, vector<16xi32>], vector<16xf32>,
          %gather3A_455 = tpu.vector_load_idx %arg10[%broadcast_in_dim3A_434, %scan3A_266] : memref<64x256xf32, #tpu.memory_space<vmem>>[vector<16xi32>, vector<16xi32>], vector<16xf32>,
          %gather3A_456 = tpu.vector_load_idx %arg10[%broadcast_in_dim3A_436, %scan3A_266] : memref<64x256xf32, #tpu.memory_space<vmem>>[vector<16xi32>, vector<16xi32>], vector<16xf32>,
          %gather3A_457 = tpu.vector_load_idx %arg10[%broadcast_in_dim3A_438, %scan3A_266] : memref<64x256xf32, #tpu.memory_space<vmem>>[vector<16xi32>, vector<16xi32>], vector<16xf32>,
          %gather3A_458 = tpu.vector_load_idx %arg10[%broadcast_in_dim3A_440, %scan3A_266] : memref<64x256xf32, #tpu.memory_space<vmem>>[vector<16xi32>, vector<16xi32>], vector<16xf32>,
          %gather3A_459 = tpu.vector_load_idx %arg10[%broadcast_in_dim3A_442, %scan3A_266] : memref<64x256xf32, #tpu.memory_space<vmem>>[vector<16xi32>, vector<16xi32>], vector<16xf32>,
          %gather3A_460 = tpu.vector_load_idx %arg10[%broadcast_in_dim3A_444, %scan3A_266] : memref<64x256xf32, #tpu.memory_space<vmem>>[vector<16xi32>, vector<16xi32>], vector<16xf32>,
          %gather3A_461 = tpu.vector_load_idx %arg12[%broadcast_in_dim3A_446, %scan3A_266] : memref<64x256xf32, #tpu.memory_space<vmem>>[vector<16xi32>, vector<16xi32>], vector<16xf32>,
          %gather3A_462 = tpu.vector_load_idx %arg12[%broadcast_in_dim3A_448, %scan3A_266] : memref<64x256xf32, #tpu.memory_space<vmem>>[vector<16xi32>, vector<16xi32>], vector<16xf32>,
          %gather3A_463 = tpu.vector_load_idx %arg12[%broadcast_in_dim3A_450, %scan3A_266] : memref<64x256xf32, #tpu.memory_space<vmem>>[vector<16xi32>, vector<16xi32>], vector<16xf32>,
          %gather3A_464 = tpu.vector_load_idx %arg12[%broadcast_in_dim3A_452, %scan3A_266] : memref<64x256xf32, #tpu.memory_space<vmem>>[vector<16xi32>, vector<16xi32>], vector<16xf32>,
          %bitcast3A_465 = vector.bitcast %gather3A_312 : vector<16xf32> to vector<32xbf16>
          %unpack3A_466 = tpu.unpack_subelements %bitcast3A_465, 0 {pack_format = #tpu.pack_format<interleaved>} : vector<32xbf16> -> vector<16xf32>
          %unpack3A_467 = tpu.unpack_subelements %bitcast3A_465, 1 {pack_format = #tpu.pack_format<interleaved>} : vector<32xbf16> -> vector<16xf32>
          %bitcast3A_468 = vector.bitcast %gather3A_304 : vector<16xf32> to vector<32xbf16>
          %unpack3A_469 = tpu.unpack_subelements %bitcast3A_468, 0 {pack_format = #tpu.pack_format<interleaved>} : vector<32xbf16> -> vector<16xf32>
          %unpack3A_470 = tpu.unpack_subelements %bitcast3A_468, 1 {pack_format = #tpu.pack_format<interleaved>} : vector<32xbf16> -> vector<16xf32>
          %bitcast3A_471 = vector.bitcast %gather3A_305 : vector<16xf32> to vector<32xbf16>
          %unpack3A_472 = tpu.unpack_subelements %bitcast3A_471, 0 {pack_format = #tpu.pack_format<interleaved>} : vector<32xbf16> -> vector<16xf32>
          %unpack3A_473 = tpu.unpack_subelements %bitcast3A_471, 1 {pack_format = #tpu.pack_format<interleaved>} : vector<32xbf16> -> vector<16xf32>
          %mul3A_474 = arith.mulf %unpack3A_466, %scan3A_267 : vector<16xf32>
          %exp3A_475 = math.exp %mul3A_474 : vector<16xf32>
          %mul3A_476 = arith.mulf %unpack3A_470, %exp3A_475 : vector<16xf32>
          %add3A_477 = arith.addf %unpack3A_469, %mul3A_476 : vector<16xf32>
          %mul3A_478 = arith.constant 16 : i32
          %mul3A_479 = arith.muli %scan3A_265, %mul3A_478 : i32
          %swap3A_480 = arith.constant 8 : i32
          %swap3A_481 = arith.index_cast %swap3A_480 : i32 to index
          %swap3A_482 = arith.index_cast %mul3A_479 : i32 to index
          %swap3A_483 = tpu.vector_load %arg19[%swap3A_481, %swap3A_482] {strides = array<i32>} : memref<64x512xf32, #tpu.memory_space<vmem>>, vector<16xf32>,
          tpu.vector_store %arg19[%swap3A_481, %swap3A_482], %add3A_477 {strides = array<i32>} : memref<64x512xf32, #tpu.memory_space<vmem>>, vector<16xf32>,
          %mul3A_484 = arith.mulf %unpack3A_467, %scan3A_267 : vector<16xf32>
          %exp3A_485 = math.exp %mul3A_484 : vector<16xf32>
          %mul3A_486 = arith.mulf %unpack3A_473, %exp3A_485 : vector<16xf32>
          %add3A_487 = arith.addf %unpack3A_472, %mul3A_486 : vector<16xf32>
          %mul3A_488 = arith.constant 16 : i32
          %mul3A_489 = arith.muli %scan3A_265, %mul3A_488 : i32
          %swap3A_490 = arith.constant 9 : i32
          %swap3A_491 = arith.index_cast %swap3A_490 : i32 to index
          %swap3A_492 = arith.index_cast %mul3A_489 : i32 to index
          %swap3A_493 = tpu.vector_load %arg19[%swap3A_491, %swap3A_492] {strides = array<i32>} : memref<64x512xf32, #tpu.memory_space<vmem>>, vector<16xf32>,
          tpu.vector_store %arg19[%swap3A_491, %swap3A_492], %add3A_487 {strides = array<i32>} : memref<64x512xf32, #tpu.memory_space<vmem>>, vector<16xf32>,
          %bitcast3A_494 = vector.bitcast %gather3A_313 : vector<16xf32> to vector<32xbf16>
          %unpack3A_495 = tpu.unpack_subelements %bitcast3A_494, 0 {pack_format = #tpu.pack_format<interleaved>} : vector<32xbf16> -> vector<16xf32>
          %unpack3A_496 = tpu.unpack_subelements %bitcast3A_494, 1 {pack_format = #tpu.pack_format<interleaved>} : vector<32xbf16> -> vector<16xf32>
          %bitcast3A_497 = vector.bitcast %gather3A_306 : vector<16xf32> to vector<32xbf16>
          %unpack3A_498 = tpu.unpack_subelements %bitcast3A_497, 0 {pack_format = #tpu.pack_format<interleaved>} : vector<32xbf16> -> vector<16xf32>
          %unpack3A_499 = tpu.unpack_subelements %bitcast3A_497, 1 {pack_format = #tpu.pack_format<interleaved>} : vector<32xbf16> -> vector<16xf32>
          %bitcast3A_500 = vector.bitcast %gather3A_307 : vector<16xf32> to vector<32xbf16>
          %unpack3A_501 = tpu.unpack_subelements %bitcast3A_500, 0 {pack_format = #tpu.pack_format<interleaved>} : vector<32xbf16> -> vector<16xf32>
          %unpack3A_502 = tpu.unpack_subelements %bitcast3A_500, 1 {pack_format = #tpu.pack_format<interleaved>} : vector<32xbf16> -> vector<16xf32>
          %mul3A_503 = arith.mulf %unpack3A_495, %scan3A_267 : vector<16xf32>
          %exp3A_504 = math.exp %mul3A_503 : vector<16xf32>
          %mul3A_505 = arith.mulf %unpack3A_499, %exp3A_504 : vector<16xf32>
          %add3A_506 = arith.addf %unpack3A_498, %mul3A_505 : vector<16xf32>
          %mul3A_507 = arith.constant 16 : i32
          %mul3A_508 = arith.muli %scan3A_265, %mul3A_507 : i32
          %swap3A_509 = arith.constant 10 : i32
          %swap3A_510 = arith.index_cast %swap3A_509 : i32 to index
          %swap3A_511 = arith.index_cast %mul3A_508 : i32 to index
          %swap3A_512 = tpu.vector_load %arg19[%swap3A_510, %swap3A_511] {strides = array<i32>} : memref<64x512xf32, #tpu.memory_space<vmem>>, vector<16xf32>,
          tpu.vector_store %arg19[%swap3A_510, %swap3A_511], %add3A_506 {strides = array<i32>} : memref<64x512xf32, #tpu.memory_space<vmem>>, vector<16xf32>,
          %mul3A_513 = arith.mulf %unpack3A_496, %scan3A_267 : vector<16xf32>
          %exp3A_514 = math.exp %mul3A_513 : vector<16xf32>
          %mul3A_515 = arith.mulf %unpack3A_502, %exp3A_514 : vector<16xf32>
          %add3A_516 = arith.addf %unpack3A_501, %mul3A_515 : vector<16xf32>
          %mul3A_517 = arith.constant 16 : i32
          %mul3A_518 = arith.muli %scan3A_265, %mul3A_517 : i32
          %swap3A_519 = arith.constant 11 : i32
          %swap3A_520 = arith.index_cast %swap3A_519 : i32 to index
          %swap3A_521 = arith.index_cast %mul3A_518 : i32 to index
          %swap3A_522 = tpu.vector_load %arg19[%swap3A_520, %swap3A_521] {strides = array<i32>} : memref<64x512xf32, #tpu.memory_space<vmem>>, vector<16xf32>,
          tpu.vector_store %arg19[%swap3A_520, %swap3A_521], %add3A_516 {strides = array<i32>} : memref<64x512xf32, #tpu.memory_space<vmem>>, vector<16xf32>,
          %bitcast3A_523 = vector.bitcast %gather3A_314 : vector<16xf32> to vector<32xbf16>
          %unpack3A_524 = tpu.unpack_subelements %bitcast3A_523, 0 {pack_format = #tpu.pack_format<interleaved>} : vector<32xbf16> -> vector<16xf32>
          %unpack3A_525 = tpu.unpack_subelements %bitcast3A_523, 1 {pack_format = #tpu.pack_format<interleaved>} : vector<32xbf16> -> vector<16xf32>
          %bitcast3A_526 = vector.bitcast %gather3A_308 : vector<16xf32> to vector<32xbf16>
          %unpack3A_527 = tpu.unpack_subelements %bitcast3A_526, 0 {pack_format = #tpu.pack_format<interleaved>} : vector<32xbf16> -> vector<16xf32>
          %unpack3A_528 = tpu.unpack_subelements %bitcast3A_526, 1 {pack_format = #tpu.pack_format<interleaved>} : vector<32xbf16> -> vector<16xf32>
          %bitcast3A_529 = vector.bitcast %gather3A_309 : vector<16xf32> to vector<32xbf16>
          %unpack3A_530 = tpu.unpack_subelements %bitcast3A_529, 0 {pack_format = #tpu.pack_format<interleaved>} : vector<32xbf16> -> vector<16xf32>
          %unpack3A_531 = tpu.unpack_subelements %bitcast3A_529, 1 {pack_format = #tpu.pack_format<interleaved>} : vector<32xbf16> -> vector<16xf32>
          %mul3A_532 = arith.mulf %unpack3A_524, %scan3A_267 : vector<16xf32>
          %exp3A_533 = math.exp %mul3A_532 : vector<16xf32>
          %mul3A_534 = arith.mulf %unpack3A_528, %exp3A_533 : vector<16xf32>
          %add3A_535 = arith.addf %unpack3A_527, %mul3A_534 : vector<16xf32>
          %mul3A_536 = arith.constant 16 : i32
          %mul3A_537 = arith.muli %scan3A_265, %mul3A_536 : i32
          %swap3A_538 = arith.constant 12 : i32
          %swap3A_539 = arith.index_cast %swap3A_538 : i32 to index
          %swap3A_540 = arith.index_cast %mul3A_537 : i32 to index
          %swap3A_541 = tpu.vector_load %arg19[%swap3A_539, %swap3A_540] {strides = array<i32>} : memref<64x512xf32, #tpu.memory_space<vmem>>, vector<16xf32>,
          tpu.vector_store %arg19[%swap3A_539, %swap3A_540], %add3A_535 {strides = array<i32>} : memref<64x512xf32, #tpu.memory_space<vmem>>, vector<16xf32>,
          %mul3A_542 = arith.mulf %unpack3A_525, %scan3A_267 : vector<16xf32>
          %exp3A_543 = math.exp %mul3A_542 : vector<16xf32>
          %mul3A_544 = arith.mulf %unpack3A_531, %exp3A_543 : vector<16xf32>
          %add3A_545 = arith.addf %unpack3A_530, %mul3A_544 : vector<16xf32>
          %mul3A_546 = arith.constant 16 : i32
          %mul3A_547 = arith.muli %scan3A_265, %mul3A_546 : i32
          %swap3A_548 = arith.constant 13 : i32
          %swap3A_549 = arith.index_cast %swap3A_548 : i32 to index
          %swap3A_550 = arith.index_cast %mul3A_547 : i32 to index
          %swap3A_551 = tpu.vector_load %arg19[%swap3A_549, %swap3A_550] {strides = array<i32>} : memref<64x512xf32, #tpu.memory_space<vmem>>, vector<16xf32>,
          tpu.vector_store %arg19[%swap3A_549, %swap3A_550], %add3A_545 {strides = array<i32>} : memref<64x512xf32, #tpu.memory_space<vmem>>, vector<16xf32>,
          %bitcast3A_552 = vector.bitcast %gather3A_315 : vector<16xf32> to vector<32xbf16>
          %unpack3A_553 = tpu.unpack_subelements %bitcast3A_552, 0 {pack_format = #tpu.pack_format<interleaved>} : vector<32xbf16> -> vector<16xf32>
          %unpack3A_554 = tpu.unpack_subelements %bitcast3A_552, 1 {pack_format = #tpu.pack_format<interleaved>} : vector<32xbf16> -> vector<16xf32>
          %bitcast3A_555 = vector.bitcast %gather3A_310 : vector<16xf32> to vector<32xbf16>
          %unpack3A_556 = tpu.unpack_subelements %bitcast3A_555, 0 {pack_format = #tpu.pack_format<interleaved>} : vector<32xbf16> -> vector<16xf32>
          %unpack3A_557 = tpu.unpack_subelements %bitcast3A_555, 1 {pack_format = #tpu.pack_format<interleaved>} : vector<32xbf16> -> vector<16xf32>
          %bitcast3A_558 = vector.bitcast %gather3A_311 : vector<16xf32> to vector<32xbf16>
          %unpack3A_559 = tpu.unpack_subelements %bitcast3A_558, 0 {pack_format = #tpu.pack_format<interleaved>} : vector<32xbf16> -> vector<16xf32>
          %unpack3A_560 = tpu.unpack_subelements %bitcast3A_558, 1 {pack_format = #tpu.pack_format<interleaved>} : vector<32xbf16> -> vector<16xf32>
          %mul3A_561 = arith.mulf %unpack3A_553, %scan3A_267 : vector<16xf32>
          %exp3A_562 = math.exp %mul3A_561 : vector<16xf32>
          %mul3A_563 = arith.mulf %unpack3A_557, %exp3A_562 : vector<16xf32>
          %add3A_564 = arith.addf %unpack3A_556, %mul3A_563 : vector<16xf32>
          %mul3A_565 = arith.constant 16 : i32
          %mul3A_566 = arith.muli %scan3A_265, %mul3A_565 : i32
          %swap3A_567 = arith.constant 14 : i32
          %swap3A_568 = arith.index_cast %swap3A_567 : i32 to index
          %swap3A_569 = arith.index_cast %mul3A_566 : i32 to index
          %swap3A_570 = tpu.vector_load %arg19[%swap3A_568, %swap3A_569] {strides = array<i32>} : memref<64x512xf32, #tpu.memory_space<vmem>>, vector<16xf32>,
          tpu.vector_store %arg19[%swap3A_568, %swap3A_569], %add3A_564 {strides = array<i32>} : memref<64x512xf32, #tpu.memory_space<vmem>>, vector<16xf32>,
          %mul3A_571 = arith.mulf %unpack3A_554, %scan3A_267 : vector<16xf32>
          %exp3A_572 = math.exp %mul3A_571 : vector<16xf32>
          %mul3A_573 = arith.mulf %unpack3A_560, %exp3A_572 : vector<16xf32>
          %add3A_574 = arith.addf %unpack3A_559, %mul3A_573 : vector<16xf32>
          %mul3A_575 = arith.constant 16 : i32
          %mul3A_576 = arith.muli %scan3A_265, %mul3A_575 : i32
          %swap3A_577 = arith.constant 15 : i32
          %swap3A_578 = arith.index_cast %swap3A_577 : i32 to index
          %swap3A_579 = arith.index_cast %mul3A_576 : i32 to index
          %swap3A_580 = tpu.vector_load %arg19[%swap3A_578, %swap3A_579] {strides = array<i32>} : memref<64x512xf32, #tpu.memory_space<vmem>>, vector<16xf32>,
          tpu.vector_store %arg19[%swap3A_578, %swap3A_579], %add3A_574 {strides = array<i32>} : memref<64x512xf32, #tpu.memory_space<vmem>>, vector<16xf32>,
          %broadcast_in_dim3A_581 = arith.constant 24 : i32
          %broadcast_in_dim3A_582 = vector.broadcast %broadcast_in_dim3A_581 : i32 to vector<16xi32>
          %broadcast_in_dim3A_583 = arith.constant 25 : i32
          %broadcast_in_dim3A_584 = vector.broadcast %broadcast_in_dim3A_583 : i32 to vector<16xi32>
          %broadcast_in_dim3A_585 = arith.constant 26 : i32
          %broadcast_in_dim3A_586 = vector.broadcast %broadcast_in_dim3A_585 : i32 to vector<16xi32>
          %broadcast_in_dim3A_587 = arith.constant 27 : i32
          %broadcast_in_dim3A_588 = vector.broadcast %broadcast_in_dim3A_587 : i32 to vector<16xi32>
          %broadcast_in_dim3A_589 = arith.constant 28 : i32
          %broadcast_in_dim3A_590 = vector.broadcast %broadcast_in_dim3A_589 : i32 to vector<16xi32>
          %broadcast_in_dim3A_591 = arith.constant 29 : i32
          %broadcast_in_dim3A_592 = vector.broadcast %broadcast_in_dim3A_591 : i32 to vector<16xi32>
          %broadcast_in_dim3A_593 = arith.constant 30 : i32
          %broadcast_in_dim3A_594 = vector.broadcast %broadcast_in_dim3A_593 : i32 to vector<16xi32>
          %broadcast_in_dim3A_595 = arith.constant 31 : i32
          %broadcast_in_dim3A_596 = vector.broadcast %broadcast_in_dim3A_595 : i32 to vector<16xi32>
          %broadcast_in_dim3A_597 = arith.constant 12 : i32
          %broadcast_in_dim3A_598 = vector.broadcast %broadcast_in_dim3A_597 : i32 to vector<16xi32>
          %broadcast_in_dim3A_599 = arith.constant 13 : i32
          %broadcast_in_dim3A_600 = vector.broadcast %broadcast_in_dim3A_599 : i32 to vector<16xi32>
          %broadcast_in_dim3A_601 = arith.constant 14 : i32
          %broadcast_in_dim3A_602 = vector.broadcast %broadcast_in_dim3A_601 : i32 to vector<16xi32>
          %broadcast_in_dim3A_603 = arith.constant 15 : i32
          %broadcast_in_dim3A_604 = vector.broadcast %broadcast_in_dim3A_603 : i32 to vector<16xi32>
          %gather3A_605 = tpu.vector_load_idx %arg10[%broadcast_in_dim3A_582, %scan3A_266] : memref<64x256xf32, #tpu.memory_space<vmem>>[vector<16xi32>, vector<16xi32>], vector<16xf32>,
          %gather3A_606 = tpu.vector_load_idx %arg10[%broadcast_in_dim3A_584, %scan3A_266] : memref<64x256xf32, #tpu.memory_space<vmem>>[vector<16xi32>, vector<16xi32>], vector<16xf32>,
          %gather3A_607 = tpu.vector_load_idx %arg10[%broadcast_in_dim3A_586, %scan3A_266] : memref<64x256xf32, #tpu.memory_space<vmem>>[vector<16xi32>, vector<16xi32>], vector<16xf32>,
          %gather3A_608 = tpu.vector_load_idx %arg10[%broadcast_in_dim3A_588, %scan3A_266] : memref<64x256xf32, #tpu.memory_space<vmem>>[vector<16xi32>, vector<16xi32>], vector<16xf32>,
          %gather3A_609 = tpu.vector_load_idx %arg10[%broadcast_in_dim3A_590, %scan3A_266] : memref<64x256xf32, #tpu.memory_space<vmem>>[vector<16xi32>, vector<16xi32>], vector<16xf32>,
          %gather3A_610 = tpu.vector_load_idx %arg10[%broadcast_in_dim3A_592, %scan3A_266] : memref<64x256xf32, #tpu.memory_space<vmem>>[vector<16xi32>, vector<16xi32>], vector<16xf32>,
          %gather3A_611 = tpu.vector_load_idx %arg10[%broadcast_in_dim3A_594, %scan3A_266] : memref<64x256xf32, #tpu.memory_space<vmem>>[vector<16xi32>, vector<16xi32>], vector<16xf32>,
          %gather3A_612 = tpu.vector_load_idx %arg10[%broadcast_in_dim3A_596, %scan3A_266] : memref<64x256xf32, #tpu.memory_space<vmem>>[vector<16xi32>, vector<16xi32>], vector<16xf32>,
          %gather3A_613 = tpu.vector_load_idx %arg12[%broadcast_in_dim3A_598, %scan3A_266] : memref<64x256xf32, #tpu.memory_space<vmem>>[vector<16xi32>, vector<16xi32>], vector<16xf32>,
          %gather3A_614 = tpu.vector_load_idx %arg12[%broadcast_in_dim3A_600, %scan3A_266] : memref<64x256xf32, #tpu.memory_space<vmem>>[vector<16xi32>, vector<16xi32>], vector<16xf32>,
          %gather3A_615 = tpu.vector_load_idx %arg12[%broadcast_in_dim3A_602, %scan3A_266] : memref<64x256xf32, #tpu.memory_space<vmem>>[vector<16xi32>, vector<16xi32>], vector<16xf32>,
          %gather3A_616 = tpu.vector_load_idx %arg12[%broadcast_in_dim3A_604, %scan3A_266] : memref<64x256xf32, #tpu.memory_space<vmem>>[vector<16xi32>, vector<16xi32>], vector<16xf32>,
          %bitcast3A_617 = vector.bitcast %gather3A_461 : vector<16xf32> to vector<32xbf16>
          %unpack3A_618 = tpu.unpack_subelements %bitcast3A_617, 0 {pack_format = #tpu.pack_format<interleaved>} : vector<32xbf16> -> vector<16xf32>
          %unpack3A_619 = tpu.unpack_subelements %bitcast3A_617, 1 {pack_format = #tpu.pack_format<interleaved>} : vector<32xbf16> -> vector<16xf32>
          %bitcast3A_620 = vector.bitcast %gather3A_453 : vector<16xf32> to vector<32xbf16>
          %unpack3A_621 = tpu.unpack_subelements %bitcast3A_620, 0 {pack_format = #tpu.pack_format<interleaved>} : vector<32xbf16> -> vector<16xf32>
          %unpack3A_622 = tpu.unpack_subelements %bitcast3A_620, 1 {pack_format = #tpu.pack_format<interleaved>} : vector<32xbf16> -> vector<16xf32>
          %bitcast3A_623 = vector.bitcast %gather3A_454 : vector<16xf32> to vector<32xbf16>
          %unpack3A_624 = tpu.unpack_subelements %bitcast3A_623, 0 {pack_format = #tpu.pack_format<interleaved>} : vector<32xbf16> -> vector<16xf32>
          %unpack3A_625 = tpu.unpack_subelements %bitcast3A_623, 1 {pack_format = #tpu.pack_format<interleaved>} : vector<32xbf16> -> vector<16xf32>
          %mul3A_626 = arith.mulf %unpack3A_618, %scan3A_267 : vector<16xf32>
          %exp3A_627 = math.exp %mul3A_626 : vector<16xf32>
          %mul3A_628 = arith.mulf %unpack3A_622, %exp3A_627 : vector<16xf32>
          %add3A_629 = arith.addf %unpack3A_621, %mul3A_628 : vector<16xf32>
          %mul3A_630 = arith.constant 16 : i32
          %mul3A_631 = arith.muli %scan3A_265, %mul3A_630 : i32
          %swap3A_632 = arith.constant 16 : i32
          %swap3A_633 = arith.index_cast %swap3A_632 : i32 to index
          %swap3A_634 = arith.index_cast %mul3A_631 : i32 to index
          %swap3A_635 = tpu.vector_load %arg19[%swap3A_633, %swap3A_634] {strides = array<i32>} : memref<64x512xf32, #tpu.memory_space<vmem>>, vector<16xf32>,
          tpu.vector_store %arg19[%swap3A_633, %swap3A_634], %add3A_629 {strides = array<i32>} : memref<64x512xf32, #tpu.memory_space<vmem>>, vector<16xf32>,
          %mul3A_636 = arith.mulf %unpack3A_619, %scan3A_267 : vector<16xf32>
          %exp3A_637 = math.exp %mul3A_636 : vector<16xf32>
          %mul3A_638 = arith.mulf %unpack3A_625, %exp3A_637 : vector<16xf32>
          %add3A_639 = arith.addf %unpack3A_624, %mul3A_638 : vector<16xf32>
          %mul3A_640 = arith.constant 16 : i32
          %mul3A_641 = arith.muli %scan3A_265, %mul3A_640 : i32
          %swap3A_642 = arith.constant 17 : i32
          %swap3A_643 = arith.index_cast %swap3A_642 : i32 to index
          %swap3A_644 = arith.index_cast %mul3A_641 : i32 to index
          %swap3A_645 = tpu.vector_load %arg19[%swap3A_643, %swap3A_644] {strides = array<i32>} : memref<64x512xf32, #tpu.memory_space<vmem>>, vector<16xf32>,
          tpu.vector_store %arg19[%swap3A_643, %swap3A_644], %add3A_639 {strides = array<i32>} : memref<64x512xf32, #tpu.memory_space<vmem>>, vector<16xf32>,
          %bitcast3A_646 = vector.bitcast %gather3A_462 : vector<16xf32> to vector<32xbf16>
          %unpack3A_647 = tpu.unpack_subelements %bitcast3A_646, 0 {pack_format = #tpu.pack_format<interleaved>} : vector<32xbf16> -> vector<16xf32>
          %unpack3A_648 = tpu.unpack_subelements %bitcast3A_646, 1 {pack_format = #tpu.pack_format<interleaved>} : vector<32xbf16> -> vector<16xf32>
          %bitcast3A_649 = vector.bitcast %gather3A_455 : vector<16xf32> to vector<32xbf16>
          %unpack3A_650 = tpu.unpack_subelements %bitcast3A_649, 0 {pack_format = #tpu.pack_format<interleaved>} : vector<32xbf16> -> vector<16xf32>
          %unpack3A_651 = tpu.unpack_subelements %bitcast3A_649, 1 {pack_format = #tpu.pack_format<interleaved>} : vector<32xbf16> -> vector<16xf32>
          %bitcast3A_652 = vector.bitcast %gather3A_456 : vector<16xf32> to vector<32xbf16>
          %unpack3A_653 = tpu.unpack_subelements %bitcast3A_652, 0 {pack_format = #tpu.pack_format<interleaved>} : vector<32xbf16> -> vector<16xf32>
          %unpack3A_654 = tpu.unpack_subelements %bitcast3A_652, 1 {pack_format = #tpu.pack_format<interleaved>} : vector<32xbf16> -> vector<16xf32>
          %mul3A_655 = arith.mulf %unpack3A_647, %scan3A_267 : vector<16xf32>
          %exp3A_656 = math.exp %mul3A_655 : vector<16xf32>
          %mul3A_657 = arith.mulf %unpack3A_651, %exp3A_656 : vector<16xf32>
          %add3A_658 = arith.addf %unpack3A_650, %mul3A_657 : vector<16xf32>
          %mul3A_659 = arith.constant 16 : i32
          %mul3A_660 = arith.muli %scan3A_265, %mul3A_659 : i32
          %swap3A_661 = arith.constant 18 : i32
          %swap3A_662 = arith.index_cast %swap3A_661 : i32 to index
          %swap3A_663 = arith.index_cast %mul3A_660 : i32 to index
          %swap3A_664 = tpu.vector_load %arg19[%swap3A_662, %swap3A_663] {strides = array<i32>} : memref<64x512xf32, #tpu.memory_space<vmem>>, vector<16xf32>,
          tpu.vector_store %arg19[%swap3A_662, %swap3A_663], %add3A_658 {strides = array<i32>} : memref<64x512xf32, #tpu.memory_space<vmem>>, vector<16xf32>,
          %mul3A_665 = arith.mulf %unpack3A_648, %scan3A_267 : vector<16xf32>
          %exp3A_666 = math.exp %mul3A_665 : vector<16xf32>
          %mul3A_667 = arith.mulf %unpack3A_654, %exp3A_666 : vector<16xf32>
          %add3A_668 = arith.addf %unpack3A_653, %mul3A_667 : vector<16xf32>
          %mul3A_669 = arith.constant 16 : i32
          %mul3A_670 = arith.muli %scan3A_265, %mul3A_669 : i32
          %swap3A_671 = arith.constant 19 : i32
          %swap3A_672 = arith.index_cast %swap3A_671 : i32 to index
          %swap3A_673 = arith.index_cast %mul3A_670 : i32 to index
          %swap3A_674 = tpu.vector_load %arg19[%swap3A_672, %swap3A_673] {strides = array<i32>} : memref<64x512xf32, #tpu.memory_space<vmem>>, vector<16xf32>,
          tpu.vector_store %arg19[%swap3A_672, %swap3A_673], %add3A_668 {strides = array<i32>} : memref<64x512xf32, #tpu.memory_space<vmem>>, vector<16xf32>,
          %bitcast3A_675 = vector.bitcast %gather3A_463 : vector<16xf32> to vector<32xbf16>
          %unpack3A_676 = tpu.unpack_subelements %bitcast3A_675, 0 {pack_format = #tpu.pack_format<interleaved>} : vector<32xbf16> -> vector<16xf32>
          %unpack3A_677 = tpu.unpack_subelements %bitcast3A_675, 1 {pack_format = #tpu.pack_format<interleaved>} : vector<32xbf16> -> vector<16xf32>
          %bitcast3A_678 = vector.bitcast %gather3A_457 : vector<16xf32> to vector<32xbf16>
          %unpack3A_679 = tpu.unpack_subelements %bitcast3A_678, 0 {pack_format = #tpu.pack_format<interleaved>} : vector<32xbf16> -> vector<16xf32>
          %unpack3A_680 = tpu.unpack_subelements %bitcast3A_678, 1 {pack_format = #tpu.pack_format<interleaved>} : vector<32xbf16> -> vector<16xf32>
          %bitcast3A_681 = vector.bitcast %gather3A_458 : vector<16xf32> to vector<32xbf16>
          %unpack3A_682 = tpu.unpack_subelements %bitcast3A_681, 0 {pack_format = #tpu.pack_format<interleaved>} : vector<32xbf16> -> vector<16xf32>
          %unpack3A_683 = tpu.unpack_subelements %bitcast3A_681, 1 {pack_format = #tpu.pack_format<interleaved>} : vector<32xbf16> -> vector<16xf32>
          %mul3A_684 = arith.mulf %unpack3A_676, %scan3A_267 : vector<16xf32>
          %exp3A_685 = math.exp %mul3A_684 : vector<16xf32>
          %mul3A_686 = arith.mulf %unpack3A_680, %exp3A_685 : vector<16xf32>
          %add3A_687 = arith.addf %unpack3A_679, %mul3A_686 : vector<16xf32>
          %mul3A_688 = arith.constant 16 : i32
          %mul3A_689 = arith.muli %scan3A_265, %mul3A_688 : i32
          %swap3A_690 = arith.constant 20 : i32
          %swap3A_691 = arith.index_cast %swap3A_690 : i32 to index
          %swap3A_692 = arith.index_cast %mul3A_689 : i32 to index
          %swap3A_693 = tpu.vector_load %arg19[%swap3A_691, %swap3A_692] {strides = array<i32>} : memref<64x512xf32, #tpu.memory_space<vmem>>, vector<16xf32>,
          tpu.vector_store %arg19[%swap3A_691, %swap3A_692], %add3A_687 {strides = array<i32>} : memref<64x512xf32, #tpu.memory_space<vmem>>, vector<16xf32>,
          %mul3A_694 = arith.mulf %unpack3A_677, %scan3A_267 : vector<16xf32>
          %exp3A_695 = math.exp %mul3A_694 : vector<16xf32>
          %mul3A_696 = arith.mulf %unpack3A_683, %exp3A_695 : vector<16xf32>
          %add3A_697 = arith.addf %unpack3A_682, %mul3A_696 : vector<16xf32>
          %mul3A_698 = arith.constant 16 : i32
          %mul3A_699 = arith.muli %scan3A_265, %mul3A_698 : i32
          %swap3A_700 = arith.constant 21 : i32
          %swap3A_701 = arith.index_cast %swap3A_700 : i32 to index
          %swap3A_702 = arith.index_cast %mul3A_699 : i32 to index
          %swap3A_703 = tpu.vector_load %arg19[%swap3A_701, %swap3A_702] {strides = array<i32>} : memref<64x512xf32, #tpu.memory_space<vmem>>, vector<16xf32>,
          tpu.vector_store %arg19[%swap3A_701, %swap3A_702], %add3A_697 {strides = array<i32>} : memref<64x512xf32, #tpu.memory_space<vmem>>, vector<16xf32>,
          %bitcast3A_704 = vector.bitcast %gather3A_464 : vector<16xf32> to vector<32xbf16>
          %unpack3A_705 = tpu.unpack_subelements %bitcast3A_704, 0 {pack_format = #tpu.pack_format<interleaved>} : vector<32xbf16> -> vector<16xf32>
          %unpack3A_706 = tpu.unpack_subelements %bitcast3A_704, 1 {pack_format = #tpu.pack_format<interleaved>} : vector<32xbf16> -> vector<16xf32>
          %bitcast3A_707 = vector.bitcast %gather3A_459 : vector<16xf32> to vector<32xbf16>
          %unpack3A_708 = tpu.unpack_subelements %bitcast3A_707, 0 {pack_format = #tpu.pack_format<interleaved>} : vector<32xbf16> -> vector<16xf32>
          %unpack3A_709 = tpu.unpack_subelements %bitcast3A_707, 1 {pack_format = #tpu.pack_format<interleaved>} : vector<32xbf16> -> vector<16xf32>
          %bitcast3A_710 = vector.bitcast %gather3A_460 : vector<16xf32> to vector<32xbf16>
          %unpack3A_711 = tpu.unpack_subelements %bitcast3A_710, 0 {pack_format = #tpu.pack_format<interleaved>} : vector<32xbf16> -> vector<16xf32>
          %unpack3A_712 = tpu.unpack_subelements %bitcast3A_710, 1 {pack_format = #tpu.pack_format<interleaved>} : vector<32xbf16> -> vector<16xf32>
          %mul3A_713 = arith.mulf %unpack3A_705, %scan3A_267 : vector<16xf32>
          %exp3A_714 = math.exp %mul3A_713 : vector<16xf32>
          %mul3A_715 = arith.mulf %unpack3A_709, %exp3A_714 : vector<16xf32>
          %add3A_716 = arith.addf %unpack3A_708, %mul3A_715 : vector<16xf32>
          %mul3A_717 = arith.constant 16 : i32
          %mul3A_718 = arith.muli %scan3A_265, %mul3A_717 : i32
          %swap3A_719 = arith.constant 22 : i32
          %swap3A_720 = arith.index_cast %swap3A_719 : i32 to index
          %swap3A_721 = arith.index_cast %mul3A_718 : i32 to index
          %swap3A_722 = tpu.vector_load %arg19[%swap3A_720, %swap3A_721] {strides = array<i32>} : memref<64x512xf32, #tpu.memory_space<vmem>>, vector<16xf32>,
          tpu.vector_store %arg19[%swap3A_720, %swap3A_721], %add3A_716 {strides = array<i32>} : memref<64x512xf32, #tpu.memory_space<vmem>>, vector<16xf32>,
          %mul3A_723 = arith.mulf %unpack3A_706, %scan3A_267 : vector<16xf32>
          %exp3A_724 = math.exp %mul3A_723 : vector<16xf32>
          %mul3A_725 = arith.mulf %unpack3A_712, %exp3A_724 : vector<16xf32>
          %add3A_726 = arith.addf %unpack3A_711, %mul3A_725 : vector<16xf32>
          %mul3A_727 = arith.constant 16 : i32
          %mul3A_728 = arith.muli %scan3A_265, %mul3A_727 : i32
          %swap3A_729 = arith.constant 23 : i32
          %swap3A_730 = arith.index_cast %swap3A_729 : i32 to index
          %swap3A_731 = arith.index_cast %mul3A_728 : i32 to index
          %swap3A_732 = tpu.vector_load %arg19[%swap3A_730, %swap3A_731] {strides = array<i32>} : memref<64x512xf32, #tpu.memory_space<vmem>>, vector<16xf32>,
          tpu.vector_store %arg19[%swap3A_730, %swap3A_731], %add3A_726 {strides = array<i32>} : memref<64x512xf32, #tpu.memory_space<vmem>>, vector<16xf32>,
          %broadcast_in_dim3A_733 = arith.constant 32 : i32
          %broadcast_in_dim3A_734 = vector.broadcast %broadcast_in_dim3A_733 : i32 to vector<16xi32>
          %broadcast_in_dim3A_735 = arith.constant 33 : i32
          %broadcast_in_dim3A_736 = vector.broadcast %broadcast_in_dim3A_735 : i32 to vector<16xi32>
          %broadcast_in_dim3A_737 = arith.constant 34 : i32
          %broadcast_in_dim3A_738 = vector.broadcast %broadcast_in_dim3A_737 : i32 to vector<16xi32>
          %broadcast_in_dim3A_739 = arith.constant 35 : i32
          %broadcast_in_dim3A_740 = vector.broadcast %broadcast_in_dim3A_739 : i32 to vector<16xi32>
          %broadcast_in_dim3A_741 = arith.constant 36 : i32
          %broadcast_in_dim3A_742 = vector.broadcast %broadcast_in_dim3A_741 : i32 to vector<16xi32>
          %broadcast_in_dim3A_743 = arith.constant 37 : i32
          %broadcast_in_dim3A_744 = vector.broadcast %broadcast_in_dim3A_743 : i32 to vector<16xi32>
          %broadcast_in_dim3A_745 = arith.constant 38 : i32
          %broadcast_in_dim3A_746 = vector.broadcast %broadcast_in_dim3A_745 : i32 to vector<16xi32>
          %broadcast_in_dim3A_747 = arith.constant 39 : i32
          %broadcast_in_dim3A_748 = vector.broadcast %broadcast_in_dim3A_747 : i32 to vector<16xi32>
          %broadcast_in_dim3A_749 = arith.constant 16 : i32
          %broadcast_in_dim3A_750 = vector.broadcast %broadcast_in_dim3A_749 : i32 to vector<16xi32>
          %broadcast_in_dim3A_751 = arith.constant 17 : i32
          %broadcast_in_dim3A_752 = vector.broadcast %broadcast_in_dim3A_751 : i32 to vector<16xi32>
          %broadcast_in_dim3A_753 = arith.constant 18 : i32
          %broadcast_in_dim3A_754 = vector.broadcast %broadcast_in_dim3A_753 : i32 to vector<16xi32>
          %broadcast_in_dim3A_755 = arith.constant 19 : i32
          %broadcast_in_dim3A_756 = vector.broadcast %broadcast_in_dim3A_755 : i32 to vector<16xi32>
          %gather3A_757 = tpu.vector_load_idx %arg10[%broadcast_in_dim3A_734, %scan3A_266] : memref<64x256xf32, #tpu.memory_space<vmem>>[vector<16xi32>, vector<16xi32>], vector<16xf32>,
          %gather3A_758 = tpu.vector_load_idx %arg10[%broadcast_in_dim3A_736, %scan3A_266] : memref<64x256xf32, #tpu.memory_space<vmem>>[vector<16xi32>, vector<16xi32>], vector<16xf32>,
          %gather3A_759 = tpu.vector_load_idx %arg10[%broadcast_in_dim3A_738, %scan3A_266] : memref<64x256xf32, #tpu.memory_space<vmem>>[vector<16xi32>, vector<16xi32>], vector<16xf32>,
          %gather3A_760 = tpu.vector_load_idx %arg10[%broadcast_in_dim3A_740, %scan3A_266] : memref<64x256xf32, #tpu.memory_space<vmem>>[vector<16xi32>, vector<16xi32>], vector<16xf32>,
          %gather3A_761 = tpu.vector_load_idx %arg10[%broadcast_in_dim3A_742, %scan3A_266] : memref<64x256xf32, #tpu.memory_space<vmem>>[vector<16xi32>, vector<16xi32>], vector<16xf32>,
          %gather3A_762 = tpu.vector_load_idx %arg10[%broadcast_in_dim3A_744, %scan3A_266] : memref<64x256xf32, #tpu.memory_space<vmem>>[vector<16xi32>, vector<16xi32>], vector<16xf32>,
          %gather3A_763 = tpu.vector_load_idx %arg10[%broadcast_in_dim3A_746, %scan3A_266] : memref<64x256xf32, #tpu.memory_space<vmem>>[vector<16xi32>, vector<16xi32>], vector<16xf32>,
          %gather3A_764 = tpu.vector_load_idx %arg10[%broadcast_in_dim3A_748, %scan3A_266] : memref<64x256xf32, #tpu.memory_space<vmem>>[vector<16xi32>, vector<16xi32>], vector<16xf32>,
          %gather3A_765 = tpu.vector_load_idx %arg12[%broadcast_in_dim3A_750, %scan3A_266] : memref<64x256xf32, #tpu.memory_space<vmem>>[vector<16xi32>, vector<16xi32>], vector<16xf32>,
          %gather3A_766 = tpu.vector_load_idx %arg12[%broadcast_in_dim3A_752, %scan3A_266] : memref<64x256xf32, #tpu.memory_space<vmem>>[vector<16xi32>, vector<16xi32>], vector<16xf32>,
          %gather3A_767 = tpu.vector_load_idx %arg12[%broadcast_in_dim3A_754, %scan3A_266] : memref<64x256xf32, #tpu.memory_space<vmem>>[vector<16xi32>, vector<16xi32>], vector<16xf32>,
          %gather3A_768 = tpu.vector_load_idx %arg12[%broadcast_in_dim3A_756, %scan3A_266] : memref<64x256xf32, #tpu.memory_space<vmem>>[vector<16xi32>, vector<16xi32>], vector<16xf32>,
          %bitcast3A_769 = vector.bitcast %gather3A_613 : vector<16xf32> to vector<32xbf16>
          %unpack3A_770 = tpu.unpack_subelements %bitcast3A_769, 0 {pack_format = #tpu.pack_format<interleaved>} : vector<32xbf16> -> vector<16xf32>
          %unpack3A_771 = tpu.unpack_subelements %bitcast3A_769, 1 {pack_format = #tpu.pack_format<interleaved>} : vector<32xbf16> -> vector<16xf32>
          %bitcast3A_772 = vector.bitcast %gather3A_605 : vector<16xf32> to vector<32xbf16>
          %unpack3A_773 = tpu.unpack_subelements %bitcast3A_772, 0 {pack_format = #tpu.pack_format<interleaved>} : vector<32xbf16> -> vector<16xf32>
          %unpack3A_774 = tpu.unpack_subelements %bitcast3A_772, 1 {pack_format = #tpu.pack_format<interleaved>} : vector<32xbf16> -> vector<16xf32>
          %bitcast3A_775 = vector.bitcast %gather3A_606 : vector<16xf32> to vector<32xbf16>
          %unpack3A_776 = tpu.unpack_subelements %bitcast3A_775, 0 {pack_format = #tpu.pack_format<interleaved>} : vector<32xbf16> -> vector<16xf32>
          %unpack3A_777 = tpu.unpack_subelements %bitcast3A_775, 1 {pack_format = #tpu.pack_format<interleaved>} : vector<32xbf16> -> vector<16xf32>
          %mul3A_778 = arith.mulf %unpack3A_770, %scan3A_267 : vector<16xf32>
          %exp3A_779 = math.exp %mul3A_778 : vector<16xf32>
          %mul3A_780 = arith.mulf %unpack3A_774, %exp3A_779 : vector<16xf32>
          %add3A_781 = arith.addf %unpack3A_773, %mul3A_780 : vector<16xf32>
          %mul3A_782 = arith.constant 16 : i32
          %mul3A_783 = arith.muli %scan3A_265, %mul3A_782 : i32
          %swap3A_784 = arith.constant 24 : i32
          %swap3A_785 = arith.index_cast %swap3A_784 : i32 to index
          %swap3A_786 = arith.index_cast %mul3A_783 : i32 to index
          %swap3A_787 = tpu.vector_load %arg19[%swap3A_785, %swap3A_786] {strides = array<i32>} : memref<64x512xf32, #tpu.memory_space<vmem>>, vector<16xf32>,
          tpu.vector_store %arg19[%swap3A_785, %swap3A_786], %add3A_781 {strides = array<i32>} : memref<64x512xf32, #tpu.memory_space<vmem>>, vector<16xf32>,
          %mul3A_788 = arith.mulf %unpack3A_771, %scan3A_267 : vector<16xf32>
          %exp3A_789 = math.exp %mul3A_788 : vector<16xf32>
          %mul3A_790 = arith.mulf %unpack3A_777, %exp3A_789 : vector<16xf32>
          %add3A_791 = arith.addf %unpack3A_776, %mul3A_790 : vector<16xf32>
          %mul3A_792 = arith.constant 16 : i32
          %mul3A_793 = arith.muli %scan3A_265, %mul3A_792 : i32
          %swap3A_794 = arith.constant 25 : i32
          %swap3A_795 = arith.index_cast %swap3A_794 : i32 to index
          %swap3A_796 = arith.index_cast %mul3A_793 : i32 to index
          %swap3A_797 = tpu.vector_load %arg19[%swap3A_795, %swap3A_796] {strides = array<i32>} : memref<64x512xf32, #tpu.memory_space<vmem>>, vector<16xf32>,
          tpu.vector_store %arg19[%swap3A_795, %swap3A_796], %add3A_791 {strides = array<i32>} : memref<64x512xf32, #tpu.memory_space<vmem>>, vector<16xf32>,
          %bitcast3A_798 = vector.bitcast %gather3A_614 : vector<16xf32> to vector<32xbf16>
          %unpack3A_799 = tpu.unpack_subelements %bitcast3A_798, 0 {pack_format = #tpu.pack_format<interleaved>} : vector<32xbf16> -> vector<16xf32>
          %unpack3A_800 = tpu.unpack_subelements %bitcast3A_798, 1 {pack_format = #tpu.pack_format<interleaved>} : vector<32xbf16> -> vector<16xf32>
          %bitcast3A_801 = vector.bitcast %gather3A_607 : vector<16xf32> to vector<32xbf16>
          %unpack3A_802 = tpu.unpack_subelements %bitcast3A_801, 0 {pack_format = #tpu.pack_format<interleaved>} : vector<32xbf16> -> vector<16xf32>
          %unpack3A_803 = tpu.unpack_subelements %bitcast3A_801, 1 {pack_format = #tpu.pack_format<interleaved>} : vector<32xbf16> -> vector<16xf32>
          %bitcast3A_804 = vector.bitcast %gather3A_608 : vector<16xf32> to vector<32xbf16>
          %unpack3A_805 = tpu.unpack_subelements %bitcast3A_804, 0 {pack_format = #tpu.pack_format<interleaved>} : vector<32xbf16> -> vector<16xf32>
          %unpack3A_806 = tpu.unpack_subelements %bitcast3A_804, 1 {pack_format = #tpu.pack_format<interleaved>} : vector<32xbf16> -> vector<16xf32>
          %mul3A_807 = arith.mulf %unpack3A_799, %scan3A_267 : vector<16xf32>
          %exp3A_808 = math.exp %mul3A_807 : vector<16xf32>
          %mul3A_809 = arith.mulf %unpack3A_803, %exp3A_808 : vector<16xf32>
          %add3A_810 = arith.addf %unpack3A_802, %mul3A_809 : vector<16xf32>
          %mul3A_811 = arith.constant 16 : i32
          %mul3A_812 = arith.muli %scan3A_265, %mul3A_811 : i32
          %swap3A_813 = arith.constant 26 : i32
          %swap3A_814 = arith.index_cast %swap3A_813 : i32 to index
          %swap3A_815 = arith.index_cast %mul3A_812 : i32 to index
          %swap3A_816 = tpu.vector_load %arg19[%swap3A_814, %swap3A_815] {strides = array<i32>} : memref<64x512xf32, #tpu.memory_space<vmem>>, vector<16xf32>,
          tpu.vector_store %arg19[%swap3A_814, %swap3A_815], %add3A_810 {strides = array<i32>} : memref<64x512xf32, #tpu.memory_space<vmem>>, vector<16xf32>,
          %mul3A_817 = arith.mulf %unpack3A_800, %scan3A_267 : vector<16xf32>
          %exp3A_818 = math.exp %mul3A_817 : vector<16xf32>
          %mul3A_819 = arith.mulf %unpack3A_806, %exp3A_818 : vector<16xf32>
          %add3A_820 = arith.addf %unpack3A_805, %mul3A_819 : vector<16xf32>
          %mul3A_821 = arith.constant 16 : i32
          %mul3A_822 = arith.muli %scan3A_265, %mul3A_821 : i32
          %swap3A_823 = arith.constant 27 : i32
          %swap3A_824 = arith.index_cast %swap3A_823 : i32 to index
          %swap3A_825 = arith.index_cast %mul3A_822 : i32 to index
          %swap3A_826 = tpu.vector_load %arg19[%swap3A_824, %swap3A_825] {strides = array<i32>} : memref<64x512xf32, #tpu.memory_space<vmem>>, vector<16xf32>,
          tpu.vector_store %arg19[%swap3A_824, %swap3A_825], %add3A_820 {strides = array<i32>} : memref<64x512xf32, #tpu.memory_space<vmem>>, vector<16xf32>,
          %bitcast3A_827 = vector.bitcast %gather3A_615 : vector<16xf32> to vector<32xbf16>
          %unpack3A_828 = tpu.unpack_subelements %bitcast3A_827, 0 {pack_format = #tpu.pack_format<interleaved>} : vector<32xbf16> -> vector<16xf32>
          %unpack3A_829 = tpu.unpack_subelements %bitcast3A_827, 1 {pack_format = #tpu.pack_format<interleaved>} : vector<32xbf16> -> vector<16xf32>
          %bitcast3A_830 = vector.bitcast %gather3A_609 : vector<16xf32> to vector<32xbf16>
          %unpack3A_831 = tpu.unpack_subelements %bitcast3A_830, 0 {pack_format = #tpu.pack_format<interleaved>} : vector<32xbf16> -> vector<16xf32>
          %unpack3A_832 = tpu.unpack_subelements %bitcast3A_830, 1 {pack_format = #tpu.pack_format<interleaved>} : vector<32xbf16> -> vector<16xf32>
          %bitcast3A_833 = vector.bitcast %gather3A_610 : vector<16xf32> to vector<32xbf16>
          %unpack3A_834 = tpu.unpack_subelements %bitcast3A_833, 0 {pack_format = #tpu.pack_format<interleaved>} : vector<32xbf16> -> vector<16xf32>
          %unpack3A_835 = tpu.unpack_subelements %bitcast3A_833, 1 {pack_format = #tpu.pack_format<interleaved>} : vector<32xbf16> -> vector<16xf32>
          %mul3A_836 = arith.mulf %unpack3A_828, %scan3A_267 : vector<16xf32>
          %exp3A_837 = math.exp %mul3A_836 : vector<16xf32>
          %mul3A_838 = arith.mulf %unpack3A_832, %exp3A_837 : vector<16xf32>
          %add3A_839 = arith.addf %unpack3A_831, %mul3A_838 : vector<16xf32>
          %mul3A_840 = arith.constant 16 : i32
          %mul3A_841 = arith.muli %scan3A_265, %mul3A_840 : i32
          %swap3A_842 = arith.constant 28 : i32
          %swap3A_843 = arith.index_cast %swap3A_842 : i32 to index
          %swap3A_844 = arith.index_cast %mul3A_841 : i32 to index
          %swap3A_845 = tpu.vector_load %arg19[%swap3A_843, %swap3A_844] {strides = array<i32>} : memref<64x512xf32, #tpu.memory_space<vmem>>, vector<16xf32>,
          tpu.vector_store %arg19[%swap3A_843, %swap3A_844], %add3A_839 {strides = array<i32>} : memref<64x512xf32, #tpu.memory_space<vmem>>, vector<16xf32>,
          %mul3A_846 = arith.mulf %unpack3A_829, %scan3A_267 : vector<16xf32>
          %exp3A_847 = math.exp %mul3A_846 : vector<16xf32>
          %mul3A_848 = arith.mulf %unpack3A_835, %exp3A_847 : vector<16xf32>
          %add3A_849 = arith.addf %unpack3A_834, %mul3A_848 : vector<16xf32>
          %mul3A_850 = arith.constant 16 : i32
          %mul3A_851 = arith.muli %scan3A_265, %mul3A_850 : i32
          %swap3A_852 = arith.constant 29 : i32
          %swap3A_853 = arith.index_cast %swap3A_852 : i32 to index
          %swap3A_854 = arith.index_cast %mul3A_851 : i32 to index
          %swap3A_855 = tpu.vector_load %arg19[%swap3A_853, %swap3A_854] {strides = array<i32>} : memref<64x512xf32, #tpu.memory_space<vmem>>, vector<16xf32>,
          tpu.vector_store %arg19[%swap3A_853, %swap3A_854], %add3A_849 {strides = array<i32>} : memref<64x512xf32, #tpu.memory_space<vmem>>, vector<16xf32>,
          %bitcast3A_856 = vector.bitcast %gather3A_616 : vector<16xf32> to vector<32xbf16>
          %unpack3A_857 = tpu.unpack_subelements %bitcast3A_856, 0 {pack_format = #tpu.pack_format<interleaved>} : vector<32xbf16> -> vector<16xf32>
          %unpack3A_858 = tpu.unpack_subelements %bitcast3A_856, 1 {pack_format = #tpu.pack_format<interleaved>} : vector<32xbf16> -> vector<16xf32>
          %bitcast3A_859 = vector.bitcast %gather3A_611 : vector<16xf32> to vector<32xbf16>
          %unpack3A_860 = tpu.unpack_subelements %bitcast3A_859, 0 {pack_format = #tpu.pack_format<interleaved>} : vector<32xbf16> -> vector<16xf32>
          %unpack3A_861 = tpu.unpack_subelements %bitcast3A_859, 1 {pack_format = #tpu.pack_format<interleaved>} : vector<32xbf16> -> vector<16xf32>
          %bitcast3A_862 = vector.bitcast %gather3A_612 : vector<16xf32> to vector<32xbf16>
          %unpack3A_863 = tpu.unpack_subelements %bitcast3A_862, 0 {pack_format = #tpu.pack_format<interleaved>} : vector<32xbf16> -> vector<16xf32>
          %unpack3A_864 = tpu.unpack_subelements %bitcast3A_862, 1 {pack_format = #tpu.pack_format<interleaved>} : vector<32xbf16> -> vector<16xf32>
          %mul3A_865 = arith.mulf %unpack3A_857, %scan3A_267 : vector<16xf32>
          %exp3A_866 = math.exp %mul3A_865 : vector<16xf32>
          %mul3A_867 = arith.mulf %unpack3A_861, %exp3A_866 : vector<16xf32>
          %add3A_868 = arith.addf %unpack3A_860, %mul3A_867 : vector<16xf32>
          %mul3A_869 = arith.constant 16 : i32
          %mul3A_870 = arith.muli %scan3A_265, %mul3A_869 : i32
          %swap3A_871 = arith.constant 30 : i32
          %swap3A_872 = arith.index_cast %swap3A_871 : i32 to index
          %swap3A_873 = arith.index_cast %mul3A_870 : i32 to index
          %swap3A_874 = tpu.vector_load %arg19[%swap3A_872, %swap3A_873] {strides = array<i32>} : memref<64x512xf32, #tpu.memory_space<vmem>>, vector<16xf32>,
          tpu.vector_store %arg19[%swap3A_872, %swap3A_873], %add3A_868 {strides = array<i32>} : memref<64x512xf32, #tpu.memory_space<vmem>>, vector<16xf32>,
          %mul3A_875 = arith.mulf %unpack3A_858, %scan3A_267 : vector<16xf32>
          %exp3A_876 = math.exp %mul3A_875 : vector<16xf32>
          %mul3A_877 = arith.mulf %unpack3A_864, %exp3A_876 : vector<16xf32>
          %add3A_878 = arith.addf %unpack3A_863, %mul3A_877 : vector<16xf32>
          %mul3A_879 = arith.constant 16 : i32
          %mul3A_880 = arith.muli %scan3A_265, %mul3A_879 : i32
          %swap3A_881 = arith.constant 31 : i32
          %swap3A_882 = arith.index_cast %swap3A_881 : i32 to index
          %swap3A_883 = arith.index_cast %mul3A_880 : i32 to index
          %swap3A_884 = tpu.vector_load %arg19[%swap3A_882, %swap3A_883] {strides = array<i32>} : memref<64x512xf32, #tpu.memory_space<vmem>>, vector<16xf32>,
          tpu.vector_store %arg19[%swap3A_882, %swap3A_883], %add3A_878 {strides = array<i32>} : memref<64x512xf32, #tpu.memory_space<vmem>>, vector<16xf32>,
          %broadcast_in_dim3A_885 = arith.constant 40 : i32
          %broadcast_in_dim3A_886 = vector.broadcast %broadcast_in_dim3A_885 : i32 to vector<16xi32>
          %broadcast_in_dim3A_887 = arith.constant 41 : i32
          %broadcast_in_dim3A_888 = vector.broadcast %broadcast_in_dim3A_887 : i32 to vector<16xi32>
          %broadcast_in_dim3A_889 = arith.constant 42 : i32
          %broadcast_in_dim3A_890 = vector.broadcast %broadcast_in_dim3A_889 : i32 to vector<16xi32>
          %broadcast_in_dim3A_891 = arith.constant 43 : i32
          %broadcast_in_dim3A_892 = vector.broadcast %broadcast_in_dim3A_891 : i32 to vector<16xi32>
          %broadcast_in_dim3A_893 = arith.constant 44 : i32
          %broadcast_in_dim3A_894 = vector.broadcast %broadcast_in_dim3A_893 : i32 to vector<16xi32>
          %broadcast_in_dim3A_895 = arith.constant 45 : i32
          %broadcast_in_dim3A_896 = vector.broadcast %broadcast_in_dim3A_895 : i32 to vector<16xi32>
          %broadcast_in_dim3A_897 = arith.constant 46 : i32
          %broadcast_in_dim3A_898 = vector.broadcast %broadcast_in_dim3A_897 : i32 to vector<16xi32>
          %broadcast_in_dim3A_899 = arith.constant 47 : i32
          %broadcast_in_dim3A_900 = vector.broadcast %broadcast_in_dim3A_899 : i32 to vector<16xi32>
          %broadcast_in_dim3A_901 = arith.constant 20 : i32
          %broadcast_in_dim3A_902 = vector.broadcast %broadcast_in_dim3A_901 : i32 to vector<16xi32>
          %broadcast_in_dim3A_903 = arith.constant 21 : i32
          %broadcast_in_dim3A_904 = vector.broadcast %broadcast_in_dim3A_903 : i32 to vector<16xi32>
          %broadcast_in_dim3A_905 = arith.constant 22 : i32
          %broadcast_in_dim3A_906 = vector.broadcast %broadcast_in_dim3A_905 : i32 to vector<16xi32>
          %broadcast_in_dim3A_907 = arith.constant 23 : i32
          %broadcast_in_dim3A_908 = vector.broadcast %broadcast_in_dim3A_907 : i32 to vector<16xi32>
          %gather3A_909 = tpu.vector_load_idx %arg10[%broadcast_in_dim3A_886, %scan3A_266] : memref<64x256xf32, #tpu.memory_space<vmem>>[vector<16xi32>, vector<16xi32>], vector<16xf32>,
          %gather3A_910 = tpu.vector_load_idx %arg10[%broadcast_in_dim3A_888, %scan3A_266] : memref<64x256xf32, #tpu.memory_space<vmem>>[vector<16xi32>, vector<16xi32>], vector<16xf32>,
          %gather3A_911 = tpu.vector_load_idx %arg10[%broadcast_in_dim3A_890, %scan3A_266] : memref<64x256xf32, #tpu.memory_space<vmem>>[vector<16xi32>, vector<16xi32>], vector<16xf32>,
          %gather3A_912 = tpu.vector_load_idx %arg10[%broadcast_in_dim3A_892, %scan3A_266] : memref<64x256xf32, #tpu.memory_space<vmem>>[vector<16xi32>, vector<16xi32>], vector<16xf32>,
          %gather3A_913 = tpu.vector_load_idx %arg10[%broadcast_in_dim3A_894, %scan3A_266] : memref<64x256xf32, #tpu.memory_space<vmem>>[vector<16xi32>, vector<16xi32>], vector<16xf32>,
          %gather3A_914 = tpu.vector_load_idx %arg10[%broadcast_in_dim3A_896, %scan3A_266] : memref<64x256xf32, #tpu.memory_space<vmem>>[vector<16xi32>, vector<16xi32>], vector<16xf32>,
          %gather3A_915 = tpu.vector_load_idx %arg10[%broadcast_in_dim3A_898, %scan3A_266] : memref<64x256xf32, #tpu.memory_space<vmem>>[vector<16xi32>, vector<16xi32>], vector<16xf32>,
          %gather3A_916 = tpu.vector_load_idx %arg10[%broadcast_in_dim3A_900, %scan3A_266] : memref<64x256xf32, #tpu.memory_space<vmem>>[vector<16xi32>, vector<16xi32>], vector<16xf32>,
          %gather3A_917 = tpu.vector_load_idx %arg12[%broadcast_in_dim3A_902, %scan3A_266] : memref<64x256xf32, #tpu.memory_space<vmem>>[vector<16xi32>, vector<16xi32>], vector<16xf32>,
          %gather3A_918 = tpu.vector_load_idx %arg12[%broadcast_in_dim3A_904, %scan3A_266] : memref<64x256xf32, #tpu.memory_space<vmem>>[vector<16xi32>, vector<16xi32>], vector<16xf32>,
          %gather3A_919 = tpu.vector_load_idx %arg12[%broadcast_in_dim3A_906, %scan3A_266] : memref<64x256xf32, #tpu.memory_space<vmem>>[vector<16xi32>, vector<16xi32>], vector<16xf32>,
          %gather3A_920 = tpu.vector_load_idx %arg12[%broadcast_in_dim3A_908, %scan3A_266] : memref<64x256xf32, #tpu.memory_space<vmem>>[vector<16xi32>, vector<16xi32>], vector<16xf32>,
          %bitcast3A_921 = vector.bitcast %gather3A_765 : vector<16xf32> to vector<32xbf16>
          %unpack3A_922 = tpu.unpack_subelements %bitcast3A_921, 0 {pack_format = #tpu.pack_format<interleaved>} : vector<32xbf16> -> vector<16xf32>
          %unpack3A_923 = tpu.unpack_subelements %bitcast3A_921, 1 {pack_format = #tpu.pack_format<interleaved>} : vector<32xbf16> -> vector<16xf32>
          %bitcast3A_924 = vector.bitcast %gather3A_757 : vector<16xf32> to vector<32xbf16>
          %unpack3A_925 = tpu.unpack_subelements %bitcast3A_924, 0 {pack_format = #tpu.pack_format<interleaved>} : vector<32xbf16> -> vector<16xf32>
          %unpack3A_926 = tpu.unpack_subelements %bitcast3A_924, 1 {pack_format = #tpu.pack_format<interleaved>} : vector<32xbf16> -> vector<16xf32>
          %bitcast3A_927 = vector.bitcast %gather3A_758 : vector<16xf32> to vector<32xbf16>
          %unpack3A_928 = tpu.unpack_subelements %bitcast3A_927, 0 {pack_format = #tpu.pack_format<interleaved>} : vector<32xbf16> -> vector<16xf32>
          %unpack3A_929 = tpu.unpack_subelements %bitcast3A_927, 1 {pack_format = #tpu.pack_format<interleaved>} : vector<32xbf16> -> vector<16xf32>
          %mul3A_930 = arith.mulf %unpack3A_922, %scan3A_267 : vector<16xf32>
          %exp3A_931 = math.exp %mul3A_930 : vector<16xf32>
          %mul3A_932 = arith.mulf %unpack3A_926, %exp3A_931 : vector<16xf32>
          %add3A_933 = arith.addf %unpack3A_925, %mul3A_932 : vector<16xf32>
          %mul3A_934 = arith.constant 16 : i32
          %mul3A_935 = arith.muli %scan3A_265, %mul3A_934 : i32
          %swap3A_936 = arith.constant 32 : i32
          %swap3A_937 = arith.index_cast %swap3A_936 : i32 to index
          %swap3A_938 = arith.index_cast %mul3A_935 : i32 to index
          %swap3A_939 = tpu.vector_load %arg19[%swap3A_937, %swap3A_938] {strides = array<i32>} : memref<64x512xf32, #tpu.memory_space<vmem>>, vector<16xf32>,
          tpu.vector_store %arg19[%swap3A_937, %swap3A_938], %add3A_933 {strides = array<i32>} : memref<64x512xf32, #tpu.memory_space<vmem>>, vector<16xf32>,
          %mul3A_940 = arith.mulf %unpack3A_923, %scan3A_267 : vector<16xf32>
          %exp3A_941 = math.exp %mul3A_940 : vector<16xf32>
          %mul3A_942 = arith.mulf %unpack3A_929, %exp3A_941 : vector<16xf32>
          %add3A_943 = arith.addf %unpack3A_928, %mul3A_942 : vector<16xf32>
          %mul3A_944 = arith.constant 16 : i32
          %mul3A_945 = arith.muli %scan3A_265, %mul3A_944 : i32
          %swap3A_946 = arith.constant 33 : i32
          %swap3A_947 = arith.index_cast %swap3A_946 : i32 to index
          %swap3A_948 = arith.index_cast %mul3A_945 : i32 to index
          %swap3A_949 = tpu.vector_load %arg19[%swap3A_947, %swap3A_948] {strides = array<i32>} : memref<64x512xf32, #tpu.memory_space<vmem>>, vector<16xf32>,
          tpu.vector_store %arg19[%swap3A_947, %swap3A_948], %add3A_943 {strides = array<i32>} : memref<64x512xf32, #tpu.memory_space<vmem>>, vector<16xf32>,
          %bitcast3A_950 = vector.bitcast %gather3A_766 : vector<16xf32> to vector<32xbf16>
          %unpack3A_951 = tpu.unpack_subelements %bitcast3A_950, 0 {pack_format = #tpu.pack_format<interleaved>} : vector<32xbf16> -> vector<16xf32>
          %unpack3A_952 = tpu.unpack_subelements %bitcast3A_950, 1 {pack_format = #tpu.pack_format<interleaved>} : vector<32xbf16> -> vector<16xf32>
          %bitcast3A_953 = vector.bitcast %gather3A_759 : vector<16xf32> to vector<32xbf16>
          %unpack3A_954 = tpu.unpack_subelements %bitcast3A_953, 0 {pack_format = #tpu.pack_format<interleaved>} : vector<32xbf16> -> vector<16xf32>
          %unpack3A_955 = tpu.unpack_subelements %bitcast3A_953, 1 {pack_format = #tpu.pack_format<interleaved>} : vector<32xbf16> -> vector<16xf32>
          %bitcast3A_956 = vector.bitcast %gather3A_760 : vector<16xf32> to vector<32xbf16>
          %unpack3A_957 = tpu.unpack_subelements %bitcast3A_956, 0 {pack_format = #tpu.pack_format<interleaved>} : vector<32xbf16> -> vector<16xf32>
          %unpack3A_958 = tpu.unpack_subelements %bitcast3A_956, 1 {pack_format = #tpu.pack_format<interleaved>} : vector<32xbf16> -> vector<16xf32>
          %mul3A_959 = arith.mulf %unpack3A_951, %scan3A_267 : vector<16xf32>
          %exp3A_960 = math.exp %mul3A_959 : vector<16xf32>
          %mul3A_961 = arith.mulf %unpack3A_955, %exp3A_960 : vector<16xf32>
          %add3A_962 = arith.addf %unpack3A_954, %mul3A_961 : vector<16xf32>
          %mul3A_963 = arith.constant 16 : i32
          %mul3A_964 = arith.muli %scan3A_265, %mul3A_963 : i32
          %swap3A_965 = arith.constant 34 : i32
          %swap3A_966 = arith.index_cast %swap3A_965 : i32 to index
          %swap3A_967 = arith.index_cast %mul3A_964 : i32 to index
          %swap3A_968 = tpu.vector_load %arg19[%swap3A_966, %swap3A_967] {strides = array<i32>} : memref<64x512xf32, #tpu.memory_space<vmem>>, vector<16xf32>,
          tpu.vector_store %arg19[%swap3A_966, %swap3A_967], %add3A_962 {strides = array<i32>} : memref<64x512xf32, #tpu.memory_space<vmem>>, vector<16xf32>,
          %mul3A_969 = arith.mulf %unpack3A_952, %scan3A_267 : vector<16xf32>
          %exp3A_970 = math.exp %mul3A_969 : vector<16xf32>
          %mul3A_971 = arith.mulf %unpack3A_958, %exp3A_970 : vector<16xf32>
          %add3A_972 = arith.addf %unpack3A_957, %mul3A_971 : vector<16xf32>
          %mul3A_973 = arith.constant 16 : i32
          %mul3A_974 = arith.muli %scan3A_265, %mul3A_973 : i32
          %swap3A_975 = arith.constant 35 : i32
          %swap3A_976 = arith.index_cast %swap3A_975 : i32 to index
          %swap3A_977 = arith.index_cast %mul3A_974 : i32 to index
          %swap3A_978 = tpu.vector_load %arg19[%swap3A_976, %swap3A_977] {strides = array<i32>} : memref<64x512xf32, #tpu.memory_space<vmem>>, vector<16xf32>,
          tpu.vector_store %arg19[%swap3A_976, %swap3A_977], %add3A_972 {strides = array<i32>} : memref<64x512xf32, #tpu.memory_space<vmem>>, vector<16xf32>,
          %bitcast3A_979 = vector.bitcast %gather3A_767 : vector<16xf32> to vector<32xbf16>
          %unpack3A_980 = tpu.unpack_subelements %bitcast3A_979, 0 {pack_format = #tpu.pack_format<interleaved>} : vector<32xbf16> -> vector<16xf32>
          %unpack3A_981 = tpu.unpack_subelements %bitcast3A_979, 1 {pack_format = #tpu.pack_format<interleaved>} : vector<32xbf16> -> vector<16xf32>
          %bitcast3A_982 = vector.bitcast %gather3A_761 : vector<16xf32> to vector<32xbf16>
          %unpack3A_983 = tpu.unpack_subelements %bitcast3A_982, 0 {pack_format = #tpu.pack_format<interleaved>} : vector<32xbf16> -> vector<16xf32>
          %unpack3A_984 = tpu.unpack_subelements %bitcast3A_982, 1 {pack_format = #tpu.pack_format<interleaved>} : vector<32xbf16> -> vector<16xf32>
          %bitcast3A_985 = vector.bitcast %gather3A_762 : vector<16xf32> to vector<32xbf16>
          %unpack3A_986 = tpu.unpack_subelements %bitcast3A_985, 0 {pack_format = #tpu.pack_format<interleaved>} : vector<32xbf16> -> vector<16xf32>
          %unpack3A_987 = tpu.unpack_subelements %bitcast3A_985, 1 {pack_format = #tpu.pack_format<interleaved>} : vector<32xbf16> -> vector<16xf32>
          %mul3A_988 = arith.mulf %unpack3A_980, %scan3A_267 : vector<16xf32>
          %exp3A_989 = math.exp %mul3A_988 : vector<16xf32>
          %mul3A_990 = arith.mulf %unpack3A_984, %exp3A_989 : vector<16xf32>
          %add3A_991 = arith.addf %unpack3A_983, %mul3A_990 : vector<16xf32>
          %mul3A_992 = arith.constant 16 : i32
          %mul3A_993 = arith.muli %scan3A_265, %mul3A_992 : i32
          %swap3A_994 = arith.constant 36 : i32
          %swap3A_995 = arith.index_cast %swap3A_994 : i32 to index
          %swap3A_996 = arith.index_cast %mul3A_993 : i32 to index
          %swap3A_997 = tpu.vector_load %arg19[%swap3A_995, %swap3A_996] {strides = array<i32>} : memref<64x512xf32, #tpu.memory_space<vmem>>, vector<16xf32>,
          tpu.vector_store %arg19[%swap3A_995, %swap3A_996], %add3A_991 {strides = array<i32>} : memref<64x512xf32, #tpu.memory_space<vmem>>, vector<16xf32>,
          %mul3A_998 = arith.mulf %unpack3A_981, %scan3A_267 : vector<16xf32>
          %exp3A_999 = math.exp %mul3A_998 : vector<16xf32>
          %mul3A_1000 = arith.mulf %unpack3A_987, %exp3A_999 : vector<16xf32>
          %add3A_1001 = arith.addf %unpack3A_986, %mul3A_1000 : vector<16xf32>
          %mul3A_1002 = arith.constant 16 : i32
          %mul3A_1003 = arith.muli %scan3A_265, %mul3A_1002 : i32
          %swap3A_1004 = arith.constant 37 : i32
          %swap3A_1005 = arith.index_cast %swap3A_1004 : i32 to index
          %swap3A_1006 = arith.index_cast %mul3A_1003 : i32 to index
          %swap3A_1007 = tpu.vector_load %arg19[%swap3A_1005, %swap3A_1006] {strides = array<i32>} : memref<64x512xf32, #tpu.memory_space<vmem>>, vector<16xf32>,
          tpu.vector_store %arg19[%swap3A_1005, %swap3A_1006], %add3A_1001 {strides = array<i32>} : memref<64x512xf32, #tpu.memory_space<vmem>>, vector<16xf32>,
          %bitcast3A_1008 = vector.bitcast %gather3A_768 : vector<16xf32> to vector<32xbf16>
          %unpack3A_1009 = tpu.unpack_subelements %bitcast3A_1008, 0 {pack_format = #tpu.pack_format<interleaved>} : vector<32xbf16> -> vector<16xf32>
          %unpack3A_1010 = tpu.unpack_subelements %bitcast3A_1008, 1 {pack_format = #tpu.pack_format<interleaved>} : vector<32xbf16> -> vector<16xf32>
          %bitcast3A_1011 = vector.bitcast %gather3A_763 : vector<16xf32> to vector<32xbf16>
          %unpack3A_1012 = tpu.unpack_subelements %bitcast3A_1011, 0 {pack_format = #tpu.pack_format<interleaved>} : vector<32xbf16> -> vector<16xf32>
          %unpack3A_1013 = tpu.unpack_subelements %bitcast3A_1011, 1 {pack_format = #tpu.pack_format<interleaved>} : vector<32xbf16> -> vector<16xf32>
          %bitcast3A_1014 = vector.bitcast %gather3A_764 : vector<16xf32> to vector<32xbf16>
          %unpack3A_1015 = tpu.unpack_subelements %bitcast3A_1014, 0 {pack_format = #tpu.pack_format<interleaved>} : vector<32xbf16> -> vector<16xf32>
          %unpack3A_1016 = tpu.unpack_subelements %bitcast3A_1014, 1 {pack_format = #tpu.pack_format<interleaved>} : vector<32xbf16> -> vector<16xf32>
          %mul3A_1017 = arith.mulf %unpack3A_1009, %scan3A_267 : vector<16xf32>
          %exp3A_1018 = math.exp %mul3A_1017 : vector<16xf32>
          %mul3A_1019 = arith.mulf %unpack3A_1013, %exp3A_1018 : vector<16xf32>
          %add3A_1020 = arith.addf %unpack3A_1012, %mul3A_1019 : vector<16xf32>
          %mul3A_1021 = arith.constant 16 : i32
          %mul3A_1022 = arith.muli %scan3A_265, %mul3A_1021 : i32
          %swap3A_1023 = arith.constant 38 : i32
          %swap3A_1024 = arith.index_cast %swap3A_1023 : i32 to index
          %swap3A_1025 = arith.index_cast %mul3A_1022 : i32 to index
          %swap3A_1026 = tpu.vector_load %arg19[%swap3A_1024, %swap3A_1025] {strides = array<i32>} : memref<64x512xf32, #tpu.memory_space<vmem>>, vector<16xf32>,
          tpu.vector_store %arg19[%swap3A_1024, %swap3A_1025], %add3A_1020 {strides = array<i32>} : memref<64x512xf32, #tpu.memory_space<vmem>>, vector<16xf32>,
          %mul3A_1027 = arith.mulf %unpack3A_1010, %scan3A_267 : vector<16xf32>
          %exp3A_1028 = math.exp %mul3A_1027 : vector<16xf32>
          %mul3A_1029 = arith.mulf %unpack3A_1016, %exp3A_1028 : vector<16xf32>
          %add3A_1030 = arith.addf %unpack3A_1015, %mul3A_1029 : vector<16xf32>
          %mul3A_1031 = arith.constant 16 : i32
          %mul3A_1032 = arith.muli %scan3A_265, %mul3A_1031 : i32
          %swap3A_1033 = arith.constant 39 : i32
          %swap3A_1034 = arith.index_cast %swap3A_1033 : i32 to index
          %swap3A_1035 = arith.index_cast %mul3A_1032 : i32 to index
          %swap3A_1036 = tpu.vector_load %arg19[%swap3A_1034, %swap3A_1035] {strides = array<i32>} : memref<64x512xf32, #tpu.memory_space<vmem>>, vector<16xf32>,
          tpu.vector_store %arg19[%swap3A_1034, %swap3A_1035], %add3A_1030 {strides = array<i32>} : memref<64x512xf32, #tpu.memory_space<vmem>>, vector<16xf32>,
          %broadcast_in_dim3A_1037 = arith.constant 48 : i32
          %broadcast_in_dim3A_1038 = vector.broadcast %broadcast_in_dim3A_1037 : i32 to vector<16xi32>
          %broadcast_in_dim3A_1039 = arith.constant 49 : i32
          %broadcast_in_dim3A_1040 = vector.broadcast %broadcast_in_dim3A_1039 : i32 to vector<16xi32>
          %broadcast_in_dim3A_1041 = arith.constant 50 : i32
          %broadcast_in_dim3A_1042 = vector.broadcast %broadcast_in_dim3A_1041 : i32 to vector<16xi32>
          %broadcast_in_dim3A_1043 = arith.constant 51 : i32
          %broadcast_in_dim3A_1044 = vector.broadcast %broadcast_in_dim3A_1043 : i32 to vector<16xi32>
          %broadcast_in_dim3A_1045 = arith.constant 52 : i32
          %broadcast_in_dim3A_1046 = vector.broadcast %broadcast_in_dim3A_1045 : i32 to vector<16xi32>
          %broadcast_in_dim3A_1047 = arith.constant 53 : i32
          %broadcast_in_dim3A_1048 = vector.broadcast %broadcast_in_dim3A_1047 : i32 to vector<16xi32>
          %broadcast_in_dim3A_1049 = arith.constant 54 : i32
          %broadcast_in_dim3A_1050 = vector.broadcast %broadcast_in_dim3A_1049 : i32 to vector<16xi32>
          %broadcast_in_dim3A_1051 = arith.constant 55 : i32
          %broadcast_in_dim3A_1052 = vector.broadcast %broadcast_in_dim3A_1051 : i32 to vector<16xi32>
          %broadcast_in_dim3A_1053 = arith.constant 24 : i32
          %broadcast_in_dim3A_1054 = vector.broadcast %broadcast_in_dim3A_1053 : i32 to vector<16xi32>
          %broadcast_in_dim3A_1055 = arith.constant 25 : i32
          %broadcast_in_dim3A_1056 = vector.broadcast %broadcast_in_dim3A_1055 : i32 to vector<16xi32>
          %broadcast_in_dim3A_1057 = arith.constant 26 : i32
          %broadcast_in_dim3A_1058 = vector.broadcast %broadcast_in_dim3A_1057 : i32 to vector<16xi32>
          %broadcast_in_dim3A_1059 = arith.constant 27 : i32
          %broadcast_in_dim3A_1060 = vector.broadcast %broadcast_in_dim3A_1059 : i32 to vector<16xi32>
          %gather3A_1061 = tpu.vector_load_idx %arg10[%broadcast_in_dim3A_1038, %scan3A_266] : memref<64x256xf32, #tpu.memory_space<vmem>>[vector<16xi32>, vector<16xi32>], vector<16xf32>,
          %gather3A_1062 = tpu.vector_load_idx %arg10[%broadcast_in_dim3A_1040, %scan3A_266] : memref<64x256xf32, #tpu.memory_space<vmem>>[vector<16xi32>, vector<16xi32>], vector<16xf32>,
          %gather3A_1063 = tpu.vector_load_idx %arg10[%broadcast_in_dim3A_1042, %scan3A_266] : memref<64x256xf32, #tpu.memory_space<vmem>>[vector<16xi32>, vector<16xi32>], vector<16xf32>,
          %gather3A_1064 = tpu.vector_load_idx %arg10[%broadcast_in_dim3A_1044, %scan3A_266] : memref<64x256xf32, #tpu.memory_space<vmem>>[vector<16xi32>, vector<16xi32>], vector<16xf32>,
          %gather3A_1065 = tpu.vector_load_idx %arg10[%broadcast_in_dim3A_1046, %scan3A_266] : memref<64x256xf32, #tpu.memory_space<vmem>>[vector<16xi32>, vector<16xi32>], vector<16xf32>,
          %gather3A_1066 = tpu.vector_load_idx %arg10[%broadcast_in_dim3A_1048, %scan3A_266] : memref<64x256xf32, #tpu.memory_space<vmem>>[vector<16xi32>, vector<16xi32>], vector<16xf32>,
          %gather3A_1067 = tpu.vector_load_idx %arg10[%broadcast_in_dim3A_1050, %scan3A_266] : memref<64x256xf32, #tpu.memory_space<vmem>>[vector<16xi32>, vector<16xi32>], vector<16xf32>,
          %gather3A_1068 = tpu.vector_load_idx %arg10[%broadcast_in_dim3A_1052, %scan3A_266] : memref<64x256xf32, #tpu.memory_space<vmem>>[vector<16xi32>, vector<16xi32>], vector<16xf32>,
          %gather3A_1069 = tpu.vector_load_idx %arg12[%broadcast_in_dim3A_1054, %scan3A_266] : memref<64x256xf32, #tpu.memory_space<vmem>>[vector<16xi32>, vector<16xi32>], vector<16xf32>,
          %gather3A_1070 = tpu.vector_load_idx %arg12[%broadcast_in_dim3A_1056, %scan3A_266] : memref<64x256xf32, #tpu.memory_space<vmem>>[vector<16xi32>, vector<16xi32>], vector<16xf32>,
          %gather3A_1071 = tpu.vector_load_idx %arg12[%broadcast_in_dim3A_1058, %scan3A_266] : memref<64x256xf32, #tpu.memory_space<vmem>>[vector<16xi32>, vector<16xi32>], vector<16xf32>,
          %gather3A_1072 = tpu.vector_load_idx %arg12[%broadcast_in_dim3A_1060, %scan3A_266] : memref<64x256xf32, #tpu.memory_space<vmem>>[vector<16xi32>, vector<16xi32>], vector<16xf32>,
          %bitcast3A_1073 = vector.bitcast %gather3A_917 : vector<16xf32> to vector<32xbf16>
          %unpack3A_1074 = tpu.unpack_subelements %bitcast3A_1073, 0 {pack_format = #tpu.pack_format<interleaved>} : vector<32xbf16> -> vector<16xf32>
          %unpack3A_1075 = tpu.unpack_subelements %bitcast3A_1073, 1 {pack_format = #tpu.pack_format<interleaved>} : vector<32xbf16> -> vector<16xf32>
          %bitcast3A_1076 = vector.bitcast %gather3A_909 : vector<16xf32> to vector<32xbf16>
          %unpack3A_1077 = tpu.unpack_subelements %bitcast3A_1076, 0 {pack_format = #tpu.pack_format<interleaved>} : vector<32xbf16> -> vector<16xf32>
          %unpack3A_1078 = tpu.unpack_subelements %bitcast3A_1076, 1 {pack_format = #tpu.pack_format<interleaved>} : vector<32xbf16> -> vector<16xf32>
          %bitcast3A_1079 = vector.bitcast %gather3A_910 : vector<16xf32> to vector<32xbf16>
          %unpack3A_1080 = tpu.unpack_subelements %bitcast3A_1079, 0 {pack_format = #tpu.pack_format<interleaved>} : vector<32xbf16> -> vector<16xf32>
          %unpack3A_1081 = tpu.unpack_subelements %bitcast3A_1079, 1 {pack_format = #tpu.pack_format<interleaved>} : vector<32xbf16> -> vector<16xf32>
          %mul3A_1082 = arith.mulf %unpack3A_1074, %scan3A_267 : vector<16xf32>
          %exp3A_1083 = math.exp %mul3A_1082 : vector<16xf32>
          %mul3A_1084 = arith.mulf %unpack3A_1078, %exp3A_1083 : vector<16xf32>
          %add3A_1085 = arith.addf %unpack3A_1077, %mul3A_1084 : vector<16xf32>
          %mul3A_1086 = arith.constant 16 : i32
          %mul3A_1087 = arith.muli %scan3A_265, %mul3A_1086 : i32
          %swap3A_1088 = arith.constant 40 : i32
          %swap3A_1089 = arith.index_cast %swap3A_1088 : i32 to index
          %swap3A_1090 = arith.index_cast %mul3A_1087 : i32 to index
          %swap3A_1091 = tpu.vector_load %arg19[%swap3A_1089, %swap3A_1090] {strides = array<i32>} : memref<64x512xf32, #tpu.memory_space<vmem>>, vector<16xf32>,
          tpu.vector_store %arg19[%swap3A_1089, %swap3A_1090], %add3A_1085 {strides = array<i32>} : memref<64x512xf32, #tpu.memory_space<vmem>>, vector<16xf32>,
          %mul3A_1092 = arith.mulf %unpack3A_1075, %scan3A_267 : vector<16xf32>
          %exp3A_1093 = math.exp %mul3A_1092 : vector<16xf32>
          %mul3A_1094 = arith.mulf %unpack3A_1081, %exp3A_1093 : vector<16xf32>
          %add3A_1095 = arith.addf %unpack3A_1080, %mul3A_1094 : vector<16xf32>
          %mul3A_1096 = arith.constant 16 : i32
          %mul3A_1097 = arith.muli %scan3A_265, %mul3A_1096 : i32
          %swap3A_1098 = arith.constant 41 : i32
          %swap3A_1099 = arith.index_cast %swap3A_1098 : i32 to index
          %swap3A_1100 = arith.index_cast %mul3A_1097 : i32 to index
          %swap3A_1101 = tpu.vector_load %arg19[%swap3A_1099, %swap3A_1100] {strides = array<i32>} : memref<64x512xf32, #tpu.memory_space<vmem>>, vector<16xf32>,
          tpu.vector_store %arg19[%swap3A_1099, %swap3A_1100], %add3A_1095 {strides = array<i32>} : memref<64x512xf32, #tpu.memory_space<vmem>>, vector<16xf32>,
          %bitcast3A_1102 = vector.bitcast %gather3A_918 : vector<16xf32> to vector<32xbf16>
          %unpack3A_1103 = tpu.unpack_subelements %bitcast3A_1102, 0 {pack_format = #tpu.pack_format<interleaved>} : vector<32xbf16> -> vector<16xf32>
          %unpack3A_1104 = tpu.unpack_subelements %bitcast3A_1102, 1 {pack_format = #tpu.pack_format<interleaved>} : vector<32xbf16> -> vector<16xf32>
          %bitcast3A_1105 = vector.bitcast %gather3A_911 : vector<16xf32> to vector<32xbf16>
          %unpack3A_1106 = tpu.unpack_subelements %bitcast3A_1105, 0 {pack_format = #tpu.pack_format<interleaved>} : vector<32xbf16> -> vector<16xf32>
          %unpack3A_1107 = tpu.unpack_subelements %bitcast3A_1105, 1 {pack_format = #tpu.pack_format<interleaved>} : vector<32xbf16> -> vector<16xf32>
          %bitcast3A_1108 = vector.bitcast %gather3A_912 : vector<16xf32> to vector<32xbf16>
          %unpack3A_1109 = tpu.unpack_subelements %bitcast3A_1108, 0 {pack_format = #tpu.pack_format<interleaved>} : vector<32xbf16> -> vector<16xf32>
          %unpack3A_1110 = tpu.unpack_subelements %bitcast3A_1108, 1 {pack_format = #tpu.pack_format<interleaved>} : vector<32xbf16> -> vector<16xf32>
          %mul3A_1111 = arith.mulf %unpack3A_1103, %scan3A_267 : vector<16xf32>
          %exp3A_1112 = math.exp %mul3A_1111 : vector<16xf32>
          %mul3A_1113 = arith.mulf %unpack3A_1107, %exp3A_1112 : vector<16xf32>
          %add3A_1114 = arith.addf %unpack3A_1106, %mul3A_1113 : vector<16xf32>
          %mul3A_1115 = arith.constant 16 : i32
          %mul3A_1116 = arith.muli %scan3A_265, %mul3A_1115 : i32
          %swap3A_1117 = arith.constant 42 : i32
          %swap3A_1118 = arith.index_cast %swap3A_1117 : i32 to index
          %swap3A_1119 = arith.index_cast %mul3A_1116 : i32 to index
          %swap3A_1120 = tpu.vector_load %arg19[%swap3A_1118, %swap3A_1119] {strides = array<i32>} : memref<64x512xf32, #tpu.memory_space<vmem>>, vector<16xf32>,
          tpu.vector_store %arg19[%swap3A_1118, %swap3A_1119], %add3A_1114 {strides = array<i32>} : memref<64x512xf32, #tpu.memory_space<vmem>>, vector<16xf32>,
          %mul3A_1121 = arith.mulf %unpack3A_1104, %scan3A_267 : vector<16xf32>
          %exp3A_1122 = math.exp %mul3A_1121 : vector<16xf32>
          %mul3A_1123 = arith.mulf %unpack3A_1110, %exp3A_1122 : vector<16xf32>
          %add3A_1124 = arith.addf %unpack3A_1109, %mul3A_1123 : vector<16xf32>
          %mul3A_1125 = arith.constant 16 : i32
          %mul3A_1126 = arith.muli %scan3A_265, %mul3A_1125 : i32
          %swap3A_1127 = arith.constant 43 : i32
          %swap3A_1128 = arith.index_cast %swap3A_1127 : i32 to index
          %swap3A_1129 = arith.index_cast %mul3A_1126 : i32 to index
          %swap3A_1130 = tpu.vector_load %arg19[%swap3A_1128, %swap3A_1129] {strides = array<i32>} : memref<64x512xf32, #tpu.memory_space<vmem>>, vector<16xf32>,
          tpu.vector_store %arg19[%swap3A_1128, %swap3A_1129], %add3A_1124 {strides = array<i32>} : memref<64x512xf32, #tpu.memory_space<vmem>>, vector<16xf32>,
          %bitcast3A_1131 = vector.bitcast %gather3A_919 : vector<16xf32> to vector<32xbf16>
          %unpack3A_1132 = tpu.unpack_subelements %bitcast3A_1131, 0 {pack_format = #tpu.pack_format<interleaved>} : vector<32xbf16> -> vector<16xf32>
          %unpack3A_1133 = tpu.unpack_subelements %bitcast3A_1131, 1 {pack_format = #tpu.pack_format<interleaved>} : vector<32xbf16> -> vector<16xf32>
          %bitcast3A_1134 = vector.bitcast %gather3A_913 : vector<16xf32> to vector<32xbf16>
          %unpack3A_1135 = tpu.unpack_subelements %bitcast3A_1134, 0 {pack_format = #tpu.pack_format<interleaved>} : vector<32xbf16> -> vector<16xf32>
          %unpack3A_1136 = tpu.unpack_subelements %bitcast3A_1134, 1 {pack_format = #tpu.pack_format<interleaved>} : vector<32xbf16> -> vector<16xf32>
          %bitcast3A_1137 = vector.bitcast %gather3A_914 : vector<16xf32> to vector<32xbf16>
          %unpack3A_1138 = tpu.unpack_subelements %bitcast3A_1137, 0 {pack_format = #tpu.pack_format<interleaved>} : vector<32xbf16> -> vector<16xf32>
          %unpack3A_1139 = tpu.unpack_subelements %bitcast3A_1137, 1 {pack_format = #tpu.pack_format<interleaved>} : vector<32xbf16> -> vector<16xf32>
          %mul3A_1140 = arith.mulf %unpack3A_1132, %scan3A_267 : vector<16xf32>
          %exp3A_1141 = math.exp %mul3A_1140 : vector<16xf32>
          %mul3A_1142 = arith.mulf %unpack3A_1136, %exp3A_1141 : vector<16xf32>
          %add3A_1143 = arith.addf %unpack3A_1135, %mul3A_1142 : vector<16xf32>
          %mul3A_1144 = arith.constant 16 : i32
          %mul3A_1145 = arith.muli %scan3A_265, %mul3A_1144 : i32
          %swap3A_1146 = arith.constant 44 : i32
          %swap3A_1147 = arith.index_cast %swap3A_1146 : i32 to index
          %swap3A_1148 = arith.index_cast %mul3A_1145 : i32 to index
          %swap3A_1149 = tpu.vector_load %arg19[%swap3A_1147, %swap3A_1148] {strides = array<i32>} : memref<64x512xf32, #tpu.memory_space<vmem>>, vector<16xf32>,
          tpu.vector_store %arg19[%swap3A_1147, %swap3A_1148], %add3A_1143 {strides = array<i32>} : memref<64x512xf32, #tpu.memory_space<vmem>>, vector<16xf32>,
          %mul3A_1150 = arith.mulf %unpack3A_1133, %scan3A_267 : vector<16xf32>
          %exp3A_1151 = math.exp %mul3A_1150 : vector<16xf32>
          %mul3A_1152 = arith.mulf %unpack3A_1139, %exp3A_1151 : vector<16xf32>
          %add3A_1153 = arith.addf %unpack3A_1138, %mul3A_1152 : vector<16xf32>
          %mul3A_1154 = arith.constant 16 : i32
          %mul3A_1155 = arith.muli %scan3A_265, %mul3A_1154 : i32
          %swap3A_1156 = arith.constant 45 : i32
          %swap3A_1157 = arith.index_cast %swap3A_1156 : i32 to index
          %swap3A_1158 = arith.index_cast %mul3A_1155 : i32 to index
          %swap3A_1159 = tpu.vector_load %arg19[%swap3A_1157, %swap3A_1158] {strides = array<i32>} : memref<64x512xf32, #tpu.memory_space<vmem>>, vector<16xf32>,
          tpu.vector_store %arg19[%swap3A_1157, %swap3A_1158], %add3A_1153 {strides = array<i32>} : memref<64x512xf32, #tpu.memory_space<vmem>>, vector<16xf32>,
          %bitcast3A_1160 = vector.bitcast %gather3A_920 : vector<16xf32> to vector<32xbf16>
          %unpack3A_1161 = tpu.unpack_subelements %bitcast3A_1160, 0 {pack_format = #tpu.pack_format<interleaved>} : vector<32xbf16> -> vector<16xf32>
          %unpack3A_1162 = tpu.unpack_subelements %bitcast3A_1160, 1 {pack_format = #tpu.pack_format<interleaved>} : vector<32xbf16> -> vector<16xf32>
          %bitcast3A_1163 = vector.bitcast %gather3A_915 : vector<16xf32> to vector<32xbf16>
          %unpack3A_1164 = tpu.unpack_subelements %bitcast3A_1163, 0 {pack_format = #tpu.pack_format<interleaved>} : vector<32xbf16> -> vector<16xf32>
          %unpack3A_1165 = tpu.unpack_subelements %bitcast3A_1163, 1 {pack_format = #tpu.pack_format<interleaved>} : vector<32xbf16> -> vector<16xf32>
          %bitcast3A_1166 = vector.bitcast %gather3A_916 : vector<16xf32> to vector<32xbf16>
          %unpack3A_1167 = tpu.unpack_subelements %bitcast3A_1166, 0 {pack_format = #tpu.pack_format<interleaved>} : vector<32xbf16> -> vector<16xf32>
          %unpack3A_1168 = tpu.unpack_subelements %bitcast3A_1166, 1 {pack_format = #tpu.pack_format<interleaved>} : vector<32xbf16> -> vector<16xf32>
          %mul3A_1169 = arith.mulf %unpack3A_1161, %scan3A_267 : vector<16xf32>
          %exp3A_1170 = math.exp %mul3A_1169 : vector<16xf32>
          %mul3A_1171 = arith.mulf %unpack3A_1165, %exp3A_1170 : vector<16xf32>
          %add3A_1172 = arith.addf %unpack3A_1164, %mul3A_1171 : vector<16xf32>
          %mul3A_1173 = arith.constant 16 : i32
          %mul3A_1174 = arith.muli %scan3A_265, %mul3A_1173 : i32
          %swap3A_1175 = arith.constant 46 : i32
          %swap3A_1176 = arith.index_cast %swap3A_1175 : i32 to index
          %swap3A_1177 = arith.index_cast %mul3A_1174 : i32 to index
          %swap3A_1178 = tpu.vector_load %arg19[%swap3A_1176, %swap3A_1177] {strides = array<i32>} : memref<64x512xf32, #tpu.memory_space<vmem>>, vector<16xf32>,
          tpu.vector_store %arg19[%swap3A_1176, %swap3A_1177], %add3A_1172 {strides = array<i32>} : memref<64x512xf32, #tpu.memory_space<vmem>>, vector<16xf32>,
          %mul3A_1179 = arith.mulf %unpack3A_1162, %scan3A_267 : vector<16xf32>
          %exp3A_1180 = math.exp %mul3A_1179 : vector<16xf32>
          %mul3A_1181 = arith.mulf %unpack3A_1168, %exp3A_1180 : vector<16xf32>
          %add3A_1182 = arith.addf %unpack3A_1167, %mul3A_1181 : vector<16xf32>
          %mul3A_1183 = arith.constant 16 : i32
          %mul3A_1184 = arith.muli %scan3A_265, %mul3A_1183 : i32
          %swap3A_1185 = arith.constant 47 : i32
          %swap3A_1186 = arith.index_cast %swap3A_1185 : i32 to index
          %swap3A_1187 = arith.index_cast %mul3A_1184 : i32 to index
          %swap3A_1188 = tpu.vector_load %arg19[%swap3A_1186, %swap3A_1187] {strides = array<i32>} : memref<64x512xf32, #tpu.memory_space<vmem>>, vector<16xf32>,
          tpu.vector_store %arg19[%swap3A_1186, %swap3A_1187], %add3A_1182 {strides = array<i32>} : memref<64x512xf32, #tpu.memory_space<vmem>>, vector<16xf32>,
          %broadcast_in_dim3A_1189 = arith.constant 56 : i32
          %broadcast_in_dim3A_1190 = vector.broadcast %broadcast_in_dim3A_1189 : i32 to vector<16xi32>
          %broadcast_in_dim3A_1191 = arith.constant 57 : i32
          %broadcast_in_dim3A_1192 = vector.broadcast %broadcast_in_dim3A_1191 : i32 to vector<16xi32>
          %broadcast_in_dim3A_1193 = arith.constant 58 : i32
          %broadcast_in_dim3A_1194 = vector.broadcast %broadcast_in_dim3A_1193 : i32 to vector<16xi32>
          %broadcast_in_dim3A_1195 = arith.constant 59 : i32
          %broadcast_in_dim3A_1196 = vector.broadcast %broadcast_in_dim3A_1195 : i32 to vector<16xi32>
          %broadcast_in_dim3A_1197 = arith.constant 60 : i32
          %broadcast_in_dim3A_1198 = vector.broadcast %broadcast_in_dim3A_1197 : i32 to vector<16xi32>
          %broadcast_in_dim3A_1199 = arith.constant 61 : i32
          %broadcast_in_dim3A_1200 = vector.broadcast %broadcast_in_dim3A_1199 : i32 to vector<16xi32>
          %broadcast_in_dim3A_1201 = arith.constant 62 : i32
          %broadcast_in_dim3A_1202 = vector.broadcast %broadcast_in_dim3A_1201 : i32 to vector<16xi32>
          %broadcast_in_dim3A_1203 = arith.constant 63 : i32
          %broadcast_in_dim3A_1204 = vector.broadcast %broadcast_in_dim3A_1203 : i32 to vector<16xi32>
          %broadcast_in_dim3A_1205 = arith.constant 28 : i32
          %broadcast_in_dim3A_1206 = vector.broadcast %broadcast_in_dim3A_1205 : i32 to vector<16xi32>
          %broadcast_in_dim3A_1207 = arith.constant 29 : i32
          %broadcast_in_dim3A_1208 = vector.broadcast %broadcast_in_dim3A_1207 : i32 to vector<16xi32>
          %broadcast_in_dim3A_1209 = arith.constant 30 : i32
          %broadcast_in_dim3A_1210 = vector.broadcast %broadcast_in_dim3A_1209 : i32 to vector<16xi32>
          %broadcast_in_dim3A_1211 = arith.constant 31 : i32
          %broadcast_in_dim3A_1212 = vector.broadcast %broadcast_in_dim3A_1211 : i32 to vector<16xi32>
          %gather3A_1213 = tpu.vector_load_idx %arg10[%broadcast_in_dim3A_1190, %scan3A_266] : memref<64x256xf32, #tpu.memory_space<vmem>>[vector<16xi32>, vector<16xi32>], vector<16xf32>,
          %gather3A_1214 = tpu.vector_load_idx %arg10[%broadcast_in_dim3A_1192, %scan3A_266] : memref<64x256xf32, #tpu.memory_space<vmem>>[vector<16xi32>, vector<16xi32>], vector<16xf32>,
          %gather3A_1215 = tpu.vector_load_idx %arg10[%broadcast_in_dim3A_1194, %scan3A_266] : memref<64x256xf32, #tpu.memory_space<vmem>>[vector<16xi32>, vector<16xi32>], vector<16xf32>,
          %gather3A_1216 = tpu.vector_load_idx %arg10[%broadcast_in_dim3A_1196, %scan3A_266] : memref<64x256xf32, #tpu.memory_space<vmem>>[vector<16xi32>, vector<16xi32>], vector<16xf32>,
          %gather3A_1217 = tpu.vector_load_idx %arg10[%broadcast_in_dim3A_1198, %scan3A_266] : memref<64x256xf32, #tpu.memory_space<vmem>>[vector<16xi32>, vector<16xi32>], vector<16xf32>,
          %gather3A_1218 = tpu.vector_load_idx %arg10[%broadcast_in_dim3A_1200, %scan3A_266] : memref<64x256xf32, #tpu.memory_space<vmem>>[vector<16xi32>, vector<16xi32>], vector<16xf32>,
          %gather3A_1219 = tpu.vector_load_idx %arg10[%broadcast_in_dim3A_1202, %scan3A_266] : memref<64x256xf32, #tpu.memory_space<vmem>>[vector<16xi32>, vector<16xi32>], vector<16xf32>,
          %gather3A_1220 = tpu.vector_load_idx %arg10[%broadcast_in_dim3A_1204, %scan3A_266] : memref<64x256xf32, #tpu.memory_space<vmem>>[vector<16xi32>, vector<16xi32>], vector<16xf32>,
          %gather3A_1221 = tpu.vector_load_idx %arg12[%broadcast_in_dim3A_1206, %scan3A_266] : memref<64x256xf32, #tpu.memory_space<vmem>>[vector<16xi32>, vector<16xi32>], vector<16xf32>,
          %gather3A_1222 = tpu.vector_load_idx %arg12[%broadcast_in_dim3A_1208, %scan3A_266] : memref<64x256xf32, #tpu.memory_space<vmem>>[vector<16xi32>, vector<16xi32>], vector<16xf32>,
          %gather3A_1223 = tpu.vector_load_idx %arg12[%broadcast_in_dim3A_1210, %scan3A_266] : memref<64x256xf32, #tpu.memory_space<vmem>>[vector<16xi32>, vector<16xi32>], vector<16xf32>,
          %gather3A_1224 = tpu.vector_load_idx %arg12[%broadcast_in_dim3A_1212, %scan3A_266] : memref<64x256xf32, #tpu.memory_space<vmem>>[vector<16xi32>, vector<16xi32>], vector<16xf32>,
          %bitcast3A_1225 = vector.bitcast %gather3A_1069 : vector<16xf32> to vector<32xbf16>
          %unpack3A_1226 = tpu.unpack_subelements %bitcast3A_1225, 0 {pack_format = #tpu.pack_format<interleaved>} : vector<32xbf16> -> vector<16xf32>
          %unpack3A_1227 = tpu.unpack_subelements %bitcast3A_1225, 1 {pack_format = #tpu.pack_format<interleaved>} : vector<32xbf16> -> vector<16xf32>
          %bitcast3A_1228 = vector.bitcast %gather3A_1061 : vector<16xf32> to vector<32xbf16>
          %unpack3A_1229 = tpu.unpack_subelements %bitcast3A_1228, 0 {pack_format = #tpu.pack_format<interleaved>} : vector<32xbf16> -> vector<16xf32>
          %unpack3A_1230 = tpu.unpack_subelements %bitcast3A_1228, 1 {pack_format = #tpu.pack_format<interleaved>} : vector<32xbf16> -> vector<16xf32>
          %bitcast3A_1231 = vector.bitcast %gather3A_1062 : vector<16xf32> to vector<32xbf16>
          %unpack3A_1232 = tpu.unpack_subelements %bitcast3A_1231, 0 {pack_format = #tpu.pack_format<interleaved>} : vector<32xbf16> -> vector<16xf32>
          %unpack3A_1233 = tpu.unpack_subelements %bitcast3A_1231, 1 {pack_format = #tpu.pack_format<interleaved>} : vector<32xbf16> -> vector<16xf32>
          %mul3A_1234 = arith.mulf %unpack3A_1226, %scan3A_267 : vector<16xf32>
          %exp3A_1235 = math.exp %mul3A_1234 : vector<16xf32>
          %mul3A_1236 = arith.mulf %unpack3A_1230, %exp3A_1235 : vector<16xf32>
          %add3A_1237 = arith.addf %unpack3A_1229, %mul3A_1236 : vector<16xf32>
          %mul3A_1238 = arith.constant 16 : i32
          %mul3A_1239 = arith.muli %scan3A_265, %mul3A_1238 : i32
          %swap3A_1240 = arith.constant 48 : i32
          %swap3A_1241 = arith.index_cast %swap3A_1240 : i32 to index
          %swap3A_1242 = arith.index_cast %mul3A_1239 : i32 to index
          %swap3A_1243 = tpu.vector_load %arg19[%swap3A_1241, %swap3A_1242] {strides = array<i32>} : memref<64x512xf32, #tpu.memory_space<vmem>>, vector<16xf32>,
          tpu.vector_store %arg19[%swap3A_1241, %swap3A_1242], %add3A_1237 {strides = array<i32>} : memref<64x512xf32, #tpu.memory_space<vmem>>, vector<16xf32>,
          %mul3A_1244 = arith.mulf %unpack3A_1227, %scan3A_267 : vector<16xf32>
          %exp3A_1245 = math.exp %mul3A_1244 : vector<16xf32>
          %mul3A_1246 = arith.mulf %unpack3A_1233, %exp3A_1245 : vector<16xf32>
          %add3A_1247 = arith.addf %unpack3A_1232, %mul3A_1246 : vector<16xf32>
          %mul3A_1248 = arith.constant 16 : i32
          %mul3A_1249 = arith.muli %scan3A_265, %mul3A_1248 : i32
          %swap3A_1250 = arith.constant 49 : i32
          %swap3A_1251 = arith.index_cast %swap3A_1250 : i32 to index
          %swap3A_1252 = arith.index_cast %mul3A_1249 : i32 to index
          %swap3A_1253 = tpu.vector_load %arg19[%swap3A_1251, %swap3A_1252] {strides = array<i32>} : memref<64x512xf32, #tpu.memory_space<vmem>>, vector<16xf32>,
          tpu.vector_store %arg19[%swap3A_1251, %swap3A_1252], %add3A_1247 {strides = array<i32>} : memref<64x512xf32, #tpu.memory_space<vmem>>, vector<16xf32>,
          %bitcast3A_1254 = vector.bitcast %gather3A_1070 : vector<16xf32> to vector<32xbf16>
          %unpack3A_1255 = tpu.unpack_subelements %bitcast3A_1254, 0 {pack_format = #tpu.pack_format<interleaved>} : vector<32xbf16> -> vector<16xf32>
          %unpack3A_1256 = tpu.unpack_subelements %bitcast3A_1254, 1 {pack_format = #tpu.pack_format<interleaved>} : vector<32xbf16> -> vector<16xf32>
          %bitcast3A_1257 = vector.bitcast %gather3A_1063 : vector<16xf32> to vector<32xbf16>
          %unpack3A_1258 = tpu.unpack_subelements %bitcast3A_1257, 0 {pack_format = #tpu.pack_format<interleaved>} : vector<32xbf16> -> vector<16xf32>
          %unpack3A_1259 = tpu.unpack_subelements %bitcast3A_1257, 1 {pack_format = #tpu.pack_format<interleaved>} : vector<32xbf16> -> vector<16xf32>
          %bitcast3A_1260 = vector.bitcast %gather3A_1064 : vector<16xf32> to vector<32xbf16>
          %unpack3A_1261 = tpu.unpack_subelements %bitcast3A_1260, 0 {pack_format = #tpu.pack_format<interleaved>} : vector<32xbf16> -> vector<16xf32>
          %unpack3A_1262 = tpu.unpack_subelements %bitcast3A_1260, 1 {pack_format = #tpu.pack_format<interleaved>} : vector<32xbf16> -> vector<16xf32>
          %mul3A_1263 = arith.mulf %unpack3A_1255, %scan3A_267 : vector<16xf32>
          %exp3A_1264 = math.exp %mul3A_1263 : vector<16xf32>
          %mul3A_1265 = arith.mulf %unpack3A_1259, %exp3A_1264 : vector<16xf32>
          %add3A_1266 = arith.addf %unpack3A_1258, %mul3A_1265 : vector<16xf32>
          %mul3A_1267 = arith.constant 16 : i32
          %mul3A_1268 = arith.muli %scan3A_265, %mul3A_1267 : i32
          %swap3A_1269 = arith.constant 50 : i32
          %swap3A_1270 = arith.index_cast %swap3A_1269 : i32 to index
          %swap3A_1271 = arith.index_cast %mul3A_1268 : i32 to index
          %swap3A_1272 = tpu.vector_load %arg19[%swap3A_1270, %swap3A_1271] {strides = array<i32>} : memref<64x512xf32, #tpu.memory_space<vmem>>, vector<16xf32>,
          tpu.vector_store %arg19[%swap3A_1270, %swap3A_1271], %add3A_1266 {strides = array<i32>} : memref<64x512xf32, #tpu.memory_space<vmem>>, vector<16xf32>,
          %mul3A_1273 = arith.mulf %unpack3A_1256, %scan3A_267 : vector<16xf32>
          %exp3A_1274 = math.exp %mul3A_1273 : vector<16xf32>
          %mul3A_1275 = arith.mulf %unpack3A_1262, %exp3A_1274 : vector<16xf32>
          %add3A_1276 = arith.addf %unpack3A_1261, %mul3A_1275 : vector<16xf32>
          %mul3A_1277 = arith.constant 16 : i32
          %mul3A_1278 = arith.muli %scan3A_265, %mul3A_1277 : i32
          %swap3A_1279 = arith.constant 51 : i32
          %swap3A_1280 = arith.index_cast %swap3A_1279 : i32 to index
          %swap3A_1281 = arith.index_cast %mul3A_1278 : i32 to index
          %swap3A_1282 = tpu.vector_load %arg19[%swap3A_1280, %swap3A_1281] {strides = array<i32>} : memref<64x512xf32, #tpu.memory_space<vmem>>, vector<16xf32>,
          tpu.vector_store %arg19[%swap3A_1280, %swap3A_1281], %add3A_1276 {strides = array<i32>} : memref<64x512xf32, #tpu.memory_space<vmem>>, vector<16xf32>,
          %bitcast3A_1283 = vector.bitcast %gather3A_1071 : vector<16xf32> to vector<32xbf16>
          %unpack3A_1284 = tpu.unpack_subelements %bitcast3A_1283, 0 {pack_format = #tpu.pack_format<interleaved>} : vector<32xbf16> -> vector<16xf32>
          %unpack3A_1285 = tpu.unpack_subelements %bitcast3A_1283, 1 {pack_format = #tpu.pack_format<interleaved>} : vector<32xbf16> -> vector<16xf32>
          %bitcast3A_1286 = vector.bitcast %gather3A_1065 : vector<16xf32> to vector<32xbf16>
          %unpack3A_1287 = tpu.unpack_subelements %bitcast3A_1286, 0 {pack_format = #tpu.pack_format<interleaved>} : vector<32xbf16> -> vector<16xf32>
          %unpack3A_1288 = tpu.unpack_subelements %bitcast3A_1286, 1 {pack_format = #tpu.pack_format<interleaved>} : vector<32xbf16> -> vector<16xf32>
          %bitcast3A_1289 = vector.bitcast %gather3A_1066 : vector<16xf32> to vector<32xbf16>
          %unpack3A_1290 = tpu.unpack_subelements %bitcast3A_1289, 0 {pack_format = #tpu.pack_format<interleaved>} : vector<32xbf16> -> vector<16xf32>
          %unpack3A_1291 = tpu.unpack_subelements %bitcast3A_1289, 1 {pack_format = #tpu.pack_format<interleaved>} : vector<32xbf16> -> vector<16xf32>
          %mul3A_1292 = arith.mulf %unpack3A_1284, %scan3A_267 : vector<16xf32>
          %exp3A_1293 = math.exp %mul3A_1292 : vector<16xf32>
          %mul3A_1294 = arith.mulf %unpack3A_1288, %exp3A_1293 : vector<16xf32>
          %add3A_1295 = arith.addf %unpack3A_1287, %mul3A_1294 : vector<16xf32>
          %mul3A_1296 = arith.constant 16 : i32
          %mul3A_1297 = arith.muli %scan3A_265, %mul3A_1296 : i32
          %swap3A_1298 = arith.constant 52 : i32
          %swap3A_1299 = arith.index_cast %swap3A_1298 : i32 to index
          %swap3A_1300 = arith.index_cast %mul3A_1297 : i32 to index
          %swap3A_1301 = tpu.vector_load %arg19[%swap3A_1299, %swap3A_1300] {strides = array<i32>} : memref<64x512xf32, #tpu.memory_space<vmem>>, vector<16xf32>,
          tpu.vector_store %arg19[%swap3A_1299, %swap3A_1300], %add3A_1295 {strides = array<i32>} : memref<64x512xf32, #tpu.memory_space<vmem>>, vector<16xf32>,
          %mul3A_1302 = arith.mulf %unpack3A_1285, %scan3A_267 : vector<16xf32>
          %exp3A_1303 = math.exp %mul3A_1302 : vector<16xf32>
          %mul3A_1304 = arith.mulf %unpack3A_1291, %exp3A_1303 : vector<16xf32>
          %add3A_1305 = arith.addf %unpack3A_1290, %mul3A_1304 : vector<16xf32>
          %mul3A_1306 = arith.constant 16 : i32
          %mul3A_1307 = arith.muli %scan3A_265, %mul3A_1306 : i32
          %swap3A_1308 = arith.constant 53 : i32
          %swap3A_1309 = arith.index_cast %swap3A_1308 : i32 to index
          %swap3A_1310 = arith.index_cast %mul3A_1307 : i32 to index
          %swap3A_1311 = tpu.vector_load %arg19[%swap3A_1309, %swap3A_1310] {strides = array<i32>} : memref<64x512xf32, #tpu.memory_space<vmem>>, vector<16xf32>,
          tpu.vector_store %arg19[%swap3A_1309, %swap3A_1310], %add3A_1305 {strides = array<i32>} : memref<64x512xf32, #tpu.memory_space<vmem>>, vector<16xf32>,
          %bitcast3A_1312 = vector.bitcast %gather3A_1072 : vector<16xf32> to vector<32xbf16>
          %unpack3A_1313 = tpu.unpack_subelements %bitcast3A_1312, 0 {pack_format = #tpu.pack_format<interleaved>} : vector<32xbf16> -> vector<16xf32>
          %unpack3A_1314 = tpu.unpack_subelements %bitcast3A_1312, 1 {pack_format = #tpu.pack_format<interleaved>} : vector<32xbf16> -> vector<16xf32>
          %bitcast3A_1315 = vector.bitcast %gather3A_1067 : vector<16xf32> to vector<32xbf16>
          %unpack3A_1316 = tpu.unpack_subelements %bitcast3A_1315, 0 {pack_format = #tpu.pack_format<interleaved>} : vector<32xbf16> -> vector<16xf32>
          %unpack3A_1317 = tpu.unpack_subelements %bitcast3A_1315, 1 {pack_format = #tpu.pack_format<interleaved>} : vector<32xbf16> -> vector<16xf32>
          %bitcast3A_1318 = vector.bitcast %gather3A_1068 : vector<16xf32> to vector<32xbf16>
          %unpack3A_1319 = tpu.unpack_subelements %bitcast3A_1318, 0 {pack_format = #tpu.pack_format<interleaved>} : vector<32xbf16> -> vector<16xf32>
          %unpack3A_1320 = tpu.unpack_subelements %bitcast3A_1318, 1 {pack_format = #tpu.pack_format<interleaved>} : vector<32xbf16> -> vector<16xf32>
          %mul3A_1321 = arith.mulf %unpack3A_1313, %scan3A_267 : vector<16xf32>
          %exp3A_1322 = math.exp %mul3A_1321 : vector<16xf32>
          %mul3A_1323 = arith.mulf %unpack3A_1317, %exp3A_1322 : vector<16xf32>
          %add3A_1324 = arith.addf %unpack3A_1316, %mul3A_1323 : vector<16xf32>
          %mul3A_1325 = arith.constant 16 : i32
          %mul3A_1326 = arith.muli %scan3A_265, %mul3A_1325 : i32
          %swap3A_1327 = arith.constant 54 : i32
          %swap3A_1328 = arith.index_cast %swap3A_1327 : i32 to index
          %swap3A_1329 = arith.index_cast %mul3A_1326 : i32 to index
          %swap3A_1330 = tpu.vector_load %arg19[%swap3A_1328, %swap3A_1329] {strides = array<i32>} : memref<64x512xf32, #tpu.memory_space<vmem>>, vector<16xf32>,
          tpu.vector_store %arg19[%swap3A_1328, %swap3A_1329], %add3A_1324 {strides = array<i32>} : memref<64x512xf32, #tpu.memory_space<vmem>>, vector<16xf32>,
          %mul3A_1331 = arith.mulf %unpack3A_1314, %scan3A_267 : vector<16xf32>
          %exp3A_1332 = math.exp %mul3A_1331 : vector<16xf32>
          %mul3A_1333 = arith.mulf %unpack3A_1320, %exp3A_1332 : vector<16xf32>
          %add3A_1334 = arith.addf %unpack3A_1319, %mul3A_1333 : vector<16xf32>
          %mul3A_1335 = arith.constant 16 : i32
          %mul3A_1336 = arith.muli %scan3A_265, %mul3A_1335 : i32
          %swap3A_1337 = arith.constant 55 : i32
          %swap3A_1338 = arith.index_cast %swap3A_1337 : i32 to index
          %swap3A_1339 = arith.index_cast %mul3A_1336 : i32 to index
          %swap3A_1340 = tpu.vector_load %arg19[%swap3A_1338, %swap3A_1339] {strides = array<i32>} : memref<64x512xf32, #tpu.memory_space<vmem>>, vector<16xf32>,
          tpu.vector_store %arg19[%swap3A_1338, %swap3A_1339], %add3A_1334 {strides = array<i32>} : memref<64x512xf32, #tpu.memory_space<vmem>>, vector<16xf32>,
          %add3A_1341 = arith.constant 1 : i32
          %add3A_1342 = arith.addi %scan3A_265, %add3A_1341 : i32
          %mul3A_1343 = arith.constant 16 : i32
          %mul3A_1344 = arith.muli %add3A_1342, %mul3A_1343 : i32
          %add3A_1345 = arith.addi %mul3A_148, %mul3A_1344 : i32
          %get3A_1346 = arith.index_cast %add3A_1345 : i32 to index
          %get3A_1347 = tpu.vector_load %arg17[%get3A_1346] {strides = array<i32>} : memref<2064xi32, #tpu.memory_space<vmem>>, vector<16xi32>,
          %get3A_1348 = arith.index_cast %add3A_1345 : i32 to index
          %get3A_1349 = tpu.vector_load %arg18[%get3A_1348] {strides = array<i32>} : memref<2064xf32, #tpu.memory_space<vmem>>, vector<16xf32>,
          %broadcast_in_dim3A_1350 = arith.constant 0 : i32
          %broadcast_in_dim3A_1351 = vector.broadcast %broadcast_in_dim3A_1350 : i32 to vector<16xi32>
          %broadcast_in_dim3A_1352 = arith.constant 1 : i32
          %broadcast_in_dim3A_1353 = vector.broadcast %broadcast_in_dim3A_1352 : i32 to vector<16xi32>
          %broadcast_in_dim3A_1354 = arith.constant 2 : i32
          %broadcast_in_dim3A_1355 = vector.broadcast %broadcast_in_dim3A_1354 : i32 to vector<16xi32>
          %broadcast_in_dim3A_1356 = arith.constant 3 : i32
          %broadcast_in_dim3A_1357 = vector.broadcast %broadcast_in_dim3A_1356 : i32 to vector<16xi32>
          %broadcast_in_dim3A_1358 = arith.constant 4 : i32
          %broadcast_in_dim3A_1359 = vector.broadcast %broadcast_in_dim3A_1358 : i32 to vector<16xi32>
          %broadcast_in_dim3A_1360 = arith.constant 5 : i32
          %broadcast_in_dim3A_1361 = vector.broadcast %broadcast_in_dim3A_1360 : i32 to vector<16xi32>
          %broadcast_in_dim3A_1362 = arith.constant 6 : i32
          %broadcast_in_dim3A_1363 = vector.broadcast %broadcast_in_dim3A_1362 : i32 to vector<16xi32>
          %broadcast_in_dim3A_1364 = arith.constant 7 : i32
          %broadcast_in_dim3A_1365 = vector.broadcast %broadcast_in_dim3A_1364 : i32 to vector<16xi32>
          %broadcast_in_dim3A_1366 = arith.constant 0 : i32
          %broadcast_in_dim3A_1367 = vector.broadcast %broadcast_in_dim3A_1366 : i32 to vector<16xi32>
          %broadcast_in_dim3A_1368 = arith.constant 1 : i32
          %broadcast_in_dim3A_1369 = vector.broadcast %broadcast_in_dim3A_1368 : i32 to vector<16xi32>
          %broadcast_in_dim3A_1370 = arith.constant 2 : i32
          %broadcast_in_dim3A_1371 = vector.broadcast %broadcast_in_dim3A_1370 : i32 to vector<16xi32>
          %broadcast_in_dim3A_1372 = arith.constant 3 : i32
          %broadcast_in_dim3A_1373 = vector.broadcast %broadcast_in_dim3A_1372 : i32 to vector<16xi32>
          %gather3A_1374 = tpu.vector_load_idx %arg10[%broadcast_in_dim3A_1351, %get3A_1347] : memref<64x256xf32, #tpu.memory_space<vmem>>[vector<16xi32>, vector<16xi32>], vector<16xf32>,
          %gather3A_1375 = tpu.vector_load_idx %arg10[%broadcast_in_dim3A_1353, %get3A_1347] : memref<64x256xf32, #tpu.memory_space<vmem>>[vector<16xi32>, vector<16xi32>], vector<16xf32>,
          %gather3A_1376 = tpu.vector_load_idx %arg10[%broadcast_in_dim3A_1355, %get3A_1347] : memref<64x256xf32, #tpu.memory_space<vmem>>[vector<16xi32>, vector<16xi32>], vector<16xf32>,
          %gather3A_1377 = tpu.vector_load_idx %arg10[%broadcast_in_dim3A_1357, %get3A_1347] : memref<64x256xf32, #tpu.memory_space<vmem>>[vector<16xi32>, vector<16xi32>], vector<16xf32>,
          %gather3A_1378 = tpu.vector_load_idx %arg10[%broadcast_in_dim3A_1359, %get3A_1347] : memref<64x256xf32, #tpu.memory_space<vmem>>[vector<16xi32>, vector<16xi32>], vector<16xf32>,
          %gather3A_1379 = tpu.vector_load_idx %arg10[%broadcast_in_dim3A_1361, %get3A_1347] : memref<64x256xf32, #tpu.memory_space<vmem>>[vector<16xi32>, vector<16xi32>], vector<16xf32>,
          %gather3A_1380 = tpu.vector_load_idx %arg10[%broadcast_in_dim3A_1363, %get3A_1347] : memref<64x256xf32, #tpu.memory_space<vmem>>[vector<16xi32>, vector<16xi32>], vector<16xf32>,
          %gather3A_1381 = tpu.vector_load_idx %arg10[%broadcast_in_dim3A_1365, %get3A_1347] : memref<64x256xf32, #tpu.memory_space<vmem>>[vector<16xi32>, vector<16xi32>], vector<16xf32>,
          %gather3A_1382 = tpu.vector_load_idx %arg12[%broadcast_in_dim3A_1367, %get3A_1347] : memref<64x256xf32, #tpu.memory_space<vmem>>[vector<16xi32>, vector<16xi32>], vector<16xf32>,
          %gather3A_1383 = tpu.vector_load_idx %arg12[%broadcast_in_dim3A_1369, %get3A_1347] : memref<64x256xf32, #tpu.memory_space<vmem>>[vector<16xi32>, vector<16xi32>], vector<16xf32>,
          %gather3A_1384 = tpu.vector_load_idx %arg12[%broadcast_in_dim3A_1371, %get3A_1347] : memref<64x256xf32, #tpu.memory_space<vmem>>[vector<16xi32>, vector<16xi32>], vector<16xf32>,
          %gather3A_1385 = tpu.vector_load_idx %arg12[%broadcast_in_dim3A_1373, %get3A_1347] : memref<64x256xf32, #tpu.memory_space<vmem>>[vector<16xi32>, vector<16xi32>], vector<16xf32>,
          %bitcast3A_1386 = vector.bitcast %gather3A_1221 : vector<16xf32> to vector<32xbf16>
          %unpack3A_1387 = tpu.unpack_subelements %bitcast3A_1386, 0 {pack_format = #tpu.pack_format<interleaved>} : vector<32xbf16> -> vector<16xf32>
          %unpack3A_1388 = tpu.unpack_subelements %bitcast3A_1386, 1 {pack_format = #tpu.pack_format<interleaved>} : vector<32xbf16> -> vector<16xf32>
          %bitcast3A_1389 = vector.bitcast %gather3A_1213 : vector<16xf32> to vector<32xbf16>
          %unpack3A_1390 = tpu.unpack_subelements %bitcast3A_1389, 0 {pack_format = #tpu.pack_format<interleaved>} : vector<32xbf16> -> vector<16xf32>
          %unpack3A_1391 = tpu.unpack_subelements %bitcast3A_1389, 1 {pack_format = #tpu.pack_format<interleaved>} : vector<32xbf16> -> vector<16xf32>
          %bitcast3A_1392 = vector.bitcast %gather3A_1214 : vector<16xf32> to vector<32xbf16>
          %unpack3A_1393 = tpu.unpack_subelements %bitcast3A_1392, 0 {pack_format = #tpu.pack_format<interleaved>} : vector<32xbf16> -> vector<16xf32>
          %unpack3A_1394 = tpu.unpack_subelements %bitcast3A_1392, 1 {pack_format = #tpu.pack_format<interleaved>} : vector<32xbf16> -> vector<16xf32>
          %mul3A_1395 = arith.mulf %unpack3A_1387, %scan3A_267 : vector<16xf32>
          %exp3A_1396 = math.exp %mul3A_1395 : vector<16xf32>
          %mul3A_1397 = arith.mulf %unpack3A_1391, %exp3A_1396 : vector<16xf32>
          %add3A_1398 = arith.addf %unpack3A_1390, %mul3A_1397 : vector<16xf32>
          %mul3A_1399 = arith.constant 16 : i32
          %mul3A_1400 = arith.muli %scan3A_265, %mul3A_1399 : i32
          %swap3A_1401 = arith.constant 56 : i32
          %swap3A_1402 = arith.index_cast %swap3A_1401 : i32 to index
          %swap3A_1403 = arith.index_cast %mul3A_1400 : i32 to index
          %swap3A_1404 = tpu.vector_load %arg19[%swap3A_1402, %swap3A_1403] {strides = array<i32>} : memref<64x512xf32, #tpu.memory_space<vmem>>, vector<16xf32>,
          tpu.vector_store %arg19[%swap3A_1402, %swap3A_1403], %add3A_1398 {strides = array<i32>} : memref<64x512xf32, #tpu.memory_space<vmem>>, vector<16xf32>,
          %mul3A_1405 = arith.mulf %unpack3A_1388, %scan3A_267 : vector<16xf32>
          %exp3A_1406 = math.exp %mul3A_1405 : vector<16xf32>
          %mul3A_1407 = arith.mulf %unpack3A_1394, %exp3A_1406 : vector<16xf32>
          %add3A_1408 = arith.addf %unpack3A_1393, %mul3A_1407 : vector<16xf32>
          %mul3A_1409 = arith.constant 16 : i32
          %mul3A_1410 = arith.muli %scan3A_265, %mul3A_1409 : i32
          %swap3A_1411 = arith.constant 57 : i32
          %swap3A_1412 = arith.index_cast %swap3A_1411 : i32 to index
          %swap3A_1413 = arith.index_cast %mul3A_1410 : i32 to index
          %swap3A_1414 = tpu.vector_load %arg19[%swap3A_1412, %swap3A_1413] {strides = array<i32>} : memref<64x512xf32, #tpu.memory_space<vmem>>, vector<16xf32>,
          tpu.vector_store %arg19[%swap3A_1412, %swap3A_1413], %add3A_1408 {strides = array<i32>} : memref<64x512xf32, #tpu.memory_space<vmem>>, vector<16xf32>,
          %bitcast3A_1415 = vector.bitcast %gather3A_1222 : vector<16xf32> to vector<32xbf16>
          %unpack3A_1416 = tpu.unpack_subelements %bitcast3A_1415, 0 {pack_format = #tpu.pack_format<interleaved>} : vector<32xbf16> -> vector<16xf32>
          %unpack3A_1417 = tpu.unpack_subelements %bitcast3A_1415, 1 {pack_format = #tpu.pack_format<interleaved>} : vector<32xbf16> -> vector<16xf32>
          %bitcast3A_1418 = vector.bitcast %gather3A_1215 : vector<16xf32> to vector<32xbf16>
          %unpack3A_1419 = tpu.unpack_subelements %bitcast3A_1418, 0 {pack_format = #tpu.pack_format<interleaved>} : vector<32xbf16> -> vector<16xf32>
          %unpack3A_1420 = tpu.unpack_subelements %bitcast3A_1418, 1 {pack_format = #tpu.pack_format<interleaved>} : vector<32xbf16> -> vector<16xf32>
          %bitcast3A_1421 = vector.bitcast %gather3A_1216 : vector<16xf32> to vector<32xbf16>
          %unpack3A_1422 = tpu.unpack_subelements %bitcast3A_1421, 0 {pack_format = #tpu.pack_format<interleaved>} : vector<32xbf16> -> vector<16xf32>
          %unpack3A_1423 = tpu.unpack_subelements %bitcast3A_1421, 1 {pack_format = #tpu.pack_format<interleaved>} : vector<32xbf16> -> vector<16xf32>
          %mul3A_1424 = arith.mulf %unpack3A_1416, %scan3A_267 : vector<16xf32>
          %exp3A_1425 = math.exp %mul3A_1424 : vector<16xf32>
          %mul3A_1426 = arith.mulf %unpack3A_1420, %exp3A_1425 : vector<16xf32>
          %add3A_1427 = arith.addf %unpack3A_1419, %mul3A_1426 : vector<16xf32>
          %mul3A_1428 = arith.constant 16 : i32
          %mul3A_1429 = arith.muli %scan3A_265, %mul3A_1428 : i32
          %swap3A_1430 = arith.constant 58 : i32
          %swap3A_1431 = arith.index_cast %swap3A_1430 : i32 to index
          %swap3A_1432 = arith.index_cast %mul3A_1429 : i32 to index
          %swap3A_1433 = tpu.vector_load %arg19[%swap3A_1431, %swap3A_1432] {strides = array<i32>} : memref<64x512xf32, #tpu.memory_space<vmem>>, vector<16xf32>,
          tpu.vector_store %arg19[%swap3A_1431, %swap3A_1432], %add3A_1427 {strides = array<i32>} : memref<64x512xf32, #tpu.memory_space<vmem>>, vector<16xf32>,
          %mul3A_1434 = arith.mulf %unpack3A_1417, %scan3A_267 : vector<16xf32>
          %exp3A_1435 = math.exp %mul3A_1434 : vector<16xf32>
          %mul3A_1436 = arith.mulf %unpack3A_1423, %exp3A_1435 : vector<16xf32>
          %add3A_1437 = arith.addf %unpack3A_1422, %mul3A_1436 : vector<16xf32>
          %mul3A_1438 = arith.constant 16 : i32
          %mul3A_1439 = arith.muli %scan3A_265, %mul3A_1438 : i32
          %swap3A_1440 = arith.constant 59 : i32
          %swap3A_1441 = arith.index_cast %swap3A_1440 : i32 to index
          %swap3A_1442 = arith.index_cast %mul3A_1439 : i32 to index
          %swap3A_1443 = tpu.vector_load %arg19[%swap3A_1441, %swap3A_1442] {strides = array<i32>} : memref<64x512xf32, #tpu.memory_space<vmem>>, vector<16xf32>,
          tpu.vector_store %arg19[%swap3A_1441, %swap3A_1442], %add3A_1437 {strides = array<i32>} : memref<64x512xf32, #tpu.memory_space<vmem>>, vector<16xf32>,
          %bitcast3A_1444 = vector.bitcast %gather3A_1223 : vector<16xf32> to vector<32xbf16>
          %unpack3A_1445 = tpu.unpack_subelements %bitcast3A_1444, 0 {pack_format = #tpu.pack_format<interleaved>} : vector<32xbf16> -> vector<16xf32>
          %unpack3A_1446 = tpu.unpack_subelements %bitcast3A_1444, 1 {pack_format = #tpu.pack_format<interleaved>} : vector<32xbf16> -> vector<16xf32>
          %bitcast3A_1447 = vector.bitcast %gather3A_1217 : vector<16xf32> to vector<32xbf16>
          %unpack3A_1448 = tpu.unpack_subelements %bitcast3A_1447, 0 {pack_format = #tpu.pack_format<interleaved>} : vector<32xbf16> -> vector<16xf32>
          %unpack3A_1449 = tpu.unpack_subelements %bitcast3A_1447, 1 {pack_format = #tpu.pack_format<interleaved>} : vector<32xbf16> -> vector<16xf32>
          %bitcast3A_1450 = vector.bitcast %gather3A_1218 : vector<16xf32> to vector<32xbf16>
          %unpack3A_1451 = tpu.unpack_subelements %bitcast3A_1450, 0 {pack_format = #tpu.pack_format<interleaved>} : vector<32xbf16> -> vector<16xf32>
          %unpack3A_1452 = tpu.unpack_subelements %bitcast3A_1450, 1 {pack_format = #tpu.pack_format<interleaved>} : vector<32xbf16> -> vector<16xf32>
          %mul3A_1453 = arith.mulf %unpack3A_1445, %scan3A_267 : vector<16xf32>
          %exp3A_1454 = math.exp %mul3A_1453 : vector<16xf32>
          %mul3A_1455 = arith.mulf %unpack3A_1449, %exp3A_1454 : vector<16xf32>
          %add3A_1456 = arith.addf %unpack3A_1448, %mul3A_1455 : vector<16xf32>
          %mul3A_1457 = arith.constant 16 : i32
          %mul3A_1458 = arith.muli %scan3A_265, %mul3A_1457 : i32
          %swap3A_1459 = arith.constant 60 : i32
          %swap3A_1460 = arith.index_cast %swap3A_1459 : i32 to index
          %swap3A_1461 = arith.index_cast %mul3A_1458 : i32 to index
          %swap3A_1462 = tpu.vector_load %arg19[%swap3A_1460, %swap3A_1461] {strides = array<i32>} : memref<64x512xf32, #tpu.memory_space<vmem>>, vector<16xf32>,
          tpu.vector_store %arg19[%swap3A_1460, %swap3A_1461], %add3A_1456 {strides = array<i32>} : memref<64x512xf32, #tpu.memory_space<vmem>>, vector<16xf32>,
          %mul3A_1463 = arith.mulf %unpack3A_1446, %scan3A_267 : vector<16xf32>
          %exp3A_1464 = math.exp %mul3A_1463 : vector<16xf32>
          %mul3A_1465 = arith.mulf %unpack3A_1452, %exp3A_1464 : vector<16xf32>
          %add3A_1466 = arith.addf %unpack3A_1451, %mul3A_1465 : vector<16xf32>
          %mul3A_1467 = arith.constant 16 : i32
          %mul3A_1468 = arith.muli %scan3A_265, %mul3A_1467 : i32
          %swap3A_1469 = arith.constant 61 : i32
          %swap3A_1470 = arith.index_cast %swap3A_1469 : i32 to index
          %swap3A_1471 = arith.index_cast %mul3A_1468 : i32 to index
          %swap3A_1472 = tpu.vector_load %arg19[%swap3A_1470, %swap3A_1471] {strides = array<i32>} : memref<64x512xf32, #tpu.memory_space<vmem>>, vector<16xf32>,
          tpu.vector_store %arg19[%swap3A_1470, %swap3A_1471], %add3A_1466 {strides = array<i32>} : memref<64x512xf32, #tpu.memory_space<vmem>>, vector<16xf32>,
          %bitcast3A_1473 = vector.bitcast %gather3A_1224 : vector<16xf32> to vector<32xbf16>
          %unpack3A_1474 = tpu.unpack_subelements %bitcast3A_1473, 0 {pack_format = #tpu.pack_format<interleaved>} : vector<32xbf16> -> vector<16xf32>
          %unpack3A_1475 = tpu.unpack_subelements %bitcast3A_1473, 1 {pack_format = #tpu.pack_format<interleaved>} : vector<32xbf16> -> vector<16xf32>
          %bitcast3A_1476 = vector.bitcast %gather3A_1219 : vector<16xf32> to vector<32xbf16>
          %unpack3A_1477 = tpu.unpack_subelements %bitcast3A_1476, 0 {pack_format = #tpu.pack_format<interleaved>} : vector<32xbf16> -> vector<16xf32>
          %unpack3A_1478 = tpu.unpack_subelements %bitcast3A_1476, 1 {pack_format = #tpu.pack_format<interleaved>} : vector<32xbf16> -> vector<16xf32>
          %bitcast3A_1479 = vector.bitcast %gather3A_1220 : vector<16xf32> to vector<32xbf16>
          %unpack3A_1480 = tpu.unpack_subelements %bitcast3A_1479, 0 {pack_format = #tpu.pack_format<interleaved>} : vector<32xbf16> -> vector<16xf32>
          %unpack3A_1481 = tpu.unpack_subelements %bitcast3A_1479, 1 {pack_format = #tpu.pack_format<interleaved>} : vector<32xbf16> -> vector<16xf32>
          %mul3A_1482 = arith.mulf %unpack3A_1474, %scan3A_267 : vector<16xf32>
          %exp3A_1483 = math.exp %mul3A_1482 : vector<16xf32>
          %mul3A_1484 = arith.mulf %unpack3A_1478, %exp3A_1483 : vector<16xf32>
          %add3A_1485 = arith.addf %unpack3A_1477, %mul3A_1484 : vector<16xf32>
          %mul3A_1486 = arith.constant 16 : i32
          %mul3A_1487 = arith.muli %scan3A_265, %mul3A_1486 : i32
          %swap3A_1488 = arith.constant 62 : i32
          %swap3A_1489 = arith.index_cast %swap3A_1488 : i32 to index
          %swap3A_1490 = arith.index_cast %mul3A_1487 : i32 to index
          %swap3A_1491 = tpu.vector_load %arg19[%swap3A_1489, %swap3A_1490] {strides = array<i32>} : memref<64x512xf32, #tpu.memory_space<vmem>>, vector<16xf32>,
          tpu.vector_store %arg19[%swap3A_1489, %swap3A_1490], %add3A_1485 {strides = array<i32>} : memref<64x512xf32, #tpu.memory_space<vmem>>, vector<16xf32>,
          %mul3A_1492 = arith.mulf %unpack3A_1475, %scan3A_267 : vector<16xf32>
          %exp3A_1493 = math.exp %mul3A_1492 : vector<16xf32>
          %mul3A_1494 = arith.mulf %unpack3A_1481, %exp3A_1493 : vector<16xf32>
          %add3A_1495 = arith.addf %unpack3A_1480, %mul3A_1494 : vector<16xf32>
          %mul3A_1496 = arith.constant 16 : i32
          %mul3A_1497 = arith.muli %scan3A_265, %mul3A_1496 : i32
          %swap3A_1498 = arith.constant 63 : i32
          %swap3A_1499 = arith.index_cast %swap3A_1498 : i32 to index
          %swap3A_1500 = arith.index_cast %mul3A_1497 : i32 to index
          %swap3A_1501 = tpu.vector_load %arg19[%swap3A_1499, %swap3A_1500] {strides = array<i32>} : memref<64x512xf32, #tpu.memory_space<vmem>>, vector<16xf32>,
          tpu.vector_store %arg19[%swap3A_1499, %swap3A_1500], %add3A_1495 {strides = array<i32>} : memref<64x512xf32, #tpu.memory_space<vmem>>, vector<16xf32>,
          scf.yield %get3A_1347, %get3A_1349, %gather3A_1374, %gather3A_1375, %gather3A_1376, %gather3A_1377, %gather3A_1378, %gather3A_1379, %gather3A_1380, %gather3A_1381, %gather3A_1382, %gather3A_1383, %gather3A_1384, %gather3A_1385 : vector<16xi32>, vector<16xf32>, vector<16xf32>, vector<16xf32>, vector<16xf32>, vector<16xf32>, vector<16xf32>, vector<16xf32>, vector<16xf32>, vector<16xf32>, vector<16xf32>, vector<16xf32>, vector<16xf32>, vector<16xf32>
        }
        %scan3A_193 = arith.constant 32 : i32
        %mul3A_194 = arith.constant 512 : i32
        %mul3A_195 = arith.muli %mul3A_141, %mul3A_194 : i32
        %dma_start3A_196 = arith.constant 0 : i32
        %dma_start3A_197 = tpu.memref_slice %arg9[%select_n3A, %dma_start3A_196, %select_n3A_64, %mul3A_195] : memref<8x64x16x2048xf32, #tpu.memory_space<hbm>> -> memref<1x64x1x512xf32, #tpu.memory_space<hbm>>
        %dma_start3A_198 = tpu.memref_squeeze %dma_start3A_197 : memref<1x64x1x512xf32, #tpu.memory_space<hbm>> -> memref<64x512xf32, #tpu.memory_space<hbm>>
        %dma_start3A_199 = arith.constant 0 : i32
        %dma_start3A_200 = tpu.memref_slice %arg9[%select_n3A, %dma_start3A_199, %select_n3A_64, %mul3A_195] : memref<8x64x16x2048xf32, #tpu.memory_space<hbm>> -> memref<1x64x1x512xf32, #tpu.memory_space<hbm>>
        %dma_start3A_201 = tpu.memref_squeeze %dma_start3A_200 : memref<1x64x1x512xf32, #tpu.memory_space<hbm>> -> memref<64x512xf32, #tpu.memory_space<hbm>>
        tpu.enqueue_dma source(%arg19 : memref<64x512xf32, #tpu.memory_space<vmem>>) target(%dma_start3A_201 : memref<64x512xf32, #tpu.memory_space<hbm>>) target_semaphore(%arg22 : memref<!tpu.dma_semaphore, #tpu.memory_space<semaphore_mem>>)
        %convert_element_type3A_202 = arith.extui %gt3A_145 : i1 to i32
        %cond3A_203 = arith.constant 0 : i32
        %cond3A_204 = arith.cmpi ne, %convert_element_type3A_202, %cond3A_203 : i32
        scf.if %cond3A_204 {
          %dma_wait3A_265 = arith.constant 0 : i32
          %dma_wait3A_266 = arith.constant 0 : i32
          %dma_wait3A_267 = arith.constant 0 : i32
          %dma_wait3A_268 = arith.constant 0 : i32
          %dma_wait3A_269 = tpu.memref_slice %arg9[%dma_wait3A_265, %dma_wait3A_267, %dma_wait3A_266, %dma_wait3A_268] : memref<8x64x16x2048xf32, #tpu.memory_space<hbm>> -> memref<1x64x1x512xf32, #tpu.memory_space<hbm>>
          %dma_wait3A_270 = tpu.memref_squeeze %dma_wait3A_269 : memref<1x64x1x512xf32, #tpu.memory_space<hbm>> -> memref<64x512xf32, #tpu.memory_space<hbm>>
          %dma_wait3A_271 = arith.constant 0 : i32
          %dma_wait3A_272 = arith.constant 0 : i32
          %dma_wait3A_273 = tpu.memref_slice %arg9[%dma_wait3A_265, %dma_wait3A_271, %dma_wait3A_266, %dma_wait3A_272] : memref<8x64x16x2048xf32, #tpu.memory_space<hbm>> -> memref<1x64x1x512xf32, #tpu.memory_space<hbm>>
          %dma_wait3A_274 = tpu.memref_squeeze %dma_wait3A_273 : memref<1x64x1x512xf32, #tpu.memory_space<hbm>> -> memref<64x512xf32, #tpu.memory_space<hbm>>
          tpu.wait_dma2 semaphore(%arg23 : memref<!tpu.dma_semaphore, #tpu.memory_space<semaphore_mem>>) src(%dma_wait3A_274 : memref<64x512xf32, #tpu.memory_space<hbm>>) dst(%arg20 : memref<64x512xf32, #tpu.memory_space<vmem>>)
        } else {
        }
        %add3A_205 = arith.constant 1 : i32
        %add3A_206 = arith.addi %mul3A_141, %add3A_205 : i32
        %mul3A_207 = arith.constant 512 : i32
        %mul3A_208 = arith.muli %add3A_206, %mul3A_207 : i32
        %get3A_209 = arith.index_cast %mul3A_208 : i32 to index
        %get3A_210 = tpu.vector_load %arg17[%get3A_209] {strides = array<i32>} : memref<2064xi32, #tpu.memory_space<vmem>>, vector<16xi32>,
        %get3A_211 = arith.index_cast %mul3A_208 : i32 to index
        %get3A_212 = tpu.vector_load %arg18[%get3A_211] {strides = array<i32>} : memref<2064xf32, #tpu.memory_space<vmem>>, vector<16xf32>,
        %broadcast_in_dim3A_213 = arith.constant 0 : i32
        %broadcast_in_dim3A_214 = vector.broadcast %broadcast_in_dim3A_213 : i32 to vector<16xi32>
        %broadcast_in_dim3A_215 = arith.constant 1 : i32
        %broadcast_in_dim3A_216 = vector.broadcast %broadcast_in_dim3A_215 : i32 to vector<16xi32>
        %broadcast_in_dim3A_217 = arith.constant 2 : i32
        %broadcast_in_dim3A_218 = vector.broadcast %broadcast_in_dim3A_217 : i32 to vector<16xi32>
        %broadcast_in_dim3A_219 = arith.constant 3 : i32
        %broadcast_in_dim3A_220 = vector.broadcast %broadcast_in_dim3A_219 : i32 to vector<16xi32>
        %broadcast_in_dim3A_221 = arith.constant 4 : i32
        %broadcast_in_dim3A_222 = vector.broadcast %broadcast_in_dim3A_221 : i32 to vector<16xi32>
        %broadcast_in_dim3A_223 = arith.constant 5 : i32
        %broadcast_in_dim3A_224 = vector.broadcast %broadcast_in_dim3A_223 : i32 to vector<16xi32>
        %broadcast_in_dim3A_225 = arith.constant 6 : i32
        %broadcast_in_dim3A_226 = vector.broadcast %broadcast_in_dim3A_225 : i32 to vector<16xi32>
        %broadcast_in_dim3A_227 = arith.constant 7 : i32
        %broadcast_in_dim3A_228 = vector.broadcast %broadcast_in_dim3A_227 : i32 to vector<16xi32>
        %broadcast_in_dim3A_229 = arith.constant 0 : i32
        %broadcast_in_dim3A_230 = vector.broadcast %broadcast_in_dim3A_229 : i32 to vector<16xi32>
        %broadcast_in_dim3A_231 = arith.constant 1 : i32
        %broadcast_in_dim3A_232 = vector.broadcast %broadcast_in_dim3A_231 : i32 to vector<16xi32>
        %broadcast_in_dim3A_233 = arith.constant 2 : i32
        %broadcast_in_dim3A_234 = vector.broadcast %broadcast_in_dim3A_233 : i32 to vector<16xi32>
        %broadcast_in_dim3A_235 = arith.constant 3 : i32
        %broadcast_in_dim3A_236 = vector.broadcast %broadcast_in_dim3A_235 : i32 to vector<16xi32>
        %gather3A_237 = tpu.vector_load_idx %arg10[%broadcast_in_dim3A_214, %get3A_210] : memref<64x256xf32, #tpu.memory_space<vmem>>[vector<16xi32>, vector<16xi32>], vector<16xf32>,
        %gather3A_238 = tpu.vector_load_idx %arg10[%broadcast_in_dim3A_216, %get3A_210] : memref<64x256xf32, #tpu.memory_space<vmem>>[vector<16xi32>, vector<16xi32>], vector<16xf32>,
        %gather3A_239 = tpu.vector_load_idx %arg10[%broadcast_in_dim3A_218, %get3A_210] : memref<64x256xf32, #tpu.memory_space<vmem>>[vector<16xi32>, vector<16xi32>], vector<16xf32>,
        %gather3A_240 = tpu.vector_load_idx %arg10[%broadcast_in_dim3A_220, %get3A_210] : memref<64x256xf32, #tpu.memory_space<vmem>>[vector<16xi32>, vector<16xi32>], vector<16xf32>,
        %gather3A_241 = tpu.vector_load_idx %arg10[%broadcast_in_dim3A_222, %get3A_210] : memref<64x256xf32, #tpu.memory_space<vmem>>[vector<16xi32>, vector<16xi32>], vector<16xf32>,
        %gather3A_242 = tpu.vector_load_idx %arg10[%broadcast_in_dim3A_224, %get3A_210] : memref<64x256xf32, #tpu.memory_space<vmem>>[vector<16xi32>, vector<16xi32>], vector<16xf32>,
        %gather3A_243 = tpu.vector_load_idx %arg10[%broadcast_in_dim3A_226, %get3A_210] : memref<64x256xf32, #tpu.memory_space<vmem>>[vector<16xi32>, vector<16xi32>], vector<16xf32>,
        %gather3A_244 = tpu.vector_load_idx %arg10[%broadcast_in_dim3A_228, %get3A_210] : memref<64x256xf32, #tpu.memory_space<vmem>>[vector<16xi32>, vector<16xi32>], vector<16xf32>,
        %gather3A_245 = tpu.vector_load_idx %arg12[%broadcast_in_dim3A_230, %get3A_210] : memref<64x256xf32, #tpu.memory_space<vmem>>[vector<16xi32>, vector<16xi32>], vector<16xf32>,
        %gather3A_246 = tpu.vector_load_idx %arg12[%broadcast_in_dim3A_232, %get3A_210] : memref<64x256xf32, #tpu.memory_space<vmem>>[vector<16xi32>, vector<16xi32>], vector<16xf32>,
        %gather3A_247 = tpu.vector_load_idx %arg12[%broadcast_in_dim3A_234, %get3A_210] : memref<64x256xf32, #tpu.memory_space<vmem>>[vector<16xi32>, vector<16xi32>], vector<16xf32>,
        %gather3A_248 = tpu.vector_load_idx %arg12[%broadcast_in_dim3A_236, %get3A_210] : memref<64x256xf32, #tpu.memory_space<vmem>>[vector<16xi32>, vector<16xi32>], vector<16xf32>,
        %scan3A_249 = arith.constant 0 : i32
        %scan3A_250 = arith.constant 32 : i32
        %scan3A_251 = arith.addi %scan3A_249, %scan3A_250 : i32
        %scan3A_252 = arith.constant 1 : i32
        %scan3A_253:14 = scf.for %scan3A_265 = %scan3A_249 to %scan3A_251 step %scan3A_252 iter_args(%scan3A_266 = %get3A_210, %scan3A_267 = %get3A_212, %scan3A_268 = %gather3A_237, %scan3A_269 = %gather3A_238, %scan3A_270 = %gather3A_239, %scan3A_271 = %gather3A_240, %scan3A_272 = %gather3A_241, %scan3A_273 = %gather3A_242, %scan3A_274 = %gather3A_243, %scan3A_275 = %gather3A_244, %scan3A_276 = %gather3A_245, %scan3A_277 = %gather3A_246, %scan3A_278 = %gather3A_247, %scan3A_279 = %gather3A_248) -> (vector<16xi32>, vector<16xf32>, vector<16xf32>, vector<16xf32>, vector<16xf32>, vector<16xf32>, vector<16xf32>, vector<16xf32>, vector<16xf32>, vector<16xf32>, vector<16xf32>, vector<16xf32>, vector<16xf32>, vector<16xf32>)  : i32 {
          %broadcast_in_dim3A_280 = arith.constant 8 : i32
          %broadcast_in_dim3A_281 = vector.broadcast %broadcast_in_dim3A_280 : i32 to vector<16xi32>
          %broadcast_in_dim3A_282 = arith.constant 9 : i32
          %broadcast_in_dim3A_283 = vector.broadcast %broadcast_in_dim3A_282 : i32 to vector<16xi32>
          %broadcast_in_dim3A_284 = arith.constant 10 : i32
          %broadcast_in_dim3A_285 = vector.broadcast %broadcast_in_dim3A_284 : i32 to vector<16xi32>
          %broadcast_in_dim3A_286 = arith.constant 11 : i32
          %broadcast_in_dim3A_287 = vector.broadcast %broadcast_in_dim3A_286 : i32 to vector<16xi32>
          %broadcast_in_dim3A_288 = arith.constant 12 : i32
          %broadcast_in_dim3A_289 = vector.broadcast %broadcast_in_dim3A_288 : i32 to vector<16xi32>
          %broadcast_in_dim3A_290 = arith.constant 13 : i32
          %broadcast_in_dim3A_291 = vector.broadcast %broadcast_in_dim3A_290 : i32 to vector<16xi32>
          %broadcast_in_dim3A_292 = arith.constant 14 : i32
          %broadcast_in_dim3A_293 = vector.broadcast %broadcast_in_dim3A_292 : i32 to vector<16xi32>
          %broadcast_in_dim3A_294 = arith.constant 15 : i32
          %broadcast_in_dim3A_295 = vector.broadcast %broadcast_in_dim3A_294 : i32 to vector<16xi32>
          %broadcast_in_dim3A_296 = arith.constant 4 : i32
          %broadcast_in_dim3A_297 = vector.broadcast %broadcast_in_dim3A_296 : i32 to vector<16xi32>
          %broadcast_in_dim3A_298 = arith.constant 5 : i32
          %broadcast_in_dim3A_299 = vector.broadcast %broadcast_in_dim3A_298 : i32 to vector<16xi32>
          %broadcast_in_dim3A_300 = arith.constant 6 : i32
          %broadcast_in_dim3A_301 = vector.broadcast %broadcast_in_dim3A_300 : i32 to vector<16xi32>
          %broadcast_in_dim3A_302 = arith.constant 7 : i32
          %broadcast_in_dim3A_303 = vector.broadcast %broadcast_in_dim3A_302 : i32 to vector<16xi32>
          %gather3A_304 = tpu.vector_load_idx %arg10[%broadcast_in_dim3A_281, %scan3A_266] : memref<64x256xf32, #tpu.memory_space<vmem>>[vector<16xi32>, vector<16xi32>], vector<16xf32>,
          %gather3A_305 = tpu.vector_load_idx %arg10[%broadcast_in_dim3A_283, %scan3A_266] : memref<64x256xf32, #tpu.memory_space<vmem>>[vector<16xi32>, vector<16xi32>], vector<16xf32>,
          %gather3A_306 = tpu.vector_load_idx %arg10[%broadcast_in_dim3A_285, %scan3A_266] : memref<64x256xf32, #tpu.memory_space<vmem>>[vector<16xi32>, vector<16xi32>], vector<16xf32>,
          %gather3A_307 = tpu.vector_load_idx %arg10[%broadcast_in_dim3A_287, %scan3A_266] : memref<64x256xf32, #tpu.memory_space<vmem>>[vector<16xi32>, vector<16xi32>], vector<16xf32>,
          %gather3A_308 = tpu.vector_load_idx %arg10[%broadcast_in_dim3A_289, %scan3A_266] : memref<64x256xf32, #tpu.memory_space<vmem>>[vector<16xi32>, vector<16xi32>], vector<16xf32>,
          %gather3A_309 = tpu.vector_load_idx %arg10[%broadcast_in_dim3A_291, %scan3A_266] : memref<64x256xf32, #tpu.memory_space<vmem>>[vector<16xi32>, vector<16xi32>], vector<16xf32>,
          %gather3A_310 = tpu.vector_load_idx %arg10[%broadcast_in_dim3A_293, %scan3A_266] : memref<64x256xf32, #tpu.memory_space<vmem>>[vector<16xi32>, vector<16xi32>], vector<16xf32>,
          %gather3A_311 = tpu.vector_load_idx %arg10[%broadcast_in_dim3A_295, %scan3A_266] : memref<64x256xf32, #tpu.memory_space<vmem>>[vector<16xi32>, vector<16xi32>], vector<16xf32>,
          %gather3A_312 = tpu.vector_load_idx %arg12[%broadcast_in_dim3A_297, %scan3A_266] : memref<64x256xf32, #tpu.memory_space<vmem>>[vector<16xi32>, vector<16xi32>], vector<16xf32>,
          %gather3A_313 = tpu.vector_load_idx %arg12[%broadcast_in_dim3A_299, %scan3A_266] : memref<64x256xf32, #tpu.memory_space<vmem>>[vector<16xi32>, vector<16xi32>], vector<16xf32>,
          %gather3A_314 = tpu.vector_load_idx %arg12[%broadcast_in_dim3A_301, %scan3A_266] : memref<64x256xf32, #tpu.memory_space<vmem>>[vector<16xi32>, vector<16xi32>], vector<16xf32>,
          %gather3A_315 = tpu.vector_load_idx %arg12[%broadcast_in_dim3A_303, %scan3A_266] : memref<64x256xf32, #tpu.memory_space<vmem>>[vector<16xi32>, vector<16xi32>], vector<16xf32>,
          %bitcast3A = vector.bitcast %scan3A_276 : vector<16xf32> to vector<32xbf16>
          %unpack3A = tpu.unpack_subelements %bitcast3A, 0 {pack_format = #tpu.pack_format<interleaved>} : vector<32xbf16> -> vector<16xf32>
          %unpack3A_316 = tpu.unpack_subelements %bitcast3A, 1 {pack_format = #tpu.pack_format<interleaved>} : vector<32xbf16> -> vector<16xf32>
          %bitcast3A_317 = vector.bitcast %scan3A_268 : vector<16xf32> to vector<32xbf16>
          %unpack3A_318 = tpu.unpack_subelements %bitcast3A_317, 0 {pack_format = #tpu.pack_format<interleaved>} : vector<32xbf16> -> vector<16xf32>
          %unpack3A_319 = tpu.unpack_subelements %bitcast3A_317, 1 {pack_format = #tpu.pack_format<interleaved>} : vector<32xbf16> -> vector<16xf32>
          %bitcast3A_320 = vector.bitcast %scan3A_269 : vector<16xf32> to vector<32xbf16>
          %unpack3A_321 = tpu.unpack_subelements %bitcast3A_320, 0 {pack_format = #tpu.pack_format<interleaved>} : vector<32xbf16> -> vector<16xf32>
          %unpack3A_322 = tpu.unpack_subelements %bitcast3A_320, 1 {pack_format = #tpu.pack_format<interleaved>} : vector<32xbf16> -> vector<16xf32>
          %mul3A_323 = arith.mulf %unpack3A, %scan3A_267 : vector<16xf32>
          %exp3A = math.exp %mul3A_323 : vector<16xf32>
          %mul3A_324 = arith.mulf %unpack3A_319, %exp3A : vector<16xf32>
          %add3A_325 = arith.addf %unpack3A_318, %mul3A_324 : vector<16xf32>
          %mul3A_326 = arith.constant 16 : i32
          %mul3A_327 = arith.muli %scan3A_265, %mul3A_326 : i32
          %swap3A_328 = arith.constant 0 : i32
          %swap3A_329 = arith.index_cast %swap3A_328 : i32 to index
          %swap3A_330 = arith.index_cast %mul3A_327 : i32 to index
          %swap3A_331 = tpu.vector_load %arg20[%swap3A_329, %swap3A_330] {strides = array<i32>} : memref<64x512xf32, #tpu.memory_space<vmem>>, vector<16xf32>,
          tpu.vector_store %arg20[%swap3A_329, %swap3A_330], %add3A_325 {strides = array<i32>} : memref<64x512xf32, #tpu.memory_space<vmem>>, vector<16xf32>,
          %mul3A_332 = arith.mulf %unpack3A_316, %scan3A_267 : vector<16xf32>
          %exp3A_333 = math.exp %mul3A_332 : vector<16xf32>
          %mul3A_334 = arith.mulf %unpack3A_322, %exp3A_333 : vector<16xf32>
          %add3A_335 = arith.addf %unpack3A_321, %mul3A_334 : vector<16xf32>
          %mul3A_336 = arith.constant 16 : i32
          %mul3A_337 = arith.muli %scan3A_265, %mul3A_336 : i32
          %swap3A_338 = arith.constant 1 : i32
          %swap3A_339 = arith.index_cast %swap3A_338 : i32 to index
          %swap3A_340 = arith.index_cast %mul3A_337 : i32 to index
          %swap3A_341 = tpu.vector_load %arg20[%swap3A_339, %swap3A_340] {strides = array<i32>} : memref<64x512xf32, #tpu.memory_space<vmem>>, vector<16xf32>,
          tpu.vector_store %arg20[%swap3A_339, %swap3A_340], %add3A_335 {strides = array<i32>} : memref<64x512xf32, #tpu.memory_space<vmem>>, vector<16xf32>,
          %bitcast3A_342 = vector.bitcast %scan3A_277 : vector<16xf32> to vector<32xbf16>
          %unpack3A_343 = tpu.unpack_subelements %bitcast3A_342, 0 {pack_format = #tpu.pack_format<interleaved>} : vector<32xbf16> -> vector<16xf32>
          %unpack3A_344 = tpu.unpack_subelements %bitcast3A_342, 1 {pack_format = #tpu.pack_format<interleaved>} : vector<32xbf16> -> vector<16xf32>
          %bitcast3A_345 = vector.bitcast %scan3A_270 : vector<16xf32> to vector<32xbf16>
          %unpack3A_346 = tpu.unpack_subelements %bitcast3A_345, 0 {pack_format = #tpu.pack_format<interleaved>} : vector<32xbf16> -> vector<16xf32>
          %unpack3A_347 = tpu.unpack_subelements %bitcast3A_345, 1 {pack_format = #tpu.pack_format<interleaved>} : vector<32xbf16> -> vector<16xf32>
          %bitcast3A_348 = vector.bitcast %scan3A_271 : vector<16xf32> to vector<32xbf16>
          %unpack3A_349 = tpu.unpack_subelements %bitcast3A_348, 0 {pack_format = #tpu.pack_format<interleaved>} : vector<32xbf16> -> vector<16xf32>
          %unpack3A_350 = tpu.unpack_subelements %bitcast3A_348, 1 {pack_format = #tpu.pack_format<interleaved>} : vector<32xbf16> -> vector<16xf32>
          %mul3A_351 = arith.mulf %unpack3A_343, %scan3A_267 : vector<16xf32>
          %exp3A_352 = math.exp %mul3A_351 : vector<16xf32>
          %mul3A_353 = arith.mulf %unpack3A_347, %exp3A_352 : vector<16xf32>
          %add3A_354 = arith.addf %unpack3A_346, %mul3A_353 : vector<16xf32>
          %mul3A_355 = arith.constant 16 : i32
          %mul3A_356 = arith.muli %scan3A_265, %mul3A_355 : i32
          %swap3A_357 = arith.constant 2 : i32
          %swap3A_358 = arith.index_cast %swap3A_357 : i32 to index
          %swap3A_359 = arith.index_cast %mul3A_356 : i32 to index
          %swap3A_360 = tpu.vector_load %arg20[%swap3A_358, %swap3A_359] {strides = array<i32>} : memref<64x512xf32, #tpu.memory_space<vmem>>, vector<16xf32>,
          tpu.vector_store %arg20[%swap3A_358, %swap3A_359], %add3A_354 {strides = array<i32>} : memref<64x512xf32, #tpu.memory_space<vmem>>, vector<16xf32>,
          %mul3A_361 = arith.mulf %unpack3A_344, %scan3A_267 : vector<16xf32>
          %exp3A_362 = math.exp %mul3A_361 : vector<16xf32>
          %mul3A_363 = arith.mulf %unpack3A_350, %exp3A_362 : vector<16xf32>
          %add3A_364 = arith.addf %unpack3A_349, %mul3A_363 : vector<16xf32>
          %mul3A_365 = arith.constant 16 : i32
          %mul3A_366 = arith.muli %scan3A_265, %mul3A_365 : i32
          %swap3A_367 = arith.constant 3 : i32
          %swap3A_368 = arith.index_cast %swap3A_367 : i32 to index
          %swap3A_369 = arith.index_cast %mul3A_366 : i32 to index
          %swap3A_370 = tpu.vector_load %arg20[%swap3A_368, %swap3A_369] {strides = array<i32>} : memref<64x512xf32, #tpu.memory_space<vmem>>, vector<16xf32>,
          tpu.vector_store %arg20[%swap3A_368, %swap3A_369], %add3A_364 {strides = array<i32>} : memref<64x512xf32, #tpu.memory_space<vmem>>, vector<16xf32>,
          %bitcast3A_371 = vector.bitcast %scan3A_278 : vector<16xf32> to vector<32xbf16>
          %unpack3A_372 = tpu.unpack_subelements %bitcast3A_371, 0 {pack_format = #tpu.pack_format<interleaved>} : vector<32xbf16> -> vector<16xf32>
          %unpack3A_373 = tpu.unpack_subelements %bitcast3A_371, 1 {pack_format = #tpu.pack_format<interleaved>} : vector<32xbf16> -> vector<16xf32>
          %bitcast3A_374 = vector.bitcast %scan3A_272 : vector<16xf32> to vector<32xbf16>
          %unpack3A_375 = tpu.unpack_subelements %bitcast3A_374, 0 {pack_format = #tpu.pack_format<interleaved>} : vector<32xbf16> -> vector<16xf32>
          %unpack3A_376 = tpu.unpack_subelements %bitcast3A_374, 1 {pack_format = #tpu.pack_format<interleaved>} : vector<32xbf16> -> vector<16xf32>
          %bitcast3A_377 = vector.bitcast %scan3A_273 : vector<16xf32> to vector<32xbf16>
          %unpack3A_378 = tpu.unpack_subelements %bitcast3A_377, 0 {pack_format = #tpu.pack_format<interleaved>} : vector<32xbf16> -> vector<16xf32>
          %unpack3A_379 = tpu.unpack_subelements %bitcast3A_377, 1 {pack_format = #tpu.pack_format<interleaved>} : vector<32xbf16> -> vector<16xf32>
          %mul3A_380 = arith.mulf %unpack3A_372, %scan3A_267 : vector<16xf32>
          %exp3A_381 = math.exp %mul3A_380 : vector<16xf32>
          %mul3A_382 = arith.mulf %unpack3A_376, %exp3A_381 : vector<16xf32>
          %add3A_383 = arith.addf %unpack3A_375, %mul3A_382 : vector<16xf32>
          %mul3A_384 = arith.constant 16 : i32
          %mul3A_385 = arith.muli %scan3A_265, %mul3A_384 : i32
          %swap3A_386 = arith.constant 4 : i32
          %swap3A_387 = arith.index_cast %swap3A_386 : i32 to index
          %swap3A_388 = arith.index_cast %mul3A_385 : i32 to index
          %swap3A_389 = tpu.vector_load %arg20[%swap3A_387, %swap3A_388] {strides = array<i32>} : memref<64x512xf32, #tpu.memory_space<vmem>>, vector<16xf32>,
          tpu.vector_store %arg20[%swap3A_387, %swap3A_388], %add3A_383 {strides = array<i32>} : memref<64x512xf32, #tpu.memory_space<vmem>>, vector<16xf32>,
          %mul3A_390 = arith.mulf %unpack3A_373, %scan3A_267 : vector<16xf32>
          %exp3A_391 = math.exp %mul3A_390 : vector<16xf32>
          %mul3A_392 = arith.mulf %unpack3A_379, %exp3A_391 : vector<16xf32>
          %add3A_393 = arith.addf %unpack3A_378, %mul3A_392 : vector<16xf32>
          %mul3A_394 = arith.constant 16 : i32
          %mul3A_395 = arith.muli %scan3A_265, %mul3A_394 : i32
          %swap3A_396 = arith.constant 5 : i32
          %swap3A_397 = arith.index_cast %swap3A_396 : i32 to index
          %swap3A_398 = arith.index_cast %mul3A_395 : i32 to index
          %swap3A_399 = tpu.vector_load %arg20[%swap3A_397, %swap3A_398] {strides = array<i32>} : memref<64x512xf32, #tpu.memory_space<vmem>>, vector<16xf32>,
          tpu.vector_store %arg20[%swap3A_397, %swap3A_398], %add3A_393 {strides = array<i32>} : memref<64x512xf32, #tpu.memory_space<vmem>>, vector<16xf32>,
          %bitcast3A_400 = vector.bitcast %scan3A_279 : vector<16xf32> to vector<32xbf16>
          %unpack3A_401 = tpu.unpack_subelements %bitcast3A_400, 0 {pack_format = #tpu.pack_format<interleaved>} : vector<32xbf16> -> vector<16xf32>
          %unpack3A_402 = tpu.unpack_subelements %bitcast3A_400, 1 {pack_format = #tpu.pack_format<interleaved>} : vector<32xbf16> -> vector<16xf32>
          %bitcast3A_403 = vector.bitcast %scan3A_274 : vector<16xf32> to vector<32xbf16>
          %unpack3A_404 = tpu.unpack_subelements %bitcast3A_403, 0 {pack_format = #tpu.pack_format<interleaved>} : vector<32xbf16> -> vector<16xf32>
          %unpack3A_405 = tpu.unpack_subelements %bitcast3A_403, 1 {pack_format = #tpu.pack_format<interleaved>} : vector<32xbf16> -> vector<16xf32>
          %bitcast3A_406 = vector.bitcast %scan3A_275 : vector<16xf32> to vector<32xbf16>
          %unpack3A_407 = tpu.unpack_subelements %bitcast3A_406, 0 {pack_format = #tpu.pack_format<interleaved>} : vector<32xbf16> -> vector<16xf32>
          %unpack3A_408 = tpu.unpack_subelements %bitcast3A_406, 1 {pack_format = #tpu.pack_format<interleaved>} : vector<32xbf16> -> vector<16xf32>
          %mul3A_409 = arith.mulf %unpack3A_401, %scan3A_267 : vector<16xf32>
          %exp3A_410 = math.exp %mul3A_409 : vector<16xf32>
          %mul3A_411 = arith.mulf %unpack3A_405, %exp3A_410 : vector<16xf32>
          %add3A_412 = arith.addf %unpack3A_404, %mul3A_411 : vector<16xf32>
          %mul3A_413 = arith.constant 16 : i32
          %mul3A_414 = arith.muli %scan3A_265, %mul3A_413 : i32
          %swap3A_415 = arith.constant 6 : i32
          %swap3A_416 = arith.index_cast %swap3A_415 : i32 to index
          %swap3A_417 = arith.index_cast %mul3A_414 : i32 to index
          %swap3A_418 = tpu.vector_load %arg20[%swap3A_416, %swap3A_417] {strides = array<i32>} : memref<64x512xf32, #tpu.memory_space<vmem>>, vector<16xf32>,
          tpu.vector_store %arg20[%swap3A_416, %swap3A_417], %add3A_412 {strides = array<i32>} : memref<64x512xf32, #tpu.memory_space<vmem>>, vector<16xf32>,
          %mul3A_419 = arith.mulf %unpack3A_402, %scan3A_267 : vector<16xf32>
          %exp3A_420 = math.exp %mul3A_419 : vector<16xf32>
          %mul3A_421 = arith.mulf %unpack3A_408, %exp3A_420 : vector<16xf32>
          %add3A_422 = arith.addf %unpack3A_407, %mul3A_421 : vector<16xf32>
          %mul3A_423 = arith.constant 16 : i32
          %mul3A_424 = arith.muli %scan3A_265, %mul3A_423 : i32
          %swap3A_425 = arith.constant 7 : i32
          %swap3A_426 = arith.index_cast %swap3A_425 : i32 to index
          %swap3A_427 = arith.index_cast %mul3A_424 : i32 to index
          %swap3A_428 = tpu.vector_load %arg20[%swap3A_426, %swap3A_427] {strides = array<i32>} : memref<64x512xf32, #tpu.memory_space<vmem>>, vector<16xf32>,
          tpu.vector_store %arg20[%swap3A_426, %swap3A_427], %add3A_422 {strides = array<i32>} : memref<64x512xf32, #tpu.memory_space<vmem>>, vector<16xf32>,
          %broadcast_in_dim3A_429 = arith.constant 16 : i32
          %broadcast_in_dim3A_430 = vector.broadcast %broadcast_in_dim3A_429 : i32 to vector<16xi32>
          %broadcast_in_dim3A_431 = arith.constant 17 : i32
          %broadcast_in_dim3A_432 = vector.broadcast %broadcast_in_dim3A_431 : i32 to vector<16xi32>
          %broadcast_in_dim3A_433 = arith.constant 18 : i32
          %broadcast_in_dim3A_434 = vector.broadcast %broadcast_in_dim3A_433 : i32 to vector<16xi32>
          %broadcast_in_dim3A_435 = arith.constant 19 : i32
          %broadcast_in_dim3A_436 = vector.broadcast %broadcast_in_dim3A_435 : i32 to vector<16xi32>
          %broadcast_in_dim3A_437 = arith.constant 20 : i32
          %broadcast_in_dim3A_438 = vector.broadcast %broadcast_in_dim3A_437 : i32 to vector<16xi32>
          %broadcast_in_dim3A_439 = arith.constant 21 : i32
          %broadcast_in_dim3A_440 = vector.broadcast %broadcast_in_dim3A_439 : i32 to vector<16xi32>
          %broadcast_in_dim3A_441 = arith.constant 22 : i32
          %broadcast_in_dim3A_442 = vector.broadcast %broadcast_in_dim3A_441 : i32 to vector<16xi32>
          %broadcast_in_dim3A_443 = arith.constant 23 : i32
          %broadcast_in_dim3A_444 = vector.broadcast %broadcast_in_dim3A_443 : i32 to vector<16xi32>
          %broadcast_in_dim3A_445 = arith.constant 8 : i32
          %broadcast_in_dim3A_446 = vector.broadcast %broadcast_in_dim3A_445 : i32 to vector<16xi32>
          %broadcast_in_dim3A_447 = arith.constant 9 : i32
          %broadcast_in_dim3A_448 = vector.broadcast %broadcast_in_dim3A_447 : i32 to vector<16xi32>
          %broadcast_in_dim3A_449 = arith.constant 10 : i32
          %broadcast_in_dim3A_450 = vector.broadcast %broadcast_in_dim3A_449 : i32 to vector<16xi32>
          %broadcast_in_dim3A_451 = arith.constant 11 : i32
          %broadcast_in_dim3A_452 = vector.broadcast %broadcast_in_dim3A_451 : i32 to vector<16xi32>
          %gather3A_453 = tpu.vector_load_idx %arg10[%broadcast_in_dim3A_430, %scan3A_266] : memref<64x256xf32, #tpu.memory_space<vmem>>[vector<16xi32>, vector<16xi32>], vector<16xf32>,
          %gather3A_454 = tpu.vector_load_idx %arg10[%broadcast_in_dim3A_432, %scan3A_266] : memref<64x256xf32, #tpu.memory_space<vmem>>[vector<16xi32>, vector<16xi32>], vector<16xf32>,
          %gather3A_455 = tpu.vector_load_idx %arg10[%broadcast_in_dim3A_434, %scan3A_266] : memref<64x256xf32, #tpu.memory_space<vmem>>[vector<16xi32>, vector<16xi32>], vector<16xf32>,
          %gather3A_456 = tpu.vector_load_idx %arg10[%broadcast_in_dim3A_436, %scan3A_266] : memref<64x256xf32, #tpu.memory_space<vmem>>[vector<16xi32>, vector<16xi32>], vector<16xf32>,
          %gather3A_457 = tpu.vector_load_idx %arg10[%broadcast_in_dim3A_438, %scan3A_266] : memref<64x256xf32, #tpu.memory_space<vmem>>[vector<16xi32>, vector<16xi32>], vector<16xf32>,
          %gather3A_458 = tpu.vector_load_idx %arg10[%broadcast_in_dim3A_440, %scan3A_266] : memref<64x256xf32, #tpu.memory_space<vmem>>[vector<16xi32>, vector<16xi32>], vector<16xf32>,
          %gather3A_459 = tpu.vector_load_idx %arg10[%broadcast_in_dim3A_442, %scan3A_266] : memref<64x256xf32, #tpu.memory_space<vmem>>[vector<16xi32>, vector<16xi32>], vector<16xf32>,
          %gather3A_460 = tpu.vector_load_idx %arg10[%broadcast_in_dim3A_444, %scan3A_266] : memref<64x256xf32, #tpu.memory_space<vmem>>[vector<16xi32>, vector<16xi32>], vector<16xf32>,
          %gather3A_461 = tpu.vector_load_idx %arg12[%broadcast_in_dim3A_446, %scan3A_266] : memref<64x256xf32, #tpu.memory_space<vmem>>[vector<16xi32>, vector<16xi32>], vector<16xf32>,
          %gather3A_462 = tpu.vector_load_idx %arg12[%broadcast_in_dim3A_448, %scan3A_266] : memref<64x256xf32, #tpu.memory_space<vmem>>[vector<16xi32>, vector<16xi32>], vector<16xf32>,
          %gather3A_463 = tpu.vector_load_idx %arg12[%broadcast_in_dim3A_450, %scan3A_266] : memref<64x256xf32, #tpu.memory_space<vmem>>[vector<16xi32>, vector<16xi32>], vector<16xf32>,
          %gather3A_464 = tpu.vector_load_idx %arg12[%broadcast_in_dim3A_452, %scan3A_266] : memref<64x256xf32, #tpu.memory_space<vmem>>[vector<16xi32>, vector<16xi32>], vector<16xf32>,
          %bitcast3A_465 = vector.bitcast %gather3A_312 : vector<16xf32> to vector<32xbf16>
          %unpack3A_466 = tpu.unpack_subelements %bitcast3A_465, 0 {pack_format = #tpu.pack_format<interleaved>} : vector<32xbf16> -> vector<16xf32>
          %unpack3A_467 = tpu.unpack_subelements %bitcast3A_465, 1 {pack_format = #tpu.pack_format<interleaved>} : vector<32xbf16> -> vector<16xf32>
          %bitcast3A_468 = vector.bitcast %gather3A_304 : vector<16xf32> to vector<32xbf16>
          %unpack3A_469 = tpu.unpack_subelements %bitcast3A_468, 0 {pack_format = #tpu.pack_format<interleaved>} : vector<32xbf16> -> vector<16xf32>
          %unpack3A_470 = tpu.unpack_subelements %bitcast3A_468, 1 {pack_format = #tpu.pack_format<interleaved>} : vector<32xbf16> -> vector<16xf32>
          %bitcast3A_471 = vector.bitcast %gather3A_305 : vector<16xf32> to vector<32xbf16>
          %unpack3A_472 = tpu.unpack_subelements %bitcast3A_471, 0 {pack_format = #tpu.pack_format<interleaved>} : vector<32xbf16> -> vector<16xf32>
          %unpack3A_473 = tpu.unpack_subelements %bitcast3A_471, 1 {pack_format = #tpu.pack_format<interleaved>} : vector<32xbf16> -> vector<16xf32>
          %mul3A_474 = arith.mulf %unpack3A_466, %scan3A_267 : vector<16xf32>
          %exp3A_475 = math.exp %mul3A_474 : vector<16xf32>
          %mul3A_476 = arith.mulf %unpack3A_470, %exp3A_475 : vector<16xf32>
          %add3A_477 = arith.addf %unpack3A_469, %mul3A_476 : vector<16xf32>
          %mul3A_478 = arith.constant 16 : i32
          %mul3A_479 = arith.muli %scan3A_265, %mul3A_478 : i32
          %swap3A_480 = arith.constant 8 : i32
          %swap3A_481 = arith.index_cast %swap3A_480 : i32 to index
          %swap3A_482 = arith.index_cast %mul3A_479 : i32 to index
          %swap3A_483 = tpu.vector_load %arg20[%swap3A_481, %swap3A_482] {strides = array<i32>} : memref<64x512xf32, #tpu.memory_space<vmem>>, vector<16xf32>,
          tpu.vector_store %arg20[%swap3A_481, %swap3A_482], %add3A_477 {strides = array<i32>} : memref<64x512xf32, #tpu.memory_space<vmem>>, vector<16xf32>,
          %mul3A_484 = arith.mulf %unpack3A_467, %scan3A_267 : vector<16xf32>
          %exp3A_485 = math.exp %mul3A_484 : vector<16xf32>
          %mul3A_486 = arith.mulf %unpack3A_473, %exp3A_485 : vector<16xf32>
          %add3A_487 = arith.addf %unpack3A_472, %mul3A_486 : vector<16xf32>
          %mul3A_488 = arith.constant 16 : i32
          %mul3A_489 = arith.muli %scan3A_265, %mul3A_488 : i32
          %swap3A_490 = arith.constant 9 : i32
          %swap3A_491 = arith.index_cast %swap3A_490 : i32 to index
          %swap3A_492 = arith.index_cast %mul3A_489 : i32 to index
          %swap3A_493 = tpu.vector_load %arg20[%swap3A_491, %swap3A_492] {strides = array<i32>} : memref<64x512xf32, #tpu.memory_space<vmem>>, vector<16xf32>,
          tpu.vector_store %arg20[%swap3A_491, %swap3A_492], %add3A_487 {strides = array<i32>} : memref<64x512xf32, #tpu.memory_space<vmem>>, vector<16xf32>,
          %bitcast3A_494 = vector.bitcast %gather3A_313 : vector<16xf32> to vector<32xbf16>
          %unpack3A_495 = tpu.unpack_subelements %bitcast3A_494, 0 {pack_format = #tpu.pack_format<interleaved>} : vector<32xbf16> -> vector<16xf32>
          %unpack3A_496 = tpu.unpack_subelements %bitcast3A_494, 1 {pack_format = #tpu.pack_format<interleaved>} : vector<32xbf16> -> vector<16xf32>
          %bitcast3A_497 = vector.bitcast %gather3A_306 : vector<16xf32> to vector<32xbf16>
          %unpack3A_498 = tpu.unpack_subelements %bitcast3A_497, 0 {pack_format = #tpu.pack_format<interleaved>} : vector<32xbf16> -> vector<16xf32>
          %unpack3A_499 = tpu.unpack_subelements %bitcast3A_497, 1 {pack_format = #tpu.pack_format<interleaved>} : vector<32xbf16> -> vector<16xf32>
          %bitcast3A_500 = vector.bitcast %gather3A_307 : vector<16xf32> to vector<32xbf16>
          %unpack3A_501 = tpu.unpack_subelements %bitcast3A_500, 0 {pack_format = #tpu.pack_format<interleaved>} : vector<32xbf16> -> vector<16xf32>
          %unpack3A_502 = tpu.unpack_subelements %bitcast3A_500, 1 {pack_format = #tpu.pack_format<interleaved>} : vector<32xbf16> -> vector<16xf32>
          %mul3A_503 = arith.mulf %unpack3A_495, %scan3A_267 : vector<16xf32>
          %exp3A_504 = math.exp %mul3A_503 : vector<16xf32>
          %mul3A_505 = arith.mulf %unpack3A_499, %exp3A_504 : vector<16xf32>
          %add3A_506 = arith.addf %unpack3A_498, %mul3A_505 : vector<16xf32>
          %mul3A_507 = arith.constant 16 : i32
          %mul3A_508 = arith.muli %scan3A_265, %mul3A_507 : i32
          %swap3A_509 = arith.constant 10 : i32
          %swap3A_510 = arith.index_cast %swap3A_509 : i32 to index
          %swap3A_511 = arith.index_cast %mul3A_508 : i32 to index
          %swap3A_512 = tpu.vector_load %arg20[%swap3A_510, %swap3A_511] {strides = array<i32>} : memref<64x512xf32, #tpu.memory_space<vmem>>, vector<16xf32>,
          tpu.vector_store %arg20[%swap3A_510, %swap3A_511], %add3A_506 {strides = array<i32>} : memref<64x512xf32, #tpu.memory_space<vmem>>, vector<16xf32>,
          %mul3A_513 = arith.mulf %unpack3A_496, %scan3A_267 : vector<16xf32>
          %exp3A_514 = math.exp %mul3A_513 : vector<16xf32>
          %mul3A_515 = arith.mulf %unpack3A_502, %exp3A_514 : vector<16xf32>
          %add3A_516 = arith.addf %unpack3A_501, %mul3A_515 : vector<16xf32>
          %mul3A_517 = arith.constant 16 : i32
          %mul3A_518 = arith.muli %scan3A_265, %mul3A_517 : i32
          %swap3A_519 = arith.constant 11 : i32
          %swap3A_520 = arith.index_cast %swap3A_519 : i32 to index
          %swap3A_521 = arith.index_cast %mul3A_518 : i32 to index
          %swap3A_522 = tpu.vector_load %arg20[%swap3A_520, %swap3A_521] {strides = array<i32>} : memref<64x512xf32, #tpu.memory_space<vmem>>, vector<16xf32>,
          tpu.vector_store %arg20[%swap3A_520, %swap3A_521], %add3A_516 {strides = array<i32>} : memref<64x512xf32, #tpu.memory_space<vmem>>, vector<16xf32>,
          %bitcast3A_523 = vector.bitcast %gather3A_314 : vector<16xf32> to vector<32xbf16>
          %unpack3A_524 = tpu.unpack_subelements %bitcast3A_523, 0 {pack_format = #tpu.pack_format<interleaved>} : vector<32xbf16> -> vector<16xf32>
          %unpack3A_525 = tpu.unpack_subelements %bitcast3A_523, 1 {pack_format = #tpu.pack_format<interleaved>} : vector<32xbf16> -> vector<16xf32>
          %bitcast3A_526 = vector.bitcast %gather3A_308 : vector<16xf32> to vector<32xbf16>
          %unpack3A_527 = tpu.unpack_subelements %bitcast3A_526, 0 {pack_format = #tpu.pack_format<interleaved>} : vector<32xbf16> -> vector<16xf32>
          %unpack3A_528 = tpu.unpack_subelements %bitcast3A_526, 1 {pack_format = #tpu.pack_format<interleaved>} : vector<32xbf16> -> vector<16xf32>
          %bitcast3A_529 = vector.bitcast %gather3A_309 : vector<16xf32> to vector<32xbf16>
          %unpack3A_530 = tpu.unpack_subelements %bitcast3A_529, 0 {pack_format = #tpu.pack_format<interleaved>} : vector<32xbf16> -> vector<16xf32>
          %unpack3A_531 = tpu.unpack_subelements %bitcast3A_529, 1 {pack_format = #tpu.pack_format<interleaved>} : vector<32xbf16> -> vector<16xf32>
          %mul3A_532 = arith.mulf %unpack3A_524, %scan3A_267 : vector<16xf32>
          %exp3A_533 = math.exp %mul3A_532 : vector<16xf32>
          %mul3A_534 = arith.mulf %unpack3A_528, %exp3A_533 : vector<16xf32>
          %add3A_535 = arith.addf %unpack3A_527, %mul3A_534 : vector<16xf32>
          %mul3A_536 = arith.constant 16 : i32
          %mul3A_537 = arith.muli %scan3A_265, %mul3A_536 : i32
          %swap3A_538 = arith.constant 12 : i32
          %swap3A_539 = arith.index_cast %swap3A_538 : i32 to index
          %swap3A_540 = arith.index_cast %mul3A_537 : i32 to index
          %swap3A_541 = tpu.vector_load %arg20[%swap3A_539, %swap3A_540] {strides = array<i32>} : memref<64x512xf32, #tpu.memory_space<vmem>>, vector<16xf32>,
          tpu.vector_store %arg20[%swap3A_539, %swap3A_540], %add3A_535 {strides = array<i32>} : memref<64x512xf32, #tpu.memory_space<vmem>>, vector<16xf32>,
          %mul3A_542 = arith.mulf %unpack3A_525, %scan3A_267 : vector<16xf32>
          %exp3A_543 = math.exp %mul3A_542 : vector<16xf32>
          %mul3A_544 = arith.mulf %unpack3A_531, %exp3A_543 : vector<16xf32>
          %add3A_545 = arith.addf %unpack3A_530, %mul3A_544 : vector<16xf32>
          %mul3A_546 = arith.constant 16 : i32
          %mul3A_547 = arith.muli %scan3A_265, %mul3A_546 : i32
          %swap3A_548 = arith.constant 13 : i32
          %swap3A_549 = arith.index_cast %swap3A_548 : i32 to index
          %swap3A_550 = arith.index_cast %mul3A_547 : i32 to index
          %swap3A_551 = tpu.vector_load %arg20[%swap3A_549, %swap3A_550] {strides = array<i32>} : memref<64x512xf32, #tpu.memory_space<vmem>>, vector<16xf32>,
          tpu.vector_store %arg20[%swap3A_549, %swap3A_550], %add3A_545 {strides = array<i32>} : memref<64x512xf32, #tpu.memory_space<vmem>>, vector<16xf32>,
          %bitcast3A_552 = vector.bitcast %gather3A_315 : vector<16xf32> to vector<32xbf16>
          %unpack3A_553 = tpu.unpack_subelements %bitcast3A_552, 0 {pack_format = #tpu.pack_format<interleaved>} : vector<32xbf16> -> vector<16xf32>
          %unpack3A_554 = tpu.unpack_subelements %bitcast3A_552, 1 {pack_format = #tpu.pack_format<interleaved>} : vector<32xbf16> -> vector<16xf32>
          %bitcast3A_555 = vector.bitcast %gather3A_310 : vector<16xf32> to vector<32xbf16>
          %unpack3A_556 = tpu.unpack_subelements %bitcast3A_555, 0 {pack_format = #tpu.pack_format<interleaved>} : vector<32xbf16> -> vector<16xf32>
          %unpack3A_557 = tpu.unpack_subelements %bitcast3A_555, 1 {pack_format = #tpu.pack_format<interleaved>} : vector<32xbf16> -> vector<16xf32>
          %bitcast3A_558 = vector.bitcast %gather3A_311 : vector<16xf32> to vector<32xbf16>
          %unpack3A_559 = tpu.unpack_subelements %bitcast3A_558, 0 {pack_format = #tpu.pack_format<interleaved>} : vector<32xbf16> -> vector<16xf32>
          %unpack3A_560 = tpu.unpack_subelements %bitcast3A_558, 1 {pack_format = #tpu.pack_format<interleaved>} : vector<32xbf16> -> vector<16xf32>
          %mul3A_561 = arith.mulf %unpack3A_553, %scan3A_267 : vector<16xf32>
          %exp3A_562 = math.exp %mul3A_561 : vector<16xf32>
          %mul3A_563 = arith.mulf %unpack3A_557, %exp3A_562 : vector<16xf32>
          %add3A_564 = arith.addf %unpack3A_556, %mul3A_563 : vector<16xf32>
          %mul3A_565 = arith.constant 16 : i32
          %mul3A_566 = arith.muli %scan3A_265, %mul3A_565 : i32
          %swap3A_567 = arith.constant 14 : i32
          %swap3A_568 = arith.index_cast %swap3A_567 : i32 to index
          %swap3A_569 = arith.index_cast %mul3A_566 : i32 to index
          %swap3A_570 = tpu.vector_load %arg20[%swap3A_568, %swap3A_569] {strides = array<i32>} : memref<64x512xf32, #tpu.memory_space<vmem>>, vector<16xf32>,
          tpu.vector_store %arg20[%swap3A_568, %swap3A_569], %add3A_564 {strides = array<i32>} : memref<64x512xf32, #tpu.memory_space<vmem>>, vector<16xf32>,
          %mul3A_571 = arith.mulf %unpack3A_554, %scan3A_267 : vector<16xf32>
          %exp3A_572 = math.exp %mul3A_571 : vector<16xf32>
          %mul3A_573 = arith.mulf %unpack3A_560, %exp3A_572 : vector<16xf32>
          %add3A_574 = arith.addf %unpack3A_559, %mul3A_573 : vector<16xf32>
          %mul3A_575 = arith.constant 16 : i32
          %mul3A_576 = arith.muli %scan3A_265, %mul3A_575 : i32
          %swap3A_577 = arith.constant 15 : i32
          %swap3A_578 = arith.index_cast %swap3A_577 : i32 to index
          %swap3A_579 = arith.index_cast %mul3A_576 : i32 to index
          %swap3A_580 = tpu.vector_load %arg20[%swap3A_578, %swap3A_579] {strides = array<i32>} : memref<64x512xf32, #tpu.memory_space<vmem>>, vector<16xf32>,
          tpu.vector_store %arg20[%swap3A_578, %swap3A_579], %add3A_574 {strides = array<i32>} : memref<64x512xf32, #tpu.memory_space<vmem>>, vector<16xf32>,
          %broadcast_in_dim3A_581 = arith.constant 24 : i32
          %broadcast_in_dim3A_582 = vector.broadcast %broadcast_in_dim3A_581 : i32 to vector<16xi32>
          %broadcast_in_dim3A_583 = arith.constant 25 : i32
          %broadcast_in_dim3A_584 = vector.broadcast %broadcast_in_dim3A_583 : i32 to vector<16xi32>
          %broadcast_in_dim3A_585 = arith.constant 26 : i32
          %broadcast_in_dim3A_586 = vector.broadcast %broadcast_in_dim3A_585 : i32 to vector<16xi32>
          %broadcast_in_dim3A_587 = arith.constant 27 : i32
          %broadcast_in_dim3A_588 = vector.broadcast %broadcast_in_dim3A_587 : i32 to vector<16xi32>
          %broadcast_in_dim3A_589 = arith.constant 28 : i32
          %broadcast_in_dim3A_590 = vector.broadcast %broadcast_in_dim3A_589 : i32 to vector<16xi32>
          %broadcast_in_dim3A_591 = arith.constant 29 : i32
          %broadcast_in_dim3A_592 = vector.broadcast %broadcast_in_dim3A_591 : i32 to vector<16xi32>
          %broadcast_in_dim3A_593 = arith.constant 30 : i32
          %broadcast_in_dim3A_594 = vector.broadcast %broadcast_in_dim3A_593 : i32 to vector<16xi32>
          %broadcast_in_dim3A_595 = arith.constant 31 : i32
          %broadcast_in_dim3A_596 = vector.broadcast %broadcast_in_dim3A_595 : i32 to vector<16xi32>
          %broadcast_in_dim3A_597 = arith.constant 12 : i32
          %broadcast_in_dim3A_598 = vector.broadcast %broadcast_in_dim3A_597 : i32 to vector<16xi32>
          %broadcast_in_dim3A_599 = arith.constant 13 : i32
          %broadcast_in_dim3A_600 = vector.broadcast %broadcast_in_dim3A_599 : i32 to vector<16xi32>
          %broadcast_in_dim3A_601 = arith.constant 14 : i32
          %broadcast_in_dim3A_602 = vector.broadcast %broadcast_in_dim3A_601 : i32 to vector<16xi32>
          %broadcast_in_dim3A_603 = arith.constant 15 : i32
          %broadcast_in_dim3A_604 = vector.broadcast %broadcast_in_dim3A_603 : i32 to vector<16xi32>
          %gather3A_605 = tpu.vector_load_idx %arg10[%broadcast_in_dim3A_582, %scan3A_266] : memref<64x256xf32, #tpu.memory_space<vmem>>[vector<16xi32>, vector<16xi32>], vector<16xf32>,
          %gather3A_606 = tpu.vector_load_idx %arg10[%broadcast_in_dim3A_584, %scan3A_266] : memref<64x256xf32, #tpu.memory_space<vmem>>[vector<16xi32>, vector<16xi32>], vector<16xf32>,
          %gather3A_607 = tpu.vector_load_idx %arg10[%broadcast_in_dim3A_586, %scan3A_266] : memref<64x256xf32, #tpu.memory_space<vmem>>[vector<16xi32>, vector<16xi32>], vector<16xf32>,
          %gather3A_608 = tpu.vector_load_idx %arg10[%broadcast_in_dim3A_588, %scan3A_266] : memref<64x256xf32, #tpu.memory_space<vmem>>[vector<16xi32>, vector<16xi32>], vector<16xf32>,
          %gather3A_609 = tpu.vector_load_idx %arg10[%broadcast_in_dim3A_590, %scan3A_266] : memref<64x256xf32, #tpu.memory_space<vmem>>[vector<16xi32>, vector<16xi32>], vector<16xf32>,
          %gather3A_610 = tpu.vector_load_idx %arg10[%broadcast_in_dim3A_592, %scan3A_266] : memref<64x256xf32, #tpu.memory_space<vmem>>[vector<16xi32>, vector<16xi32>], vector<16xf32>,
          %gather3A_611 = tpu.vector_load_idx %arg10[%broadcast_in_dim3A_594, %scan3A_266] : memref<64x256xf32, #tpu.memory_space<vmem>>[vector<16xi32>, vector<16xi32>], vector<16xf32>,
          %gather3A_612 = tpu.vector_load_idx %arg10[%broadcast_in_dim3A_596, %scan3A_266] : memref<64x256xf32, #tpu.memory_space<vmem>>[vector<16xi32>, vector<16xi32>], vector<16xf32>,
          %gather3A_613 = tpu.vector_load_idx %arg12[%broadcast_in_dim3A_598, %scan3A_266] : memref<64x256xf32, #tpu.memory_space<vmem>>[vector<16xi32>, vector<16xi32>], vector<16xf32>,
          %gather3A_614 = tpu.vector_load_idx %arg12[%broadcast_in_dim3A_600, %scan3A_266] : memref<64x256xf32, #tpu.memory_space<vmem>>[vector<16xi32>, vector<16xi32>], vector<16xf32>,
          %gather3A_615 = tpu.vector_load_idx %arg12[%broadcast_in_dim3A_602, %scan3A_266] : memref<64x256xf32, #tpu.memory_space<vmem>>[vector<16xi32>, vector<16xi32>], vector<16xf32>,
          %gather3A_616 = tpu.vector_load_idx %arg12[%broadcast_in_dim3A_604, %scan3A_266] : memref<64x256xf32, #tpu.memory_space<vmem>>[vector<16xi32>, vector<16xi32>], vector<16xf32>,
          %bitcast3A_617 = vector.bitcast %gather3A_461 : vector<16xf32> to vector<32xbf16>
          %unpack3A_618 = tpu.unpack_subelements %bitcast3A_617, 0 {pack_format = #tpu.pack_format<interleaved>} : vector<32xbf16> -> vector<16xf32>
          %unpack3A_619 = tpu.unpack_subelements %bitcast3A_617, 1 {pack_format = #tpu.pack_format<interleaved>} : vector<32xbf16> -> vector<16xf32>
          %bitcast3A_620 = vector.bitcast %gather3A_453 : vector<16xf32> to vector<32xbf16>
          %unpack3A_621 = tpu.unpack_subelements %bitcast3A_620, 0 {pack_format = #tpu.pack_format<interleaved>} : vector<32xbf16> -> vector<16xf32>
          %unpack3A_622 = tpu.unpack_subelements %bitcast3A_620, 1 {pack_format = #tpu.pack_format<interleaved>} : vector<32xbf16> -> vector<16xf32>
          %bitcast3A_623 = vector.bitcast %gather3A_454 : vector<16xf32> to vector<32xbf16>
          %unpack3A_624 = tpu.unpack_subelements %bitcast3A_623, 0 {pack_format = #tpu.pack_format<interleaved>} : vector<32xbf16> -> vector<16xf32>
          %unpack3A_625 = tpu.unpack_subelements %bitcast3A_623, 1 {pack_format = #tpu.pack_format<interleaved>} : vector<32xbf16> -> vector<16xf32>
          %mul3A_626 = arith.mulf %unpack3A_618, %scan3A_267 : vector<16xf32>
          %exp3A_627 = math.exp %mul3A_626 : vector<16xf32>
          %mul3A_628 = arith.mulf %unpack3A_622, %exp3A_627 : vector<16xf32>
          %add3A_629 = arith.addf %unpack3A_621, %mul3A_628 : vector<16xf32>
          %mul3A_630 = arith.constant 16 : i32
          %mul3A_631 = arith.muli %scan3A_265, %mul3A_630 : i32
          %swap3A_632 = arith.constant 16 : i32
          %swap3A_633 = arith.index_cast %swap3A_632 : i32 to index
          %swap3A_634 = arith.index_cast %mul3A_631 : i32 to index
          %swap3A_635 = tpu.vector_load %arg20[%swap3A_633, %swap3A_634] {strides = array<i32>} : memref<64x512xf32, #tpu.memory_space<vmem>>, vector<16xf32>,
          tpu.vector_store %arg20[%swap3A_633, %swap3A_634], %add3A_629 {strides = array<i32>} : memref<64x512xf32, #tpu.memory_space<vmem>>, vector<16xf32>,
          %mul3A_636 = arith.mulf %unpack3A_619, %scan3A_267 : vector<16xf32>
          %exp3A_637 = math.exp %mul3A_636 : vector<16xf32>
          %mul3A_638 = arith.mulf %unpack3A_625, %exp3A_637 : vector<16xf32>
          %add3A_639 = arith.addf %unpack3A_624, %mul3A_638 : vector<16xf32>
          %mul3A_640 = arith.constant 16 : i32
          %mul3A_641 = arith.muli %scan3A_265, %mul3A_640 : i32
          %swap3A_642 = arith.constant 17 : i32
          %swap3A_643 = arith.index_cast %swap3A_642 : i32 to index
          %swap3A_644 = arith.index_cast %mul3A_641 : i32 to index
          %swap3A_645 = tpu.vector_load %arg20[%swap3A_643, %swap3A_644] {strides = array<i32>} : memref<64x512xf32, #tpu.memory_space<vmem>>, vector<16xf32>,
          tpu.vector_store %arg20[%swap3A_643, %swap3A_644], %add3A_639 {strides = array<i32>} : memref<64x512xf32, #tpu.memory_space<vmem>>, vector<16xf32>,
          %bitcast3A_646 = vector.bitcast %gather3A_462 : vector<16xf32> to vector<32xbf16>
          %unpack3A_647 = tpu.unpack_subelements %bitcast3A_646, 0 {pack_format = #tpu.pack_format<interleaved>} : vector<32xbf16> -> vector<16xf32>
          %unpack3A_648 = tpu.unpack_subelements %bitcast3A_646, 1 {pack_format = #tpu.pack_format<interleaved>} : vector<32xbf16> -> vector<16xf32>
          %bitcast3A_649 = vector.bitcast %gather3A_455 : vector<16xf32> to vector<32xbf16>
          %unpack3A_650 = tpu.unpack_subelements %bitcast3A_649, 0 {pack_format = #tpu.pack_format<interleaved>} : vector<32xbf16> -> vector<16xf32>
          %unpack3A_651 = tpu.unpack_subelements %bitcast3A_649, 1 {pack_format = #tpu.pack_format<interleaved>} : vector<32xbf16> -> vector<16xf32>
          %bitcast3A_652 = vector.bitcast %gather3A_456 : vector<16xf32> to vector<32xbf16>
          %unpack3A_653 = tpu.unpack_subelements %bitcast3A_652, 0 {pack_format = #tpu.pack_format<interleaved>} : vector<32xbf16> -> vector<16xf32>
          %unpack3A_654 = tpu.unpack_subelements %bitcast3A_652, 1 {pack_format = #tpu.pack_format<interleaved>} : vector<32xbf16> -> vector<16xf32>
          %mul3A_655 = arith.mulf %unpack3A_647, %scan3A_267 : vector<16xf32>
          %exp3A_656 = math.exp %mul3A_655 : vector<16xf32>
          %mul3A_657 = arith.mulf %unpack3A_651, %exp3A_656 : vector<16xf32>
          %add3A_658 = arith.addf %unpack3A_650, %mul3A_657 : vector<16xf32>
          %mul3A_659 = arith.constant 16 : i32
          %mul3A_660 = arith.muli %scan3A_265, %mul3A_659 : i32
          %swap3A_661 = arith.constant 18 : i32
          %swap3A_662 = arith.index_cast %swap3A_661 : i32 to index
          %swap3A_663 = arith.index_cast %mul3A_660 : i32 to index
          %swap3A_664 = tpu.vector_load %arg20[%swap3A_662, %swap3A_663] {strides = array<i32>} : memref<64x512xf32, #tpu.memory_space<vmem>>, vector<16xf32>,
          tpu.vector_store %arg20[%swap3A_662, %swap3A_663], %add3A_658 {strides = array<i32>} : memref<64x512xf32, #tpu.memory_space<vmem>>, vector<16xf32>,
          %mul3A_665 = arith.mulf %unpack3A_648, %scan3A_267 : vector<16xf32>
          %exp3A_666 = math.exp %mul3A_665 : vector<16xf32>
          %mul3A_667 = arith.mulf %unpack3A_654, %exp3A_666 : vector<16xf32>
          %add3A_668 = arith.addf %unpack3A_653, %mul3A_667 : vector<16xf32>
          %mul3A_669 = arith.constant 16 : i32
          %mul3A_670 = arith.muli %scan3A_265, %mul3A_669 : i32
          %swap3A_671 = arith.constant 19 : i32
          %swap3A_672 = arith.index_cast %swap3A_671 : i32 to index
          %swap3A_673 = arith.index_cast %mul3A_670 : i32 to index
          %swap3A_674 = tpu.vector_load %arg20[%swap3A_672, %swap3A_673] {strides = array<i32>} : memref<64x512xf32, #tpu.memory_space<vmem>>, vector<16xf32>,
          tpu.vector_store %arg20[%swap3A_672, %swap3A_673], %add3A_668 {strides = array<i32>} : memref<64x512xf32, #tpu.memory_space<vmem>>, vector<16xf32>,
          %bitcast3A_675 = vector.bitcast %gather3A_463 : vector<16xf32> to vector<32xbf16>
          %unpack3A_676 = tpu.unpack_subelements %bitcast3A_675, 0 {pack_format = #tpu.pack_format<interleaved>} : vector<32xbf16> -> vector<16xf32>
          %unpack3A_677 = tpu.unpack_subelements %bitcast3A_675, 1 {pack_format = #tpu.pack_format<interleaved>} : vector<32xbf16> -> vector<16xf32>
          %bitcast3A_678 = vector.bitcast %gather3A_457 : vector<16xf32> to vector<32xbf16>
          %unpack3A_679 = tpu.unpack_subelements %bitcast3A_678, 0 {pack_format = #tpu.pack_format<interleaved>} : vector<32xbf16> -> vector<16xf32>
          %unpack3A_680 = tpu.unpack_subelements %bitcast3A_678, 1 {pack_format = #tpu.pack_format<interleaved>} : vector<32xbf16> -> vector<16xf32>
          %bitcast3A_681 = vector.bitcast %gather3A_458 : vector<16xf32> to vector<32xbf16>
          %unpack3A_682 = tpu.unpack_subelements %bitcast3A_681, 0 {pack_format = #tpu.pack_format<interleaved>} : vector<32xbf16> -> vector<16xf32>
          %unpack3A_683 = tpu.unpack_subelements %bitcast3A_681, 1 {pack_format = #tpu.pack_format<interleaved>} : vector<32xbf16> -> vector<16xf32>
          %mul3A_684 = arith.mulf %unpack3A_676, %scan3A_267 : vector<16xf32>
          %exp3A_685 = math.exp %mul3A_684 : vector<16xf32>
          %mul3A_686 = arith.mulf %unpack3A_680, %exp3A_685 : vector<16xf32>
          %add3A_687 = arith.addf %unpack3A_679, %mul3A_686 : vector<16xf32>
          %mul3A_688 = arith.constant 16 : i32
          %mul3A_689 = arith.muli %scan3A_265, %mul3A_688 : i32
          %swap3A_690 = arith.constant 20 : i32
          %swap3A_691 = arith.index_cast %swap3A_690 : i32 to index
          %swap3A_692 = arith.index_cast %mul3A_689 : i32 to index
          %swap3A_693 = tpu.vector_load %arg20[%swap3A_691, %swap3A_692] {strides = array<i32>} : memref<64x512xf32, #tpu.memory_space<vmem>>, vector<16xf32>,
          tpu.vector_store %arg20[%swap3A_691, %swap3A_692], %add3A_687 {strides = array<i32>} : memref<64x512xf32, #tpu.memory_space<vmem>>, vector<16xf32>,
          %mul3A_694 = arith.mulf %unpack3A_677, %scan3A_267 : vector<16xf32>
          %exp3A_695 = math.exp %mul3A_694 : vector<16xf32>
          %mul3A_696 = arith.mulf %unpack3A_683, %exp3A_695 : vector<16xf32>
          %add3A_697 = arith.addf %unpack3A_682, %mul3A_696 : vector<16xf32>
          %mul3A_698 = arith.constant 16 : i32
          %mul3A_699 = arith.muli %scan3A_265, %mul3A_698 : i32
          %swap3A_700 = arith.constant 21 : i32
          %swap3A_701 = arith.index_cast %swap3A_700 : i32 to index
          %swap3A_702 = arith.index_cast %mul3A_699 : i32 to index
          %swap3A_703 = tpu.vector_load %arg20[%swap3A_701, %swap3A_702] {strides = array<i32>} : memref<64x512xf32, #tpu.memory_space<vmem>>, vector<16xf32>,
          tpu.vector_store %arg20[%swap3A_701, %swap3A_702], %add3A_697 {strides = array<i32>} : memref<64x512xf32, #tpu.memory_space<vmem>>, vector<16xf32>,
          %bitcast3A_704 = vector.bitcast %gather3A_464 : vector<16xf32> to vector<32xbf16>
          %unpack3A_705 = tpu.unpack_subelements %bitcast3A_704, 0 {pack_format = #tpu.pack_format<interleaved>} : vector<32xbf16> -> vector<16xf32>
          %unpack3A_706 = tpu.unpack_subelements %bitcast3A_704, 1 {pack_format = #tpu.pack_format<interleaved>} : vector<32xbf16> -> vector<16xf32>
          %bitcast3A_707 = vector.bitcast %gather3A_459 : vector<16xf32> to vector<32xbf16>
          %unpack3A_708 = tpu.unpack_subelements %bitcast3A_707, 0 {pack_format = #tpu.pack_format<interleaved>} : vector<32xbf16> -> vector<16xf32>
          %unpack3A_709 = tpu.unpack_subelements %bitcast3A_707, 1 {pack_format = #tpu.pack_format<interleaved>} : vector<32xbf16> -> vector<16xf32>
          %bitcast3A_710 = vector.bitcast %gather3A_460 : vector<16xf32> to vector<32xbf16>
          %unpack3A_711 = tpu.unpack_subelements %bitcast3A_710, 0 {pack_format = #tpu.pack_format<interleaved>} : vector<32xbf16> -> vector<16xf32>
          %unpack3A_712 = tpu.unpack_subelements %bitcast3A_710, 1 {pack_format = #tpu.pack_format<interleaved>} : vector<32xbf16> -> vector<16xf32>
          %mul3A_713 = arith.mulf %unpack3A_705, %scan3A_267 : vector<16xf32>
          %exp3A_714 = math.exp %mul3A_713 : vector<16xf32>
          %mul3A_715 = arith.mulf %unpack3A_709, %exp3A_714 : vector<16xf32>
          %add3A_716 = arith.addf %unpack3A_708, %mul3A_715 : vector<16xf32>
          %mul3A_717 = arith.constant 16 : i32
          %mul3A_718 = arith.muli %scan3A_265, %mul3A_717 : i32
          %swap3A_719 = arith.constant 22 : i32
          %swap3A_720 = arith.index_cast %swap3A_719 : i32 to index
          %swap3A_721 = arith.index_cast %mul3A_718 : i32 to index
          %swap3A_722 = tpu.vector_load %arg20[%swap3A_720, %swap3A_721] {strides = array<i32>} : memref<64x512xf32, #tpu.memory_space<vmem>>, vector<16xf32>,
          tpu.vector_store %arg20[%swap3A_720, %swap3A_721], %add3A_716 {strides = array<i32>} : memref<64x512xf32, #tpu.memory_space<vmem>>, vector<16xf32>,
          %mul3A_723 = arith.mulf %unpack3A_706, %scan3A_267 : vector<16xf32>
          %exp3A_724 = math.exp %mul3A_723 : vector<16xf32>
          %mul3A_725 = arith.mulf %unpack3A_712, %exp3A_724 : vector<16xf32>
          %add3A_726 = arith.addf %unpack3A_711, %mul3A_725 : vector<16xf32>
          %mul3A_727 = arith.constant 16 : i32
          %mul3A_728 = arith.muli %scan3A_265, %mul3A_727 : i32
          %swap3A_729 = arith.constant 23 : i32
          %swap3A_730 = arith.index_cast %swap3A_729 : i32 to index
          %swap3A_731 = arith.index_cast %mul3A_728 : i32 to index
          %swap3A_732 = tpu.vector_load %arg20[%swap3A_730, %swap3A_731] {strides = array<i32>} : memref<64x512xf32, #tpu.memory_space<vmem>>, vector<16xf32>,
          tpu.vector_store %arg20[%swap3A_730, %swap3A_731], %add3A_726 {strides = array<i32>} : memref<64x512xf32, #tpu.memory_space<vmem>>, vector<16xf32>,
          %broadcast_in_dim3A_733 = arith.constant 32 : i32
          %broadcast_in_dim3A_734 = vector.broadcast %broadcast_in_dim3A_733 : i32 to vector<16xi32>
          %broadcast_in_dim3A_735 = arith.constant 33 : i32
          %broadcast_in_dim3A_736 = vector.broadcast %broadcast_in_dim3A_735 : i32 to vector<16xi32>
          %broadcast_in_dim3A_737 = arith.constant 34 : i32
          %broadcast_in_dim3A_738 = vector.broadcast %broadcast_in_dim3A_737 : i32 to vector<16xi32>
          %broadcast_in_dim3A_739 = arith.constant 35 : i32
          %broadcast_in_dim3A_740 = vector.broadcast %broadcast_in_dim3A_739 : i32 to vector<16xi32>
          %broadcast_in_dim3A_741 = arith.constant 36 : i32
          %broadcast_in_dim3A_742 = vector.broadcast %broadcast_in_dim3A_741 : i32 to vector<16xi32>
          %broadcast_in_dim3A_743 = arith.constant 37 : i32
          %broadcast_in_dim3A_744 = vector.broadcast %broadcast_in_dim3A_743 : i32 to vector<16xi32>
          %broadcast_in_dim3A_745 = arith.constant 38 : i32
          %broadcast_in_dim3A_746 = vector.broadcast %broadcast_in_dim3A_745 : i32 to vector<16xi32>
          %broadcast_in_dim3A_747 = arith.constant 39 : i32
          %broadcast_in_dim3A_748 = vector.broadcast %broadcast_in_dim3A_747 : i32 to vector<16xi32>
          %broadcast_in_dim3A_749 = arith.constant 16 : i32
          %broadcast_in_dim3A_750 = vector.broadcast %broadcast_in_dim3A_749 : i32 to vector<16xi32>
          %broadcast_in_dim3A_751 = arith.constant 17 : i32
          %broadcast_in_dim3A_752 = vector.broadcast %broadcast_in_dim3A_751 : i32 to vector<16xi32>
          %broadcast_in_dim3A_753 = arith.constant 18 : i32
          %broadcast_in_dim3A_754 = vector.broadcast %broadcast_in_dim3A_753 : i32 to vector<16xi32>
          %broadcast_in_dim3A_755 = arith.constant 19 : i32
          %broadcast_in_dim3A_756 = vector.broadcast %broadcast_in_dim3A_755 : i32 to vector<16xi32>
          %gather3A_757 = tpu.vector_load_idx %arg10[%broadcast_in_dim3A_734, %scan3A_266] : memref<64x256xf32, #tpu.memory_space<vmem>>[vector<16xi32>, vector<16xi32>], vector<16xf32>,
          %gather3A_758 = tpu.vector_load_idx %arg10[%broadcast_in_dim3A_736, %scan3A_266] : memref<64x256xf32, #tpu.memory_space<vmem>>[vector<16xi32>, vector<16xi32>], vector<16xf32>,
          %gather3A_759 = tpu.vector_load_idx %arg10[%broadcast_in_dim3A_738, %scan3A_266] : memref<64x256xf32, #tpu.memory_space<vmem>>[vector<16xi32>, vector<16xi32>], vector<16xf32>,
          %gather3A_760 = tpu.vector_load_idx %arg10[%broadcast_in_dim3A_740, %scan3A_266] : memref<64x256xf32, #tpu.memory_space<vmem>>[vector<16xi32>, vector<16xi32>], vector<16xf32>,
          %gather3A_761 = tpu.vector_load_idx %arg10[%broadcast_in_dim3A_742, %scan3A_266] : memref<64x256xf32, #tpu.memory_space<vmem>>[vector<16xi32>, vector<16xi32>], vector<16xf32>,
          %gather3A_762 = tpu.vector_load_idx %arg10[%broadcast_in_dim3A_744, %scan3A_266] : memref<64x256xf32, #tpu.memory_space<vmem>>[vector<16xi32>, vector<16xi32>], vector<16xf32>,
          %gather3A_763 = tpu.vector_load_idx %arg10[%broadcast_in_dim3A_746, %scan3A_266] : memref<64x256xf32, #tpu.memory_space<vmem>>[vector<16xi32>, vector<16xi32>], vector<16xf32>,
          %gather3A_764 = tpu.vector_load_idx %arg10[%broadcast_in_dim3A_748, %scan3A_266] : memref<64x256xf32, #tpu.memory_space<vmem>>[vector<16xi32>, vector<16xi32>], vector<16xf32>,
          %gather3A_765 = tpu.vector_load_idx %arg12[%broadcast_in_dim3A_750, %scan3A_266] : memref<64x256xf32, #tpu.memory_space<vmem>>[vector<16xi32>, vector<16xi32>], vector<16xf32>,
          %gather3A_766 = tpu.vector_load_idx %arg12[%broadcast_in_dim3A_752, %scan3A_266] : memref<64x256xf32, #tpu.memory_space<vmem>>[vector<16xi32>, vector<16xi32>], vector<16xf32>,
          %gather3A_767 = tpu.vector_load_idx %arg12[%broadcast_in_dim3A_754, %scan3A_266] : memref<64x256xf32, #tpu.memory_space<vmem>>[vector<16xi32>, vector<16xi32>], vector<16xf32>,
          %gather3A_768 = tpu.vector_load_idx %arg12[%broadcast_in_dim3A_756, %scan3A_266] : memref<64x256xf32, #tpu.memory_space<vmem>>[vector<16xi32>, vector<16xi32>], vector<16xf32>,
          %bitcast3A_769 = vector.bitcast %gather3A_613 : vector<16xf32> to vector<32xbf16>
          %unpack3A_770 = tpu.unpack_subelements %bitcast3A_769, 0 {pack_format = #tpu.pack_format<interleaved>} : vector<32xbf16> -> vector<16xf32>
          %unpack3A_771 = tpu.unpack_subelements %bitcast3A_769, 1 {pack_format = #tpu.pack_format<interleaved>} : vector<32xbf16> -> vector<16xf32>
          %bitcast3A_772 = vector.bitcast %gather3A_605 : vector<16xf32> to vector<32xbf16>
          %unpack3A_773 = tpu.unpack_subelements %bitcast3A_772, 0 {pack_format = #tpu.pack_format<interleaved>} : vector<32xbf16> -> vector<16xf32>
          %unpack3A_774 = tpu.unpack_subelements %bitcast3A_772, 1 {pack_format = #tpu.pack_format<interleaved>} : vector<32xbf16> -> vector<16xf32>
          %bitcast3A_775 = vector.bitcast %gather3A_606 : vector<16xf32> to vector<32xbf16>
          %unpack3A_776 = tpu.unpack_subelements %bitcast3A_775, 0 {pack_format = #tpu.pack_format<interleaved>} : vector<32xbf16> -> vector<16xf32>
          %unpack3A_777 = tpu.unpack_subelements %bitcast3A_775, 1 {pack_format = #tpu.pack_format<interleaved>} : vector<32xbf16> -> vector<16xf32>
          %mul3A_778 = arith.mulf %unpack3A_770, %scan3A_267 : vector<16xf32>
          %exp3A_779 = math.exp %mul3A_778 : vector<16xf32>
          %mul3A_780 = arith.mulf %unpack3A_774, %exp3A_779 : vector<16xf32>
          %add3A_781 = arith.addf %unpack3A_773, %mul3A_780 : vector<16xf32>
          %mul3A_782 = arith.constant 16 : i32
          %mul3A_783 = arith.muli %scan3A_265, %mul3A_782 : i32
          %swap3A_784 = arith.constant 24 : i32
          %swap3A_785 = arith.index_cast %swap3A_784 : i32 to index
          %swap3A_786 = arith.index_cast %mul3A_783 : i32 to index
          %swap3A_787 = tpu.vector_load %arg20[%swap3A_785, %swap3A_786] {strides = array<i32>} : memref<64x512xf32, #tpu.memory_space<vmem>>, vector<16xf32>,
          tpu.vector_store %arg20[%swap3A_785, %swap3A_786], %add3A_781 {strides = array<i32>} : memref<64x512xf32, #tpu.memory_space<vmem>>, vector<16xf32>,
          %mul3A_788 = arith.mulf %unpack3A_771, %scan3A_267 : vector<16xf32>
          %exp3A_789 = math.exp %mul3A_788 : vector<16xf32>
          %mul3A_790 = arith.mulf %unpack3A_777, %exp3A_789 : vector<16xf32>
          %add3A_791 = arith.addf %unpack3A_776, %mul3A_790 : vector<16xf32>
          %mul3A_792 = arith.constant 16 : i32
          %mul3A_793 = arith.muli %scan3A_265, %mul3A_792 : i32
          %swap3A_794 = arith.constant 25 : i32
          %swap3A_795 = arith.index_cast %swap3A_794 : i32 to index
          %swap3A_796 = arith.index_cast %mul3A_793 : i32 to index
          %swap3A_797 = tpu.vector_load %arg20[%swap3A_795, %swap3A_796] {strides = array<i32>} : memref<64x512xf32, #tpu.memory_space<vmem>>, vector<16xf32>,
          tpu.vector_store %arg20[%swap3A_795, %swap3A_796], %add3A_791 {strides = array<i32>} : memref<64x512xf32, #tpu.memory_space<vmem>>, vector<16xf32>,
          %bitcast3A_798 = vector.bitcast %gather3A_614 : vector<16xf32> to vector<32xbf16>
          %unpack3A_799 = tpu.unpack_subelements %bitcast3A_798, 0 {pack_format = #tpu.pack_format<interleaved>} : vector<32xbf16> -> vector<16xf32>
          %unpack3A_800 = tpu.unpack_subelements %bitcast3A_798, 1 {pack_format = #tpu.pack_format<interleaved>} : vector<32xbf16> -> vector<16xf32>
          %bitcast3A_801 = vector.bitcast %gather3A_607 : vector<16xf32> to vector<32xbf16>
          %unpack3A_802 = tpu.unpack_subelements %bitcast3A_801, 0 {pack_format = #tpu.pack_format<interleaved>} : vector<32xbf16> -> vector<16xf32>
          %unpack3A_803 = tpu.unpack_subelements %bitcast3A_801, 1 {pack_format = #tpu.pack_format<interleaved>} : vector<32xbf16> -> vector<16xf32>
          %bitcast3A_804 = vector.bitcast %gather3A_608 : vector<16xf32> to vector<32xbf16>
          %unpack3A_805 = tpu.unpack_subelements %bitcast3A_804, 0 {pack_format = #tpu.pack_format<interleaved>} : vector<32xbf16> -> vector<16xf32>
          %unpack3A_806 = tpu.unpack_subelements %bitcast3A_804, 1 {pack_format = #tpu.pack_format<interleaved>} : vector<32xbf16> -> vector<16xf32>
          %mul3A_807 = arith.mulf %unpack3A_799, %scan3A_267 : vector<16xf32>
          %exp3A_808 = math.exp %mul3A_807 : vector<16xf32>
          %mul3A_809 = arith.mulf %unpack3A_803, %exp3A_808 : vector<16xf32>
          %add3A_810 = arith.addf %unpack3A_802, %mul3A_809 : vector<16xf32>
          %mul3A_811 = arith.constant 16 : i32
          %mul3A_812 = arith.muli %scan3A_265, %mul3A_811 : i32
          %swap3A_813 = arith.constant 26 : i32
          %swap3A_814 = arith.index_cast %swap3A_813 : i32 to index
          %swap3A_815 = arith.index_cast %mul3A_812 : i32 to index
          %swap3A_816 = tpu.vector_load %arg20[%swap3A_814, %swap3A_815] {strides = array<i32>} : memref<64x512xf32, #tpu.memory_space<vmem>>, vector<16xf32>,
          tpu.vector_store %arg20[%swap3A_814, %swap3A_815], %add3A_810 {strides = array<i32>} : memref<64x512xf32, #tpu.memory_space<vmem>>, vector<16xf32>,
          %mul3A_817 = arith.mulf %unpack3A_800, %scan3A_267 : vector<16xf32>
          %exp3A_818 = math.exp %mul3A_817 : vector<16xf32>
          %mul3A_819 = arith.mulf %unpack3A_806, %exp3A_818 : vector<16xf32>
          %add3A_820 = arith.addf %unpack3A_805, %mul3A_819 : vector<16xf32>
          %mul3A_821 = arith.constant 16 : i32
          %mul3A_822 = arith.muli %scan3A_265, %mul3A_821 : i32
          %swap3A_823 = arith.constant 27 : i32
          %swap3A_824 = arith.index_cast %swap3A_823 : i32 to index
          %swap3A_825 = arith.index_cast %mul3A_822 : i32 to index
          %swap3A_826 = tpu.vector_load %arg20[%swap3A_824, %swap3A_825] {strides = array<i32>} : memref<64x512xf32, #tpu.memory_space<vmem>>, vector<16xf32>,
          tpu.vector_store %arg20[%swap3A_824, %swap3A_825], %add3A_820 {strides = array<i32>} : memref<64x512xf32, #tpu.memory_space<vmem>>, vector<16xf32>,
          %bitcast3A_827 = vector.bitcast %gather3A_615 : vector<16xf32> to vector<32xbf16>
          %unpack3A_828 = tpu.unpack_subelements %bitcast3A_827, 0 {pack_format = #tpu.pack_format<interleaved>} : vector<32xbf16> -> vector<16xf32>
          %unpack3A_829 = tpu.unpack_subelements %bitcast3A_827, 1 {pack_format = #tpu.pack_format<interleaved>} : vector<32xbf16> -> vector<16xf32>
          %bitcast3A_830 = vector.bitcast %gather3A_609 : vector<16xf32> to vector<32xbf16>
          %unpack3A_831 = tpu.unpack_subelements %bitcast3A_830, 0 {pack_format = #tpu.pack_format<interleaved>} : vector<32xbf16> -> vector<16xf32>
          %unpack3A_832 = tpu.unpack_subelements %bitcast3A_830, 1 {pack_format = #tpu.pack_format<interleaved>} : vector<32xbf16> -> vector<16xf32>
          %bitcast3A_833 = vector.bitcast %gather3A_610 : vector<16xf32> to vector<32xbf16>
          %unpack3A_834 = tpu.unpack_subelements %bitcast3A_833, 0 {pack_format = #tpu.pack_format<interleaved>} : vector<32xbf16> -> vector<16xf32>
          %unpack3A_835 = tpu.unpack_subelements %bitcast3A_833, 1 {pack_format = #tpu.pack_format<interleaved>} : vector<32xbf16> -> vector<16xf32>
          %mul3A_836 = arith.mulf %unpack3A_828, %scan3A_267 : vector<16xf32>
          %exp3A_837 = math.exp %mul3A_836 : vector<16xf32>
          %mul3A_838 = arith.mulf %unpack3A_832, %exp3A_837 : vector<16xf32>
          %add3A_839 = arith.addf %unpack3A_831, %mul3A_838 : vector<16xf32>
          %mul3A_840 = arith.constant 16 : i32
          %mul3A_841 = arith.muli %scan3A_265, %mul3A_840 : i32
          %swap3A_842 = arith.constant 28 : i32
          %swap3A_843 = arith.index_cast %swap3A_842 : i32 to index
          %swap3A_844 = arith.index_cast %mul3A_841 : i32 to index
          %swap3A_845 = tpu.vector_load %arg20[%swap3A_843, %swap3A_844] {strides = array<i32>} : memref<64x512xf32, #tpu.memory_space<vmem>>, vector<16xf32>,
          tpu.vector_store %arg20[%swap3A_843, %swap3A_844], %add3A_839 {strides = array<i32>} : memref<64x512xf32, #tpu.memory_space<vmem>>, vector<16xf32>,
          %mul3A_846 = arith.mulf %unpack3A_829, %scan3A_267 : vector<16xf32>
          %exp3A_847 = math.exp %mul3A_846 : vector<16xf32>
          %mul3A_848 = arith.mulf %unpack3A_835, %exp3A_847 : vector<16xf32>
          %add3A_849 = arith.addf %unpack3A_834, %mul3A_848 : vector<16xf32>
          %mul3A_850 = arith.constant 16 : i32
          %mul3A_851 = arith.muli %scan3A_265, %mul3A_850 : i32
          %swap3A_852 = arith.constant 29 : i32
          %swap3A_853 = arith.index_cast %swap3A_852 : i32 to index
          %swap3A_854 = arith.index_cast %mul3A_851 : i32 to index
          %swap3A_855 = tpu.vector_load %arg20[%swap3A_853, %swap3A_854] {strides = array<i32>} : memref<64x512xf32, #tpu.memory_space<vmem>>, vector<16xf32>,
          tpu.vector_store %arg20[%swap3A_853, %swap3A_854], %add3A_849 {strides = array<i32>} : memref<64x512xf32, #tpu.memory_space<vmem>>, vector<16xf32>,
          %bitcast3A_856 = vector.bitcast %gather3A_616 : vector<16xf32> to vector<32xbf16>
          %unpack3A_857 = tpu.unpack_subelements %bitcast3A_856, 0 {pack_format = #tpu.pack_format<interleaved>} : vector<32xbf16> -> vector<16xf32>
          %unpack3A_858 = tpu.unpack_subelements %bitcast3A_856, 1 {pack_format = #tpu.pack_format<interleaved>} : vector<32xbf16> -> vector<16xf32>
          %bitcast3A_859 = vector.bitcast %gather3A_611 : vector<16xf32> to vector<32xbf16>
          %unpack3A_860 = tpu.unpack_subelements %bitcast3A_859, 0 {pack_format = #tpu.pack_format<interleaved>} : vector<32xbf16> -> vector<16xf32>
          %unpack3A_861 = tpu.unpack_subelements %bitcast3A_859, 1 {pack_format = #tpu.pack_format<interleaved>} : vector<32xbf16> -> vector<16xf32>
          %bitcast3A_862 = vector.bitcast %gather3A_612 : vector<16xf32> to vector<32xbf16>
          %unpack3A_863 = tpu.unpack_subelements %bitcast3A_862, 0 {pack_format = #tpu.pack_format<interleaved>} : vector<32xbf16> -> vector<16xf32>
          %unpack3A_864 = tpu.unpack_subelements %bitcast3A_862, 1 {pack_format = #tpu.pack_format<interleaved>} : vector<32xbf16> -> vector<16xf32>
          %mul3A_865 = arith.mulf %unpack3A_857, %scan3A_267 : vector<16xf32>
          %exp3A_866 = math.exp %mul3A_865 : vector<16xf32>
          %mul3A_867 = arith.mulf %unpack3A_861, %exp3A_866 : vector<16xf32>
          %add3A_868 = arith.addf %unpack3A_860, %mul3A_867 : vector<16xf32>
          %mul3A_869 = arith.constant 16 : i32
          %mul3A_870 = arith.muli %scan3A_265, %mul3A_869 : i32
          %swap3A_871 = arith.constant 30 : i32
          %swap3A_872 = arith.index_cast %swap3A_871 : i32 to index
          %swap3A_873 = arith.index_cast %mul3A_870 : i32 to index
          %swap3A_874 = tpu.vector_load %arg20[%swap3A_872, %swap3A_873] {strides = array<i32>} : memref<64x512xf32, #tpu.memory_space<vmem>>, vector<16xf32>,
          tpu.vector_store %arg20[%swap3A_872, %swap3A_873], %add3A_868 {strides = array<i32>} : memref<64x512xf32, #tpu.memory_space<vmem>>, vector<16xf32>,
          %mul3A_875 = arith.mulf %unpack3A_858, %scan3A_267 : vector<16xf32>
          %exp3A_876 = math.exp %mul3A_875 : vector<16xf32>
          %mul3A_877 = arith.mulf %unpack3A_864, %exp3A_876 : vector<16xf32>
          %add3A_878 = arith.addf %unpack3A_863, %mul3A_877 : vector<16xf32>
          %mul3A_879 = arith.constant 16 : i32
          %mul3A_880 = arith.muli %scan3A_265, %mul3A_879 : i32
          %swap3A_881 = arith.constant 31 : i32
          %swap3A_882 = arith.index_cast %swap3A_881 : i32 to index
          %swap3A_883 = arith.index_cast %mul3A_880 : i32 to index
          %swap3A_884 = tpu.vector_load %arg20[%swap3A_882, %swap3A_883] {strides = array<i32>} : memref<64x512xf32, #tpu.memory_space<vmem>>, vector<16xf32>,
          tpu.vector_store %arg20[%swap3A_882, %swap3A_883], %add3A_878 {strides = array<i32>} : memref<64x512xf32, #tpu.memory_space<vmem>>, vector<16xf32>,
          %broadcast_in_dim3A_885 = arith.constant 40 : i32
          %broadcast_in_dim3A_886 = vector.broadcast %broadcast_in_dim3A_885 : i32 to vector<16xi32>
          %broadcast_in_dim3A_887 = arith.constant 41 : i32
          %broadcast_in_dim3A_888 = vector.broadcast %broadcast_in_dim3A_887 : i32 to vector<16xi32>
          %broadcast_in_dim3A_889 = arith.constant 42 : i32
          %broadcast_in_dim3A_890 = vector.broadcast %broadcast_in_dim3A_889 : i32 to vector<16xi32>
          %broadcast_in_dim3A_891 = arith.constant 43 : i32
          %broadcast_in_dim3A_892 = vector.broadcast %broadcast_in_dim3A_891 : i32 to vector<16xi32>
          %broadcast_in_dim3A_893 = arith.constant 44 : i32
          %broadcast_in_dim3A_894 = vector.broadcast %broadcast_in_dim3A_893 : i32 to vector<16xi32>
          %broadcast_in_dim3A_895 = arith.constant 45 : i32
          %broadcast_in_dim3A_896 = vector.broadcast %broadcast_in_dim3A_895 : i32 to vector<16xi32>
          %broadcast_in_dim3A_897 = arith.constant 46 : i32
          %broadcast_in_dim3A_898 = vector.broadcast %broadcast_in_dim3A_897 : i32 to vector<16xi32>
          %broadcast_in_dim3A_899 = arith.constant 47 : i32
          %broadcast_in_dim3A_900 = vector.broadcast %broadcast_in_dim3A_899 : i32 to vector<16xi32>
          %broadcast_in_dim3A_901 = arith.constant 20 : i32
          %broadcast_in_dim3A_902 = vector.broadcast %broadcast_in_dim3A_901 : i32 to vector<16xi32>
          %broadcast_in_dim3A_903 = arith.constant 21 : i32
          %broadcast_in_dim3A_904 = vector.broadcast %broadcast_in_dim3A_903 : i32 to vector<16xi32>
          %broadcast_in_dim3A_905 = arith.constant 22 : i32
          %broadcast_in_dim3A_906 = vector.broadcast %broadcast_in_dim3A_905 : i32 to vector<16xi32>
          %broadcast_in_dim3A_907 = arith.constant 23 : i32
          %broadcast_in_dim3A_908 = vector.broadcast %broadcast_in_dim3A_907 : i32 to vector<16xi32>
          %gather3A_909 = tpu.vector_load_idx %arg10[%broadcast_in_dim3A_886, %scan3A_266] : memref<64x256xf32, #tpu.memory_space<vmem>>[vector<16xi32>, vector<16xi32>], vector<16xf32>,
          %gather3A_910 = tpu.vector_load_idx %arg10[%broadcast_in_dim3A_888, %scan3A_266] : memref<64x256xf32, #tpu.memory_space<vmem>>[vector<16xi32>, vector<16xi32>], vector<16xf32>,
          %gather3A_911 = tpu.vector_load_idx %arg10[%broadcast_in_dim3A_890, %scan3A_266] : memref<64x256xf32, #tpu.memory_space<vmem>>[vector<16xi32>, vector<16xi32>], vector<16xf32>,
          %gather3A_912 = tpu.vector_load_idx %arg10[%broadcast_in_dim3A_892, %scan3A_266] : memref<64x256xf32, #tpu.memory_space<vmem>>[vector<16xi32>, vector<16xi32>], vector<16xf32>,
          %gather3A_913 = tpu.vector_load_idx %arg10[%broadcast_in_dim3A_894, %scan3A_266] : memref<64x256xf32, #tpu.memory_space<vmem>>[vector<16xi32>, vector<16xi32>], vector<16xf32>,
          %gather3A_914 = tpu.vector_load_idx %arg10[%broadcast_in_dim3A_896, %scan3A_266] : memref<64x256xf32, #tpu.memory_space<vmem>>[vector<16xi32>, vector<16xi32>], vector<16xf32>,
          %gather3A_915 = tpu.vector_load_idx %arg10[%broadcast_in_dim3A_898, %scan3A_266] : memref<64x256xf32, #tpu.memory_space<vmem>>[vector<16xi32>, vector<16xi32>], vector<16xf32>,
          %gather3A_916 = tpu.vector_load_idx %arg10[%broadcast_in_dim3A_900, %scan3A_266] : memref<64x256xf32, #tpu.memory_space<vmem>>[vector<16xi32>, vector<16xi32>], vector<16xf32>,
          %gather3A_917 = tpu.vector_load_idx %arg12[%broadcast_in_dim3A_902, %scan3A_266] : memref<64x256xf32, #tpu.memory_space<vmem>>[vector<16xi32>, vector<16xi32>], vector<16xf32>,
          %gather3A_918 = tpu.vector_load_idx %arg12[%broadcast_in_dim3A_904, %scan3A_266] : memref<64x256xf32, #tpu.memory_space<vmem>>[vector<16xi32>, vector<16xi32>], vector<16xf32>,
          %gather3A_919 = tpu.vector_load_idx %arg12[%broadcast_in_dim3A_906, %scan3A_266] : memref<64x256xf32, #tpu.memory_space<vmem>>[vector<16xi32>, vector<16xi32>], vector<16xf32>,
          %gather3A_920 = tpu.vector_load_idx %arg12[%broadcast_in_dim3A_908, %scan3A_266] : memref<64x256xf32, #tpu.memory_space<vmem>>[vector<16xi32>, vector<16xi32>], vector<16xf32>,
          %bitcast3A_921 = vector.bitcast %gather3A_765 : vector<16xf32> to vector<32xbf16>
          %unpack3A_922 = tpu.unpack_subelements %bitcast3A_921, 0 {pack_format = #tpu.pack_format<interleaved>} : vector<32xbf16> -> vector<16xf32>
          %unpack3A_923 = tpu.unpack_subelements %bitcast3A_921, 1 {pack_format = #tpu.pack_format<interleaved>} : vector<32xbf16> -> vector<16xf32>
          %bitcast3A_924 = vector.bitcast %gather3A_757 : vector<16xf32> to vector<32xbf16>
          %unpack3A_925 = tpu.unpack_subelements %bitcast3A_924, 0 {pack_format = #tpu.pack_format<interleaved>} : vector<32xbf16> -> vector<16xf32>
          %unpack3A_926 = tpu.unpack_subelements %bitcast3A_924, 1 {pack_format = #tpu.pack_format<interleaved>} : vector<32xbf16> -> vector<16xf32>
          %bitcast3A_927 = vector.bitcast %gather3A_758 : vector<16xf32> to vector<32xbf16>
          %unpack3A_928 = tpu.unpack_subelements %bitcast3A_927, 0 {pack_format = #tpu.pack_format<interleaved>} : vector<32xbf16> -> vector<16xf32>
          %unpack3A_929 = tpu.unpack_subelements %bitcast3A_927, 1 {pack_format = #tpu.pack_format<interleaved>} : vector<32xbf16> -> vector<16xf32>
          %mul3A_930 = arith.mulf %unpack3A_922, %scan3A_267 : vector<16xf32>
          %exp3A_931 = math.exp %mul3A_930 : vector<16xf32>
          %mul3A_932 = arith.mulf %unpack3A_926, %exp3A_931 : vector<16xf32>
          %add3A_933 = arith.addf %unpack3A_925, %mul3A_932 : vector<16xf32>
          %mul3A_934 = arith.constant 16 : i32
          %mul3A_935 = arith.muli %scan3A_265, %mul3A_934 : i32
          %swap3A_936 = arith.constant 32 : i32
          %swap3A_937 = arith.index_cast %swap3A_936 : i32 to index
          %swap3A_938 = arith.index_cast %mul3A_935 : i32 to index
          %swap3A_939 = tpu.vector_load %arg20[%swap3A_937, %swap3A_938] {strides = array<i32>} : memref<64x512xf32, #tpu.memory_space<vmem>>, vector<16xf32>,
          tpu.vector_store %arg20[%swap3A_937, %swap3A_938], %add3A_933 {strides = array<i32>} : memref<64x512xf32, #tpu.memory_space<vmem>>, vector<16xf32>,
          %mul3A_940 = arith.mulf %unpack3A_923, %scan3A_267 : vector<16xf32>
          %exp3A_941 = math.exp %mul3A_940 : vector<16xf32>
          %mul3A_942 = arith.mulf %unpack3A_929, %exp3A_941 : vector<16xf32>
          %add3A_943 = arith.addf %unpack3A_928, %mul3A_942 : vector<16xf32>
          %mul3A_944 = arith.constant 16 : i32
          %mul3A_945 = arith.muli %scan3A_265, %mul3A_944 : i32
          %swap3A_946 = arith.constant 33 : i32
          %swap3A_947 = arith.index_cast %swap3A_946 : i32 to index
          %swap3A_948 = arith.index_cast %mul3A_945 : i32 to index
          %swap3A_949 = tpu.vector_load %arg20[%swap3A_947, %swap3A_948] {strides = array<i32>} : memref<64x512xf32, #tpu.memory_space<vmem>>, vector<16xf32>,
          tpu.vector_store %arg20[%swap3A_947, %swap3A_948], %add3A_943 {strides = array<i32>} : memref<64x512xf32, #tpu.memory_space<vmem>>, vector<16xf32>,
          %bitcast3A_950 = vector.bitcast %gather3A_766 : vector<16xf32> to vector<32xbf16>
          %unpack3A_951 = tpu.unpack_subelements %bitcast3A_950, 0 {pack_format = #tpu.pack_format<interleaved>} : vector<32xbf16> -> vector<16xf32>
          %unpack3A_952 = tpu.unpack_subelements %bitcast3A_950, 1 {pack_format = #tpu.pack_format<interleaved>} : vector<32xbf16> -> vector<16xf32>
          %bitcast3A_953 = vector.bitcast %gather3A_759 : vector<16xf32> to vector<32xbf16>
          %unpack3A_954 = tpu.unpack_subelements %bitcast3A_953, 0 {pack_format = #tpu.pack_format<interleaved>} : vector<32xbf16> -> vector<16xf32>
          %unpack3A_955 = tpu.unpack_subelements %bitcast3A_953, 1 {pack_format = #tpu.pack_format<interleaved>} : vector<32xbf16> -> vector<16xf32>
          %bitcast3A_956 = vector.bitcast %gather3A_760 : vector<16xf32> to vector<32xbf16>
          %unpack3A_957 = tpu.unpack_subelements %bitcast3A_956, 0 {pack_format = #tpu.pack_format<interleaved>} : vector<32xbf16> -> vector<16xf32>
          %unpack3A_958 = tpu.unpack_subelements %bitcast3A_956, 1 {pack_format = #tpu.pack_format<interleaved>} : vector<32xbf16> -> vector<16xf32>
          %mul3A_959 = arith.mulf %unpack3A_951, %scan3A_267 : vector<16xf32>
          %exp3A_960 = math.exp %mul3A_959 : vector<16xf32>
          %mul3A_961 = arith.mulf %unpack3A_955, %exp3A_960 : vector<16xf32>
          %add3A_962 = arith.addf %unpack3A_954, %mul3A_961 : vector<16xf32>
          %mul3A_963 = arith.constant 16 : i32
          %mul3A_964 = arith.muli %scan3A_265, %mul3A_963 : i32
          %swap3A_965 = arith.constant 34 : i32
          %swap3A_966 = arith.index_cast %swap3A_965 : i32 to index
          %swap3A_967 = arith.index_cast %mul3A_964 : i32 to index
          %swap3A_968 = tpu.vector_load %arg20[%swap3A_966, %swap3A_967] {strides = array<i32>} : memref<64x512xf32, #tpu.memory_space<vmem>>, vector<16xf32>,
          tpu.vector_store %arg20[%swap3A_966, %swap3A_967], %add3A_962 {strides = array<i32>} : memref<64x512xf32, #tpu.memory_space<vmem>>, vector<16xf32>,
          %mul3A_969 = arith.mulf %unpack3A_952, %scan3A_267 : vector<16xf32>
          %exp3A_970 = math.exp %mul3A_969 : vector<16xf32>
          %mul3A_971 = arith.mulf %unpack3A_958, %exp3A_970 : vector<16xf32>
          %add3A_972 = arith.addf %unpack3A_957, %mul3A_971 : vector<16xf32>
          %mul3A_973 = arith.constant 16 : i32
          %mul3A_974 = arith.muli %scan3A_265, %mul3A_973 : i32
          %swap3A_975 = arith.constant 35 : i32
          %swap3A_976 = arith.index_cast %swap3A_975 : i32 to index
          %swap3A_977 = arith.index_cast %mul3A_974 : i32 to index
          %swap3A_978 = tpu.vector_load %arg20[%swap3A_976, %swap3A_977] {strides = array<i32>} : memref<64x512xf32, #tpu.memory_space<vmem>>, vector<16xf32>,
          tpu.vector_store %arg20[%swap3A_976, %swap3A_977], %add3A_972 {strides = array<i32>} : memref<64x512xf32, #tpu.memory_space<vmem>>, vector<16xf32>,
          %bitcast3A_979 = vector.bitcast %gather3A_767 : vector<16xf32> to vector<32xbf16>
          %unpack3A_980 = tpu.unpack_subelements %bitcast3A_979, 0 {pack_format = #tpu.pack_format<interleaved>} : vector<32xbf16> -> vector<16xf32>
          %unpack3A_981 = tpu.unpack_subelements %bitcast3A_979, 1 {pack_format = #tpu.pack_format<interleaved>} : vector<32xbf16> -> vector<16xf32>
          %bitcast3A_982 = vector.bitcast %gather3A_761 : vector<16xf32> to vector<32xbf16>
          %unpack3A_983 = tpu.unpack_subelements %bitcast3A_982, 0 {pack_format = #tpu.pack_format<interleaved>} : vector<32xbf16> -> vector<16xf32>
          %unpack3A_984 = tpu.unpack_subelements %bitcast3A_982, 1 {pack_format = #tpu.pack_format<interleaved>} : vector<32xbf16> -> vector<16xf32>
          %bitcast3A_985 = vector.bitcast %gather3A_762 : vector<16xf32> to vector<32xbf16>
          %unpack3A_986 = tpu.unpack_subelements %bitcast3A_985, 0 {pack_format = #tpu.pack_format<interleaved>} : vector<32xbf16> -> vector<16xf32>
          %unpack3A_987 = tpu.unpack_subelements %bitcast3A_985, 1 {pack_format = #tpu.pack_format<interleaved>} : vector<32xbf16> -> vector<16xf32>
          %mul3A_988 = arith.mulf %unpack3A_980, %scan3A_267 : vector<16xf32>
          %exp3A_989 = math.exp %mul3A_988 : vector<16xf32>
          %mul3A_990 = arith.mulf %unpack3A_984, %exp3A_989 : vector<16xf32>
          %add3A_991 = arith.addf %unpack3A_983, %mul3A_990 : vector<16xf32>
          %mul3A_992 = arith.constant 16 : i32
          %mul3A_993 = arith.muli %scan3A_265, %mul3A_992 : i32
          %swap3A_994 = arith.constant 36 : i32
          %swap3A_995 = arith.index_cast %swap3A_994 : i32 to index
          %swap3A_996 = arith.index_cast %mul3A_993 : i32 to index
          %swap3A_997 = tpu.vector_load %arg20[%swap3A_995, %swap3A_996] {strides = array<i32>} : memref<64x512xf32, #tpu.memory_space<vmem>>, vector<16xf32>,
          tpu.vector_store %arg20[%swap3A_995, %swap3A_996], %add3A_991 {strides = array<i32>} : memref<64x512xf32, #tpu.memory_space<vmem>>, vector<16xf32>,
          %mul3A_998 = arith.mulf %unpack3A_981, %scan3A_267 : vector<16xf32>
          %exp3A_999 = math.exp %mul3A_998 : vector<16xf32>
          %mul3A_1000 = arith.mulf %unpack3A_987, %exp3A_999 : vector<16xf32>
          %add3A_1001 = arith.addf %unpack3A_986, %mul3A_1000 : vector<16xf32>
          %mul3A_1002 = arith.constant 16 : i32
          %mul3A_1003 = arith.muli %scan3A_265, %mul3A_1002 : i32
          %swap3A_1004 = arith.constant 37 : i32
          %swap3A_1005 = arith.index_cast %swap3A_1004 : i32 to index
          %swap3A_1006 = arith.index_cast %mul3A_1003 : i32 to index
          %swap3A_1007 = tpu.vector_load %arg20[%swap3A_1005, %swap3A_1006] {strides = array<i32>} : memref<64x512xf32, #tpu.memory_space<vmem>>, vector<16xf32>,
          tpu.vector_store %arg20[%swap3A_1005, %swap3A_1006], %add3A_1001 {strides = array<i32>} : memref<64x512xf32, #tpu.memory_space<vmem>>, vector<16xf32>,
          %bitcast3A_1008 = vector.bitcast %gather3A_768 : vector<16xf32> to vector<32xbf16>
          %unpack3A_1009 = tpu.unpack_subelements %bitcast3A_1008, 0 {pack_format = #tpu.pack_format<interleaved>} : vector<32xbf16> -> vector<16xf32>
          %unpack3A_1010 = tpu.unpack_subelements %bitcast3A_1008, 1 {pack_format = #tpu.pack_format<interleaved>} : vector<32xbf16> -> vector<16xf32>
          %bitcast3A_1011 = vector.bitcast %gather3A_763 : vector<16xf32> to vector<32xbf16>
          %unpack3A_1012 = tpu.unpack_subelements %bitcast3A_1011, 0 {pack_format = #tpu.pack_format<interleaved>} : vector<32xbf16> -> vector<16xf32>
          %unpack3A_1013 = tpu.unpack_subelements %bitcast3A_1011, 1 {pack_format = #tpu.pack_format<interleaved>} : vector<32xbf16> -> vector<16xf32>
          %bitcast3A_1014 = vector.bitcast %gather3A_764 : vector<16xf32> to vector<32xbf16>
          %unpack3A_1015 = tpu.unpack_subelements %bitcast3A_1014, 0 {pack_format = #tpu.pack_format<interleaved>} : vector<32xbf16> -> vector<16xf32>
          %unpack3A_1016 = tpu.unpack_subelements %bitcast3A_1014, 1 {pack_format = #tpu.pack_format<interleaved>} : vector<32xbf16> -> vector<16xf32>
          %mul3A_1017 = arith.mulf %unpack3A_1009, %scan3A_267 : vector<16xf32>
          %exp3A_1018 = math.exp %mul3A_1017 : vector<16xf32>
          %mul3A_1019 = arith.mulf %unpack3A_1013, %exp3A_1018 : vector<16xf32>
          %add3A_1020 = arith.addf %unpack3A_1012, %mul3A_1019 : vector<16xf32>
          %mul3A_1021 = arith.constant 16 : i32
          %mul3A_1022 = arith.muli %scan3A_265, %mul3A_1021 : i32
          %swap3A_1023 = arith.constant 38 : i32
          %swap3A_1024 = arith.index_cast %swap3A_1023 : i32 to index
          %swap3A_1025 = arith.index_cast %mul3A_1022 : i32 to index
          %swap3A_1026 = tpu.vector_load %arg20[%swap3A_1024, %swap3A_1025] {strides = array<i32>} : memref<64x512xf32, #tpu.memory_space<vmem>>, vector<16xf32>,
          tpu.vector_store %arg20[%swap3A_1024, %swap3A_1025], %add3A_1020 {strides = array<i32>} : memref<64x512xf32, #tpu.memory_space<vmem>>, vector<16xf32>,
          %mul3A_1027 = arith.mulf %unpack3A_1010, %scan3A_267 : vector<16xf32>
          %exp3A_1028 = math.exp %mul3A_1027 : vector<16xf32>
          %mul3A_1029 = arith.mulf %unpack3A_1016, %exp3A_1028 : vector<16xf32>
          %add3A_1030 = arith.addf %unpack3A_1015, %mul3A_1029 : vector<16xf32>
          %mul3A_1031 = arith.constant 16 : i32
          %mul3A_1032 = arith.muli %scan3A_265, %mul3A_1031 : i32
          %swap3A_1033 = arith.constant 39 : i32
          %swap3A_1034 = arith.index_cast %swap3A_1033 : i32 to index
          %swap3A_1035 = arith.index_cast %mul3A_1032 : i32 to index
          %swap3A_1036 = tpu.vector_load %arg20[%swap3A_1034, %swap3A_1035] {strides = array<i32>} : memref<64x512xf32, #tpu.memory_space<vmem>>, vector<16xf32>,
          tpu.vector_store %arg20[%swap3A_1034, %swap3A_1035], %add3A_1030 {strides = array<i32>} : memref<64x512xf32, #tpu.memory_space<vmem>>, vector<16xf32>,
          %broadcast_in_dim3A_1037 = arith.constant 48 : i32
          %broadcast_in_dim3A_1038 = vector.broadcast %broadcast_in_dim3A_1037 : i32 to vector<16xi32>
          %broadcast_in_dim3A_1039 = arith.constant 49 : i32
          %broadcast_in_dim3A_1040 = vector.broadcast %broadcast_in_dim3A_1039 : i32 to vector<16xi32>
          %broadcast_in_dim3A_1041 = arith.constant 50 : i32
          %broadcast_in_dim3A_1042 = vector.broadcast %broadcast_in_dim3A_1041 : i32 to vector<16xi32>
          %broadcast_in_dim3A_1043 = arith.constant 51 : i32
          %broadcast_in_dim3A_1044 = vector.broadcast %broadcast_in_dim3A_1043 : i32 to vector<16xi32>
          %broadcast_in_dim3A_1045 = arith.constant 52 : i32
          %broadcast_in_dim3A_1046 = vector.broadcast %broadcast_in_dim3A_1045 : i32 to vector<16xi32>
          %broadcast_in_dim3A_1047 = arith.constant 53 : i32
          %broadcast_in_dim3A_1048 = vector.broadcast %broadcast_in_dim3A_1047 : i32 to vector<16xi32>
          %broadcast_in_dim3A_1049 = arith.constant 54 : i32
          %broadcast_in_dim3A_1050 = vector.broadcast %broadcast_in_dim3A_1049 : i32 to vector<16xi32>
          %broadcast_in_dim3A_1051 = arith.constant 55 : i32
          %broadcast_in_dim3A_1052 = vector.broadcast %broadcast_in_dim3A_1051 : i32 to vector<16xi32>
          %broadcast_in_dim3A_1053 = arith.constant 24 : i32
          %broadcast_in_dim3A_1054 = vector.broadcast %broadcast_in_dim3A_1053 : i32 to vector<16xi32>
          %broadcast_in_dim3A_1055 = arith.constant 25 : i32
          %broadcast_in_dim3A_1056 = vector.broadcast %broadcast_in_dim3A_1055 : i32 to vector<16xi32>
          %broadcast_in_dim3A_1057 = arith.constant 26 : i32
          %broadcast_in_dim3A_1058 = vector.broadcast %broadcast_in_dim3A_1057 : i32 to vector<16xi32>
          %broadcast_in_dim3A_1059 = arith.constant 27 : i32
          %broadcast_in_dim3A_1060 = vector.broadcast %broadcast_in_dim3A_1059 : i32 to vector<16xi32>
          %gather3A_1061 = tpu.vector_load_idx %arg10[%broadcast_in_dim3A_1038, %scan3A_266] : memref<64x256xf32, #tpu.memory_space<vmem>>[vector<16xi32>, vector<16xi32>], vector<16xf32>,
          %gather3A_1062 = tpu.vector_load_idx %arg10[%broadcast_in_dim3A_1040, %scan3A_266] : memref<64x256xf32, #tpu.memory_space<vmem>>[vector<16xi32>, vector<16xi32>], vector<16xf32>,
          %gather3A_1063 = tpu.vector_load_idx %arg10[%broadcast_in_dim3A_1042, %scan3A_266] : memref<64x256xf32, #tpu.memory_space<vmem>>[vector<16xi32>, vector<16xi32>], vector<16xf32>,
          %gather3A_1064 = tpu.vector_load_idx %arg10[%broadcast_in_dim3A_1044, %scan3A_266] : memref<64x256xf32, #tpu.memory_space<vmem>>[vector<16xi32>, vector<16xi32>], vector<16xf32>,
          %gather3A_1065 = tpu.vector_load_idx %arg10[%broadcast_in_dim3A_1046, %scan3A_266] : memref<64x256xf32, #tpu.memory_space<vmem>>[vector<16xi32>, vector<16xi32>], vector<16xf32>,
          %gather3A_1066 = tpu.vector_load_idx %arg10[%broadcast_in_dim3A_1048, %scan3A_266] : memref<64x256xf32, #tpu.memory_space<vmem>>[vector<16xi32>, vector<16xi32>], vector<16xf32>,
          %gather3A_1067 = tpu.vector_load_idx %arg10[%broadcast_in_dim3A_1050, %scan3A_266] : memref<64x256xf32, #tpu.memory_space<vmem>>[vector<16xi32>, vector<16xi32>], vector<16xf32>,
          %gather3A_1068 = tpu.vector_load_idx %arg10[%broadcast_in_dim3A_1052, %scan3A_266] : memref<64x256xf32, #tpu.memory_space<vmem>>[vector<16xi32>, vector<16xi32>], vector<16xf32>,
          %gather3A_1069 = tpu.vector_load_idx %arg12[%broadcast_in_dim3A_1054, %scan3A_266] : memref<64x256xf32, #tpu.memory_space<vmem>>[vector<16xi32>, vector<16xi32>], vector<16xf32>,
          %gather3A_1070 = tpu.vector_load_idx %arg12[%broadcast_in_dim3A_1056, %scan3A_266] : memref<64x256xf32, #tpu.memory_space<vmem>>[vector<16xi32>, vector<16xi32>], vector<16xf32>,
          %gather3A_1071 = tpu.vector_load_idx %arg12[%broadcast_in_dim3A_1058, %scan3A_266] : memref<64x256xf32, #tpu.memory_space<vmem>>[vector<16xi32>, vector<16xi32>], vector<16xf32>,
          %gather3A_1072 = tpu.vector_load_idx %arg12[%broadcast_in_dim3A_1060, %scan3A_266] : memref<64x256xf32, #tpu.memory_space<vmem>>[vector<16xi32>, vector<16xi32>], vector<16xf32>,
          %bitcast3A_1073 = vector.bitcast %gather3A_917 : vector<16xf32> to vector<32xbf16>
          %unpack3A_1074 = tpu.unpack_subelements %bitcast3A_1073, 0 {pack_format = #tpu.pack_format<interleaved>} : vector<32xbf16> -> vector<16xf32>
          %unpack3A_1075 = tpu.unpack_subelements %bitcast3A_1073, 1 {pack_format = #tpu.pack_format<interleaved>} : vector<32xbf16> -> vector<16xf32>
          %bitcast3A_1076 = vector.bitcast %gather3A_909 : vector<16xf32> to vector<32xbf16>
          %unpack3A_1077 = tpu.unpack_subelements %bitcast3A_1076, 0 {pack_format = #tpu.pack_format<interleaved>} : vector<32xbf16> -> vector<16xf32>
          %unpack3A_1078 = tpu.unpack_subelements %bitcast3A_1076, 1 {pack_format = #tpu.pack_format<interleaved>} : vector<32xbf16> -> vector<16xf32>
          %bitcast3A_1079 = vector.bitcast %gather3A_910 : vector<16xf32> to vector<32xbf16>
          %unpack3A_1080 = tpu.unpack_subelements %bitcast3A_1079, 0 {pack_format = #tpu.pack_format<interleaved>} : vector<32xbf16> -> vector<16xf32>
          %unpack3A_1081 = tpu.unpack_subelements %bitcast3A_1079, 1 {pack_format = #tpu.pack_format<interleaved>} : vector<32xbf16> -> vector<16xf32>
          %mul3A_1082 = arith.mulf %unpack3A_1074, %scan3A_267 : vector<16xf32>
          %exp3A_1083 = math.exp %mul3A_1082 : vector<16xf32>
          %mul3A_1084 = arith.mulf %unpack3A_1078, %exp3A_1083 : vector<16xf32>
          %add3A_1085 = arith.addf %unpack3A_1077, %mul3A_1084 : vector<16xf32>
          %mul3A_1086 = arith.constant 16 : i32
          %mul3A_1087 = arith.muli %scan3A_265, %mul3A_1086 : i32
          %swap3A_1088 = arith.constant 40 : i32
          %swap3A_1089 = arith.index_cast %swap3A_1088 : i32 to index
          %swap3A_1090 = arith.index_cast %mul3A_1087 : i32 to index
          %swap3A_1091 = tpu.vector_load %arg20[%swap3A_1089, %swap3A_1090] {strides = array<i32>} : memref<64x512xf32, #tpu.memory_space<vmem>>, vector<16xf32>,
          tpu.vector_store %arg20[%swap3A_1089, %swap3A_1090], %add3A_1085 {strides = array<i32>} : memref<64x512xf32, #tpu.memory_space<vmem>>, vector<16xf32>,
          %mul3A_1092 = arith.mulf %unpack3A_1075, %scan3A_267 : vector<16xf32>
          %exp3A_1093 = math.exp %mul3A_1092 : vector<16xf32>
          %mul3A_1094 = arith.mulf %unpack3A_1081, %exp3A_1093 : vector<16xf32>
          %add3A_1095 = arith.addf %unpack3A_1080, %mul3A_1094 : vector<16xf32>
          %mul3A_1096 = arith.constant 16 : i32
          %mul3A_1097 = arith.muli %scan3A_265, %mul3A_1096 : i32
          %swap3A_1098 = arith.constant 41 : i32
          %swap3A_1099 = arith.index_cast %swap3A_1098 : i32 to index
          %swap3A_1100 = arith.index_cast %mul3A_1097 : i32 to index
          %swap3A_1101 = tpu.vector_load %arg20[%swap3A_1099, %swap3A_1100] {strides = array<i32>} : memref<64x512xf32, #tpu.memory_space<vmem>>, vector<16xf32>,
          tpu.vector_store %arg20[%swap3A_1099, %swap3A_1100], %add3A_1095 {strides = array<i32>} : memref<64x512xf32, #tpu.memory_space<vmem>>, vector<16xf32>,
          %bitcast3A_1102 = vector.bitcast %gather3A_918 : vector<16xf32> to vector<32xbf16>
          %unpack3A_1103 = tpu.unpack_subelements %bitcast3A_1102, 0 {pack_format = #tpu.pack_format<interleaved>} : vector<32xbf16> -> vector<16xf32>
          %unpack3A_1104 = tpu.unpack_subelements %bitcast3A_1102, 1 {pack_format = #tpu.pack_format<interleaved>} : vector<32xbf16> -> vector<16xf32>
          %bitcast3A_1105 = vector.bitcast %gather3A_911 : vector<16xf32> to vector<32xbf16>
          %unpack3A_1106 = tpu.unpack_subelements %bitcast3A_1105, 0 {pack_format = #tpu.pack_format<interleaved>} : vector<32xbf16> -> vector<16xf32>
          %unpack3A_1107 = tpu.unpack_subelements %bitcast3A_1105, 1 {pack_format = #tpu.pack_format<interleaved>} : vector<32xbf16> -> vector<16xf32>
          %bitcast3A_1108 = vector.bitcast %gather3A_912 : vector<16xf32> to vector<32xbf16>
          %unpack3A_1109 = tpu.unpack_subelements %bitcast3A_1108, 0 {pack_format = #tpu.pack_format<interleaved>} : vector<32xbf16> -> vector<16xf32>
          %unpack3A_1110 = tpu.unpack_subelements %bitcast3A_1108, 1 {pack_format = #tpu.pack_format<interleaved>} : vector<32xbf16> -> vector<16xf32>
          %mul3A_1111 = arith.mulf %unpack3A_1103, %scan3A_267 : vector<16xf32>
          %exp3A_1112 = math.exp %mul3A_1111 : vector<16xf32>
          %mul3A_1113 = arith.mulf %unpack3A_1107, %exp3A_1112 : vector<16xf32>
          %add3A_1114 = arith.addf %unpack3A_1106, %mul3A_1113 : vector<16xf32>
          %mul3A_1115 = arith.constant 16 : i32
          %mul3A_1116 = arith.muli %scan3A_265, %mul3A_1115 : i32
          %swap3A_1117 = arith.constant 42 : i32
          %swap3A_1118 = arith.index_cast %swap3A_1117 : i32 to index
          %swap3A_1119 = arith.index_cast %mul3A_1116 : i32 to index
          %swap3A_1120 = tpu.vector_load %arg20[%swap3A_1118, %swap3A_1119] {strides = array<i32>} : memref<64x512xf32, #tpu.memory_space<vmem>>, vector<16xf32>,
          tpu.vector_store %arg20[%swap3A_1118, %swap3A_1119], %add3A_1114 {strides = array<i32>} : memref<64x512xf32, #tpu.memory_space<vmem>>, vector<16xf32>,
          %mul3A_1121 = arith.mulf %unpack3A_1104, %scan3A_267 : vector<16xf32>
          %exp3A_1122 = math.exp %mul3A_1121 : vector<16xf32>
          %mul3A_1123 = arith.mulf %unpack3A_1110, %exp3A_1122 : vector<16xf32>
          %add3A_1124 = arith.addf %unpack3A_1109, %mul3A_1123 : vector<16xf32>
          %mul3A_1125 = arith.constant 16 : i32
          %mul3A_1126 = arith.muli %scan3A_265, %mul3A_1125 : i32
          %swap3A_1127 = arith.constant 43 : i32
          %swap3A_1128 = arith.index_cast %swap3A_1127 : i32 to index
          %swap3A_1129 = arith.index_cast %mul3A_1126 : i32 to index
          %swap3A_1130 = tpu.vector_load %arg20[%swap3A_1128, %swap3A_1129] {strides = array<i32>} : memref<64x512xf32, #tpu.memory_space<vmem>>, vector<16xf32>,
          tpu.vector_store %arg20[%swap3A_1128, %swap3A_1129], %add3A_1124 {strides = array<i32>} : memref<64x512xf32, #tpu.memory_space<vmem>>, vector<16xf32>,
          %bitcast3A_1131 = vector.bitcast %gather3A_919 : vector<16xf32> to vector<32xbf16>
          %unpack3A_1132 = tpu.unpack_subelements %bitcast3A_1131, 0 {pack_format = #tpu.pack_format<interleaved>} : vector<32xbf16> -> vector<16xf32>
          %unpack3A_1133 = tpu.unpack_subelements %bitcast3A_1131, 1 {pack_format = #tpu.pack_format<interleaved>} : vector<32xbf16> -> vector<16xf32>
          %bitcast3A_1134 = vector.bitcast %gather3A_913 : vector<16xf32> to vector<32xbf16>
          %unpack3A_1135 = tpu.unpack_subelements %bitcast3A_1134, 0 {pack_format = #tpu.pack_format<interleaved>} : vector<32xbf16> -> vector<16xf32>
          %unpack3A_1136 = tpu.unpack_subelements %bitcast3A_1134, 1 {pack_format = #tpu.pack_format<interleaved>} : vector<32xbf16> -> vector<16xf32>
          %bitcast3A_1137 = vector.bitcast %gather3A_914 : vector<16xf32> to vector<32xbf16>
          %unpack3A_1138 = tpu.unpack_subelements %bitcast3A_1137, 0 {pack_format = #tpu.pack_format<interleaved>} : vector<32xbf16> -> vector<16xf32>
          %unpack3A_1139 = tpu.unpack_subelements %bitcast3A_1137, 1 {pack_format = #tpu.pack_format<interleaved>} : vector<32xbf16> -> vector<16xf32>
          %mul3A_1140 = arith.mulf %unpack3A_1132, %scan3A_267 : vector<16xf32>
          %exp3A_1141 = math.exp %mul3A_1140 : vector<16xf32>
          %mul3A_1142 = arith.mulf %unpack3A_1136, %exp3A_1141 : vector<16xf32>
          %add3A_1143 = arith.addf %unpack3A_1135, %mul3A_1142 : vector<16xf32>
          %mul3A_1144 = arith.constant 16 : i32
          %mul3A_1145 = arith.muli %scan3A_265, %mul3A_1144 : i32
          %swap3A_1146 = arith.constant 44 : i32
          %swap3A_1147 = arith.index_cast %swap3A_1146 : i32 to index
          %swap3A_1148 = arith.index_cast %mul3A_1145 : i32 to index
          %swap3A_1149 = tpu.vector_load %arg20[%swap3A_1147, %swap3A_1148] {strides = array<i32>} : memref<64x512xf32, #tpu.memory_space<vmem>>, vector<16xf32>,
          tpu.vector_store %arg20[%swap3A_1147, %swap3A_1148], %add3A_1143 {strides = array<i32>} : memref<64x512xf32, #tpu.memory_space<vmem>>, vector<16xf32>,
          %mul3A_1150 = arith.mulf %unpack3A_1133, %scan3A_267 : vector<16xf32>
          %exp3A_1151 = math.exp %mul3A_1150 : vector<16xf32>
          %mul3A_1152 = arith.mulf %unpack3A_1139, %exp3A_1151 : vector<16xf32>
          %add3A_1153 = arith.addf %unpack3A_1138, %mul3A_1152 : vector<16xf32>
          %mul3A_1154 = arith.constant 16 : i32
          %mul3A_1155 = arith.muli %scan3A_265, %mul3A_1154 : i32
          %swap3A_1156 = arith.constant 45 : i32
          %swap3A_1157 = arith.index_cast %swap3A_1156 : i32 to index
          %swap3A_1158 = arith.index_cast %mul3A_1155 : i32 to index
          %swap3A_1159 = tpu.vector_load %arg20[%swap3A_1157, %swap3A_1158] {strides = array<i32>} : memref<64x512xf32, #tpu.memory_space<vmem>>, vector<16xf32>,
          tpu.vector_store %arg20[%swap3A_1157, %swap3A_1158], %add3A_1153 {strides = array<i32>} : memref<64x512xf32, #tpu.memory_space<vmem>>, vector<16xf32>,
          %bitcast3A_1160 = vector.bitcast %gather3A_920 : vector<16xf32> to vector<32xbf16>
          %unpack3A_1161 = tpu.unpack_subelements %bitcast3A_1160, 0 {pack_format = #tpu.pack_format<interleaved>} : vector<32xbf16> -> vector<16xf32>
          %unpack3A_1162 = tpu.unpack_subelements %bitcast3A_1160, 1 {pack_format = #tpu.pack_format<interleaved>} : vector<32xbf16> -> vector<16xf32>
          %bitcast3A_1163 = vector.bitcast %gather3A_915 : vector<16xf32> to vector<32xbf16>
          %unpack3A_1164 = tpu.unpack_subelements %bitcast3A_1163, 0 {pack_format = #tpu.pack_format<interleaved>} : vector<32xbf16> -> vector<16xf32>
          %unpack3A_1165 = tpu.unpack_subelements %bitcast3A_1163, 1 {pack_format = #tpu.pack_format<interleaved>} : vector<32xbf16> -> vector<16xf32>
          %bitcast3A_1166 = vector.bitcast %gather3A_916 : vector<16xf32> to vector<32xbf16>
          %unpack3A_1167 = tpu.unpack_subelements %bitcast3A_1166, 0 {pack_format = #tpu.pack_format<interleaved>} : vector<32xbf16> -> vector<16xf32>
          %unpack3A_1168 = tpu.unpack_subelements %bitcast3A_1166, 1 {pack_format = #tpu.pack_format<interleaved>} : vector<32xbf16> -> vector<16xf32>
          %mul3A_1169 = arith.mulf %unpack3A_1161, %scan3A_267 : vector<16xf32>
          %exp3A_1170 = math.exp %mul3A_1169 : vector<16xf32>
          %mul3A_1171 = arith.mulf %unpack3A_1165, %exp3A_1170 : vector<16xf32>
          %add3A_1172 = arith.addf %unpack3A_1164, %mul3A_1171 : vector<16xf32>
          %mul3A_1173 = arith.constant 16 : i32
          %mul3A_1174 = arith.muli %scan3A_265, %mul3A_1173 : i32
          %swap3A_1175 = arith.constant 46 : i32
          %swap3A_1176 = arith.index_cast %swap3A_1175 : i32 to index
          %swap3A_1177 = arith.index_cast %mul3A_1174 : i32 to index
          %swap3A_1178 = tpu.vector_load %arg20[%swap3A_1176, %swap3A_1177] {strides = array<i32>} : memref<64x512xf32, #tpu.memory_space<vmem>>, vector<16xf32>,
          tpu.vector_store %arg20[%swap3A_1176, %swap3A_1177], %add3A_1172 {strides = array<i32>} : memref<64x512xf32, #tpu.memory_space<vmem>>, vector<16xf32>,
          %mul3A_1179 = arith.mulf %unpack3A_1162, %scan3A_267 : vector<16xf32>
          %exp3A_1180 = math.exp %mul3A_1179 : vector<16xf32>
          %mul3A_1181 = arith.mulf %unpack3A_1168, %exp3A_1180 : vector<16xf32>
          %add3A_1182 = arith.addf %unpack3A_1167, %mul3A_1181 : vector<16xf32>
          %mul3A_1183 = arith.constant 16 : i32
          %mul3A_1184 = arith.muli %scan3A_265, %mul3A_1183 : i32
          %swap3A_1185 = arith.constant 47 : i32
          %swap3A_1186 = arith.index_cast %swap3A_1185 : i32 to index
          %swap3A_1187 = arith.index_cast %mul3A_1184 : i32 to index
          %swap3A_1188 = tpu.vector_load %arg20[%swap3A_1186, %swap3A_1187] {strides = array<i32>} : memref<64x512xf32, #tpu.memory_space<vmem>>, vector<16xf32>,
          tpu.vector_store %arg20[%swap3A_1186, %swap3A_1187], %add3A_1182 {strides = array<i32>} : memref<64x512xf32, #tpu.memory_space<vmem>>, vector<16xf32>,
          %broadcast_in_dim3A_1189 = arith.constant 56 : i32
          %broadcast_in_dim3A_1190 = vector.broadcast %broadcast_in_dim3A_1189 : i32 to vector<16xi32>
          %broadcast_in_dim3A_1191 = arith.constant 57 : i32
          %broadcast_in_dim3A_1192 = vector.broadcast %broadcast_in_dim3A_1191 : i32 to vector<16xi32>
          %broadcast_in_dim3A_1193 = arith.constant 58 : i32
          %broadcast_in_dim3A_1194 = vector.broadcast %broadcast_in_dim3A_1193 : i32 to vector<16xi32>
          %broadcast_in_dim3A_1195 = arith.constant 59 : i32
          %broadcast_in_dim3A_1196 = vector.broadcast %broadcast_in_dim3A_1195 : i32 to vector<16xi32>
          %broadcast_in_dim3A_1197 = arith.constant 60 : i32
          %broadcast_in_dim3A_1198 = vector.broadcast %broadcast_in_dim3A_1197 : i32 to vector<16xi32>
          %broadcast_in_dim3A_1199 = arith.constant 61 : i32
          %broadcast_in_dim3A_1200 = vector.broadcast %broadcast_in_dim3A_1199 : i32 to vector<16xi32>
          %broadcast_in_dim3A_1201 = arith.constant 62 : i32
          %broadcast_in_dim3A_1202 = vector.broadcast %broadcast_in_dim3A_1201 : i32 to vector<16xi32>
          %broadcast_in_dim3A_1203 = arith.constant 63 : i32
          %broadcast_in_dim3A_1204 = vector.broadcast %broadcast_in_dim3A_1203 : i32 to vector<16xi32>
          %broadcast_in_dim3A_1205 = arith.constant 28 : i32
          %broadcast_in_dim3A_1206 = vector.broadcast %broadcast_in_dim3A_1205 : i32 to vector<16xi32>
          %broadcast_in_dim3A_1207 = arith.constant 29 : i32
          %broadcast_in_dim3A_1208 = vector.broadcast %broadcast_in_dim3A_1207 : i32 to vector<16xi32>
          %broadcast_in_dim3A_1209 = arith.constant 30 : i32
          %broadcast_in_dim3A_1210 = vector.broadcast %broadcast_in_dim3A_1209 : i32 to vector<16xi32>
          %broadcast_in_dim3A_1211 = arith.constant 31 : i32
          %broadcast_in_dim3A_1212 = vector.broadcast %broadcast_in_dim3A_1211 : i32 to vector<16xi32>
          %gather3A_1213 = tpu.vector_load_idx %arg10[%broadcast_in_dim3A_1190, %scan3A_266] : memref<64x256xf32, #tpu.memory_space<vmem>>[vector<16xi32>, vector<16xi32>], vector<16xf32>,
          %gather3A_1214 = tpu.vector_load_idx %arg10[%broadcast_in_dim3A_1192, %scan3A_266] : memref<64x256xf32, #tpu.memory_space<vmem>>[vector<16xi32>, vector<16xi32>], vector<16xf32>,
          %gather3A_1215 = tpu.vector_load_idx %arg10[%broadcast_in_dim3A_1194, %scan3A_266] : memref<64x256xf32, #tpu.memory_space<vmem>>[vector<16xi32>, vector<16xi32>], vector<16xf32>,
          %gather3A_1216 = tpu.vector_load_idx %arg10[%broadcast_in_dim3A_1196, %scan3A_266] : memref<64x256xf32, #tpu.memory_space<vmem>>[vector<16xi32>, vector<16xi32>], vector<16xf32>,
          %gather3A_1217 = tpu.vector_load_idx %arg10[%broadcast_in_dim3A_1198, %scan3A_266] : memref<64x256xf32, #tpu.memory_space<vmem>>[vector<16xi32>, vector<16xi32>], vector<16xf32>,
          %gather3A_1218 = tpu.vector_load_idx %arg10[%broadcast_in_dim3A_1200, %scan3A_266] : memref<64x256xf32, #tpu.memory_space<vmem>>[vector<16xi32>, vector<16xi32>], vector<16xf32>,
          %gather3A_1219 = tpu.vector_load_idx %arg10[%broadcast_in_dim3A_1202, %scan3A_266] : memref<64x256xf32, #tpu.memory_space<vmem>>[vector<16xi32>, vector<16xi32>], vector<16xf32>,
          %gather3A_1220 = tpu.vector_load_idx %arg10[%broadcast_in_dim3A_1204, %scan3A_266] : memref<64x256xf32, #tpu.memory_space<vmem>>[vector<16xi32>, vector<16xi32>], vector<16xf32>,
          %gather3A_1221 = tpu.vector_load_idx %arg12[%broadcast_in_dim3A_1206, %scan3A_266] : memref<64x256xf32, #tpu.memory_space<vmem>>[vector<16xi32>, vector<16xi32>], vector<16xf32>,
          %gather3A_1222 = tpu.vector_load_idx %arg12[%broadcast_in_dim3A_1208, %scan3A_266] : memref<64x256xf32, #tpu.memory_space<vmem>>[vector<16xi32>, vector<16xi32>], vector<16xf32>,
          %gather3A_1223 = tpu.vector_load_idx %arg12[%broadcast_in_dim3A_1210, %scan3A_266] : memref<64x256xf32, #tpu.memory_space<vmem>>[vector<16xi32>, vector<16xi32>], vector<16xf32>,
          %gather3A_1224 = tpu.vector_load_idx %arg12[%broadcast_in_dim3A_1212, %scan3A_266] : memref<64x256xf32, #tpu.memory_space<vmem>>[vector<16xi32>, vector<16xi32>], vector<16xf32>,
          %bitcast3A_1225 = vector.bitcast %gather3A_1069 : vector<16xf32> to vector<32xbf16>
          %unpack3A_1226 = tpu.unpack_subelements %bitcast3A_1225, 0 {pack_format = #tpu.pack_format<interleaved>} : vector<32xbf16> -> vector<16xf32>
          %unpack3A_1227 = tpu.unpack_subelements %bitcast3A_1225, 1 {pack_format = #tpu.pack_format<interleaved>} : vector<32xbf16> -> vector<16xf32>
          %bitcast3A_1228 = vector.bitcast %gather3A_1061 : vector<16xf32> to vector<32xbf16>
          %unpack3A_1229 = tpu.unpack_subelements %bitcast3A_1228, 0 {pack_format = #tpu.pack_format<interleaved>} : vector<32xbf16> -> vector<16xf32>
          %unpack3A_1230 = tpu.unpack_subelements %bitcast3A_1228, 1 {pack_format = #tpu.pack_format<interleaved>} : vector<32xbf16> -> vector<16xf32>
          %bitcast3A_1231 = vector.bitcast %gather3A_1062 : vector<16xf32> to vector<32xbf16>
          %unpack3A_1232 = tpu.unpack_subelements %bitcast3A_1231, 0 {pack_format = #tpu.pack_format<interleaved>} : vector<32xbf16> -> vector<16xf32>
          %unpack3A_1233 = tpu.unpack_subelements %bitcast3A_1231, 1 {pack_format = #tpu.pack_format<interleaved>} : vector<32xbf16> -> vector<16xf32>
          %mul3A_1234 = arith.mulf %unpack3A_1226, %scan3A_267 : vector<16xf32>
          %exp3A_1235 = math.exp %mul3A_1234 : vector<16xf32>
          %mul3A_1236 = arith.mulf %unpack3A_1230, %exp3A_1235 : vector<16xf32>
          %add3A_1237 = arith.addf %unpack3A_1229, %mul3A_1236 : vector<16xf32>
          %mul3A_1238 = arith.constant 16 : i32
          %mul3A_1239 = arith.muli %scan3A_265, %mul3A_1238 : i32
          %swap3A_1240 = arith.constant 48 : i32
          %swap3A_1241 = arith.index_cast %swap3A_1240 : i32 to index
          %swap3A_1242 = arith.index_cast %mul3A_1239 : i32 to index
          %swap3A_1243 = tpu.vector_load %arg20[%swap3A_1241, %swap3A_1242] {strides = array<i32>} : memref<64x512xf32, #tpu.memory_space<vmem>>, vector<16xf32>,
          tpu.vector_store %arg20[%swap3A_1241, %swap3A_1242], %add3A_1237 {strides = array<i32>} : memref<64x512xf32, #tpu.memory_space<vmem>>, vector<16xf32>,
          %mul3A_1244 = arith.mulf %unpack3A_1227, %scan3A_267 : vector<16xf32>
          %exp3A_1245 = math.exp %mul3A_1244 : vector<16xf32>
          %mul3A_1246 = arith.mulf %unpack3A_1233, %exp3A_1245 : vector<16xf32>
          %add3A_1247 = arith.addf %unpack3A_1232, %mul3A_1246 : vector<16xf32>
          %mul3A_1248 = arith.constant 16 : i32
          %mul3A_1249 = arith.muli %scan3A_265, %mul3A_1248 : i32
          %swap3A_1250 = arith.constant 49 : i32
          %swap3A_1251 = arith.index_cast %swap3A_1250 : i32 to index
          %swap3A_1252 = arith.index_cast %mul3A_1249 : i32 to index
          %swap3A_1253 = tpu.vector_load %arg20[%swap3A_1251, %swap3A_1252] {strides = array<i32>} : memref<64x512xf32, #tpu.memory_space<vmem>>, vector<16xf32>,
          tpu.vector_store %arg20[%swap3A_1251, %swap3A_1252], %add3A_1247 {strides = array<i32>} : memref<64x512xf32, #tpu.memory_space<vmem>>, vector<16xf32>,
          %bitcast3A_1254 = vector.bitcast %gather3A_1070 : vector<16xf32> to vector<32xbf16>
          %unpack3A_1255 = tpu.unpack_subelements %bitcast3A_1254, 0 {pack_format = #tpu.pack_format<interleaved>} : vector<32xbf16> -> vector<16xf32>
          %unpack3A_1256 = tpu.unpack_subelements %bitcast3A_1254, 1 {pack_format = #tpu.pack_format<interleaved>} : vector<32xbf16> -> vector<16xf32>
          %bitcast3A_1257 = vector.bitcast %gather3A_1063 : vector<16xf32> to vector<32xbf16>
          %unpack3A_1258 = tpu.unpack_subelements %bitcast3A_1257, 0 {pack_format = #tpu.pack_format<interleaved>} : vector<32xbf16> -> vector<16xf32>
          %unpack3A_1259 = tpu.unpack_subelements %bitcast3A_1257, 1 {pack_format = #tpu.pack_format<interleaved>} : vector<32xbf16> -> vector<16xf32>
          %bitcast3A_1260 = vector.bitcast %gather3A_1064 : vector<16xf32> to vector<32xbf16>
          %unpack3A_1261 = tpu.unpack_subelements %bitcast3A_1260, 0 {pack_format = #tpu.pack_format<interleaved>} : vector<32xbf16> -> vector<16xf32>
          %unpack3A_1262 = tpu.unpack_subelements %bitcast3A_1260, 1 {pack_format = #tpu.pack_format<interleaved>} : vector<32xbf16> -> vector<16xf32>
          %mul3A_1263 = arith.mulf %unpack3A_1255, %scan3A_267 : vector<16xf32>
          %exp3A_1264 = math.exp %mul3A_1263 : vector<16xf32>
          %mul3A_1265 = arith.mulf %unpack3A_1259, %exp3A_1264 : vector<16xf32>
          %add3A_1266 = arith.addf %unpack3A_1258, %mul3A_1265 : vector<16xf32>
          %mul3A_1267 = arith.constant 16 : i32
          %mul3A_1268 = arith.muli %scan3A_265, %mul3A_1267 : i32
          %swap3A_1269 = arith.constant 50 : i32
          %swap3A_1270 = arith.index_cast %swap3A_1269 : i32 to index
          %swap3A_1271 = arith.index_cast %mul3A_1268 : i32 to index
          %swap3A_1272 = tpu.vector_load %arg20[%swap3A_1270, %swap3A_1271] {strides = array<i32>} : memref<64x512xf32, #tpu.memory_space<vmem>>, vector<16xf32>,
          tpu.vector_store %arg20[%swap3A_1270, %swap3A_1271], %add3A_1266 {strides = array<i32>} : memref<64x512xf32, #tpu.memory_space<vmem>>, vector<16xf32>,
          %mul3A_1273 = arith.mulf %unpack3A_1256, %scan3A_267 : vector<16xf32>
          %exp3A_1274 = math.exp %mul3A_1273 : vector<16xf32>
          %mul3A_1275 = arith.mulf %unpack3A_1262, %exp3A_1274 : vector<16xf32>
          %add3A_1276 = arith.addf %unpack3A_1261, %mul3A_1275 : vector<16xf32>
          %mul3A_1277 = arith.constant 16 : i32
          %mul3A_1278 = arith.muli %scan3A_265, %mul3A_1277 : i32
          %swap3A_1279 = arith.constant 51 : i32
          %swap3A_1280 = arith.index_cast %swap3A_1279 : i32 to index
          %swap3A_1281 = arith.index_cast %mul3A_1278 : i32 to index
          %swap3A_1282 = tpu.vector_load %arg20[%swap3A_1280, %swap3A_1281] {strides = array<i32>} : memref<64x512xf32, #tpu.memory_space<vmem>>, vector<16xf32>,
          tpu.vector_store %arg20[%swap3A_1280, %swap3A_1281], %add3A_1276 {strides = array<i32>} : memref<64x512xf32, #tpu.memory_space<vmem>>, vector<16xf32>,
          %bitcast3A_1283 = vector.bitcast %gather3A_1071 : vector<16xf32> to vector<32xbf16>
          %unpack3A_1284 = tpu.unpack_subelements %bitcast3A_1283, 0 {pack_format = #tpu.pack_format<interleaved>} : vector<32xbf16> -> vector<16xf32>
          %unpack3A_1285 = tpu.unpack_subelements %bitcast3A_1283, 1 {pack_format = #tpu.pack_format<interleaved>} : vector<32xbf16> -> vector<16xf32>
          %bitcast3A_1286 = vector.bitcast %gather3A_1065 : vector<16xf32> to vector<32xbf16>
          %unpack3A_1287 = tpu.unpack_subelements %bitcast3A_1286, 0 {pack_format = #tpu.pack_format<interleaved>} : vector<32xbf16> -> vector<16xf32>
          %unpack3A_1288 = tpu.unpack_subelements %bitcast3A_1286, 1 {pack_format = #tpu.pack_format<interleaved>} : vector<32xbf16> -> vector<16xf32>
          %bitcast3A_1289 = vector.bitcast %gather3A_1066 : vector<16xf32> to vector<32xbf16>
          %unpack3A_1290 = tpu.unpack_subelements %bitcast3A_1289, 0 {pack_format = #tpu.pack_format<interleaved>} : vector<32xbf16> -> vector<16xf32>
          %unpack3A_1291 = tpu.unpack_subelements %bitcast3A_1289, 1 {pack_format = #tpu.pack_format<interleaved>} : vector<32xbf16> -> vector<16xf32>
          %mul3A_1292 = arith.mulf %unpack3A_1284, %scan3A_267 : vector<16xf32>
          %exp3A_1293 = math.exp %mul3A_1292 : vector<16xf32>
          %mul3A_1294 = arith.mulf %unpack3A_1288, %exp3A_1293 : vector<16xf32>
          %add3A_1295 = arith.addf %unpack3A_1287, %mul3A_1294 : vector<16xf32>
          %mul3A_1296 = arith.constant 16 : i32
          %mul3A_1297 = arith.muli %scan3A_265, %mul3A_1296 : i32
          %swap3A_1298 = arith.constant 52 : i32
          %swap3A_1299 = arith.index_cast %swap3A_1298 : i32 to index
          %swap3A_1300 = arith.index_cast %mul3A_1297 : i32 to index
          %swap3A_1301 = tpu.vector_load %arg20[%swap3A_1299, %swap3A_1300] {strides = array<i32>} : memref<64x512xf32, #tpu.memory_space<vmem>>, vector<16xf32>,
          tpu.vector_store %arg20[%swap3A_1299, %swap3A_1300], %add3A_1295 {strides = array<i32>} : memref<64x512xf32, #tpu.memory_space<vmem>>, vector<16xf32>,
          %mul3A_1302 = arith.mulf %unpack3A_1285, %scan3A_267 : vector<16xf32>
          %exp3A_1303 = math.exp %mul3A_1302 : vector<16xf32>
          %mul3A_1304 = arith.mulf %unpack3A_1291, %exp3A_1303 : vector<16xf32>
          %add3A_1305 = arith.addf %unpack3A_1290, %mul3A_1304 : vector<16xf32>
          %mul3A_1306 = arith.constant 16 : i32
          %mul3A_1307 = arith.muli %scan3A_265, %mul3A_1306 : i32
          %swap3A_1308 = arith.constant 53 : i32
          %swap3A_1309 = arith.index_cast %swap3A_1308 : i32 to index
          %swap3A_1310 = arith.index_cast %mul3A_1307 : i32 to index
          %swap3A_1311 = tpu.vector_load %arg20[%swap3A_1309, %swap3A_1310] {strides = array<i32>} : memref<64x512xf32, #tpu.memory_space<vmem>>, vector<16xf32>,
          tpu.vector_store %arg20[%swap3A_1309, %swap3A_1310], %add3A_1305 {strides = array<i32>} : memref<64x512xf32, #tpu.memory_space<vmem>>, vector<16xf32>,
          %bitcast3A_1312 = vector.bitcast %gather3A_1072 : vector<16xf32> to vector<32xbf16>
          %unpack3A_1313 = tpu.unpack_subelements %bitcast3A_1312, 0 {pack_format = #tpu.pack_format<interleaved>} : vector<32xbf16> -> vector<16xf32>
          %unpack3A_1314 = tpu.unpack_subelements %bitcast3A_1312, 1 {pack_format = #tpu.pack_format<interleaved>} : vector<32xbf16> -> vector<16xf32>
          %bitcast3A_1315 = vector.bitcast %gather3A_1067 : vector<16xf32> to vector<32xbf16>
          %unpack3A_1316 = tpu.unpack_subelements %bitcast3A_1315, 0 {pack_format = #tpu.pack_format<interleaved>} : vector<32xbf16> -> vector<16xf32>
          %unpack3A_1317 = tpu.unpack_subelements %bitcast3A_1315, 1 {pack_format = #tpu.pack_format<interleaved>} : vector<32xbf16> -> vector<16xf32>
          %bitcast3A_1318 = vector.bitcast %gather3A_1068 : vector<16xf32> to vector<32xbf16>
          %unpack3A_1319 = tpu.unpack_subelements %bitcast3A_1318, 0 {pack_format = #tpu.pack_format<interleaved>} : vector<32xbf16> -> vector<16xf32>
          %unpack3A_1320 = tpu.unpack_subelements %bitcast3A_1318, 1 {pack_format = #tpu.pack_format<interleaved>} : vector<32xbf16> -> vector<16xf32>
          %mul3A_1321 = arith.mulf %unpack3A_1313, %scan3A_267 : vector<16xf32>
          %exp3A_1322 = math.exp %mul3A_1321 : vector<16xf32>
          %mul3A_1323 = arith.mulf %unpack3A_1317, %exp3A_1322 : vector<16xf32>
          %add3A_1324 = arith.addf %unpack3A_1316, %mul3A_1323 : vector<16xf32>
          %mul3A_1325 = arith.constant 16 : i32
          %mul3A_1326 = arith.muli %scan3A_265, %mul3A_1325 : i32
          %swap3A_1327 = arith.constant 54 : i32
          %swap3A_1328 = arith.index_cast %swap3A_1327 : i32 to index
          %swap3A_1329 = arith.index_cast %mul3A_1326 : i32 to index
          %swap3A_1330 = tpu.vector_load %arg20[%swap3A_1328, %swap3A_1329] {strides = array<i32>} : memref<64x512xf32, #tpu.memory_space<vmem>>, vector<16xf32>,
          tpu.vector_store %arg20[%swap3A_1328, %swap3A_1329], %add3A_1324 {strides = array<i32>} : memref<64x512xf32, #tpu.memory_space<vmem>>, vector<16xf32>,
          %mul3A_1331 = arith.mulf %unpack3A_1314, %scan3A_267 : vector<16xf32>
          %exp3A_1332 = math.exp %mul3A_1331 : vector<16xf32>
          %mul3A_1333 = arith.mulf %unpack3A_1320, %exp3A_1332 : vector<16xf32>
          %add3A_1334 = arith.addf %unpack3A_1319, %mul3A_1333 : vector<16xf32>
          %mul3A_1335 = arith.constant 16 : i32
          %mul3A_1336 = arith.muli %scan3A_265, %mul3A_1335 : i32
          %swap3A_1337 = arith.constant 55 : i32
          %swap3A_1338 = arith.index_cast %swap3A_1337 : i32 to index
          %swap3A_1339 = arith.index_cast %mul3A_1336 : i32 to index
          %swap3A_1340 = tpu.vector_load %arg20[%swap3A_1338, %swap3A_1339] {strides = array<i32>} : memref<64x512xf32, #tpu.memory_space<vmem>>, vector<16xf32>,
          tpu.vector_store %arg20[%swap3A_1338, %swap3A_1339], %add3A_1334 {strides = array<i32>} : memref<64x512xf32, #tpu.memory_space<vmem>>, vector<16xf32>,
          %add3A_1341 = arith.constant 1 : i32
          %add3A_1342 = arith.addi %scan3A_265, %add3A_1341 : i32
          %mul3A_1343 = arith.constant 16 : i32
          %mul3A_1344 = arith.muli %add3A_1342, %mul3A_1343 : i32
          %add3A_1345 = arith.addi %mul3A_208, %mul3A_1344 : i32
          %get3A_1346 = arith.index_cast %add3A_1345 : i32 to index
          %get3A_1347 = tpu.vector_load %arg17[%get3A_1346] {strides = array<i32>} : memref<2064xi32, #tpu.memory_space<vmem>>, vector<16xi32>,
          %get3A_1348 = arith.index_cast %add3A_1345 : i32 to index
          %get3A_1349 = tpu.vector_load %arg18[%get3A_1348] {strides = array<i32>} : memref<2064xf32, #tpu.memory_space<vmem>>, vector<16xf32>,
          %broadcast_in_dim3A_1350 = arith.constant 0 : i32
          %broadcast_in_dim3A_1351 = vector.broadcast %broadcast_in_dim3A_1350 : i32 to vector<16xi32>
          %broadcast_in_dim3A_1352 = arith.constant 1 : i32
          %broadcast_in_dim3A_1353 = vector.broadcast %broadcast_in_dim3A_1352 : i32 to vector<16xi32>
          %broadcast_in_dim3A_1354 = arith.constant 2 : i32
          %broadcast_in_dim3A_1355 = vector.broadcast %broadcast_in_dim3A_1354 : i32 to vector<16xi32>
          %broadcast_in_dim3A_1356 = arith.constant 3 : i32
          %broadcast_in_dim3A_1357 = vector.broadcast %broadcast_in_dim3A_1356 : i32 to vector<16xi32>
          %broadcast_in_dim3A_1358 = arith.constant 4 : i32
          %broadcast_in_dim3A_1359 = vector.broadcast %broadcast_in_dim3A_1358 : i32 to vector<16xi32>
          %broadcast_in_dim3A_1360 = arith.constant 5 : i32
          %broadcast_in_dim3A_1361 = vector.broadcast %broadcast_in_dim3A_1360 : i32 to vector<16xi32>
          %broadcast_in_dim3A_1362 = arith.constant 6 : i32
          %broadcast_in_dim3A_1363 = vector.broadcast %broadcast_in_dim3A_1362 : i32 to vector<16xi32>
          %broadcast_in_dim3A_1364 = arith.constant 7 : i32
          %broadcast_in_dim3A_1365 = vector.broadcast %broadcast_in_dim3A_1364 : i32 to vector<16xi32>
          %broadcast_in_dim3A_1366 = arith.constant 0 : i32
          %broadcast_in_dim3A_1367 = vector.broadcast %broadcast_in_dim3A_1366 : i32 to vector<16xi32>
          %broadcast_in_dim3A_1368 = arith.constant 1 : i32
          %broadcast_in_dim3A_1369 = vector.broadcast %broadcast_in_dim3A_1368 : i32 to vector<16xi32>
          %broadcast_in_dim3A_1370 = arith.constant 2 : i32
          %broadcast_in_dim3A_1371 = vector.broadcast %broadcast_in_dim3A_1370 : i32 to vector<16xi32>
          %broadcast_in_dim3A_1372 = arith.constant 3 : i32
          %broadcast_in_dim3A_1373 = vector.broadcast %broadcast_in_dim3A_1372 : i32 to vector<16xi32>
          %gather3A_1374 = tpu.vector_load_idx %arg10[%broadcast_in_dim3A_1351, %get3A_1347] : memref<64x256xf32, #tpu.memory_space<vmem>>[vector<16xi32>, vector<16xi32>], vector<16xf32>,
          %gather3A_1375 = tpu.vector_load_idx %arg10[%broadcast_in_dim3A_1353, %get3A_1347] : memref<64x256xf32, #tpu.memory_space<vmem>>[vector<16xi32>, vector<16xi32>], vector<16xf32>,
          %gather3A_1376 = tpu.vector_load_idx %arg10[%broadcast_in_dim3A_1355, %get3A_1347] : memref<64x256xf32, #tpu.memory_space<vmem>>[vector<16xi32>, vector<16xi32>], vector<16xf32>,
          %gather3A_1377 = tpu.vector_load_idx %arg10[%broadcast_in_dim3A_1357, %get3A_1347] : memref<64x256xf32, #tpu.memory_space<vmem>>[vector<16xi32>, vector<16xi32>], vector<16xf32>,
          %gather3A_1378 = tpu.vector_load_idx %arg10[%broadcast_in_dim3A_1359, %get3A_1347] : memref<64x256xf32, #tpu.memory_space<vmem>>[vector<16xi32>, vector<16xi32>], vector<16xf32>,
          %gather3A_1379 = tpu.vector_load_idx %arg10[%broadcast_in_dim3A_1361, %get3A_1347] : memref<64x256xf32, #tpu.memory_space<vmem>>[vector<16xi32>, vector<16xi32>], vector<16xf32>,
          %gather3A_1380 = tpu.vector_load_idx %arg10[%broadcast_in_dim3A_1363, %get3A_1347] : memref<64x256xf32, #tpu.memory_space<vmem>>[vector<16xi32>, vector<16xi32>], vector<16xf32>,
          %gather3A_1381 = tpu.vector_load_idx %arg10[%broadcast_in_dim3A_1365, %get3A_1347] : memref<64x256xf32, #tpu.memory_space<vmem>>[vector<16xi32>, vector<16xi32>], vector<16xf32>,
          %gather3A_1382 = tpu.vector_load_idx %arg12[%broadcast_in_dim3A_1367, %get3A_1347] : memref<64x256xf32, #tpu.memory_space<vmem>>[vector<16xi32>, vector<16xi32>], vector<16xf32>,
          %gather3A_1383 = tpu.vector_load_idx %arg12[%broadcast_in_dim3A_1369, %get3A_1347] : memref<64x256xf32, #tpu.memory_space<vmem>>[vector<16xi32>, vector<16xi32>], vector<16xf32>,
          %gather3A_1384 = tpu.vector_load_idx %arg12[%broadcast_in_dim3A_1371, %get3A_1347] : memref<64x256xf32, #tpu.memory_space<vmem>>[vector<16xi32>, vector<16xi32>], vector<16xf32>,
          %gather3A_1385 = tpu.vector_load_idx %arg12[%broadcast_in_dim3A_1373, %get3A_1347] : memref<64x256xf32, #tpu.memory_space<vmem>>[vector<16xi32>, vector<16xi32>], vector<16xf32>,
          %bitcast3A_1386 = vector.bitcast %gather3A_1221 : vector<16xf32> to vector<32xbf16>
          %unpack3A_1387 = tpu.unpack_subelements %bitcast3A_1386, 0 {pack_format = #tpu.pack_format<interleaved>} : vector<32xbf16> -> vector<16xf32>
          %unpack3A_1388 = tpu.unpack_subelements %bitcast3A_1386, 1 {pack_format = #tpu.pack_format<interleaved>} : vector<32xbf16> -> vector<16xf32>
          %bitcast3A_1389 = vector.bitcast %gather3A_1213 : vector<16xf32> to vector<32xbf16>
          %unpack3A_1390 = tpu.unpack_subelements %bitcast3A_1389, 0 {pack_format = #tpu.pack_format<interleaved>} : vector<32xbf16> -> vector<16xf32>
          %unpack3A_1391 = tpu.unpack_subelements %bitcast3A_1389, 1 {pack_format = #tpu.pack_format<interleaved>} : vector<32xbf16> -> vector<16xf32>
          %bitcast3A_1392 = vector.bitcast %gather3A_1214 : vector<16xf32> to vector<32xbf16>
          %unpack3A_1393 = tpu.unpack_subelements %bitcast3A_1392, 0 {pack_format = #tpu.pack_format<interleaved>} : vector<32xbf16> -> vector<16xf32>
          %unpack3A_1394 = tpu.unpack_subelements %bitcast3A_1392, 1 {pack_format = #tpu.pack_format<interleaved>} : vector<32xbf16> -> vector<16xf32>
          %mul3A_1395 = arith.mulf %unpack3A_1387, %scan3A_267 : vector<16xf32>
          %exp3A_1396 = math.exp %mul3A_1395 : vector<16xf32>
          %mul3A_1397 = arith.mulf %unpack3A_1391, %exp3A_1396 : vector<16xf32>
          %add3A_1398 = arith.addf %unpack3A_1390, %mul3A_1397 : vector<16xf32>
          %mul3A_1399 = arith.constant 16 : i32
          %mul3A_1400 = arith.muli %scan3A_265, %mul3A_1399 : i32
          %swap3A_1401 = arith.constant 56 : i32
          %swap3A_1402 = arith.index_cast %swap3A_1401 : i32 to index
          %swap3A_1403 = arith.index_cast %mul3A_1400 : i32 to index
          %swap3A_1404 = tpu.vector_load %arg20[%swap3A_1402, %swap3A_1403] {strides = array<i32>} : memref<64x512xf32, #tpu.memory_space<vmem>>, vector<16xf32>,
          tpu.vector_store %arg20[%swap3A_1402, %swap3A_1403], %add3A_1398 {strides = array<i32>} : memref<64x512xf32, #tpu.memory_space<vmem>>, vector<16xf32>,
          %mul3A_1405 = arith.mulf %unpack3A_1388, %scan3A_267 : vector<16xf32>
          %exp3A_1406 = math.exp %mul3A_1405 : vector<16xf32>
          %mul3A_1407 = arith.mulf %unpack3A_1394, %exp3A_1406 : vector<16xf32>
          %add3A_1408 = arith.addf %unpack3A_1393, %mul3A_1407 : vector<16xf32>
          %mul3A_1409 = arith.constant 16 : i32
          %mul3A_1410 = arith.muli %scan3A_265, %mul3A_1409 : i32
          %swap3A_1411 = arith.constant 57 : i32
          %swap3A_1412 = arith.index_cast %swap3A_1411 : i32 to index
          %swap3A_1413 = arith.index_cast %mul3A_1410 : i32 to index
          %swap3A_1414 = tpu.vector_load %arg20[%swap3A_1412, %swap3A_1413] {strides = array<i32>} : memref<64x512xf32, #tpu.memory_space<vmem>>, vector<16xf32>,
          tpu.vector_store %arg20[%swap3A_1412, %swap3A_1413], %add3A_1408 {strides = array<i32>} : memref<64x512xf32, #tpu.memory_space<vmem>>, vector<16xf32>,
          %bitcast3A_1415 = vector.bitcast %gather3A_1222 : vector<16xf32> to vector<32xbf16>
          %unpack3A_1416 = tpu.unpack_subelements %bitcast3A_1415, 0 {pack_format = #tpu.pack_format<interleaved>} : vector<32xbf16> -> vector<16xf32>
          %unpack3A_1417 = tpu.unpack_subelements %bitcast3A_1415, 1 {pack_format = #tpu.pack_format<interleaved>} : vector<32xbf16> -> vector<16xf32>
          %bitcast3A_1418 = vector.bitcast %gather3A_1215 : vector<16xf32> to vector<32xbf16>
          %unpack3A_1419 = tpu.unpack_subelements %bitcast3A_1418, 0 {pack_format = #tpu.pack_format<interleaved>} : vector<32xbf16> -> vector<16xf32>
          %unpack3A_1420 = tpu.unpack_subelements %bitcast3A_1418, 1 {pack_format = #tpu.pack_format<interleaved>} : vector<32xbf16> -> vector<16xf32>
          %bitcast3A_1421 = vector.bitcast %gather3A_1216 : vector<16xf32> to vector<32xbf16>
          %unpack3A_1422 = tpu.unpack_subelements %bitcast3A_1421, 0 {pack_format = #tpu.pack_format<interleaved>} : vector<32xbf16> -> vector<16xf32>
          %unpack3A_1423 = tpu.unpack_subelements %bitcast3A_1421, 1 {pack_format = #tpu.pack_format<interleaved>} : vector<32xbf16> -> vector<16xf32>
          %mul3A_1424 = arith.mulf %unpack3A_1416, %scan3A_267 : vector<16xf32>
          %exp3A_1425 = math.exp %mul3A_1424 : vector<16xf32>
          %mul3A_1426 = arith.mulf %unpack3A_1420, %exp3A_1425 : vector<16xf32>
          %add3A_1427 = arith.addf %unpack3A_1419, %mul3A_1426 : vector<16xf32>
          %mul3A_1428 = arith.constant 16 : i32
          %mul3A_1429 = arith.muli %scan3A_265, %mul3A_1428 : i32
          %swap3A_1430 = arith.constant 58 : i32
          %swap3A_1431 = arith.index_cast %swap3A_1430 : i32 to index
          %swap3A_1432 = arith.index_cast %mul3A_1429 : i32 to index
          %swap3A_1433 = tpu.vector_load %arg20[%swap3A_1431, %swap3A_1432] {strides = array<i32>} : memref<64x512xf32, #tpu.memory_space<vmem>>, vector<16xf32>,
          tpu.vector_store %arg20[%swap3A_1431, %swap3A_1432], %add3A_1427 {strides = array<i32>} : memref<64x512xf32, #tpu.memory_space<vmem>>, vector<16xf32>,
          %mul3A_1434 = arith.mulf %unpack3A_1417, %scan3A_267 : vector<16xf32>
          %exp3A_1435 = math.exp %mul3A_1434 : vector<16xf32>
          %mul3A_1436 = arith.mulf %unpack3A_1423, %exp3A_1435 : vector<16xf32>
          %add3A_1437 = arith.addf %unpack3A_1422, %mul3A_1436 : vector<16xf32>
          %mul3A_1438 = arith.constant 16 : i32
          %mul3A_1439 = arith.muli %scan3A_265, %mul3A_1438 : i32
          %swap3A_1440 = arith.constant 59 : i32
          %swap3A_1441 = arith.index_cast %swap3A_1440 : i32 to index
          %swap3A_1442 = arith.index_cast %mul3A_1439 : i32 to index
          %swap3A_1443 = tpu.vector_load %arg20[%swap3A_1441, %swap3A_1442] {strides = array<i32>} : memref<64x512xf32, #tpu.memory_space<vmem>>, vector<16xf32>,
          tpu.vector_store %arg20[%swap3A_1441, %swap3A_1442], %add3A_1437 {strides = array<i32>} : memref<64x512xf32, #tpu.memory_space<vmem>>, vector<16xf32>,
          %bitcast3A_1444 = vector.bitcast %gather3A_1223 : vector<16xf32> to vector<32xbf16>
          %unpack3A_1445 = tpu.unpack_subelements %bitcast3A_1444, 0 {pack_format = #tpu.pack_format<interleaved>} : vector<32xbf16> -> vector<16xf32>
          %unpack3A_1446 = tpu.unpack_subelements %bitcast3A_1444, 1 {pack_format = #tpu.pack_format<interleaved>} : vector<32xbf16> -> vector<16xf32>
          %bitcast3A_1447 = vector.bitcast %gather3A_1217 : vector<16xf32> to vector<32xbf16>
          %unpack3A_1448 = tpu.unpack_subelements %bitcast3A_1447, 0 {pack_format = #tpu.pack_format<interleaved>} : vector<32xbf16> -> vector<16xf32>
          %unpack3A_1449 = tpu.unpack_subelements %bitcast3A_1447, 1 {pack_format = #tpu.pack_format<interleaved>} : vector<32xbf16> -> vector<16xf32>
          %bitcast3A_1450 = vector.bitcast %gather3A_1218 : vector<16xf32> to vector<32xbf16>
          %unpack3A_1451 = tpu.unpack_subelements %bitcast3A_1450, 0 {pack_format = #tpu.pack_format<interleaved>} : vector<32xbf16> -> vector<16xf32>
          %unpack3A_1452 = tpu.unpack_subelements %bitcast3A_1450, 1 {pack_format = #tpu.pack_format<interleaved>} : vector<32xbf16> -> vector<16xf32>
          %mul3A_1453 = arith.mulf %unpack3A_1445, %scan3A_267 : vector<16xf32>
          %exp3A_1454 = math.exp %mul3A_1453 : vector<16xf32>
          %mul3A_1455 = arith.mulf %unpack3A_1449, %exp3A_1454 : vector<16xf32>
          %add3A_1456 = arith.addf %unpack3A_1448, %mul3A_1455 : vector<16xf32>
          %mul3A_1457 = arith.constant 16 : i32
          %mul3A_1458 = arith.muli %scan3A_265, %mul3A_1457 : i32
          %swap3A_1459 = arith.constant 60 : i32
          %swap3A_1460 = arith.index_cast %swap3A_1459 : i32 to index
          %swap3A_1461 = arith.index_cast %mul3A_1458 : i32 to index
          %swap3A_1462 = tpu.vector_load %arg20[%swap3A_1460, %swap3A_1461] {strides = array<i32>} : memref<64x512xf32, #tpu.memory_space<vmem>>, vector<16xf32>,
          tpu.vector_store %arg20[%swap3A_1460, %swap3A_1461], %add3A_1456 {strides = array<i32>} : memref<64x512xf32, #tpu.memory_space<vmem>>, vector<16xf32>,
          %mul3A_1463 = arith.mulf %unpack3A_1446, %scan3A_267 : vector<16xf32>
          %exp3A_1464 = math.exp %mul3A_1463 : vector<16xf32>
          %mul3A_1465 = arith.mulf %unpack3A_1452, %exp3A_1464 : vector<16xf32>
          %add3A_1466 = arith.addf %unpack3A_1451, %mul3A_1465 : vector<16xf32>
          %mul3A_1467 = arith.constant 16 : i32
          %mul3A_1468 = arith.muli %scan3A_265, %mul3A_1467 : i32
          %swap3A_1469 = arith.constant 61 : i32
          %swap3A_1470 = arith.index_cast %swap3A_1469 : i32 to index
          %swap3A_1471 = arith.index_cast %mul3A_1468 : i32 to index
          %swap3A_1472 = tpu.vector_load %arg20[%swap3A_1470, %swap3A_1471] {strides = array<i32>} : memref<64x512xf32, #tpu.memory_space<vmem>>, vector<16xf32>,
          tpu.vector_store %arg20[%swap3A_1470, %swap3A_1471], %add3A_1466 {strides = array<i32>} : memref<64x512xf32, #tpu.memory_space<vmem>>, vector<16xf32>,
          %bitcast3A_1473 = vector.bitcast %gather3A_1224 : vector<16xf32> to vector<32xbf16>
          %unpack3A_1474 = tpu.unpack_subelements %bitcast3A_1473, 0 {pack_format = #tpu.pack_format<interleaved>} : vector<32xbf16> -> vector<16xf32>
          %unpack3A_1475 = tpu.unpack_subelements %bitcast3A_1473, 1 {pack_format = #tpu.pack_format<interleaved>} : vector<32xbf16> -> vector<16xf32>
          %bitcast3A_1476 = vector.bitcast %gather3A_1219 : vector<16xf32> to vector<32xbf16>
          %unpack3A_1477 = tpu.unpack_subelements %bitcast3A_1476, 0 {pack_format = #tpu.pack_format<interleaved>} : vector<32xbf16> -> vector<16xf32>
          %unpack3A_1478 = tpu.unpack_subelements %bitcast3A_1476, 1 {pack_format = #tpu.pack_format<interleaved>} : vector<32xbf16> -> vector<16xf32>
          %bitcast3A_1479 = vector.bitcast %gather3A_1220 : vector<16xf32> to vector<32xbf16>
          %unpack3A_1480 = tpu.unpack_subelements %bitcast3A_1479, 0 {pack_format = #tpu.pack_format<interleaved>} : vector<32xbf16> -> vector<16xf32>
          %unpack3A_1481 = tpu.unpack_subelements %bitcast3A_1479, 1 {pack_format = #tpu.pack_format<interleaved>} : vector<32xbf16> -> vector<16xf32>
          %mul3A_1482 = arith.mulf %unpack3A_1474, %scan3A_267 : vector<16xf32>
          %exp3A_1483 = math.exp %mul3A_1482 : vector<16xf32>
          %mul3A_1484 = arith.mulf %unpack3A_1478, %exp3A_1483 : vector<16xf32>
          %add3A_1485 = arith.addf %unpack3A_1477, %mul3A_1484 : vector<16xf32>
          %mul3A_1486 = arith.constant 16 : i32
          %mul3A_1487 = arith.muli %scan3A_265, %mul3A_1486 : i32
          %swap3A_1488 = arith.constant 62 : i32
          %swap3A_1489 = arith.index_cast %swap3A_1488 : i32 to index
          %swap3A_1490 = arith.index_cast %mul3A_1487 : i32 to index
          %swap3A_1491 = tpu.vector_load %arg20[%swap3A_1489, %swap3A_1490] {strides = array<i32>} : memref<64x512xf32, #tpu.memory_space<vmem>>, vector<16xf32>,
          tpu.vector_store %arg20[%swap3A_1489, %swap3A_1490], %add3A_1485 {strides = array<i32>} : memref<64x512xf32, #tpu.memory_space<vmem>>, vector<16xf32>,
          %mul3A_1492 = arith.mulf %unpack3A_1475, %scan3A_267 : vector<16xf32>
          %exp3A_1493 = math.exp %mul3A_1492 : vector<16xf32>
          %mul3A_1494 = arith.mulf %unpack3A_1481, %exp3A_1493 : vector<16xf32>
          %add3A_1495 = arith.addf %unpack3A_1480, %mul3A_1494 : vector<16xf32>
          %mul3A_1496 = arith.constant 16 : i32
          %mul3A_1497 = arith.muli %scan3A_265, %mul3A_1496 : i32
          %swap3A_1498 = arith.constant 63 : i32
          %swap3A_1499 = arith.index_cast %swap3A_1498 : i32 to index
          %swap3A_1500 = arith.index_cast %mul3A_1497 : i32 to index
          %swap3A_1501 = tpu.vector_load %arg20[%swap3A_1499, %swap3A_1500] {strides = array<i32>} : memref<64x512xf32, #tpu.memory_space<vmem>>, vector<16xf32>,
          tpu.vector_store %arg20[%swap3A_1499, %swap3A_1500], %add3A_1495 {strides = array<i32>} : memref<64x512xf32, #tpu.memory_space<vmem>>, vector<16xf32>,
          scf.yield %get3A_1347, %get3A_1349, %gather3A_1374, %gather3A_1375, %gather3A_1376, %gather3A_1377, %gather3A_1378, %gather3A_1379, %gather3A_1380, %gather3A_1381, %gather3A_1382, %gather3A_1383, %gather3A_1384, %gather3A_1385 : vector<16xi32>, vector<16xf32>, vector<16xf32>, vector<16xf32>, vector<16xf32>, vector<16xf32>, vector<16xf32>, vector<16xf32>, vector<16xf32>, vector<16xf32>, vector<16xf32>, vector<16xf32>, vector<16xf32>, vector<16xf32>
        }
        %scan3A_254 = arith.constant 32 : i32
        %add3A_255 = arith.constant 1 : i32
        %add3A_256 = arith.addi %mul3A_141, %add3A_255 : i32
        %mul3A_257 = arith.constant 512 : i32
        %mul3A_258 = arith.muli %add3A_256, %mul3A_257 : i32
        %dma_start3A_259 = arith.constant 0 : i32
        %dma_start3A_260 = tpu.memref_slice %arg9[%select_n3A, %dma_start3A_259, %select_n3A_64, %mul3A_258] : memref<8x64x16x2048xf32, #tpu.memory_space<hbm>> -> memref<1x64x1x512xf32, #tpu.memory_space<hbm>>
        %dma_start3A_261 = tpu.memref_squeeze %dma_start3A_260 : memref<1x64x1x512xf32, #tpu.memory_space<hbm>> -> memref<64x512xf32, #tpu.memory_space<hbm>>
        %dma_start3A_262 = arith.constant 0 : i32
        %dma_start3A_263 = tpu.memref_slice %arg9[%select_n3A, %dma_start3A_262, %select_n3A_64, %mul3A_258] : memref<8x64x16x2048xf32, #tpu.memory_space<hbm>> -> memref<1x64x1x512xf32, #tpu.memory_space<hbm>>
        %dma_start3A_264 = tpu.memref_squeeze %dma_start3A_263 : memref<1x64x1x512xf32, #tpu.memory_space<hbm>> -> memref<64x512xf32, #tpu.memory_space<hbm>>
        tpu.enqueue_dma source(%arg20 : memref<64x512xf32, #tpu.memory_space<vmem>>) target(%dma_start3A_264 : memref<64x512xf32, #tpu.memory_space<hbm>>) target_semaphore(%arg23 : memref<!tpu.dma_semaphore, #tpu.memory_space<semaphore_mem>>)
      }
      %scan3A_138 = arith.constant 2 : i32
    }
    %scan3A_11 = arith.constant 4 : i32
    %dma_wait3A = arith.constant 0 : i32
    %dma_wait3A_12 = arith.constant 0 : i32
    %dma_wait3A_13 = arith.constant 0 : i32
    %dma_wait3A_14 = arith.constant 0 : i32
    %dma_wait3A_15 = tpu.memref_slice %arg9[%dma_wait3A, %dma_wait3A_13, %dma_wait3A_12, %dma_wait3A_14] : memref<8x64x16x2048xf32, #tpu.memory_space<hbm>> -> memref<1x64x1x512xf32, #tpu.memory_space<hbm>>
    %dma_wait3A_16 = tpu.memref_squeeze %dma_wait3A_15 : memref<1x64x1x512xf32, #tpu.memory_space<hbm>> -> memref<64x512xf32, #tpu.memory_space<hbm>>
    %dma_wait3A_17 = arith.constant 0 : i32
    %dma_wait3A_18 = arith.constant 0 : i32
    %dma_wait3A_19 = tpu.memref_slice %arg9[%dma_wait3A, %dma_wait3A_17, %dma_wait3A_12, %dma_wait3A_18] : memref<8x64x16x2048xf32, #tpu.memory_space<hbm>> -> memref<1x64x1x512xf32, #tpu.memory_space<hbm>>
    %dma_wait3A_20 = tpu.memref_squeeze %dma_wait3A_19 : memref<1x64x1x512xf32, #tpu.memory_space<hbm>> -> memref<64x512xf32, #tpu.memory_space<hbm>>
    tpu.wait_dma2 semaphore(%arg22 : memref<!tpu.dma_semaphore, #tpu.memory_space<semaphore_mem>>) src(%dma_wait3A_20 : memref<64x512xf32, #tpu.memory_space<hbm>>) dst(%arg19 : memref<64x512xf32, #tpu.memory_space<vmem>>)
    %dma_wait3A_21 = arith.constant 0 : i32
    %dma_wait3A_22 = arith.constant 0 : i32
    %dma_wait3A_23 = arith.constant 0 : i32
    %dma_wait3A_24 = arith.constant 0 : i32
    %dma_wait3A_25 = tpu.memref_slice %arg9[%dma_wait3A_21, %dma_wait3A_23, %dma_wait3A_22, %dma_wait3A_24] : memref<8x64x16x2048xf32, #tpu.memory_space<hbm>> -> memref<1x64x1x512xf32, #tpu.memory_space<hbm>>
    %dma_wait3A_26 = tpu.memref_squeeze %dma_wait3A_25 : memref<1x64x1x512xf32, #tpu.memory_space<hbm>> -> memref<64x512xf32, #tpu.memory_space<hbm>>
    %dma_wait3A_27 = arith.constant 0 : i32
    %dma_wait3A_28 = arith.constant 0 : i32
    %dma_wait3A_29 = tpu.memref_slice %arg9[%dma_wait3A_21, %dma_wait3A_27, %dma_wait3A_22, %dma_wait3A_28] : memref<8x64x16x2048xf32, #tpu.memory_space<hbm>> -> memref<1x64x1x512xf32, #tpu.memory_space<hbm>>
    %dma_wait3A_30 = tpu.memref_squeeze %dma_wait3A_29 : memref<1x64x1x512xf32, #tpu.memory_space<hbm>> -> memref<64x512xf32, #tpu.memory_space<hbm>>
    tpu.wait_dma2 semaphore(%arg23 : memref<!tpu.dma_semaphore, #tpu.memory_space<semaphore_mem>>) src(%dma_wait3A_30 : memref<64x512xf32, #tpu.memory_space<hbm>>) dst(%arg20 : memref<64x512xf32, #tpu.memory_space<vmem>>)
    return
  }
}

</mosaic_0001>

<sc_bundles>
// kernel: kernel.3.cloned.1.call-start
scs
__scs_entry_jumppad:
0x0: {  	(pc) =	sbr.rel $0x88, $3  }
0x1: {  	(tag) =	ssettag $0x0;
	lr =	simm.s32 $0x1  }
0x2: {  	[smem:$0x3F9B] =	sst lr;
	_ =	strace $0xD0000000  }
0x3: {  	_ = 	snop  }
0x4: {  	_ = 	snop  }
0x5: {  	_ = 	snop  }
0x6: {  	_ = 	snop  }
0x7: {  	_ = 	snop  }
__scs_overlays_trampoline_lowered:
0x8: {  	[smem:$0x3FAA] =	sst s0  }
0x9: {  	[smem:$0x3FAB] =	sst s1  }
0xa: {  	[smem:$0x3FAC] =	sst s2  }
0xb: {  	[smem:$0x3FAD] =	sst s3  }
0xc: {  	[smem:$0x3FAE] =	sst s4  }
0xd: {  	[smem:$0x3FAF] =	sst s5  }
0xe: {  	[smem:$0x3FB0] =	sst s6  }
0xf: {  	[smem:$0x3FB1] =	sst s7  }
0x10: {  	[smem:$0x3FB2] =	sst s8  }
0x11: {  	[smem:$0x3FB3] =	sst s9;
	s0 =	simm.s32 @!p0 $0x0  }
0x12: {  	s1 =	sld [smem:$0x3F99];
	s0 =	simm.s32 @p0 $0x1  }
0x13: {  	[smem:$0x3FB4] =	sst s0;
	s0 =	simm.s32 @!p1 $0x0  }
0x14: {  	s2 =	sld [smem:$0x3F98];
	s0 =	simm.s32 @p1 $0x1  }
0x15: {  	[smem:$0x3FB5] =	sst s0;
	s0 =	simm.s32 @!p2 $0x0  }
0x16: {  	s3 =	sld [smem:$0x3FDB];
	s0 =	simm.s32 @p2 $0x1  }
0x17: {  	s4 =	simm.s32 $0x1BF5;
	[smem:$0x3FB7] =	sst s0  }
0x18: {  	s0 =	sld [smem:$0x3F9A];
	_ =	swait.ge [sflag:s4], $0x0  }
0x19: {  	s7 =	sld [smem:$0x3F9B]  }
0x1a: {  	s8 =	sadd.s32 $0xFFFFE003, lr  }
0x1b: {  	s9 =	sadd.s32 $0xFFFFFEF7, lr;
	s5 =	simm.s32 $0xFFFFFFFF;
	p2 =	slt.u32 s8, $0xFFFFF086  }
0x1c: {  	p1 =	slt.u32 s9, $0xF7A;
	s5 =	simm.s32 @!p2 $0x0  }
0x1d: {  	s5 =	simm.s32 @p1 $0x1;
	p0 =	seq.s32 s7, s2  }
0x1e: {  	s7 =	smul.u32 @!p0 $0xF7A, s2;
	p2 =	seq.s32 @!p0 s5, $0x0  }
0x1f: {  	s9 =	smul.u32 $0xF7A, s1;
	s8 =	simm.s32 @!p0 $0x1BF5;
	p2 =	por !p2, p0  }
0x20: {  	[sflag:s8] =	ssyncset.s32 @!p0 $0xFFFFF086;
	s6 =	sadd.s32 @!p0 s3, s7;
	s7 =	simm.s32 @!p0 $0x108  }
0x21: {  	s3 =	sadd.s32 s3, s9;
	s6 =	sadd.s32 @!p0 $0x88, s6;
	s7 =	simm.s32 @p2 $0x1082  }
0x22: {  	[simem:s7], [sflag:s8] =	dma.local @!p0 [hbm:s6], $0xF7A  }
0x23: {  	s9 =	sor.u32 $0xD0000000, s2;
	s6 =	simm.s32 $0x108;
	_ =	swait.ge @!p0 [sflag:s8], $0x0  }
0x24: {  	s3 =	sadd.s32 $0x88, s3;
	s6 =	simm.s32 @!p1 $0x1082;
	[sflag:s4] =	ssyncset.s32 $0xFFFFF086  }
0x25: {  	[simem:s6], [sflag:s4] =	dma.local [hbm:s3], $0xF7A  }
0x26: {  	[smem:$0x3F9B] =	sst s1;
	(tag) =	ssettag s2;
	_ =	strace s9  }
0x27: {  	s1 =	sld [smem:$0x3FAB]  }
0x28: {  	s2 =	sld [smem:$0x3FAC]  }
0x29: {  	s4 =	sld [smem:$0x3FAE]  }
0x2a: {  	p0 =	seq.s32 s5, $0x0;
	s5 =	sld [smem:$0x3FAF]  }
0x2b: {  	s6 =	sld [smem:$0x3FB0]  }
0x2c: {  	s7 =	sld [smem:$0x3FB1]  }
0x2d: {  	s3 =	simm.s32 $0x108;
	s8 =	sld [smem:$0x3FB2]  }
0x2e: {  	s3 =	simm.s32 @!p0 $0x1082;
	s9 =	sld [smem:$0x3FB3]  }
0x2f: {  	lr =	sadd.s32 s0, s3;
	s0 =	sld [smem:$0x3FAA]  }
0x30: {  	s3 =	sld [smem:$0x3FAD]  }
0x31: {  	[smem:$0x3FB6] =	sst s10  }
0x32: {  	s10 =	sld [smem:$0x3FB4];
	_ =	sdelay $0x3  }
0x33: {  	p0 =	seq.s32 s10, $0x1;
	s10 =	sld [smem:$0x3FB6];
	_ =	sdelay $0x3  }
0x34: {  	[smem:$0x3FB6] =	sst s10  }
0x35: {  	s10 =	sld [smem:$0x3FB5];
	_ =	sdelay $0x3  }
0x36: {  	p1 =	seq.s32 s10, $0x1;
	s10 =	sld [smem:$0x3FB6];
	_ =	sdelay $0x3  }
0x37: {  	[smem:$0x3FB6] =	sst s10  }
0x38: {  	s10 =	sld [smem:$0x3FB7]  }
0x39: {  	_ = 	snop;
	(pc) =	sbr.ind lr, $3  }
0x3a: {  	_ = 	snop  }
0x3b: {  	_ = 	snop  }
0x3c: {  	p2 =	seq.s32 s10, $0x1;
	s10 =	sld [smem:$0x3FB6]  }
0x3d: {  	_ =	shalt  }
0x3e: {  	_ =	shalt  }
0x3f: {  	_ =	shalt  }
0x40: {  	_ =	shalt  }
0x41: {  	_ =	shalt  }
0x42: {  	_ =	shalt  }
0x43: {  	_ =	shalt  }
0x44: {  	_ =	shalt  }
0x45: {  	_ =	shalt  }
0x46: {  	_ =	shalt  }
0x47: {  	_ =	shalt  }
0x48: {  	_ =	shalt  }
0x49: {  	_ =	shalt  }
0x4a: {  	_ =	shalt  }
0x4b: {  	_ =	shalt  }
0x4c: {  	_ =	shalt  }
0x4d: {  	_ =	shalt  }
0x4e: {  	_ =	shalt  }
0x4f: {  	_ =	shalt  }
0x50: {  	_ =	shalt  }
0x51: {  	_ =	shalt  }
0x52: {  	_ =	shalt  }
0x53: {  	_ =	shalt  }
0x54: {  	_ =	shalt  }
0x55: {  	_ =	shalt  }
0x56: {  	_ =	shalt  }
0x57: {  	_ =	shalt  }
0x58: {  	_ =	shalt  }
0x59: {  	_ =	shalt  }
0x5a: {  	_ =	shalt  }
0x5b: {  	_ =	shalt  }
0x5c: {  	_ =	shalt  }
0x5d: {  	_ =	shalt  }
0x5e: {  	_ =	shalt  }
0x5f: {  	_ =	shalt  }
0x60: {  	_ =	shalt  }
0x61: {  	_ =	shalt  }
0x62: {  	_ =	shalt  }
0x63: {  	_ =	shalt  }
0x64: {  	_ =	shalt  }
0x65: {  	_ =	shalt  }
0x66: {  	_ =	shalt  }
0x67: {  	_ =	shalt  }
0x68: {  	_ =	shalt  }
0x69: {  	_ =	shalt  }
0x6a: {  	_ =	shalt  }
0x6b: {  	_ =	shalt  }
0x6c: {  	_ =	shalt  }
0x6d: {  	_ =	shalt  }
0x6e: {  	_ =	shalt  }
0x6f: {  	_ =	shalt  }
0x70: {  	_ =	shalt  }
0x71: {  	_ =	shalt  }
0x72: {  	_ =	shalt  }
0x73: {  	_ =	shalt  }
0x74: {  	_ =	shalt  }
0x75: {  	_ =	shalt  }
0x76: {  	_ =	shalt  }
0x77: {  	_ =	shalt  }
0x78: {  	_ =	shalt  }
0x79: {  	_ =	shalt  }
0x7a: {  	_ =	shalt  }
0x7b: {  	_ =	shalt  }
0x7c: {  	_ =	shalt  }
0x7d: {  	_ =	shalt  }
0x7e: {  	_ =	shalt  }
0x7f: {  	_ =	shalt  }
0x80: {  	_ =	shalt  }
0x81: {  	_ =	shalt  }
0x82: {  	_ =	shalt  }
0x83: {  	_ =	shalt  }
0x84: {  	_ =	shalt  }
0x85: {  	_ =	shalt  }
0x86: {  	_ =	shalt  }
0x87: {  	_ =	shalt  }
.Lfunc_end0:
.L_simem_size_0:
called_computation_lowered:
.L_overlay_start_0:
0x88: {  	s2 =	sld [smem:$0x3FD9]  }
0x89: {  	s3 =	sld [smem:$0x3FFE];
	_ =	sdelay $0x1  }
0x8a: {  	s1 =	srdreg.scid  }
0x8b: {  	s0 =	sand.u32 $0x1, s1  }
0x8c: {  	s17 =	sshll.u32 s0, $0xA;
	s2 =	sadd.s32 s3, s2  }
0x8d: {  	s2 =	sadd.s32 s2, s17  }
0x8e: {  	[smem:$0x3FC2] =	sst s2  }
0x8f: {  	_ = 	snop  }
0x90: {  	s2 =	sld [smem:$0x3FC9]  }
0x91: {  	s18 =	sld [smem:$0x3FC8]  }
0x92: {  	s4 =	sld [smem:$0x3FC7]  }
0x93: {  	s5 =	sld [smem:$0x3FC6]  }
0x94: {  	s6 =	sld [smem:$0x3FC5]  }
0x95: {  	s7 =	sld [smem:$0x3FD0];
	(tm) =	ssettm $0x1  }
0x96: {  	s8 =	sld [smem:$0x3FFB];
	_ =	sdelay $0x3  }
0x97: {  	_ =	strace s8  }
0x98: {  	s8 =	sld [smem:$0x3FFC];
	_ =	sdelay $0x3  }
0x99: {  	_ =	strace s8  }
0x9a: {  	s8 =	sld [smem:$0x3FFD];
	_ =	sdelay $0x3  }
0x9b: {  	_ =	strace s8  }
0x9c: {  	_ =	strace $0x8FFFFFFF  }
0x9d: {  	s19 =	sld [smem:$0x3FDB];
	_ =	sdelay $0x1  }
0x9e: {  	s9 =	simm.s32 $_scs_section_size  }
0x9f: {  	s10 =	simm.s32 $_size__tile_overlayer_lowered;
	s11 =	simm.s32 $_tile_overlayer_lowered  }
0xa0: {  	s22 =	simm.s32 $0x1BFF;
	s21 =	sshll.u32 s11, $0x1;
	s8 =	sadd.s32 s9, s19  }
0xa1: {  	s12 =	simm.s32 $0x0;
	s20 =	sshll.u32 s10, $0x1;
	s10 =	sadd.s32 s21, s8  }
0xa2: {  	[timem:s12], [sflag:s22] =	dma.local [hbm:s10], s20  }
0xa3: {  	_ =	swait.ge [sflag:s22], s20  }
0xa4: {  	s9 =	ssub.s32 $0x0, s20;
	[sflag:s22] =	ssyncset.done $0x0  }
0xa5: {  	[sflag:s22] =	ssyncadd.s32 s9;
	_ =	sdelay $0x1  }
0xa6: {  	s23 =	simm.s32 $0x1B8B  }
0xa7: {  	_ =	swait.ge [sflag:s23], $0x1  }
0xa8: {  	[sflag:s23] =	ssyncset.done $0x0  }
0xa9: {  	s25 =	simm.s32 $0x1B8E;
	s24 =	sld [smem:$0x3FFE];
	[sflag:s23] =	ssyncadd.s32 $0xFFFFFFFF  }
0xaa: {  	s26 =	simm.s32 $execute0_lowered;
	[smem:$0x3FD2] =	sst s25  }
0xab: {  	s10 =	sshll.u32 s26, $0x1;
	_ =	strace $0x80000046;
	[dreg:$0x1] =	wrdreg $0xFFFFFFFF  }
0xac: {  	s28 =	simm.s32 $_size_execute0_lowered;
	s8 =	sadd.s32 s8, s10;
	[dreg:$0x0] =	wrdreg $0x0  }
0xad: {  	s10 =	sshll.u32 s28, $0x1;
	[dreg:$0x2] =	wrdreg s8  }
0xae: {  	[dreg:$0x3] =	wrdreg s10  }
0xaf: {  	[dreg:$0x4] =	wrdreg $0xC0  }
0xb0: {  	_ =	task [dreg:s12], $0x5FFFF  }
0xb1: {  	[dreg:$0x1] =	wrdreg $0xFFFFFFFF  }
0xb2: {  	[dreg:$0x0] =	wrdreg $0x60  }
0xb3: {  	[dreg:$0x2] =	wrdreg s2  }
0xb4: {  	[dreg:$0x3] =	wrdreg s18  }
0xb5: {  	[dreg:$0x4] =	wrdreg s4  }
0xb6: {  	[dreg:$0x5] =	wrdreg s5  }
0xb7: {  	[dreg:$0x6] =	wrdreg s6  }
0xb8: {  	[dreg:$0x7] =	wrdreg s24  }
0xb9: {  	[dreg:$0x8] =	wrdreg s7  }
0xba: {  	[dreg:$0x9] =	wrdreg $0x9  }
0xbb: {  	_ =	task.clear_ibuf [dreg:s12], $0xAFFFF;
	_ =	strace $0x90000046  }
0xbc: {  	s29 =	simm.s32 $0x9;
	_ =	strace $0x80000048  }
0xbd: {  	_ =	swait.ge [sflag:s29], $0x1  }
0xbe: {  	[sflag:s29] =	ssyncadd.s32 $0xFFFFFFFF  }
0xbf: {  	_ =	strace $0x90000048  }
0xc0: {  	_ =	sfence  }
0xc1: {  	s30 =	sld [smem:$0x0];
	_ =	sdelay $0x2  }
0xc2: {  	s31 =	sshll.u32 s1, $0xD;
	s1 =	sshrl.u32 s1, $0x2  }
0xc3: {  	s3 =	sand.u32 $0x4000, s31;
	s1 =	sadd.s32 s1, s30  }
0xc4: {  	s0 =	sor.u32 s3, s0;
	s1 =	sshll.u32 s1, $0x11  }
0xc5: {  	s0 =	sor.u32 s1, s0  }
0xc6: {  	s0 =	sadd.s32 $0x8F2B, s0  }
0xc7: {  	[sflag:s0] =	ssyncadd.remote.s32 $0x1  }
0xc8: {  	_ =	sfence.sel $0xFFFF  }
0xc9: {  	[dreg:$0x0] =	wrdreg $0xFFFFFFFF;
	(pc) =	sbr.abs _section_cstart, $3  }
0xca: {  	[dreg:$0x1] =	wrdreg $0xFFFFFFFF  }
0xcb: {  	_ =	task.clear_ibuf [dreg:s12], $0x2FFFF;
	_ =	strace $0x9FFFFFFF  }
0xcc: {  	(tm) =	ssettm $0x7FFFFFFF  }
0xcd: {  	_ =	shalt  }
tec
execute0_lowered:
.L_overlay_start_1:
0x0: {  	(tag) =	ssettag $0x1  }
0x1: {  	s0 =	rddreg [dreg:$0x5]  }
0x2: {  	s1 =	srdreg.scid;
	s8 =	simm.s32 $0x0;
	s6 =	stileid.u32  }
0x3: {  	s17 =	simm.s32 $0x80;
	s18 =	simm.s32 $0x1000;
	s31 =	simm.s32 $0x8000  }
0x4: {  	s28 =	simm.s32 $0xC000;
	s29 =	simm.s32 $0x1A300;
	s9 =	simm.s32 $0x0  }
0x5: {  	s1 =	sand.u32 $0x1, s1;
	[smem:$0x7FF] =	sst s8;
	s2 =	sshrl.u32 s6, $0x1  }
0x6: {  	s19 =	sand.u32 $0x1, s6;
	s3 =	ssub.s32 $0x2, s1;
	_ =	strace $0x80000047  }
0x7: {  	s4 =	sshll.u32 s2, $0x4;
	s20 =	sshll.u32 s19, $0xB;
	s1 =	sshll.u32 s1, $0x9  }
0x8: {  	s21 =	sshll.u32 s2, $0x12;
	s22 =	sshll.u32 s2, $0xC;
	s7 =	sshll.u32 s2, $0xF  }
0x9: {  	s26 =	sshll.u32 s2, $0x15;
	s2 =	simm.s32 $0x1AB00;
	s5 =	sshrl.u32 s3, $0x1  }
0xa: {  	s0 =	sadd.s32 s4, s0;
	[dreg:$0x8] =	wrdreg s1;
	s4 =	sshll.u32 s19, $0xE  }
0xb: {  	s1 =	sor.u32 s20, s21;
	s23 =	sor.u32 s20, s22;
	s20 =	simm.s32 $0x1BB00  }
0xc: {  	s21 =	simm.s32 $0x1BF00;
	s22 =	simm.s32 $0x1C300;
	[dreg:$0x9] =	wrdreg s1  }
0xd: {  	s3 =	ssub.s32 s3, s5;
	[dreg:$0xa] =	wrdreg s23;
	s24 =	sor.u32 s4, s7  }
0xe: {  	s25 =	sadd.s32 $0x600, s0;
	s0 =	sadd.s32 $0x400, s0;
	[dreg:$0xb] =	wrdreg s24  }
0xf: {  	v2 =	vimm.s32 $0x7F;
	s5 =	simm.s32 $0x1B700;
	s7 =	simm.s32 $0x1C700;
	[dreg:$0xc] =	wrdreg s25  }
0x10: {  	s23 =	simm.s32 $0x1CB00;
	[dreg:$0xd] =	wrdreg s0;
	s0 =	sor.u32 s4, s26  }
0x11: {  	s30 =	smax.u32 s3, $0x1;
	s3 =	simm.s32 $0x1AF00;
	s4 =	simm.s32 $0x1B300  }
0x12: {  	s24 =	simm.s32 $0x1CF00;
	s25 =	simm.s32 $0x1D300;
	[dreg:$0xe] =	wrdreg s0  }
0x13: {  	v0 =	vimm.s32 $0x0;
	v1 =	vimm.f32 $0.0e+00;
	v3 =	vimm.s32 $0x1;
	s26 =	simm.s32 $0x1D700;
	[dreg:$0xf] =	wrdreg s30;
	s0 =	simm.s32 $0x1A700  }
.LBB2_1:
0x14: {  	[tilespmem:$0xD200] =	vst v0  }
0x15: {  	[dreg:$0x10] =	wrdreg s9;
	[tilespmem:$0xDA80] =	vst v1;
	s30 =	simm.s32 $0x0  }
.LBB2_2:
0x16: {  	s1 =	sshll.u32 s30, $0x7;
	s6 =	rddreg [dreg:$0x8]  }
0x17: {  	s13 =	rddreg [dreg:$0x9];
	s1 =	sadd.s32 s6, s1  }
0x18: {  	s6 =	sadd.s32 s13, s1  }
0x19: {  	s14 =	rddreg [dreg:$0x2];
	s9 =	sshrl.u32 s6, $0x3  }
0x1a: {  	s6 =	simm.s32 $0x0;
	s10 =	sadd.s32 s14, s9  }
0x1b: {  	[tilespmem:s6], [sflag:$0x1] =	stream.strided.gather [hbm4b:s10+s17], $0x400, s18, s17, $0x38;
	[tilespmem:$0x1DB00] =	vst v63  }
0x1c: {  	s12 =	simm.s32 $0x400;
	s11 =	sadd.s32 $0x80, s10  }
0x1d: {  	[tilespmem:s12], [sflag:$0x1] =	stream.strided.gather [hbm4b:s11+s17], $0x400, s18, s17, $0x38;
	[tilespmem:$0x1DB00] =	vst v63  }
0x1e: {  	s13 =	simm.s32 $0x800;
	s15 =	sadd.s32 $0x1000, s10  }
0x1f: {  	[tilespmem:s13], [sflag:$0x1] =	stream.strided.gather [hbm4b:s15+s17], $0x400, s18, s17, $0x38;
	[tilespmem:$0x1DB00] =	vst v63  }
0x20: {  	s19 =	simm.s32 $0xC00;
	s16 =	sadd.s32 $0x1080, s10  }
0x21: {  	[tilespmem:s19], [sflag:$0x1] =	stream.strided.gather [hbm4b:s16+s17], $0x400, s18, s17, $0x38;
	[tilespmem:$0x1DB00] =	vst v63  }
0x22: {  	s13 =	sadd.s32 $0x2000, s10  }
0x23: {  	[tilespmem:s18], [sflag:$0x1] =	stream.strided.gather [hbm4b:s13+s17], $0x400, s18, s17, $0x38;
	[tilespmem:$0x1DB00] =	vst v63  }
0x24: {  	s14 =	sadd.s32 $0x2080, s10;
	s15 =	simm.s32 $0x1400  }
0x25: {  	[tilespmem:s15], [sflag:$0x1] =	stream.strided.gather [hbm4b:s14+s17], $0x400, s18, s17, $0x38;
	[tilespmem:$0x1DB00] =	vst v63  }
0x26: {  	s16 =	sadd.s32 $0x3000, s10;
	s19 =	simm.s32 $0x1800  }
0x27: {  	[tilespmem:s19], [sflag:$0x1] =	stream.strided.gather [hbm4b:s16+s17], $0x400, s18, s17, $0x38;
	[tilespmem:$0x1DB00] =	vst v63  }
0x28: {  	s14 =	sadd.s32 $0x3080, s10;
	s15 =	simm.s32 $0x1C00  }
0x29: {  	[tilespmem:s15], [sflag:$0x1] =	stream.strided.gather [hbm4b:s14+s17], $0x400, s18, s17, $0x38;
	[tilespmem:$0x1DB00] =	vst v63  }
0x2a: {  	s16 =	sadd.s32 $0x4000, s10;
	s19 =	simm.s32 $0x2000  }
0x2b: {  	[tilespmem:s19], [sflag:$0x1] =	stream.strided.gather [hbm4b:s16+s17], $0x400, s18, s17, $0x38;
	[tilespmem:$0x1DB00] =	vst v63  }
0x2c: {  	s14 =	sadd.s32 $0x4080, s10;
	s15 =	simm.s32 $0x2400  }
0x2d: {  	[tilespmem:s15], [sflag:$0x1] =	stream.strided.gather [hbm4b:s14+s17], $0x400, s18, s17, $0x38;
	[tilespmem:$0x1DB00] =	vst v63  }
0x2e: {  	s16 =	sadd.s32 $0x5000, s10;
	s19 =	simm.s32 $0x2800  }
0x2f: {  	[tilespmem:s19], [sflag:$0x1] =	stream.strided.gather [hbm4b:s16+s17], $0x400, s18, s17, $0x38;
	[tilespmem:$0x1DB00] =	vst v63  }
0x30: {  	s14 =	sadd.s32 $0x5080, s10;
	s15 =	simm.s32 $0x2C00  }
0x31: {  	[tilespmem:s15], [sflag:$0x1] =	stream.strided.gather [hbm4b:s14+s17], $0x400, s18, s17, $0x38;
	[tilespmem:$0x1DB00] =	vst v63  }
0x32: {  	s16 =	sadd.s32 $0x6000, s10;
	s19 =	simm.s32 $0x3000  }
0x33: {  	[tilespmem:s19], [sflag:$0x1] =	stream.strided.gather [hbm4b:s16+s17], $0x400, s18, s17, $0x38;
	[tilespmem:$0x1DB00] =	vst v63  }
0x34: {  	s13 =	sadd.s32 $0x6080, s10;
	s14 =	simm.s32 $0x3400  }
0x35: {  	[tilespmem:s14], [sflag:$0x1] =	stream.strided.gather [hbm4b:s13+s17], $0x400, s18, s17, $0x38;
	[tilespmem:$0x1DB00] =	vst v63  }
0x36: {  	s15 =	sadd.s32 $0x7000, s10;
	s16 =	simm.s32 $0x3800  }
0x37: {  	[tilespmem:s16], [sflag:$0x1] =	stream.strided.gather [hbm4b:s15+s17], $0x400, s18, s17, $0x38;
	[tilespmem:$0x1DB00] =	vst v63  }
0x38: {  	s11 =	rddreg [dreg:$0x3];
	s10 =	sadd.s32 $0x7080, s10;
	s19 =	simm.s32 $0x3C00  }
0x39: {  	[tilespmem:s19], [sflag:$0x1] =	stream.strided.gather [hbm4b:s10+s17], $0x400, s18, s17, $0x38;
	[tilespmem:$0x1DB00] =	vst v63  }
0x3a: {  	s13 =	simm.s32 $0x4000;
	s10 =	sadd.s32 s11, s9  }
0x3b: {  	[tilespmem:s13], [sflag:$0x1] =	stream.strided.gather [hbm4b:s10+s17], $0x400, s18, s17, $0x38;
	[tilespmem:$0x1DB00] =	vst v63  }
0x3c: {  	s15 =	simm.s32 $0x4400;
	s14 =	sadd.s32 $0x80, s10  }
0x3d: {  	[tilespmem:s15], [sflag:$0x1] =	stream.strided.gather [hbm4b:s14+s17], $0x400, s18, s17, $0x38;
	[tilespmem:$0x1DB00] =	vst v63  }
0x3e: {  	s19 =	simm.s32 $0x4800;
	s16 =	sadd.s32 $0x1000, s10  }
0x3f: {  	[tilespmem:s19], [sflag:$0x1] =	stream.strided.gather [hbm4b:s16+s17], $0x400, s18, s17, $0x38;
	[tilespmem:$0x1DB00] =	vst v63  }
0x40: {  	s14 =	sadd.s32 $0x1080, s10;
	s15 =	simm.s32 $0x4C00  }
0x41: {  	[tilespmem:s15], [sflag:$0x1] =	stream.strided.gather [hbm4b:s14+s17], $0x400, s18, s17, $0x38;
	[tilespmem:$0x1DB00] =	vst v63  }
0x42: {  	s16 =	sadd.s32 $0x2000, s10;
	s19 =	simm.s32 $0x5000  }
0x43: {  	[tilespmem:s19], [sflag:$0x1] =	stream.strided.gather [hbm4b:s16+s17], $0x400, s18, s17, $0x38;
	[tilespmem:$0x1DB00] =	vst v63  }
0x44: {  	s14 =	sadd.s32 $0x2080, s10;
	s15 =	simm.s32 $0x5400  }
0x45: {  	[tilespmem:s15], [sflag:$0x1] =	stream.strided.gather [hbm4b:s14+s17], $0x400, s18, s17, $0x38;
	[tilespmem:$0x1DB00] =	vst v63  }
0x46: {  	s16 =	sadd.s32 $0x3000, s10;
	s19 =	simm.s32 $0x5800  }
0x47: {  	[tilespmem:s19], [sflag:$0x1] =	stream.strided.gather [hbm4b:s16+s17], $0x400, s18, s17, $0x38;
	[tilespmem:$0x1DB00] =	vst v63  }
0x48: {  	s14 =	sadd.s32 $0x3080, s10;
	s15 =	simm.s32 $0x5C00  }
0x49: {  	[tilespmem:s15], [sflag:$0x1] =	stream.strided.gather [hbm4b:s14+s17], $0x400, s18, s17, $0x38;
	[tilespmem:$0x1DB00] =	vst v63  }
0x4a: {  	s16 =	sadd.s32 $0x4000, s10;
	s19 =	simm.s32 $0x6000  }
0x4b: {  	[tilespmem:s19], [sflag:$0x1] =	stream.strided.gather [hbm4b:s16+s17], $0x400, s18, s17, $0x38;
	[tilespmem:$0x1DB00] =	vst v63  }
0x4c: {  	s14 =	sadd.s32 $0x4080, s10;
	s15 =	simm.s32 $0x6400  }
0x4d: {  	[tilespmem:s15], [sflag:$0x1] =	stream.strided.gather [hbm4b:s14+s17], $0x400, s18, s17, $0x38;
	[tilespmem:$0x1DB00] =	vst v63  }
0x4e: {  	s16 =	sadd.s32 $0x5000, s10;
	s19 =	simm.s32 $0x6800  }
0x4f: {  	[tilespmem:s19], [sflag:$0x1] =	stream.strided.gather [hbm4b:s16+s17], $0x400, s18, s17, $0x38;
	[tilespmem:$0x1DB00] =	vst v63  }
0x50: {  	s14 =	sadd.s32 $0x5080, s10;
	s15 =	simm.s32 $0x6C00  }
0x51: {  	[tilespmem:s15], [sflag:$0x1] =	stream.strided.gather [hbm4b:s14+s17], $0x400, s18, s17, $0x38;
	[tilespmem:$0x1DB00] =	vst v63  }
0x52: {  	s16 =	sadd.s32 $0x6000, s10;
	s19 =	simm.s32 $0x7000  }
0x53: {  	[tilespmem:s19], [sflag:$0x1] =	stream.strided.gather [hbm4b:s16+s17], $0x400, s18, s17, $0x38;
	[tilespmem:$0x1DB00] =	vst v63  }
0x54: {  	s14 =	sadd.s32 $0x6080, s10;
	s15 =	simm.s32 $0x7400  }
0x55: {  	[tilespmem:s15], [sflag:$0x1] =	stream.strided.gather [hbm4b:s14+s17], $0x400, s18, s17, $0x38;
	[tilespmem:$0x1DB00] =	vst v63  }
0x56: {  	s16 =	sadd.s32 $0x7000, s10;
	s19 =	simm.s32 $0x7800  }
0x57: {  	[tilespmem:s19], [sflag:$0x1] =	stream.strided.gather [hbm4b:s16+s17], $0x400, s18, s17, $0x38;
	[tilespmem:$0x1DB00] =	vst v63  }
0x58: {  	s13 =	simm.s32 $0x7C00;
	s10 =	sadd.s32 $0x7080, s10;
	s14 =	rddreg [dreg:$0x4]  }
0x59: {  	[tilespmem:s13], [sflag:$0x1] =	stream.strided.gather [hbm4b:s10+s17], $0x400, s18, s17, $0x38;
	[tilespmem:$0x1DB00] =	vst v63  }
0x5a: {  	s9 =	sadd.s32 s14, s9  }
0x5b: {  	[tilespmem:s31], [sflag:$0x1] =	stream.strided.gather [hbm4b:s9+s17], $0x400, s18, s17, $0x38;
	[tilespmem:$0x1DB00] =	vst v63  }
0x5c: {  	s15 =	simm.s32 $0x8400;
	s10 =	sadd.s32 $0x80, s9  }
0x5d: {  	[tilespmem:s15], [sflag:$0x1] =	stream.strided.gather [hbm4b:s10+s17], $0x400, s18, s17, $0x38;
	[tilespmem:$0x1DB00] =	vst v63  }
0x5e: {  	s16 =	sadd.s32 $0x1000, s9;
	s19 =	simm.s32 $0x8800  }
0x5f: {  	[tilespmem:s19], [sflag:$0x1] =	stream.strided.gather [hbm4b:s16+s17], $0x400, s18, s17, $0x38;
	[tilespmem:$0x1DB00] =	vst v63  }
0x60: {  	s11 =	sadd.s32 $0x1080, s9;
	s13 =	simm.s32 $0x8C00  }
0x61: {  	[tilespmem:s13], [sflag:$0x1] =	stream.strided.gather [hbm4b:s11+s17], $0x400, s18, s17, $0x38;
	[tilespmem:$0x1DB00] =	vst v63  }
0x62: {  	s14 =	sadd.s32 $0x2000, s9;
	s15 =	simm.s32 $0x9000  }
0x63: {  	[tilespmem:s15], [sflag:$0x1] =	stream.strided.gather [hbm4b:s14+s17], $0x400, s18, s17, $0x38;
	[tilespmem:$0x1DB00] =	vst v63  }
0x64: {  	s16 =	sadd.s32 $0x2080, s9;
	s19 =	simm.s32 $0x9400  }
0x65: {  	[tilespmem:s19], [sflag:$0x1] =	stream.strided.gather [hbm4b:s16+s17], $0x400, s18, s17, $0x38;
	[tilespmem:$0x1DB00] =	vst v63  }
0x66: {  	s11 =	sadd.s32 $0x3000, s9;
	s13 =	simm.s32 $0x9800  }
0x67: {  	[tilespmem:s13], [sflag:$0x1] =	stream.strided.gather [hbm4b:s11+s17], $0x400, s18, s17, $0x38;
	[tilespmem:$0x1DB00] =	vst v63  }
0x68: {  	s14 =	sadd.s32 $0x3080, s9;
	s15 =	simm.s32 $0x9C00  }
0x69: {  	[tilespmem:s15], [sflag:$0x1] =	stream.strided.gather [hbm4b:s14+s17], $0x400, s18, s17, $0x38;
	[tilespmem:$0x1DB00] =	vst v63  }
0x6a: {  	s16 =	sadd.s32 $0x4000, s9;
	s19 =	simm.s32 $0xA000  }
0x6b: {  	[tilespmem:s19], [sflag:$0x1] =	stream.strided.gather [hbm4b:s16+s17], $0x400, s18, s17, $0x38;
	[tilespmem:$0x1DB00] =	vst v63  }
0x6c: {  	s11 =	sadd.s32 $0x4080, s9;
	s13 =	simm.s32 $0xA400  }
0x6d: {  	[tilespmem:s13], [sflag:$0x1] =	stream.strided.gather [hbm4b:s11+s17], $0x400, s18, s17, $0x38;
	[tilespmem:$0x1DB00] =	vst v63  }
0x6e: {  	s14 =	sadd.s32 $0x5000, s9;
	s15 =	simm.s32 $0xA800  }
0x6f: {  	[tilespmem:s15], [sflag:$0x1] =	stream.strided.gather [hbm4b:s14+s17], $0x400, s18, s17, $0x38;
	[tilespmem:$0x1DB00] =	vst v63  }
0x70: {  	s16 =	sadd.s32 $0x5080, s9;
	s19 =	simm.s32 $0xAC00  }
0x71: {  	[tilespmem:s19], [sflag:$0x1] =	stream.strided.gather [hbm4b:s16+s17], $0x400, s18, s17, $0x38;
	[tilespmem:$0x1DB00] =	vst v63  }
0x72: {  	s11 =	sadd.s32 $0x6000, s9;
	s13 =	simm.s32 $0xB000  }
0x73: {  	[tilespmem:s13], [sflag:$0x1] =	stream.strided.gather [hbm4b:s11+s17], $0x400, s18, s17, $0x38;
	[tilespmem:$0x1DB00] =	vst v63  }
0x74: {  	s14 =	sadd.s32 $0x6080, s9;
	s15 =	simm.s32 $0xB400  }
0x75: {  	[tilespmem:s15], [sflag:$0x1] =	stream.strided.gather [hbm4b:s14+s17], $0x400, s18, s17, $0x38;
	[tilespmem:$0x1DB00] =	vst v63  }
0x76: {  	s16 =	sadd.s32 $0x7000, s9;
	s19 =	simm.s32 $0xB800  }
0x77: {  	[tilespmem:s19], [sflag:$0x1] =	stream.strided.gather [hbm4b:s16+s17], $0x400, s18, s17, $0x38;
	[tilespmem:$0x1DB00] =	vst v63  }
0x78: {  	s9 =	sadd.s32 $0x7080, s9;
	s13 =	simm.s32 $0xBC00;
	s14 =	rddreg [dreg:$0xa]  }
0x79: {  	[tilespmem:s13], [sflag:$0x1] =	stream.strided.gather [hbm4b:s9+s17], $0x400, s18, s17, $0x38;
	[tilespmem:$0x1DB00] =	vst v63  }
0x7a: {  	s9 =	sadd.s32 s14, s1  }
0x7b: {  	s15 =	rddreg [dreg:$0x1];
	s9 =	sshrl.u32 s9, $0x3  }
0x7c: {  	s11 =	simm.s32 $0x4;
	s9 =	sadd.s32 s15, s9  }
0x7d: {  	[tilespmem:s28], [sflag:$0x4] =	stream.strided.gather [hbm4b:s9+s17], $0x100, s12, s17, $0x38;
	[tilespmem:$0x1DB00] =	vst v63  }
0x7e: {  	_ =	swait.ge [sflag:s11], $0x100  }
0x7f: {  	s16 =	rddreg [dreg:$0xb];
	[sflag:s11] =	ssyncset.done $0x0  }
0x80: {  	s9 =	sadd.s32 s16, s1;
	[sflag:s11] =	ssyncadd.s32 $0xFFFFFF00  }
0x81: {  	s9 =	sshrl.u32 s9, $0x3;
	s19 =	rddreg [dreg:$0x0]  }
0x82: {  	s13 =	simm.s32 $0xC100;
	s9 =	sadd.s32 s19, s9  }
0x83: {  	[tilespmem:s13], [sflag:$0x4] =	stream.strided.gather [hbm4b:s9+s17], $0x800, s12, s17, $0x38;
	[tilespmem:$0x1DB00] =	vst v63  }
0x84: {  	_ =	swait.ge [sflag:s11], $0x800  }
0x85: {  	[sflag:s11] =	ssyncset.done $0x0  }
0x86: {  	s15 =	simm.s32 $0xC900;
	s14 =	rddreg [dreg:$0xc];
	[sflag:s11] =	ssyncadd.s32 $0xFFFFF800  }
0x87: {  	[tilespmem:s15], [sflag:$0x4] =	stream.linear.gather [hbm4b:s14+s6], $0x80, $0x38;
	[tilespmem:$0x1DB00] =	vst v63  }
0x88: {  	_ =	swait.ge [sflag:s11], $0x80  }
0x89: {  	[sflag:s11] =	ssyncset.done $0x0  }
0x8a: {  	s19 =	simm.s32 $0xC980;
	s16 =	rddreg [dreg:$0xd];
	[sflag:s11] =	ssyncadd.s32 $0xFFFFFF80  }
0x8b: {  	[tilespmem:s19], [sflag:$0x4] =	stream.linear.gather [hbm4b:s16+s6], $0x80, $0x38;
	[tilespmem:$0x1DB00] =	vst v63  }
0x8c: {  	_ =	swait.ge [sflag:s11], $0x80  }
0x8d: {  	[sflag:s11] =	ssyncset.done $0x0  }
0x8e: {  	[sflag:s11] =	ssyncadd.s32 $0xFFFFFF80  }
0x8f: {  	v4 =	vld [tilespmem:$0xC900];
	_ =	sdelay $0x4  }
0x90: {  	(erf) = vrcp.f32 v4;
	_ =	sdelay $0x8  }
0x91: {  	v4 =	vpop (erf)  }
.LBB2_3:
0x92: {  	s9 =	sshra.s32 s6, $0x2;
	v9 =	vld.idx.msk [tilespmem:v2+s28+$0x0], $0xffff  }
0x93: {  	v5 =	vld [tilespmem:s9+$0xC100]  }
0x94: {  	v6 =	vld [tilespmem:s9+$0xC110]  }
0x95: {  	v10 =	vld [tilespmem:s9+$0xC120];
	_ =	sdelay $0x2  }
0x96: {  	v8 =	vmul.f32 v5, v4;
	v5 =	vld [tilespmem:s9+$0xC130]  }
0x97: {  	v7 =	vmul.f32 v6, v4  }
0x98: {  	v6 =	vmul.f32 v10, v4;
	vm0 =	vlt.f32 v9, v8  }
0x99: {  	vm13 =	vlt.f32 v9, v7;
	v39 =	vsel vm0, $0x80, v0  }
0x9a: {  	vm14 =	vlt.f32 v9, v6;
	v12 =	vsel vm13, $0x80, v0;
	v11 =	vor.u32 $0x3F, v39  }
0x9b: {  	v13 =	vsel vm14, $0x80, v0;
	v14 =	vor.u32 $0x3F, v12;
	v5 =	vmul.f32 v5, v4  }
0x9c: {  	v40 =	vor.u32 $0x3F, v13  }
0x9d: {  	vm15 =	vlt.f32 v9, v5  }
0x9e: {  	v15 =	vsel vm15, $0x80, v0  }
0x9f: {  	v11 =	vld.idx.msk [tilespmem:v11+s28+$0x0], $0xffff;
	v16 =	vor.u32 $0x3F, v15  }
0xa0: {  	v14 =	vld.idx.msk [tilespmem:v14+s28+$0x0], $0xffff  }
0xa1: {  	v9 =	vld.idx.msk [tilespmem:v40+s28+$0x0], $0xffff;
	_ =	sdelay $0x2  }
0xa2: {  	v41 =	vor.u32 $0x40, v39;
	v42 =	vor.u32 $0x40, v12;
	v16 =	vld.idx.msk [tilespmem:v16+s28+$0x0], $0xffff  }
0xa3: {  	v44 =	vor.u32 $0x40, v13;
	v46 =	vor.u32 $0x40, v15;
	vm4 =	vlt.f32 v11, v8  }
0xa4: {  	vm5 =	vlt.f32 v14, v7;
	vm6 =	vlt.f32 v9, v6;
	v11 =	vsel vm4, v41, v39  }
0xa5: {  	v14 =	vsel vm5, v42, v12;
	v10 =	vsel vm6, v44, v13;
	v17 =	vand.u32 $0x40, v11  }
0xa6: {  	v45 =	vand.u32 $0x40, v14;
	v47 =	vand.u32 $0x40, v10;
	v43 =	vor.u32 v17, v39  }
0xa7: {  	v12 =	vor.u32 v45, v12;
	v9 =	vor.u32 $0x1F, v43;
	vm7 =	vlt.f32 v16, v5  }
0xa8: {  	v13 =	vor.u32 v47, v13;
	v12 =	vor.u32 $0x1F, v12;
	v16 =	vsel vm7, v46, v15  }
0xa9: {  	v13 =	vor.u32 $0x1F, v13;
	v48 =	vand.u32 $0x40, v16  }
0xaa: {  	v15 =	vor.u32 v48, v15  }
0xab: {  	v15 =	vor.u32 $0x1F, v15  }
0xac: {  	v9 =	vld.idx.msk [tilespmem:v9+s28+$0x0], $0xffff  }
0xad: {  	v12 =	vld.idx.msk [tilespmem:v12+s28+$0x0], $0xffff  }
0xae: {  	v13 =	vld.idx.msk [tilespmem:v13+s28+$0x0], $0xffff;
	_ =	sdelay $0x1  }
0xaf: {  	v15 =	vld.idx.msk [tilespmem:v15+s28+$0x0], $0xffff  }
0xb0: {  	v49 =	vor.u32 $0x20, v11;
	v50 =	vor.u32 $0x20, v14;
	vm8 =	vlt.f32 v9, v8  }
0xb1: {  	v52 =	vor.u32 $0x20, v10;
	vm9 =	vlt.f32 v12, v7;
	v9 =	vsel vm8, v49, v11  }
0xb2: {  	vm10 =	vlt.f32 v13, v6;
	v11 =	vsel vm9, v50, v14;
	v51 =	vor.u32 $0xF, v9  }
0xb3: {  	v10 =	vsel vm10, v52, v10;
	v14 =	vor.u32 $0xF, v11  }
0xb4: {  	v53 =	vor.u32 $0x20, v16;
	v54 =	vor.u32 $0xF, v10;
	vm11 =	vlt.f32 v15, v5  }
0xb5: {  	v13 =	vsel vm11, v53, v16  }
0xb6: {  	v16 =	vor.u32 $0xF, v13  }
0xb7: {  	v12 =	vld.idx.msk [tilespmem:v51+s28+$0x0], $0xffff  }
0xb8: {  	v14 =	vld.idx.msk [tilespmem:v14+s28+$0x0], $0xffff  }
0xb9: {  	v15 =	vld.idx.msk [tilespmem:v54+s28+$0x0], $0xffff;
	_ =	sdelay $0x1  }
0xba: {  	v16 =	vld.idx.msk [tilespmem:v16+s28+$0x0], $0xffff  }
0xbb: {  	v55 =	vor.u32 $0x10, v9;
	v56 =	vor.u32 $0x10, v11;
	vm12 =	vlt.f32 v12, v8  }
0xbc: {  	v58 =	vor.u32 $0x10, v10;
	vm13 =	vlt.f32 v14, v7;
	v9 =	vsel vm12, v55, v9  }
0xbd: {  	vm14 =	vlt.f32 v15, v6;
	v11 =	vsel vm13, v56, v11;
	v57 =	vadd.s32 $0x7, v9  }
0xbe: {  	v10 =	vsel vm14, v58, v10;
	v59 =	vadd.s32 $0x7, v11  }
0xbf: {  	v60 =	vor.u32 $0x10, v13;
	v61 =	vadd.s32 $0x7, v10;
	vm15 =	vlt.f32 v16, v5  }
0xc0: {  	v12 =	vsel vm15, v60, v13  }
0xc1: {  	v63 =	vadd.s32 $0x7, v12  }
0xc2: {  	v62 =	vld.idx.msk [tilespmem:v57+s28+$0x0], $0xffff  }
0xc3: {  	v15 =	vld.idx.msk [tilespmem:v59+s28+$0x0], $0xffff  }
0xc4: {  	v16 =	vld.idx.msk [tilespmem:v61+s28+$0x0], $0xffff;
	_ =	sdelay $0x1  }
0xc5: {  	v14 =	vld.idx.msk [tilespmem:v63+s28+$0x0], $0xffff  }
0xc6: {  	v19 =	vadd.s32 $0x8, v9;
	v20 =	vadd.s32 $0x8, v11;
	vm4 =	vlt.f32 v62, v8  }
0xc7: {  	v22 =	vadd.s32 $0x8, v10;
	vm5 =	vlt.f32 v15, v7;
	v9 =	vsel vm4, v19, v9  }
0xc8: {  	vm6 =	vlt.f32 v16, v6;
	v11 =	vsel vm5, v20, v11;
	v21 =	vadd.s32 $0x3, v9  }
0xc9: {  	v10 =	vsel vm6, v22, v10;
	v23 =	vadd.s32 $0x3, v11  }
0xca: {  	v24 =	vadd.s32 $0x8, v12;
	v25 =	vadd.s32 $0x3, v10;
	vm7 =	vlt.f32 v14, v5  }
0xcb: {  	v12 =	vsel vm7, v24, v12  }
0xcc: {  	v27 =	vadd.s32 $0x3, v12  }
0xcd: {  	v26 =	vld.idx.msk [tilespmem:v21+s28+$0x0], $0xffff  }
0xce: {  	v16 =	vld.idx.msk [tilespmem:v23+s28+$0x0], $0xffff  }
0xcf: {  	v14 =	vld.idx.msk [tilespmem:v25+s28+$0x0], $0xffff;
	_ =	sdelay $0x1  }
0xd0: {  	v15 =	vld.idx.msk [tilespmem:v27+s28+$0x0], $0xffff  }
0xd1: {  	v28 =	vadd.s32 $0x4, v9;
	v29 =	vadd.s32 $0x4, v11;
	vm8 =	vlt.f32 v26, v8  }
0xd2: {  	v31 =	vadd.s32 $0x4, v10;
	vm9 =	vlt.f32 v16, v7;
	v9 =	vsel vm8, v28, v9  }
0xd3: {  	vm10 =	vlt.f32 v14, v6;
	v11 =	vsel vm9, v29, v11;
	v30 =	vadd.s32 $0x1, v9  }
0xd4: {  	v10 =	vsel vm10, v31, v10;
	v32 =	vadd.s32 $0x1, v11  }
0xd5: {  	v33 =	vadd.s32 $0x4, v12;
	v34 =	vadd.s32 $0x1, v10;
	vm11 =	vlt.f32 v15, v5  }
0xd6: {  	v12 =	vsel vm11, v33, v12  }
0xd7: {  	v36 =	vadd.s32 $0x1, v12  }
0xd8: {  	v35 =	vld.idx.msk [tilespmem:v30+s28+$0x0], $0xffff  }
0xd9: {  	v14 =	vld.idx.msk [tilespmem:v32+s28+$0x0], $0xffff  }
0xda: {  	v15 =	vld.idx.msk [tilespmem:v34+s28+$0x0], $0xffff;
	_ =	sdelay $0x1  }
0xdb: {  	v16 =	vld.idx.msk [tilespmem:v36+s28+$0x0], $0xffff  }
0xdc: {  	v37 =	vadd.s32 $0x2, v9;
	vm12 =	vlt.f32 v35, v8  }
0xdd: {  	v38 =	vadd.s32 $0x2, v11;
	vm13 =	vlt.f32 v14, v7;
	v9 =	vsel vm12, v37, v9  }
0xde: {  	v39 =	vadd.s32 $0x2, v10;
	vm14 =	vlt.f32 v15, v6;
	v11 =	vsel vm13, v38, v11  }
0xdf: {  	v10 =	vsel vm14, v39, v10  }
0xe0: {  	v40 =	vadd.s32 $0x2, v12;
	vm15 =	vlt.f32 v16, v5  }
0xe1: {  	v12 =	vsel vm15, v40, v12  }
0xe2: {  	v41 =	vld.idx.msk [tilespmem:v9+s28+$0x0], $0xffff  }
0xe3: {  	v42 =	vld.idx.msk [tilespmem:v11+s28+$0x0], $0xffff  }
0xe4: {  	v43 =	vld.idx.msk [tilespmem:v10+s28+$0x0], $0xffff;
	_ =	sdelay $0x1  }
0xe5: {  	v44 =	vld.idx.msk [tilespmem:v12+s28+$0x0], $0xffff  }
0xe6: {  	vm4 =	vlt.f32 v41, v8  }
0xe7: {  	vm5 =	vlt.f32 v42, v7;
	v45 =	vsel vm4, $0x1, v0  }
0xe8: {  	vm6 =	vlt.f32 v43, v6;
	v13 =	vsel vm5, $0x1, v0;
	v9 =	vadd.s32 v45, v9  }
0xe9: {  	v46 =	vsel vm6, $0x1, v0;
	v11 =	vadd.s32 v13, v11  }
0xea: {  	v10 =	vadd.s32 v46, v10;
	vm7 =	vlt.f32 v44, v5  }
0xeb: {  	v47 =	vsel vm7, $0x1, v0  }
0xec: {  	v12 =	vadd.s32 v47, v12  }
0xed: {  	v48 =	vld.idx.msk [tilespmem:v9+s28+$0x0], $0xffff  }
0xee: {  	v49 =	vld.idx.msk [tilespmem:v11+s28+$0x0], $0xffff  }
0xef: {  	v50 =	vld.idx.msk [tilespmem:v10+s28+$0x0], $0xffff;
	_ =	sdelay $0x1  }
0xf0: {  	v51 =	vld.idx.msk [tilespmem:v12+s28+$0x0], $0xffff;
	_ =	sdelay $0x1  }
0xf1: {  	vm8 =	vlt.f32 v48, v8;
	vm9 =	vlt.f32 v49, v7  }
0xf2: {  	vm10 =	vlt.f32 v50, v6;
	v52 =	vsel vm8, $0x1, v0;
	v13 =	vsel vm9, $0x1, v0  }
0xf3: {  	v15 =	vsel vm10, $0x1, v0;
	v9 =	vadd.s32 v52, v9;
	v11 =	vadd.s32 v13, v11  }
0xf4: {  	v10 =	vadd.s32 v15, v10;
	v54 =	vmax.u32 v11, $0x1;
	vm11 =	vlt.f32 v51, v5  }
0xf5: {  	v16 =	vmax.u32 v9, $0x1;
	v55 =	vsub.s32 v54, v3;
	v56 =	vsel vm11, $0x1, v0  }
0xf6: {  	v57 =	vmax.u32 v10, $0x1;
	v53 =	vsub.s32 v16, v3;
	v12 =	vadd.s32 v56, v12  }
0xf7: {  	v58 =	vsub.s32 v57, v3;
	v59 =	vmax.u32 v12, $0x1  }
0xf8: {  	v16 =	vsub.s32 v59, v3;
	_ =	sdelay $0x1  }
0xf9: {  	v18 =	vld.idx.msk [tilespmem:v55+s28+$0x0], $0xffff  }
0xfa: {  	v60 =	vld.idx.msk [tilespmem:v53+s28+$0x0], $0xffff  }
0xfb: {  	v19 =	vld.idx.msk [tilespmem:v58+s28+$0x0], $0xffff  }
0xfc: {  	v61 =	vld.idx.msk [tilespmem:v16+s28+$0x0], $0xffff  }
0xfd: {  	vm13 =	veq.s32 v11, $0x0;
	[tilespmem:s9+$0xCA00] =	vst v53  }
0xfe: {  	vm12 =	veq.s32 v9, $0x0;
	v62 =	vsel vm13, $0x0, v18;
	[tilespmem:s9+$0xCA10] =	vst v55  }
0xff: {  	p0 =	sne.s32 s6, $0x1F00;
	vm14 =	veq.s32 v10, $0x0;
	v9 =	vsel vm12, $0x0, v60;
	[tilespmem:s9+$0xCA20] =	vst v58;
	v7 =	vsub.f32 v62, v7  }
.Ltmp0:
0x100: {  	vm15 =	veq.s32 v12, $0x0;
	v63 =	vsel vm14, $0x0, v19;
	[tilespmem:s9+$0xCA30] =	vst v16;
	v8 =	vsub.f32 v9, v8;
	(pc) =	sbr.rel @p0 .LBB2_3-.Ltmp0, $4  }
0x101: {  	v6 =	vsub.f32 v63, v6;
	[tilespmem:s9+$0xD290] =	vst v7;
	v7 =	vsel vm15, $0x0, v61  }
0x102: {  	[tilespmem:s9+$0xD280] =	vst v8;
	v5 =	vsub.f32 v7, v5  }
0x103: {  	[tilespmem:s9+$0xD2A0] =	vst v6  }
0x104: {  	s6 =	sadd.s32 $0x100, s6;
	[tilespmem:s9+$0xD2B0] =	vst v5  }
0x105: {  	s9 =	simm.s32 $0x1  }
0x106: {  	_ =	swait.ge [sflag:s9], $0x4000  }
0x107: {  	[sflag:s9] =	ssyncset.done $0x0  }
0x108: {  	[sflag:s9] =	ssyncadd.s32 $0xFFFFC000  }
0x109: {  	_ =	swait.ge [sflag:s9], $0x4000  }
0x10a: {  	[sflag:s9] =	ssyncset.done $0x0  }
0x10b: {  	[sflag:s9] =	ssyncadd.s32 $0xFFFFC000  }
0x10c: {  	_ =	swait.ge [sflag:s9], $0x4000  }
0x10d: {  	s6 =	simm.s32 $0x0;
	[sflag:s9] =	ssyncset.done $0x0  }
0x10e: {  	s10 =	sand.u32 $0x3800, s6;
	[sflag:s9] =	ssyncadd.s32 $0xFFFFC000;
	s9 =	sand.u32 $0x380, s6  }
0x10f: {  	v4 =	vld [tilespmem:$0xC980];
	s11 =	sor.u32 s9, s10  }
0x110: {  	v5 =	vld [tilespmem:s11+$0x4000]  }
0x111: {  	v6 =	vld [tilespmem:s11+$0x4010]  }
0x112: {  	v8 =	vld [tilespmem:s11+$0x4020]  }
0x113: {  	v9 =	vld [tilespmem:s11+$0x4030]  }
0x114: {  	v10 =	vld [tilespmem:s11+$0x4040]  }
0x115: {  	v11 =	vld [tilespmem:s11+$0x4050]  }
0x116: {  	v12 =	vld [tilespmem:s11+$0x4060]  }
0x117: {  	v13 =	vld [tilespmem:s11+$0x4070]  }
0x118: {  	v16 =	vld [tilespmem:s11+$0x4400]  }
0x119: {  	v18 =	vld [tilespmem:s11+$0x4410]  }
0x11a: {  	v23 =	vld [tilespmem:s11+$0x4420]  }
0x11b: {  	v7 =	vld [tilespmem:s11+$0x4430]  }
0x11c: {  	v14 =	vld [tilespmem:s11+$0x0]  }
0x11d: {  	v15 =	vld [tilespmem:s11+$0x10]  }
0x11e: {  	v17 =	vld [tilespmem:s11+$0x20]  }
0x11f: {  	v19 =	vld [tilespmem:s11+$0x30]  }
0x120: {  	v20 =	vld [tilespmem:s11+$0x40]  }
0x121: {  	v21 =	vld [tilespmem:s11+$0x50]  }
0x122: {  	v25 =	vld [tilespmem:s11+$0x60];
	v5 =	vsub.f32 v5, v14;
	v22 =	vsub.f32 v6, v15  }
0x123: {  	v26 =	vld [tilespmem:s11+$0x70];
	v14 =	vmul.f32 v14, v4;
	v8 =	vsub.f32 v8, v17;
	v15 =	vmul.f32 v15, v4  }
0x124: {  	v27 =	vld [tilespmem:s11+$0x400];
	v9 =	vsub.f32 v9, v19;
	v17 =	vmul.f32 v17, v4;
	v19 =	vmul.f32 v19, v4  }
0x125: {  	v6 =	vld [tilespmem:s11+$0x4440];
	v10 =	vsub.f32 v10, v20;
	v20 =	vmul.f32 v20, v4;
	v24 =	vmul.f32 v5, v4  }
0x126: {  	v11 =	vsub.f32 v11, v21;
	v5 =	vld [tilespmem:s11+$0x4450];
	v22 =	vmul.f32 v22, v4;
	v8 =	vmul.f32 v8, v4  }
0x127: {  	v9 =	vmul.f32 v9, v4;
	v28 =	vmul.f32 v10, v4;
	v24 =	vpack.i.f32.bf16 v24, v14;
	v14 =	vld [tilespmem:s11+$0x410]  }
0x128: {  	v29 =	vpack.i.f32.bf16 v22, v15;
	v15 =	vmul.f32 v21, v4;
	v21 =	vmul.f32 v11, v4;
	v11 =	vld [tilespmem:s11+$0x420]  }
0x129: {  	v10 =	vld [tilespmem:s11+$0x430];
	v30 =	vpack.i.f32.bf16 v9, v19;
	v9 =	vsub.f32 v12, v25;
	v12 =	vsub.f32 v13, v26  }
0x12a: {  	v13 =	vsub.f32 v16, v27;
	v16 =	vmul.f32 v26, v4;
	[tilespmem:s11+$0x0] =	vst v24;
	v24 =	vpack.i.f32.bf16 v8, v17;
	v8 =	vld [tilespmem:s11+$0x4460]  }
0x12b: {  	v22 =	vpack.i.f32.bf16 v28, v20;
	[tilespmem:s11+$0x10] =	vst v29;
	v17 =	vmul.f32 v25, v4;
	v20 =	vmul.f32 v9, v4;
	v9 =	vld [tilespmem:s11+$0x4470]  }
0x12c: {  	v15 =	vpack.i.f32.bf16 v21, v15;
	[tilespmem:s11+$0x20] =	vst v24;
	v19 =	vmul.f32 v12, v4;
	v12 =	vld [tilespmem:s11+$0x440];
	v24 =	vsub.f32 v18, v14  }
0x12d: {  	s12 =	simm.s32 $0x80;
	s13 =	simm.s32 $0x100;
	[tilespmem:s11+$0x30] =	vst v30;
	v21 =	vmul.f32 v13, v4;
	v13 =	vld [tilespmem:s11+$0x450];
	v18 =	vmul.f32 v27, v4;
	v23 =	vsub.f32 v23, v11  }
.LBB2_5:
0x12e: {  	s14 =	sand.u32 $0x3800, s13;
	s15 =	sand.u32 $0x380, s12;
	p0 =	seq.s32 s13, $0x3F00;
	[tilespmem:s11+$0x40] =	vst v22;
	v14 =	vmul.f32 v14, v4;
	v22 =	vmul.f32 v24, v4;
	v7 =	vsub.f32 v7, v10;
	v24 =	vld [tilespmem:s11+$0x460]  }
0x12f: {  	v11 =	vmul.f32 v11, v4;
	s14 =	sor.u32 s15, s14;
	[tilespmem:s11+$0x50] =	vst v15;
	v15 =	vpack.i.f32.bf16 v20, v17;
	v17 =	vmul.f32 v23, v4;
	v20 =	vld [tilespmem:s11+$0x470]  }
0x130: {  	v10 =	vmul.f32 v10, v4;
	v23 =	vld [tilespmem:s14+$0x4000];
	[tilespmem:s11+$0x60] =	vst v15;
	v15 =	vpack.i.f32.bf16 v19, v16;
	v7 =	vmul.f32 v7, v4  }
0x131: {  	v14 =	vpack.i.f32.bf16 v22, v14;
	v16 =	vld [tilespmem:s14+$0x4010];
	[tilespmem:s11+$0x70] =	vst v15;
	v15 =	vpack.i.f32.bf16 v21, v18;
	v6 =	vsub.f32 v6, v12  }
0x132: {  	v11 =	vpack.i.f32.bf16 v17, v11;
	v18 =	vld [tilespmem:s14+$0x4020];
	[tilespmem:s11+$0x400] =	vst v15;
	v7 =	vpack.i.f32.bf16 v7, v10;
	v5 =	vsub.f32 v5, v13  }
0x133: {  	v12 =	vmul.f32 v12, v4;
	v10 =	vld [tilespmem:s14+$0x4030];
	[tilespmem:s11+$0x410] =	vst v14;
	v6 =	vmul.f32 v6, v4;
	v8 =	vsub.f32 v8, v24  }
0x134: {  	v14 =	vld [tilespmem:s14+$0x4040];
	[tilespmem:s11+$0x420] =	vst v11;
	v11 =	vmul.f32 v13, v4;
	v5 =	vmul.f32 v5, v4;
	v9 =	vsub.f32 v9, v20  }
0x135: {  	v13 =	vld [tilespmem:s14+$0x4050];
	[tilespmem:s11+$0x430] =	vst v7;
	v6 =	vpack.i.f32.bf16 v6, v12;
	v7 =	vmul.f32 v24, v4;
	v8 =	vmul.f32 v8, v4  }
0x136: {  	v12 =	vld [tilespmem:s14+$0x4060];
	[tilespmem:s11+$0x440] =	vst v6;
	v5 =	vpack.i.f32.bf16 v5, v11;
	v6 =	vmul.f32 v20, v4;
	v9 =	vmul.f32 v9, v4  }
0x137: {  	v17 =	vld [tilespmem:s14+$0x4070];
	[tilespmem:s11+$0x450] =	vst v5;
	v5 =	vpack.i.f32.bf16 v8, v7  }
0x138: {  	v19 =	vld [tilespmem:s14+$0x4400];
	[tilespmem:s11+$0x460] =	vst v5;
	v5 =	vpack.i.f32.bf16 v9, v6  }
0x139: {  	v21 =	vld [tilespmem:s14+$0x4410];
	[tilespmem:s11+$0x470] =	vst v5;
	s11 =	smov.u32 s14  }
0x13a: {  	v25 =	vld [tilespmem:s11+$0x4420]  }
0x13b: {  	v7 =	vld [tilespmem:s11+$0x4430]  }
0x13c: {  	v5 =	vld [tilespmem:s11+$0x0]  }
0x13d: {  	v8 =	vld [tilespmem:s11+$0x10]  }
0x13e: {  	v9 =	vld [tilespmem:s11+$0x20]  }
0x13f: {  	v11 =	vld [tilespmem:s11+$0x30]  }
0x140: {  	v15 =	vld [tilespmem:s11+$0x40]  }
0x141: {  	v20 =	vsub.f32 v23, v5;
	v22 =	vld [tilespmem:s11+$0x50]  }
0x142: {  	v16 =	vsub.f32 v16, v8;
	v6 =	vld [tilespmem:s11+$0x4440]  }
0x143: {  	v23 =	vmul.f32 v5, v4;
	v20 =	vmul.f32 v20, v4;
	v18 =	vsub.f32 v18, v9;
	v5 =	vld [tilespmem:s11+$0x4450]  }
0x144: {  	v8 =	vmul.f32 v8, v4;
	v16 =	vmul.f32 v16, v4;
	v10 =	vsub.f32 v10, v11;
	v24 =	vld [tilespmem:s11+$0x60]  }
0x145: {  	v9 =	vmul.f32 v9, v4;
	v18 =	vmul.f32 v18, v4;
	v14 =	vsub.f32 v14, v15;
	v26 =	vld [tilespmem:s11+$0x70]  }
0x146: {  	v27 =	vmul.f32 v11, v4;
	v10 =	vmul.f32 v10, v4;
	v11 =	vsub.f32 v13, v22;
	v13 =	vld [tilespmem:s11+$0x400]  }
0x147: {  	v20 =	vpack.i.f32.bf16 v20, v23;
	v15 =	vmul.f32 v15, v4;
	v23 =	vmul.f32 v14, v4;
	v14 =	vld [tilespmem:s11+$0x410]  }
0x148: {  	v16 =	vpack.i.f32.bf16 v16, v8;
	v8 =	vmul.f32 v22, v4;
	v28 =	vmul.f32 v11, v4;
	v11 =	vld [tilespmem:s11+$0x420]  }
.Ltmp1:
0x149: {  	v18 =	vpack.i.f32.bf16 v18, v9;
	v27 =	vpack.i.f32.bf16 v10, v27;
	v9 =	vsub.f32 v12, v24;
	v10 =	vld [tilespmem:s11+$0x430];
	(pc) =	sbr.rel @!p0 .LBB2_5-.Ltmp1, $4  }
0x14a: {  	v22 =	vpack.i.f32.bf16 v23, v15;
	[tilespmem:s11+$0x0] =	vst v20;
	v15 =	vpack.i.f32.bf16 v28, v8;
	v12 =	vsub.f32 v17, v26;
	v8 =	vld [tilespmem:s11+$0x4460]  }
0x14b: {  	v17 =	vmul.f32 v24, v4;
	[tilespmem:s11+$0x10] =	vst v16;
	v20 =	vmul.f32 v9, v4;
	v23 =	vsub.f32 v19, v13;
	v9 =	vld [tilespmem:s11+$0x4470]  }
0x14c: {  	v16 =	vmul.f32 v26, v4;
	[tilespmem:s11+$0x20] =	vst v18;
	v19 =	vmul.f32 v12, v4;
	v24 =	vsub.f32 v21, v14;
	v12 =	vld [tilespmem:s11+$0x440]  }
0x14d: {  	s12 =	sadd.s32 $0x80, s12;
	s13 =	sadd.s32 $0x100, s13;
	v18 =	vmul.f32 v13, v4;
	[tilespmem:s11+$0x30] =	vst v27;
	v21 =	vmul.f32 v23, v4;
	v23 =	vsub.f32 v25, v11;
	v13 =	vld [tilespmem:s11+$0x450]  }
0x14e: {  	[tilespmem:s11+$0x40] =	vst v22;
	v14 =	vmul.f32 v14, v4;
	v54 =	vmul.f32 v24, v4;
	v7 =	vsub.f32 v7, v10;
	v55 =	vld [tilespmem:s11+$0x460]  }
0x14f: {  	[tilespmem:s11+$0x50] =	vst v15;
	v56 =	vpack.i.f32.bf16 v20, v17;
	v11 =	vmul.f32 v11, v4;
	v58 =	vld [tilespmem:s11+$0x470];
	v59 =	vpack.i.f32.bf16 v19, v16  }
0x150: {  	v60 =	vmul.f32 v10, v4;
	v57 =	vmul.f32 v23, v4;
	[tilespmem:s11+$0x60] =	vst v56;
	v61 =	vpack.i.f32.bf16 v21, v18  }
0x151: {  	[tilespmem:s11+$0x70] =	vst v59;
	v7 =	vmul.f32 v7, v4;
	v14 =	vpack.i.f32.bf16 v54, v14;
	v6 =	vsub.f32 v6, v12  }
0x152: {  	[tilespmem:s11+$0x400] =	vst v61;
	v11 =	vpack.i.f32.bf16 v57, v11;
	v62 =	vmul.f32 v12, v4;
	v5 =	vsub.f32 v5, v13  }
0x153: {  	[tilespmem:s11+$0x410] =	vst v14;
	v7 =	vpack.i.f32.bf16 v7, v60;
	v6 =	vmul.f32 v6, v4;
	v8 =	vsub.f32 v8, v55  }
0x154: {  	[tilespmem:s11+$0x420] =	vst v11;
	v63 =	vmul.f32 v13, v4;
	v9 =	vsub.f32 v9, v58;
	v5 =	vmul.f32 v5, v4  }
0x155: {  	[tilespmem:s11+$0x430] =	vst v7;
	v7 =	vmul.f32 v55, v4;
	v6 =	vpack.i.f32.bf16 v6, v62;
	v8 =	vmul.f32 v8, v4  }
0x156: {  	[tilespmem:s11+$0x440] =	vst v6;
	v5 =	vpack.i.f32.bf16 v5, v63;
	v6 =	vmul.f32 v58, v4;
	v4 =	vmul.f32 v9, v4  }
0x157: {  	[tilespmem:s11+$0x450] =	vst v5;
	v5 =	vpack.i.f32.bf16 v8, v7  }
0x158: {  	s16 =	sand.u32 $0x300, s6;
	[tilespmem:s11+$0x460] =	vst v5;
	v4 =	vpack.i.f32.bf16 v4, v6  }
0x159: {  	s10 =	sor.u32 s16, s10;
	[tilespmem:s11+$0x470] =	vst v4  }
0x15a: {  	v4 =	vld [tilespmem:s10+$0x8000]  }
0x15b: {  	v5 =	vld [tilespmem:s10+$0x8080];
	_ =	sdelay $0x3  }
0x15c: {  	s19 =	sand.u32 $0x1800, s6  }
0x15d: {  	s9 =	sor.u32 s9, s19;
	v4 =	vpack.i.f32.bf16 v5, v4  }
0x15e: {  	[tilespmem:s9+$0x8000] =	vst v4  }
0x15f: {  	v4 =	vld [tilespmem:s10+$0x8010]  }
0x160: {  	v5 =	vld [tilespmem:s10+$0x8090];
	_ =	sdelay $0x4  }
0x161: {  	v4 =	vpack.i.f32.bf16 v5, v4  }
0x162: {  	[tilespmem:s9+$0x8010] =	vst v4  }
0x163: {  	v4 =	vld [tilespmem:s10+$0x8020]  }
0x164: {  	v5 =	vld [tilespmem:s10+$0x80A0];
	_ =	sdelay $0x4  }
0x165: {  	v4 =	vpack.i.f32.bf16 v5, v4  }
0x166: {  	[tilespmem:s9+$0x8020] =	vst v4  }
0x167: {  	v4 =	vld [tilespmem:s10+$0x8030]  }
0x168: {  	v5 =	vld [tilespmem:s10+$0x80B0];
	_ =	sdelay $0x4  }
0x169: {  	v4 =	vpack.i.f32.bf16 v5, v4  }
0x16a: {  	[tilespmem:s9+$0x8030] =	vst v4  }
0x16b: {  	v4 =	vld [tilespmem:s10+$0x8040]  }
0x16c: {  	v5 =	vld [tilespmem:s10+$0x80C0];
	_ =	sdelay $0x4  }
0x16d: {  	v4 =	vpack.i.f32.bf16 v5, v4  }
0x16e: {  	[tilespmem:s9+$0x8040] =	vst v4  }
0x16f: {  	v4 =	vld [tilespmem:s10+$0x8050]  }
0x170: {  	v5 =	vld [tilespmem:s10+$0x80D0];
	_ =	sdelay $0x4  }
0x171: {  	v4 =	vpack.i.f32.bf16 v5, v4  }
0x172: {  	[tilespmem:s9+$0x8050] =	vst v4  }
0x173: {  	v4 =	vld [tilespmem:s10+$0x8060]  }
0x174: {  	v5 =	vld [tilespmem:s10+$0x80E0];
	_ =	sdelay $0x4  }
0x175: {  	v4 =	vpack.i.f32.bf16 v5, v4  }
0x176: {  	[tilespmem:s9+$0x8060] =	vst v4  }
0x177: {  	v4 =	vld [tilespmem:s10+$0x8070]  }
0x178: {  	v5 =	vld [tilespmem:s10+$0x80F0];
	_ =	sdelay $0x4  }
0x179: {  	v4 =	vpack.i.f32.bf16 v5, v4  }
0x17a: {  	[tilespmem:s9+$0x8070] =	vst v4  }
0x17b: {  	v4 =	vld [tilespmem:s10+$0x8400]  }
0x17c: {  	v5 =	vld [tilespmem:s10+$0x8480];
	_ =	sdelay $0x4  }
0x17d: {  	v4 =	vpack.i.f32.bf16 v5, v4  }
0x17e: {  	[tilespmem:s9+$0x8400] =	vst v4  }
0x17f: {  	v4 =	vld [tilespmem:s10+$0x8410]  }
0x180: {  	v5 =	vld [tilespmem:s10+$0x8490];
	_ =	sdelay $0x4  }
0x181: {  	v4 =	vpack.i.f32.bf16 v5, v4  }
0x182: {  	[tilespmem:s9+$0x8410] =	vst v4  }
0x183: {  	v4 =	vld [tilespmem:s10+$0x8420]  }
0x184: {  	v5 =	vld [tilespmem:s10+$0x84A0];
	_ =	sdelay $0x4  }
0x185: {  	v4 =	vpack.i.f32.bf16 v5, v4  }
0x186: {  	[tilespmem:s9+$0x8420] =	vst v4  }
0x187: {  	v4 =	vld [tilespmem:s10+$0x8430]  }
0x188: {  	v5 =	vld [tilespmem:s10+$0x84B0];
	_ =	sdelay $0x4  }
0x189: {  	v4 =	vpack.i.f32.bf16 v5, v4  }
0x18a: {  	[tilespmem:s9+$0x8430] =	vst v4  }
0x18b: {  	v4 =	vld [tilespmem:s10+$0x8440]  }
0x18c: {  	v5 =	vld [tilespmem:s10+$0x84C0];
	_ =	sdelay $0x4  }
0x18d: {  	v4 =	vpack.i.f32.bf16 v5, v4  }
0x18e: {  	[tilespmem:s9+$0x8440] =	vst v4  }
0x18f: {  	v4 =	vld [tilespmem:s10+$0x8450]  }
0x190: {  	v5 =	vld [tilespmem:s10+$0x84D0];
	_ =	sdelay $0x4  }
0x191: {  	s12 =	simm.s32 $0x0;
	s11 =	simm.s32 $0x100;
	v4 =	vpack.i.f32.bf16 v5, v4  }
.LBB2_7:
0x192: {  	p0 =	seq.s32 s11, $0x1F00;
	[tilespmem:s9+$0x8450] =	vst v4;
	s6 =	sadd.s32 $0x80, s6;
	s12 =	sadd.s32 $0x200, s12  }
0x193: {  	s13 =	smov.u32 s11;
	s11 =	sadd.s32 $0x100, s11;
	v4 =	vld [tilespmem:s10+$0x8460]  }
0x194: {  	v5 =	vld [tilespmem:s10+$0x84E0];
	_ =	sdelay $0x4  }
0x195: {  	v4 =	vpack.i.f32.bf16 v5, v4  }
0x196: {  	[tilespmem:s9+$0x8460] =	vst v4  }
0x197: {  	v4 =	vld [tilespmem:s10+$0x8470]  }
0x198: {  	v5 =	vld [tilespmem:s10+$0x84F0];
	_ =	sdelay $0x4  }
0x199: {  	s14 =	sand.u32 $0x300, s13;
	s10 =	sand.u32 $0x3800, s12;
	v4 =	vpack.i.f32.bf16 v5, v4  }
0x19a: {  	s10 =	sor.u32 s14, s10;
	[tilespmem:s9+$0x8470] =	vst v4  }
0x19b: {  	v4 =	vld [tilespmem:s10+$0x8000]  }
0x19c: {  	v5 =	vld [tilespmem:s10+$0x8080];
	_ =	sdelay $0x2  }
0x19d: {  	s9 =	sand.u32 $0x1800, s13;
	s13 =	sand.u32 $0x380, s6  }
0x19e: {  	s9 =	sor.u32 s13, s9  }
0x19f: {  	v4 =	vpack.i.f32.bf16 v5, v4  }
0x1a0: {  	[tilespmem:s9+$0x8000] =	vst v4  }
0x1a1: {  	v4 =	vld [tilespmem:s10+$0x8010]  }
0x1a2: {  	v5 =	vld [tilespmem:s10+$0x8090];
	_ =	sdelay $0x4  }
0x1a3: {  	v4 =	vpack.i.f32.bf16 v5, v4  }
0x1a4: {  	[tilespmem:s9+$0x8010] =	vst v4  }
0x1a5: {  	v4 =	vld [tilespmem:s10+$0x8020]  }
0x1a6: {  	v5 =	vld [tilespmem:s10+$0x80A0];
	_ =	sdelay $0x4  }
0x1a7: {  	v4 =	vpack.i.f32.bf16 v5, v4  }
0x1a8: {  	[tilespmem:s9+$0x8020] =	vst v4  }
0x1a9: {  	v4 =	vld [tilespmem:s10+$0x8030]  }
0x1aa: {  	v5 =	vld [tilespmem:s10+$0x80B0];
	_ =	sdelay $0x4  }
0x1ab: {  	v4 =	vpack.i.f32.bf16 v5, v4  }
0x1ac: {  	[tilespmem:s9+$0x8030] =	vst v4  }
0x1ad: {  	v4 =	vld [tilespmem:s10+$0x8040]  }
0x1ae: {  	v5 =	vld [tilespmem:s10+$0x80C0];
	_ =	sdelay $0x4  }
0x1af: {  	v4 =	vpack.i.f32.bf16 v5, v4  }
0x1b0: {  	[tilespmem:s9+$0x8040] =	vst v4  }
0x1b1: {  	v4 =	vld [tilespmem:s10+$0x8050]  }
0x1b2: {  	v5 =	vld [tilespmem:s10+$0x80D0];
	_ =	sdelay $0x4  }
0x1b3: {  	v4 =	vpack.i.f32.bf16 v5, v4  }
0x1b4: {  	[tilespmem:s9+$0x8050] =	vst v4  }
0x1b5: {  	v4 =	vld [tilespmem:s10+$0x8060]  }
0x1b6: {  	v5 =	vld [tilespmem:s10+$0x80E0];
	_ =	sdelay $0x4  }
0x1b7: {  	v4 =	vpack.i.f32.bf16 v5, v4  }
0x1b8: {  	[tilespmem:s9+$0x8060] =	vst v4  }
0x1b9: {  	v4 =	vld [tilespmem:s10+$0x8070]  }
0x1ba: {  	v5 =	vld [tilespmem:s10+$0x80F0];
	_ =	sdelay $0x4  }
0x1bb: {  	v4 =	vpack.i.f32.bf16 v5, v4  }
0x1bc: {  	[tilespmem:s9+$0x8070] =	vst v4  }
0x1bd: {  	v4 =	vld [tilespmem:s10+$0x8400]  }
0x1be: {  	v5 =	vld [tilespmem:s10+$0x8480];
	_ =	sdelay $0x4  }
0x1bf: {  	v4 =	vpack.i.f32.bf16 v5, v4  }
0x1c0: {  	[tilespmem:s9+$0x8400] =	vst v4  }
0x1c1: {  	v4 =	vld [tilespmem:s10+$0x8410]  }
0x1c2: {  	v5 =	vld [tilespmem:s10+$0x8490];
	_ =	sdelay $0x4  }
0x1c3: {  	v4 =	vpack.i.f32.bf16 v5, v4  }
0x1c4: {  	[tilespmem:s9+$0x8410] =	vst v4  }
0x1c5: {  	v4 =	vld [tilespmem:s10+$0x8420]  }
0x1c6: {  	v5 =	vld [tilespmem:s10+$0x84A0];
	_ =	sdelay $0x4  }
0x1c7: {  	v4 =	vpack.i.f32.bf16 v5, v4  }
0x1c8: {  	[tilespmem:s9+$0x8420] =	vst v4  }
0x1c9: {  	v4 =	vld [tilespmem:s10+$0x8430]  }
0x1ca: {  	v5 =	vld [tilespmem:s10+$0x84B0];
	_ =	sdelay $0x4  }
0x1cb: {  	v4 =	vpack.i.f32.bf16 v5, v4  }
0x1cc: {  	[tilespmem:s9+$0x8430] =	vst v4  }
0x1cd: {  	v4 =	vld [tilespmem:s10+$0x8440]  }
0x1ce: {  	v5 =	vld [tilespmem:s10+$0x84C0];
	_ =	sdelay $0x4  }
0x1cf: {  	v4 =	vpack.i.f32.bf16 v5, v4  }
0x1d0: {  	[tilespmem:s9+$0x8440] =	vst v4  }
0x1d1: {  	v4 =	vld [tilespmem:s10+$0x8450]  }
0x1d2: {  	v5 =	vld [tilespmem:s10+$0x84D0]  }
.Ltmp2:
0x1d3: {  	(pc) =	sbr.rel @!p0 .LBB2_7-.Ltmp2, $2  }
0x1d4: {  	_ =	sdelay $0x2  }
0x1d5: {  	v4 =	vpack.i.f32.bf16 v5, v4  }
0x1d6: {  	[tilespmem:s9+$0x8450] =	vst v4  }
0x1d7: {  	v4 =	vld [tilespmem:s10+$0x8460]  }
0x1d8: {  	v5 =	vld [tilespmem:s10+$0x84E0];
	_ =	sdelay $0x4  }
0x1d9: {  	v4 =	vpack.i.f32.bf16 v5, v4  }
0x1da: {  	[tilespmem:s9+$0x8460] =	vst v4  }
0x1db: {  	v4 =	vld [tilespmem:s10+$0x8470]  }
0x1dc: {  	v5 =	vld [tilespmem:s10+$0x84F0];
	_ =	sdelay $0x2  }
0x1dd: {  	s6 =	rddreg [dreg:$0xe]  }
0x1de: {  	s1 =	sadd.s32 s1, s6  }
0x1df: {  	s19 =	rddreg [dreg:$0x6];
	p2 =	por $0x1, $0x1;
	s6 =	sshrl.u32 s1, $0x3;
	v4 =	vpack.i.f32.bf16 v5, v4  }
0x1e0: {  	s11 =	simm.s32 $0x0;
	s6 =	sadd.s32 s19, s6;
	[tilespmem:s9+$0x8470] =	vst v4;
	s9 =	simm.s32 $0x0  }
.LBB2_9:
0x1e1: {  	s10 =	sor.u32 s30, s11  }
0x1e2: {  	p1 =	seq.s32 s10, $0x0  }
0x1e3: {  	s10 =	simm.s32 @!p1 $0x2  }
0x1e4: {  	_ =	swait.ge @!p1 [sflag:s10], $0x8000  }
0x1e5: {  	[sflag:s10] =	ssyncset.done @!p1 $0x0  }
0x1e6: {  	[sflag:s10] =	ssyncadd.s32 @!p1 $0xFFFF8000;
	s10 =	sshll.u32 s11, $0xA  }
0x1e7: {  	v6 =	vld [tilespmem:s10+$0xCA00];
	_ =	sdelay $0x4  }
0x1e8: {  	v4 =	vshll.u32 v6, $0x3  }
0x1e9: {  	v5 =	vand.u32 $0x7F, v6;
	v4 =	vand.u32 $0xFFFFFC00, v4  }
0x1ea: {  	v5 =	vor.u32 v5, v4;
	_ =	sdelay $0x1  }
0x1eb: {  	v9 =	vor.u32 $0x80, v5  }
0x1ec: {  	v10 =	vor.u32 $0x100, v5  }
0x1ed: {  	v4 =	vld [tilespmem:s10+$0xD280];
	v11 =	vor.u32 $0x180, v5  }
0x1ee: {  	v7 =	vor.u32 $0x200, v5;
	v14 =	vld.idx.msk [tilespmem:v5+s9+$0x0], $0xffff  }
0x1ef: {  	v8 =	vor.u32 $0x280, v5;
	v22 =	vld.idx.msk [tilespmem:v5+s31+$0x0], $0xffff  }
0x1f0: {  	v18 =	vor.u32 $0x300, v5;
	v15 =	vld.idx.msk [tilespmem:v9+s9+$0x0], $0xffff  }
0x1f1: {  	v19 =	vor.u32 $0x380, v5;
	v16 =	vld.idx.msk [tilespmem:v10+s9+$0x0], $0xffff  }
0x1f2: {  	v17 =	vld.idx.msk [tilespmem:v11+s9+$0x0], $0xffff  }
0x1f3: {  	v12 =	vld.idx.msk [tilespmem:v7+s9+$0x0], $0xffff  }
0x1f4: {  	v13 =	vld.idx.msk [tilespmem:v8+s9+$0x0], $0xffff  }
0x1f5: {  	v7 =	vld.idx.msk [tilespmem:v18+s9+$0x0], $0xffff  }
0x1f6: {  	v8 =	vld.idx.msk [tilespmem:v19+s9+$0x0], $0xffff  }
0x1f7: {  	v21 =	vld.idx.msk [tilespmem:v9+s31+$0x0], $0xffff  }
0x1f8: {  	p0 =	por p2, p2;
	s14 =	simm.s32 $0x0;
	s13 =	sand.u32 $0x3FFFFC00, s10;
	v9 =	vld.idx.msk [tilespmem:v10+s31+$0x0], $0xffff  }
0x1f9: {  	s15 =	simm.s32 $0x0;
	s12 =	sadd.s32 $0xCA10, s13;
	s13 =	sadd.s32 $0xD290, s13;
	v19 =	vld.idx.msk [tilespmem:v11+s31+$0x0], $0xffff  }
.LBB2_10:
0x1fa: {  	v5 =	vunpack.i.l.bf16.f32 v22;
	v10 =	vshll.u32 v6, $0x3  }
0x1fb: {  	v11 =	vunpack.i.u.bf16.f32 v22;
	v26 =	vunpack.i.u.bf16.f32 v14;
	v18 =	vmul.f32 v5, v4  }
0x1fc: {  	v5 =	vand.u32 $0x7F, v6;
	v6 =	vand.u32 $0xFFFFFC00, v10;
	v10 =	vmul.f32 v11, v4  }
0x1fd: {  	v28 =	vunpack.i.u.bf16.f32 v15;
	v5 =	vor.u32 v5, v6;
	v6 =	vmul.f32 $1.442695020e+00, v18  }
0x1fe: {  	v14 =	vunpack.i.l.bf16.f32 v14;
	v11 =	vunpack.i.l.bf16.f32 v21;
	v10 =	vmul.f32 $1.442695020e+00, v10  }
0x1ff: {  	v11 =	vmul.f32 v11, v4;
	(erf) = vpow2.f32 v6;
	v6 =	vunpack.i.u.bf16.f32 v21  }
0x200: {  	(erf) = vpow2.f32 v10;
	v6 =	vmul.f32 v6, v4;
	v10 =	vunpack.i.l.bf16.f32 v9  }
0x201: {  	v15 =	vunpack.i.l.bf16.f32 v15;
	v18 =	vmul.f32 $1.442695020e+00, v11;
	v20 =	vmul.f32 v10, v4  }
0x202: {  	v52 =	vunpack.i.u.bf16.f32 v17;
	v17 =	vunpack.i.l.bf16.f32 v17;
	v21 =	vmul.f32 $1.442695020e+00, v6  }
0x203: {  	v24 =	vor.u32 $0x280, v5;
	(erf) = vpow2.f32 v18;
	v18 =	vmul.f32 $1.442695020e+00, v20  }
0x204: {  	v54 =	vunpack.i.u.bf16.f32 v12;
	v9 =	vunpack.i.u.bf16.f32 v9;
	(erf) = vpow2.f32 v21  }
0x205: {  	v9 =	vmul.f32 v9, v4;
	(erf) = vpow2.f32 v18;
	v18 =	vunpack.i.l.bf16.f32 v19  }
0x206: {  	v29 =	vunpack.i.u.bf16.f32 v13;
	v12 =	vunpack.i.l.bf16.f32 v12;
	v18 =	vmul.f32 v18, v4  }
0x207: {  	v13 =	vunpack.i.l.bf16.f32 v13;
	v10 =	vadd.s32 $0x900, v5;
	v20 =	vmul.f32 $1.442695020e+00, v9  }
0x208: {  	v58 =	vunpack.i.u.bf16.f32 v8;
	v24 =	vld.idx.msk [tilespmem:v24+s31+$0x0], $0xffff;
	v21 =	vor.u32 $0x200, v5;
	v18 =	vmul.f32 $1.442695020e+00, v18  }
0x209: {  	v8 =	vunpack.i.l.bf16.f32 v8;
	v25 =	vadd.s32 $0x800, v5;
	(erf) = vpow2.f32 v20  }
0x20a: {  	v23 =	vadd.s32 $0xA80, v5;
	v19 =	vunpack.i.u.bf16.f32 v19;
	v27 =	vpop (erf);
	(erf) = vpow2.f32 v18  }
0x20b: {  	v22 =	vadd.s32 $0xB00, v5;
	v6 =	vadd.s32 $0x980, v5;
	v20 =	vmul.f32 v19, v4;
	v49 =	vpop (erf)  }
0x20c: {  	v56 =	vor.u32 $0x380, v5;
	v11 =	vadd.s32 $0x880, v5;
	v62 =	vld.idx.msk [tilespmem:v10+s8+$0x0], $0xffff;
	v18 =	vmul.f32 v28, v49  }
0x20d: {  	v9 =	vadd.s32 $0xA00, v5;
	v38 =	vunpack.i.l.bf16.f32 v24;
	v20 =	vmul.f32 $1.442695020e+00, v20;
	v21 =	vld.idx.msk [tilespmem:v21+s31+$0x0], $0xffff  }
0x20e: {  	v39 =	vmul.f32 v38, v4;
	v50 =	vpop (erf);
	v15 =	vadd.f32 v18, v15;
	v18 =	vunpack.i.u.bf16.f32 v16  }
0x20f: {  	(erf) = vpow2.f32 v20;
	v20 =	vor.u32 $0x300, v5;
	v51 =	vpop (erf);
	v18 =	vmul.f32 v50, v18  }
0x210: {  	v19 =	vadd.s32 $0xB80, v5;
	v63 =	vld.idx.msk [tilespmem:v6+s8+$0x0], $0xffff;
	v26 =	vmul.f32 v27, v26;
	v16 =	vunpack.i.l.bf16.f32 v16;
	v53 =	vpop (erf)  }
0x211: {  	v33 =	vmul.f32 $1.442695020e+00, v39;
	v16 =	vadd.f32 v18, v16;
	v18 =	vmul.f32 v53, v54  }
0x212: {  	v32 =	vld.idx.msk [tilespmem:v9+s8+$0x0], $0xffff;
	v14 =	vadd.f32 v26, v14;
	v45 =	vunpack.i.l.bf16.f32 v62;
	v60 =	vunpack.i.l.bf16.f32 v21;
	v30 =	vpop (erf)  }
0x213: {  	v57 =	vld.idx.msk [tilespmem:v25+s8+$0x0], $0xffff;
	v55 =	vmul.f32 v29, v30;
	v12 =	vadd.f32 v18, v12;
	v18 =	vunpack.i.u.bf16.f32 v7;
	v59 =	vpop (erf)  }
0x214: {  	v21 =	vunpack.i.u.bf16.f32 v21;
	v20 =	vld.idx.msk [tilespmem:v20+s31+$0x0], $0xffff;
	v30 =	vmul.f32 v60, v4;
	v18 =	vmul.f32 v59, v18  }
0x215: {  	v40 =	vld.idx.msk [tilespmem:v23+s8+$0x0], $0xffff;
	v46 =	vunpack.i.u.bf16.f32 v63;
	v21 =	vmul.f32 v21, v4;
	v7 =	vunpack.i.l.bf16.f32 v7  }
0x216: {  	v35 =	vld.idx.msk [tilespmem:v22+s8+$0x0], $0xffff;
	v27 =	vmul.f32 v52, v51;
	v7 =	vadd.f32 v18, v7;
	v18 =	vmul.f32 $1.442695020e+00, v30  }
0x217: {  	s19 =	sand.u32 $0x70, s15;
	s16 =	sand.u32 $0xC00, s14;
	v31 =	vld.idx.msk [tilespmem:v11+s8+$0x0], $0xffff;
	v47 =	vunpack.i.l.bf16.f32 v63;
	v48 =	vunpack.i.u.bf16.f32 v32;
	v21 =	vmul.f32 $1.442695020e+00, v21  }
0x218: {  	s19 =	sor.u32 s19, s16;
	v17 =	vadd.f32 v27, v17;
	v27 =	vld.idx.msk [tilespmem:v56+s31+$0x0], $0xffff;
	(erf) = vpow2.f32 v18;
	v18 =	vunpack.i.u.bf16.f32 v24  }
0x219: {  	v37 =	vld.idx.msk [tilespmem:v19+s8+$0x0], $0xffff;
	[tilespmem:s19+$0xDB00] =	vst v14;
	v61 =	vpop (erf);
	(erf) = vpow2.f32 v21;
	v18 =	vmul.f32 v18, v4;
	v21 =	vunpack.i.l.bf16.f32 v20  }
0x21a: {  	[tilespmem:s19+$0xDB80] =	vst v15;
	v28 =	vmul.f32 v58, v61;
	v20 =	vunpack.i.u.bf16.f32 v20;
	v34 =	vmul.f32 v21, v4  }
0x21b: {  	v51 =	vunpack.i.u.bf16.f32 v35;
	[tilespmem:s19+$0xDC00] =	vst v16;
	v36 =	vmul.f32 v20, v4;
	v18 =	vmul.f32 $1.442695020e+00, v18  }
0x21c: {  	v13 =	vadd.f32 v55, v13;
	[tilespmem:s19+$0xDC80] =	vst v17;
	(erf) = vpow2.f32 v33;
	v41 =	vmul.f32 $1.442695020e+00, v34  }
0x21d: {  	[tilespmem:s19+$0xDD00] =	vst v12;
	v15 =	vunpack.i.l.bf16.f32 v27;
	v14 =	vmul.f32 $1.442695020e+00, v36;
	(erf) = vpow2.f32 v18  }
0x21e: {  	s16 =	sor.u32 s14, s15;
	[tilespmem:s19+$0xDD80] =	vst v13;
	v15 =	vmul.f32 v15, v4;
	v8 =	vadd.f32 v28, v8;
	(erf) = vpow2.f32 v41  }
0x21f: {  	s16 =	sor.u32 $0x380, s16;
	v24 =	vadd.s32 $0x1000, v5;
	[tilespmem:s19+$0xDE00] =	vst v7;
	(erf) = vpow2.f32 v14;
	v14 =	vunpack.i.u.bf16.f32 v27  }
0x220: {  	v52 =	vunpack.i.l.bf16.f32 v35;
	[tilespmem:s16+$0xDB00] =	vst v8;
	v21 =	vadd.s32 $0x1080, v5;
	v27 =	vmul.f32 v14, v4  }
0x221: {  	v16 =	vadd.s32 $0x1280, v5;
	v43 =	vmul.f32 $1.442695020e+00, v15;
	v11 =	vld.idx.msk [tilespmem:v11+s31+$0x0], $0xffff;
	v18 =	vadd.s32 $0x1180, v5  }
0x222: {  	v17 =	vadd.s32 $0x1200, v5;
	v55 =	vunpack.i.u.bf16.f32 v37;
	v27 =	vmul.f32 $1.442695020e+00, v27  }
0x223: {  	v37 =	vunpack.i.l.bf16.f32 v37;
	v12 =	vunpack.i.u.bf16.f32 v57;
	v42 =	vpop (erf);
	(erf) = vpow2.f32 v43  }
0x224: {  	v13 =	vunpack.i.u.bf16.f32 v31;
	v8 =	vunpack.i.l.bf16.f32 v57;
	v54 =	vld.idx.msk [tilespmem:v24+s8+$0x0], $0xffff;
	v44 =	vpop (erf);
	(erf) = vpow2.f32 v27  }
0x225: {  	v20 =	vadd.s32 $0x1100, v5;
	v57 =	vld.idx.msk [tilespmem:v21+s8+$0x0], $0xffff;
	v7 =	vmul.f32 v13, v44;
	v13 =	vunpack.i.l.bf16.f32 v31  }
0x226: {  	v58 =	vunpack.i.l.bf16.f32 v11;
	v11 =	vunpack.i.u.bf16.f32 v11;
	v12 =	vmul.f32 v42, v12;
	v60 =	vld.idx.msk [tilespmem:v18+s8+$0x0], $0xffff  }
0x227: {  	v28 =	vunpack.i.l.bf16.f32 v40;
	v14 =	vadd.s32 $0x1300, v5;
	v11 =	vmul.f32 v11, v4  }
0x228: {  	v8 =	vadd.f32 v12, v8;
	v12 =	vunpack.i.u.bf16.f32 v62;
	v7 =	vadd.f32 v7, v13;
	v13 =	vpop (erf)  }
0x229: {  	v15 =	vadd.s32 $0x1380, v5;
	v25 =	vld.idx.msk [tilespmem:v25+s31+$0x0], $0xffff;
	v11 =	vmul.f32 $1.442695020e+00, v11;
	v12 =	vmul.f32 v13, v12;
	v13 =	vpop (erf)  }
0x22a: {  	v10 =	vld.idx.msk [tilespmem:v10+s31+$0x0], $0xffff;
	v43 =	vunpack.i.l.bf16.f32 v54;
	v62 =	vunpack.i.u.bf16.f32 v54;
	v41 =	vunpack.i.u.bf16.f32 v57;
	v49 =	vpop (erf)  }
0x22b: {  	v59 =	vld.idx.msk [tilespmem:v20+s8+$0x0], $0xffff;
	v44 =	vunpack.i.l.bf16.f32 v57;
	v33 =	vunpack.i.l.bf16.f32 v60;
	v13 =	vmul.f32 v46, v13;
	v50 =	vpop (erf)  }
0x22c: {  	v30 =	vld.idx.msk [tilespmem:v14+s8+$0x0], $0xffff;
	v26 =	vadd.f32 v12, v45;
	v12 =	vunpack.i.u.bf16.f32 v40;
	v27 =	vmul.f32 v49, v48;
	v53 =	vpop (erf)  }
0x22d: {  	v6 =	vld.idx.msk [tilespmem:v6+s31+$0x0], $0xffff;
	v29 =	vadd.f32 v13, v47;
	v13 =	vunpack.i.l.bf16.f32 v32;
	v12 =	vmul.f32 v12, v50;
	v56 =	vpop (erf)  }
0x22e: {  	v61 =	vld.idx.msk [tilespmem:v17+s8+$0x0], $0xffff;
	v27 =	vadd.f32 v27, v13;
	v13 =	vunpack.i.l.bf16.f32 v25;
	v31 =	vmul.f32 v55, v56  }
0x22f: {  	v38 =	vld.idx.msk [tilespmem:v16+s8+$0x0], $0xffff;
	v28 =	vadd.f32 v12, v28;
	v12 =	vunpack.i.u.bf16.f32 v25;
	v13 =	vmul.f32 v13, v4  }
0x230: {  	v46 =	vunpack.i.u.bf16.f32 v59;
	v12 =	vmul.f32 v12, v4;
	v31 =	vadd.f32 v31, v37;
	v37 =	vld.idx.msk [tilespmem:v15+s8+$0x0], $0xffff;
	[tilespmem:s19+$0xEB00] =	vst v8  }
0x231: {  	v47 =	vunpack.i.l.bf16.f32 v59;
	v57 =	vunpack.i.u.bf16.f32 v30;
	v13 =	vmul.f32 $1.442695020e+00, v13;
	[tilespmem:s19+$0xEB80] =	vst v7  }
0x232: {  	v30 =	vunpack.i.l.bf16.f32 v30;
	v25 =	vmul.f32 v53, v51;
	v12 =	vmul.f32 $1.442695020e+00, v12;
	[tilespmem:s19+$0xEC00] =	vst v26  }
0x233: {  	v51 =	vunpack.i.u.bf16.f32 v61;
	(erf) = vpow2.f32 v13;
	v13 =	vmul.f32 v58, v4;
	[tilespmem:s19+$0xEC80] =	vst v29  }
0x234: {  	v25 =	vadd.f32 v25, v52;
	v52 =	vunpack.i.u.bf16.f32 v38;
	v55 =	vunpack.i.l.bf16.f32 v61;
	[tilespmem:s19+$0xED00] =	vst v27  }
0x235: {  	[tilespmem:s19+$0xED80] =	vst v28;
	(erf) = vpow2.f32 v12;
	v12 =	vunpack.i.l.bf16.f32 v10;
	v13 =	vmul.f32 $1.442695020e+00, v13  }
0x236: {  	v56 =	vunpack.i.l.bf16.f32 v38;
	[tilespmem:s19+$0xEE00] =	vst v25;
	v10 =	vunpack.i.u.bf16.f32 v10;
	v12 =	vmul.f32 v12, v4  }
0x237: {  	v7 =	vadd.s32 $0x1A00, v5;
	v10 =	vmul.f32 v10, v4;
	[tilespmem:s19+$0xEE80] =	vst v31;
	(erf) = vpow2.f32 v13  }
0x238: {  	v49 =	vld.idx.msk [tilespmem:v9+s31+$0x0], $0xffff;
	v12 =	vmul.f32 $1.442695020e+00, v12;
	(erf) = vpow2.f32 v11;
	v11 =	vunpack.i.l.bf16.f32 v6  }
0x239: {  	v10 =	vmul.f32 $1.442695020e+00, v10;
	v6 =	vunpack.i.u.bf16.f32 v6;
	v8 =	vmul.f32 v11, v4  }
0x23a: {  	v9 =	vunpack.i.u.bf16.f32 v60;
	(erf) = vpow2.f32 v12;
	v39 =	vmul.f32 v6, v4  }
0x23b: {  	v13 =	vadd.s32 $0x1800, v5;
	(erf) = vpow2.f32 v10;
	v8 =	vmul.f32 $1.442695020e+00, v8  }
0x23c: {  	v58 =	vunpack.i.u.bf16.f32 v37;
	v37 =	vunpack.i.l.bf16.f32 v37;
	v12 =	vadd.s32 $0x1880, v5  }
0x23d: {  	v40 =	vld.idx.msk [tilespmem:v7+s8+$0x0], $0xffff;
	v39 =	vmul.f32 $1.442695020e+00, v39;
	v60 =	vunpack.i.l.bf16.f32 v49;
	v63 =	vpop (erf);
	(erf) = vpow2.f32 v8  }
0x23e: {  	v11 =	vadd.s32 $0x1980, v5;
	v32 =	vunpack.i.u.bf16.f32 v49;
	v38 =	vmul.f32 v60, v4  }
0x23f: {  	v23 =	vld.idx.msk [tilespmem:v23+s31+$0x0], $0xffff;
	v6 =	vadd.s32 $0x1A80, v5;
	v32 =	vmul.f32 v32, v4;
	v42 =	vpop (erf);
	(erf) = vpow2.f32 v39  }
0x240: {  	v10 =	vadd.s32 $0x1900, v5;
	v26 =	vmul.f32 v63, v62;
	v27 =	vmul.f32 v41, v42  }
0x241: {  	v8 =	vadd.s32 $0x1B00, v5;
	v32 =	vmul.f32 $1.442695020e+00, v32;
	v42 =	vadd.s32 $0x2000, v5;
	v45 =	vpop (erf)  }
0x242: {  	v22 =	vld.idx.msk [tilespmem:v22+s31+$0x0], $0xffff;
	v39 =	vunpack.i.u.bf16.f32 v40;
	v25 =	vadd.f32 v27, v44;
	v48 =	vpop (erf);
	v27 =	vmul.f32 v45, v46  }
0x243: {  	v19 =	vld.idx.msk [tilespmem:v19+s31+$0x0], $0xffff;
	v26 =	vadd.f32 v26, v43;
	v50 =	vpop (erf);
	v9 =	vmul.f32 v9, v48;
	v48 =	vmul.f32 $1.442695020e+00, v38  }
0x244: {  	v62 =	vld.idx.msk [tilespmem:v12+s8+$0x0], $0xffff;
	v53 =	vpop (erf);
	v28 =	vmul.f32 v50, v51;
	v50 =	vunpack.i.l.bf16.f32 v23;
	v23 =	vunpack.i.u.bf16.f32 v23  }
0x245: {  	v49 =	vld.idx.msk [tilespmem:v11+s8+$0x0], $0xffff;
	v54 =	vmul.f32 v52, v53;
	v31 =	vadd.f32 v9, v33;
	v9 =	vadd.s32 $0x1B80, v5  }
0x246: {  	v63 =	vld.idx.msk [tilespmem:v10+s8+$0x0], $0xffff;
	v44 =	vadd.s32 $0x2080, v5;
	v51 =	vmul.f32 v50, v4;
	v23 =	vmul.f32 v23, v4;
	v59 =	vpop (erf)  }
0x247: {  	v41 =	vld.idx.msk [tilespmem:v8+s8+$0x0], $0xffff;
	v27 =	vadd.f32 v27, v47;
	(erf) = vpow2.f32 v48;
	v34 =	vmul.f32 v59, v57  }
0x248: {  	v33 =	vld.idx.msk [tilespmem:v13+s8+$0x0], $0xffff;
	v52 =	vunpack.i.l.bf16.f32 v22;
	v22 =	vunpack.i.u.bf16.f32 v22;
	v61 =	vpop (erf);
	(erf) = vpow2.f32 v32  }
0x249: {  	v53 =	vld.idx.msk [tilespmem:v6+s8+$0x0], $0xffff;
	v32 =	vmul.f32 v52, v4;
	v30 =	vadd.f32 v34, v30;
	v34 =	vmul.f32 $1.442695020e+00, v51  }
0x24a: {  	v38 =	vunpack.i.l.bf16.f32 v49;
	v22 =	vmul.f32 v22, v4;
	v23 =	vmul.f32 $1.442695020e+00, v23;
	v43 =	vld.idx.msk [tilespmem:v9+s8+$0x0], $0xffff;
	[tilespmem:s19+$0xFB00] =	vst v26  }
0x24b: {  	v28 =	vadd.f32 v28, v55;
	v32 =	vmul.f32 $1.442695020e+00, v32;
	[tilespmem:s19+$0xFB80] =	vst v25;
	(erf) = vpow2.f32 v34  }
0x24c: {  	v29 =	vadd.f32 v54, v56;
	v22 =	vmul.f32 $1.442695020e+00, v22;
	[tilespmem:s19+$0xFC00] =	vst v27;
	(erf) = vpow2.f32 v23  }
0x24d: {  	v54 =	vunpack.i.l.bf16.f32 v19;
	v35 =	vmul.f32 v58, v61;
	[tilespmem:s19+$0xFC80] =	vst v31;
	(erf) = vpow2.f32 v32  }
0x24e: {  	v19 =	vunpack.i.u.bf16.f32 v19;
	[tilespmem:s19+$0xFD00] =	vst v28;
	(erf) = vpow2.f32 v22;
	v22 =	vmul.f32 v54, v4  }
0x24f: {  	v60 =	vunpack.i.u.bf16.f32 v63;
	v19 =	vmul.f32 v19, v4;
	[tilespmem:s19+$0xFD80] =	vst v29;
	v35 =	vadd.f32 v35, v37  }
0x250: {  	v48 =	vunpack.i.l.bf16.f32 v40;
	v57 =	vunpack.i.u.bf16.f32 v62;
	[tilespmem:s19+$0xFE00] =	vst v30;
	v22 =	vmul.f32 $1.442695020e+00, v22  }
0x251: {  	v59 =	vunpack.i.l.bf16.f32 v62;
	v28 =	vadd.s32 $0x2300, v5;
	v19 =	vmul.f32 $1.442695020e+00, v19;
	[tilespmem:s19+$0xFE80] =	vst v35  }
0x252: {  	v62 =	vunpack.i.l.bf16.f32 v63;
	v63 =	vunpack.i.u.bf16.f32 v49;
	v21 =	vld.idx.msk [tilespmem:v21+s31+$0x0], $0xffff;
	v56 =	vpop (erf);
	(erf) = vpow2.f32 v22  }
0x253: {  	v52 =	vunpack.i.l.bf16.f32 v41;
	v26 =	vadd.s32 $0x2100, v5;
	v58 =	vpop (erf);
	(erf) = vpow2.f32 v19;
	v19 =	vld.idx.msk [tilespmem:v24+s31+$0x0], $0xffff  }
0x254: {  	v25 =	vadd.s32 $0x2200, v5;
	v27 =	vadd.s32 $0x2280, v5;
	v55 =	vunpack.i.u.bf16.f32 v33  }
0x255: {  	v46 =	vunpack.i.u.bf16.f32 v53;
	v49 =	vunpack.i.l.bf16.f32 v53;
	v51 =	vunpack.i.u.bf16.f32 v41;
	v54 =	vld.idx.msk [tilespmem:v42+s8+$0x0], $0xffff  }
0x256: {  	v30 =	vadd.s32 $0x2380, v5;
	v23 =	vadd.s32 $0x2180, v5;
	v28 =	vld.idx.msk [tilespmem:v28+s8+$0x0], $0xffff;
	v31 =	vmul.f32 v56, v55  }
0x257: {  	v55 =	vunpack.i.u.bf16.f32 v43;
	v29 =	vmul.f32 v57, v58;
	v22 =	vunpack.i.l.bf16.f32 v33  }
0x258: {  	v58 =	vunpack.i.l.bf16.f32 v21;
	v21 =	vunpack.i.u.bf16.f32 v21;
	v50 =	vunpack.i.l.bf16.f32 v19  }
0x259: {  	v22 =	vadd.f32 v31, v22;
	v61 =	vpop (erf);
	v19 =	vunpack.i.u.bf16.f32 v19;
	v34 =	vmul.f32 v50, v4  }
0x25a: {  	v20 =	vld.idx.msk [tilespmem:v20+s31+$0x0], $0xffff;
	v24 =	vadd.f32 v29, v59;
	v59 =	vmul.f32 v58, v4;
	v36 =	vpop (erf);
	v19 =	vmul.f32 v19, v4  }
0x25b: {  	v57 =	vld.idx.msk [tilespmem:v44+s8+$0x0], $0xffff;
	v41 =	vunpack.i.u.bf16.f32 v54;
	v58 =	vunpack.i.u.bf16.f32 v28;
	v45 =	vpop (erf);
	v34 =	vmul.f32 $1.442695020e+00, v34  }
0x25c: {  	v28 =	vunpack.i.l.bf16.f32 v28;
	v29 =	vmul.f32 v61, v60;
	v47 =	vpop (erf);
	v19 =	vmul.f32 $1.442695020e+00, v19  }
0x25d: {  	v18 =	vld.idx.msk [tilespmem:v18+s31+$0x0], $0xffff;
	v60 =	vunpack.i.l.bf16.f32 v43;
	v31 =	vmul.f32 v63, v36;
	v53 =	vpop (erf);
	(erf) = vpow2.f32 v34  }
0x25e: {  	v26 =	vld.idx.msk [tilespmem:v26+s8+$0x0], $0xffff;
	v63 =	vadd.s32 $0x2980, v5;
	v56 =	vpop (erf);
	(erf) = vpow2.f32 v19;
	v19 =	vmul.f32 v21, v4  }
0x25f: {  	v25 =	vld.idx.msk [tilespmem:v25+s8+$0x0], $0xffff;
	v34 =	vmul.f32 $1.442695020e+00, v59;
	v21 =	vunpack.i.l.bf16.f32 v20;
	v20 =	vunpack.i.u.bf16.f32 v20  }
0x260: {  	v27 =	vld.idx.msk [tilespmem:v27+s8+$0x0], $0xffff;
	v43 =	vunpack.i.u.bf16.f32 v57;
	v20 =	vmul.f32 v20, v4;
	v19 =	vmul.f32 $1.442695020e+00, v19  }
0x261: {  	v23 =	vld.idx.msk [tilespmem:v23+s8+$0x0], $0xffff;
	v29 =	vadd.f32 v29, v62;
	v33 =	vmul.f32 v45, v39;
	(erf) = vpow2.f32 v34  }
0x262: {  	v62 =	vadd.s32 $0x2800, v5;
	(erf) = vpow2.f32 v19;
	v19 =	vmul.f32 $1.442695020e+00, v20;
	v20 =	vld.idx.msk [tilespmem:v30+s8+$0x0], $0xffff;
	[tilespmem:s19+$0x10B00] =	vst v22  }
0x263: {  	v31 =	vadd.f32 v31, v38;
	v32 =	vmul.f32 v46, v47;
	v46 =	vunpack.i.l.bf16.f32 v57;
	[tilespmem:s19+$0x10B80] =	vst v24  }
0x264: {  	v57 =	vadd.s32 $0x2B80, v5;
	v33 =	vadd.f32 v33, v48;
	v35 =	vmul.f32 v53, v51;
	[tilespmem:s19+$0x10C00] =	vst v29  }
0x265: {  	v32 =	vadd.f32 v32, v49;
	v37 =	vmul.f32 v55, v56;
	v21 =	vmul.f32 v21, v4;
	[tilespmem:s19+$0x10C80] =	vst v31  }
0x266: {  	v48 =	vunpack.i.u.bf16.f32 v26;
	v26 =	vunpack.i.l.bf16.f32 v26;
	v35 =	vadd.f32 v35, v52;
	[tilespmem:s19+$0x10D00] =	vst v33  }
0x267: {  	v50 =	vunpack.i.u.bf16.f32 v23;
	v61 =	vadd.f32 v37, v60;
	v21 =	vmul.f32 $1.442695020e+00, v21;
	[tilespmem:s19+$0x10D80] =	vst v32  }
0x268: {  	v23 =	vunpack.i.l.bf16.f32 v23;
	v53 =	vunpack.i.u.bf16.f32 v27;
	v27 =	vunpack.i.l.bf16.f32 v27;
	[tilespmem:s19+$0x10E00] =	vst v35  }
0x269: {  	v52 =	vunpack.i.u.bf16.f32 v25;
	[tilespmem:s19+$0x10E80] =	vst v61;
	(erf) = vpow2.f32 v21;
	v21 =	vunpack.i.l.bf16.f32 v18  }
0x26a: {  	v18 =	vunpack.i.u.bf16.f32 v18;
	v17 =	vld.idx.msk [tilespmem:v17+s31+$0x0], $0xffff;
	(erf) = vpow2.f32 v19;
	v19 =	vmul.f32 v21, v4  }
0x26b: {  	v25 =	vunpack.i.l.bf16.f32 v25;
	v22 =	vadd.s32 $0x2900, v5;
	v16 =	vld.idx.msk [tilespmem:v16+s31+$0x0], $0xffff;
	v18 =	vmul.f32 v18, v4  }
0x26c: {  	v29 =	vadd.s32 $0x2A00, v5;
	v31 =	vadd.s32 $0x2A80, v5;
	v19 =	vmul.f32 $1.442695020e+00, v19;
	v42 =	vpop (erf)  }
0x26d: {  	v21 =	vadd.s32 $0x2880, v5;
	v18 =	vmul.f32 $1.442695020e+00, v18;
	v36 =	vmul.f32 v42, v41  }
0x26e: {  	v44 =	vpop (erf);
	v59 =	vunpack.i.u.bf16.f32 v20;
	(erf) = vpow2.f32 v19;
	v19 =	vunpack.i.l.bf16.f32 v54  }
0x26f: {  	v45 =	vmul.f32 v43, v44;
	v47 =	vpop (erf);
	v61 =	vunpack.i.l.bf16.f32 v17;
	v17 =	vunpack.i.u.bf16.f32 v17  }
0x270: {  	v24 =	vld.idx.msk [tilespmem:v63+s8+$0x0], $0xffff;
	v63 =	vunpack.i.l.bf16.f32 v16;
	(erf) = vpow2.f32 v18;
	v33 =	vmul.f32 v47, v48  }
0x271: {  	v30 =	vld.idx.msk [tilespmem:v62+s8+$0x0], $0xffff;
	v16 =	vunpack.i.u.bf16.f32 v16;
	v37 =	vmul.f32 v61, v4;
	v17 =	vmul.f32 v17, v4  }
0x272: {  	v14 =	vld.idx.msk [tilespmem:v14+s31+$0x0], $0xffff;
	v19 =	vadd.f32 v36, v19;
	v36 =	vmul.f32 v63, v4;
	v16 =	vmul.f32 v16, v4  }
0x273: {  	v15 =	vld.idx.msk [tilespmem:v15+s31+$0x0], $0xffff;
	v18 =	vadd.s32 $0x2B00, v5;
	v49 =	vpop (erf);
	v37 =	vmul.f32 $1.442695020e+00, v37;
	v17 =	vmul.f32 $1.442695020e+00, v17  }
0x274: {  	v22 =	vld.idx.msk [tilespmem:v22+s8+$0x0], $0xffff;
	v20 =	vunpack.i.l.bf16.f32 v20;
	v36 =	vmul.f32 $1.442695020e+00, v36;
	v16 =	vmul.f32 $1.442695020e+00, v16;
	v51 =	vpop (erf)  }
0x275: {  	v29 =	vld.idx.msk [tilespmem:v29+s8+$0x0], $0xffff;
	v32 =	vadd.f32 v45, v46;
	v34 =	vmul.f32 v50, v49;
	v54 =	vpop (erf);
	v55 =	vmul.f32 v51, v52  }
0x276: {  	v31 =	vld.idx.msk [tilespmem:v31+s8+$0x0], $0xffff;
	v26 =	vadd.f32 v33, v26;
	(erf) = vpow2.f32 v37;
	v56 =	vmul.f32 v53, v54  }
0x277: {  	v21 =	vld.idx.msk [tilespmem:v21+s8+$0x0], $0xffff;
	v23 =	vadd.f32 v34, v23;
	(erf) = vpow2.f32 v17;
	v17 =	vunpack.i.l.bf16.f32 v14  }
0x278: {  	v18 =	vld.idx.msk [tilespmem:v18+s8+$0x0], $0xffff;
	v14 =	vunpack.i.u.bf16.f32 v14;
	v25 =	vadd.f32 v55, v25;
	v17 =	vmul.f32 v17, v4  }
0x279: {  	v34 =	vld.idx.msk [tilespmem:v57+s8+$0x0], $0xffff;
	[tilespmem:s19+$0x11B00] =	vst v19;
	(erf) = vpow2.f32 v36;
	v14 =	vmul.f32 v14, v4;
	v27 =	vadd.f32 v56, v27  }
0x27a: {  	[tilespmem:s19+$0x11B80] =	vst v32;
	(erf) = vpow2.f32 v16;
	v16 =	vunpack.i.l.bf16.f32 v15;
	v60 =	vpop (erf);
	v17 =	vmul.f32 $1.442695020e+00, v17  }
0x27b: {  	[tilespmem:s19+$0x11C00] =	vst v26;
	v15 =	vunpack.i.u.bf16.f32 v15;
	v14 =	vmul.f32 $1.442695020e+00, v14;
	v33 =	vmul.f32 v60, v58;
	v62 =	vpop (erf)  }
0x27c: {  	[tilespmem:s19+$0x11C80] =	vst v23;
	v23 =	vadd.s32 $0x3000, v5;
	v15 =	vmul.f32 v15, v4;
	v35 =	vmul.f32 v59, v62  }
0x27d: {  	[tilespmem:s19+$0x11D00] =	vst v25;
	(erf) = vpow2.f32 v17;
	v17 =	vadd.s32 $0x3080, v5;
	v19 =	vadd.f32 v33, v28  }
0x27e: {  	[tilespmem:s19+$0x11D80] =	vst v27;
	(erf) = vpow2.f32 v14;
	v14 =	vmul.f32 $1.442695020e+00, v15;
	v15 =	vadd.f32 v35, v20  }
0x27f: {  	v40 =	vadd.s32 $0x3300, v5;
	v39 =	vadd.s32 $0x3980, v5;
	v16 =	vmul.f32 v16, v4;
	[tilespmem:s19+$0x11E00] =	vst v19  }
0x280: {  	v41 =	vadd.s32 $0x3380, v5;
	v42 =	vunpack.i.u.bf16.f32 v30;
	v43 =	vunpack.i.l.bf16.f32 v30;
	[tilespmem:s19+$0x11E80] =	vst v15  }
0x281: {  	v46 =	vunpack.i.u.bf16.f32 v22;
	v49 =	vunpack.i.u.bf16.f32 v24;
	v16 =	vmul.f32 $1.442695020e+00, v16;
	v23 =	vld.idx.msk [tilespmem:v23+s8+$0x0], $0xffff  }
0x282: {  	v22 =	vunpack.i.l.bf16.f32 v22;
	v37 =	vadd.s32 $0x3880, v5;
	v20 =	vadd.s32 $0x3100, v5;
	v17 =	vld.idx.msk [tilespmem:v17+s8+$0x0], $0xffff  }
0x283: {  	v44 =	vunpack.i.u.bf16.f32 v21;
	v21 =	vunpack.i.l.bf16.f32 v21;
	(erf) = vpow2.f32 v16;
	v13 =	vld.idx.msk [tilespmem:v13+s31+$0x0], $0xffff  }
0x284: {  	v53 =	vunpack.i.u.bf16.f32 v29;
	v19 =	vadd.s32 $0x3200, v5;
	(erf) = vpow2.f32 v14;
	v14 =	vpop (erf);
	v25 =	vld.idx.msk [tilespmem:v40+s8+$0x0], $0xffff  }
0x285: {  	v54 =	vunpack.i.l.bf16.f32 v29;
	v36 =	vadd.s32 $0x3800, v5;
	v56 =	vunpack.i.u.bf16.f32 v31;
	v12 =	vld.idx.msk [tilespmem:v12+s31+$0x0], $0xffff;
	v45 =	vpop (erf)  }
0x286: {  	v31 =	vunpack.i.l.bf16.f32 v31;
	v58 =	vunpack.i.u.bf16.f32 v18;
	v16 =	vadd.s32 $0x3180, v5;
	v26 =	vld.idx.msk [tilespmem:v41+s8+$0x0], $0xffff;
	v47 =	vpop (erf)  }
0x287: {  	v15 =	vadd.s32 $0x3280, v5;
	v48 =	vld.idx.msk [tilespmem:v20+s8+$0x0], $0xffff;
	v20 =	vmul.f32 v44, v45;
	v27 =	vmul.f32 v47, v46  }
0x288: {  	v59 =	vunpack.i.u.bf16.f32 v34;
	v18 =	vunpack.i.l.bf16.f32 v18;
	v10 =	vld.idx.msk [tilespmem:v10+s31+$0x0], $0xffff;
	v14 =	vmul.f32 v14, v42;
	v50 =	vpop (erf)  }
0x289: {  	v62 =	vunpack.i.l.bf16.f32 v34;
	v52 =	vld.idx.msk [tilespmem:v19+s8+$0x0], $0xffff;
	v19 =	vadd.f32 v20, v21;
	v21 =	vadd.f32 v27, v22;
	v22 =	vpop (erf)  }
0x28a: {  	v11 =	vld.idx.msk [tilespmem:v11+s31+$0x0], $0xffff;
	v14 =	vadd.f32 v14, v43;
	v51 =	vmul.f32 v49, v50;
	v20 =	vunpack.i.l.bf16.f32 v24;
	v55 =	vpop (erf)  }
0x28b: {  	v16 =	vld.idx.msk [tilespmem:v16+s8+$0x0], $0xffff;
	v38 =	vunpack.i.l.bf16.f32 v13;
	v13 =	vunpack.i.u.bf16.f32 v13;
	v28 =	vmul.f32 v56, v55  }
0x28c: {  	v15 =	vld.idx.msk [tilespmem:v15+s8+$0x0], $0xffff;
	v22 =	vmul.f32 v22, v53;
	[tilespmem:s19+$0x12B80] =	vst v19;
	v13 =	vmul.f32 v13, v4;
	v19 =	vunpack.i.l.bf16.f32 v12  }
0x28d: {  	v12 =	vunpack.i.u.bf16.f32 v12;
	v28 =	vadd.f32 v28, v31;
	v31 =	vmul.f32 v38, v4  }
0x28e: {  	[tilespmem:s19+$0x12B00] =	vst v14;
	v20 =	vadd.f32 v51, v20;
	v57 =	vpop (erf);
	v19 =	vmul.f32 v19, v4;
	v12 =	vmul.f32 v12, v4  }
0x28f: {  	[tilespmem:s19+$0x12C00] =	vst v21;
	v60 =	vpop (erf);
	v22 =	vadd.f32 v22, v54;
	v24 =	vmul.f32 v57, v58;
	v21 =	vmul.f32 $1.442695020e+00, v31  }
0x290: {  	v14 =	vadd.s32 $0x3900, v5;
	[tilespmem:s19+$0x12C80] =	vst v20;
	v13 =	vmul.f32 $1.442695020e+00, v13;
	v61 =	vmul.f32 v59, v60  }
0x291: {  	v19 =	vmul.f32 $1.442695020e+00, v19;
	v18 =	vadd.f32 v24, v18;
	[tilespmem:s19+$0x12D00] =	vst v22;
	(erf) = vpow2.f32 v21  }
0x292: {  	v12 =	vmul.f32 $1.442695020e+00, v12;
	v63 =	vadd.f32 v61, v62;
	[tilespmem:s19+$0x12D80] =	vst v28;
	(erf) = vpow2.f32 v13  }
0x293: {  	[tilespmem:s19+$0x12E00] =	vst v18;
	v13 =	vunpack.i.l.bf16.f32 v10;
	v10 =	vunpack.i.u.bf16.f32 v10;
	(erf) = vpow2.f32 v19  }
0x294: {  	v22 =	vadd.s32 $0x3A80, v5;
	[tilespmem:s19+$0x12E80] =	vst v63;
	v13 =	vmul.f32 v13, v4;
	v10 =	vmul.f32 v10, v4  }
0x295: {  	v19 =	vld.idx.msk [tilespmem:v14+s8+$0x0], $0xffff;
	v14 =	vadd.s32 $0x3B80, v5;
	(erf) = vpow2.f32 v12;
	v12 =	vunpack.i.l.bf16.f32 v11  }
0x296: {  	v11 =	vunpack.i.u.bf16.f32 v11;
	v13 =	vmul.f32 $1.442695020e+00, v13;
	v12 =	vmul.f32 v12, v4  }
0x297: {  	v40 =	vadd.s32 $0x3A00, v5;
	v10 =	vmul.f32 $1.442695020e+00, v10;
	v11 =	vmul.f32 v11, v4  }
0x298: {  	v41 =	vadd.s32 $0x3B00, v5;
	(erf) = vpow2.f32 v13;
	v5 =	vmul.f32 $1.442695020e+00, v12  }
0x299: {  	v21 =	vld.idx.msk [tilespmem:v36+s8+$0x0], $0xffff;
	(erf) = vpow2.f32 v10;
	v10 =	vmul.f32 $1.442695020e+00, v11  }
0x29a: {  	v13 =	vunpack.i.u.bf16.f32 v23;
	v11 =	vld.idx.msk [tilespmem:v22+s8+$0x0], $0xffff;
	(erf) = vpow2.f32 v5;
	v12 =	vpop (erf)  }
0x29b: {  	v22 =	vunpack.i.l.bf16.f32 v23;
	(erf) = vpow2.f32 v10;
	v10 =	vld.idx.msk [tilespmem:v14+s8+$0x0], $0xffff;
	v14 =	vunpack.i.u.bf16.f32 v17;
	v23 =	vpop (erf)  }
0x29c: {  	v24 =	vld.idx.msk [tilespmem:v37+s8+$0x0], $0xffff;
	v14 =	vmul.f32 v14, v23  }
0x29d: {  	v42 =	vunpack.i.u.bf16.f32 v16;
	v20 =	vld.idx.msk [tilespmem:v39+s8+$0x0], $0xffff;
	v17 =	vunpack.i.l.bf16.f32 v17;
	v12 =	vmul.f32 v12, v13;
	v13 =	vpop (erf)  }
0x29e: {  	v18 =	vld.idx.msk [tilespmem:v40+s8+$0x0], $0xffff;
	v23 =	vunpack.i.u.bf16.f32 v48;
	v43 =	vpop (erf);
	v14 =	vadd.f32 v14, v17;
	v17 =	vunpack.i.l.bf16.f32 v48  }
0x29f: {  	v44 =	vld.idx.msk [tilespmem:v6+s31+$0x0], $0xffff;
	v6 =	vadd.f32 v12, v22;
	v12 =	vmul.f32 v13, v23;
	v13 =	vmul.f32 v42, v43  }
0x2a0: {  	v16 =	vunpack.i.l.bf16.f32 v16;
	v7 =	vld.idx.msk [tilespmem:v7+s31+$0x0], $0xffff  }
0x2a1: {  	v8 =	vld.idx.msk [tilespmem:v8+s31+$0x0], $0xffff;
	v12 =	vadd.f32 v12, v17;
	v13 =	vadd.f32 v13, v16;
	v16 =	vunpack.i.u.bf16.f32 v52;
	v17 =	vpop (erf)  }
0x2a2: {  	v9 =	vld.idx.msk [tilespmem:v9+s31+$0x0], $0xffff;
	v22 =	vunpack.i.u.bf16.f32 v15;
	v16 =	vmul.f32 v17, v16;
	v17 =	vpop (erf)  }
0x2a3: {  	v5 =	vld.idx.msk [tilespmem:v41+s8+$0x0], $0xffff;
	[tilespmem:s19+$0x13B80] =	vst v14;
	v14 =	vunpack.i.l.bf16.f32 v15;
	v15 =	vmul.f32 v22, v17;
	v17 =	vunpack.i.u.bf16.f32 v25;
	_ =	sdelay $0x1  }
0x2a4: {  	[tilespmem:s19+$0x13B00] =	vst v6;
	v6 =	vunpack.i.l.bf16.f32 v52;
	v22 =	vpop (erf)  }
0x2a5: {  	[tilespmem:s19+$0x13C00] =	vst v12;
	v12 =	vunpack.i.u.bf16.f32 v26;
	v6 =	vadd.f32 v16, v6;
	v16 =	vmul.f32 v22, v17;
	v17 =	vpop (erf)  }
0x2a6: {  	[tilespmem:s19+$0x13C80] =	vst v13;
	v13 =	vadd.f32 v15, v14;
	v14 =	vunpack.i.l.bf16.f32 v25;
	v12 =	vmul.f32 v12, v17  }
0x2a7: {  	[tilespmem:s19+$0x13D00] =	vst v6;
	v6 =	vunpack.i.l.bf16.f32 v26;
	v14 =	vadd.f32 v16, v14  }
0x2a8: {  	[tilespmem:s19+$0x13D80] =	vst v13;
	v6 =	vadd.f32 v12, v6  }
0x2a9: {  	[tilespmem:s19+$0x13E00] =	vst v14  }
0x2aa: {  	[tilespmem:s19+$0x13E80] =	vst v6  }
0x2ab: {  	v6 =	vld [tilespmem:s12+$0x0];
	_ =	sdelay $0x4  }
0x2ac: {  	v12 =	vshll.u32 v6, $0x3  }
0x2ad: {  	v13 =	vand.u32 $0x7F, v6;
	v12 =	vand.u32 $0xFFFFFC00, v12  }
0x2ae: {  	v22 =	vor.u32 v13, v12;
	v12 =	vunpack.i.l.bf16.f32 v7  }
0x2af: {  	v14 =	vunpack.i.u.bf16.f32 v44;
	v7 =	vunpack.i.u.bf16.f32 v7;
	v12 =	vmul.f32 v12, v4  }
0x2b0: {  	v14 =	vmul.f32 v14, v4;
	v13 =	vunpack.i.l.bf16.f32 v44;
	v7 =	vmul.f32 v7, v4  }
0x2b1: {  	v13 =	vmul.f32 v13, v4;
	v12 =	vmul.f32 $1.442695020e+00, v12  }
0x2b2: {  	v23 =	vor.u32 $0x80, v22;
	v45 =	vor.u32 $0x100, v22;
	v7 =	vmul.f32 $1.442695020e+00, v7  }
0x2b3: {  	v46 =	vor.u32 $0x180, v22;
	(erf) = vpow2.f32 v12;
	v12 =	vmul.f32 $1.442695020e+00, v13  }
0x2b4: {  	v13 =	vunpack.i.l.bf16.f32 v8;
	(erf) = vpow2.f32 v7;
	v7 =	vmul.f32 $1.442695020e+00, v14  }
0x2b5: {  	v8 =	vunpack.i.u.bf16.f32 v8;
	(erf) = vpow2.f32 v12;
	v12 =	vmul.f32 v13, v4  }
0x2b6: {  	(erf) = vpow2.f32 v7;
	v7 =	vmul.f32 v8, v4;
	v8 =	vunpack.i.l.bf16.f32 v9  }
0x2b7: {  	v49 =	vld [tilespmem:s13+$0x0];
	v9 =	vunpack.i.u.bf16.f32 v9;
	v12 =	vmul.f32 $1.442695020e+00, v12;
	v8 =	vmul.f32 v8, v4  }
0x2b8: {  	v48 =	vor.u32 $0x280, v22;
	v14 =	vld.idx.msk [tilespmem:v22+s8+$0x0], $0xffff;
	v4 =	vmul.f32 v9, v4;
	v7 =	vmul.f32 $1.442695020e+00, v7  }
0x2b9: {  	v15 =	vld.idx.msk [tilespmem:v23+s8+$0x0], $0xffff;
	(erf) = vpow2.f32 v12;
	v8 =	vmul.f32 $1.442695020e+00, v8  }
0x2ba: {  	v16 =	vld.idx.msk [tilespmem:v45+s8+$0x0], $0xffff;
	v9 =	vor.u32 $0x380, v22;
	v4 =	vmul.f32 $1.442695020e+00, v4;
	(erf) = vpow2.f32 v7  }
0x2bb: {  	v53 =	vunpack.i.l.bf16.f32 v21;
	v47 =	vor.u32 $0x200, v22;
	v17 =	vld.idx.msk [tilespmem:v46+s8+$0x0], $0xffff;
	(erf) = vpow2.f32 v8  }
0x2bc: {  	v52 =	vunpack.i.u.bf16.f32 v21;
	v50 =	vor.u32 $0x300, v22;
	v21 =	vld.idx.msk [tilespmem:v23+s31+$0x0], $0xffff;
	v51 =	vpop (erf);
	(erf) = vpow2.f32 v4  }
0x2bd: {  	v13 =	vld.idx.msk [tilespmem:v48+s8+$0x0], $0xffff  }
0x2be: {  	v22 =	vld.idx.msk [tilespmem:v22+s31+$0x0], $0xffff  }
0x2bf: {  	v8 =	vld.idx.msk [tilespmem:v9+s8+$0x0], $0xffff;
	v9 =	vunpack.i.u.bf16.f32 v24;
	v4 =	vpop (erf);
	v27 =	vmul.f32 v51, v52  }
0x2c0: {  	v32 =	vunpack.i.u.bf16.f32 v20;
	v20 =	vunpack.i.l.bf16.f32 v20;
	v12 =	vld.idx.msk [tilespmem:v47+s8+$0x0], $0xffff;
	v54 =	vpop (erf);
	v4 =	vmul.f32 v9, v4  }
0x2c1: {  	v59 =	vunpack.i.u.bf16.f32 v18;
	v7 =	vld.idx.msk [tilespmem:v50+s8+$0x0], $0xffff;
	v24 =	vunpack.i.l.bf16.f32 v24;
	v55 =	vpop (erf);
	v23 =	vadd.f32 v27, v53  }
0x2c2: {  	v57 =	vunpack.i.l.bf16.f32 v19;
	v9 =	vunpack.i.u.bf16.f32 v19;
	v19 =	vld.idx.msk [tilespmem:v46+s31+$0x0], $0xffff;
	v4 =	vadd.f32 v4, v24;
	v58 =	vpop (erf)  }
0x2c3: {  	v18 =	vunpack.i.l.bf16.f32 v18;
	v56 =	vmul.f32 v54, v9;
	v9 =	vld.idx.msk [tilespmem:v45+s31+$0x0], $0xffff;
	[tilespmem:s19+$0x14B00] =	vst v23;
	v23 =	vunpack.i.u.bf16.f32 v11;
	v60 =	vpop (erf)  }
0x2c4: {  	v62 =	vunpack.i.u.bf16.f32 v10;
	[tilespmem:s19+$0x14B80] =	vst v4;
	v4 =	vunpack.i.l.bf16.f32 v11;
	v61 =	vpop (erf);
	v11 =	vmul.f32 v23, v60  }
0x2c5: {  	v28 =	vmul.f32 v32, v55;
	v24 =	vadd.f32 v56, v57;
	v25 =	vmul.f32 v58, v59;
	v63 =	vpop (erf)  }
0x2c6: {  	v23 =	vunpack.i.u.bf16.f32 v5;
	v4 =	vadd.f32 v11, v4;
	v11 =	vmul.f32 v62, v63  }
0x2c7: {  	p2 =	sne.s32 s15, $0x1F0;
	v10 =	vunpack.i.l.bf16.f32 v10;
	v20 =	vadd.f32 v28, v20;
	[tilespmem:s19+$0x14C00] =	vst v24;
	v23 =	vmul.f32 v61, v23  }
.Ltmp3:
0x2c8: {  	v5 =	vunpack.i.l.bf16.f32 v5;
	v18 =	vadd.f32 v25, v18;
	[tilespmem:s19+$0x14D80] =	vst v4;
	v4 =	vadd.f32 v11, v10;
	(pc) =	sbr.rel @p2 .LBB2_10-.Ltmp3, $4  }
0x2c9: {  	[tilespmem:s19+$0x14C80] =	vst v20;
	v5 =	vadd.f32 v23, v5  }
0x2ca: {  	[tilespmem:s19+$0x14D00] =	vst v18  }
0x2cb: {  	s14 =	sadd.s32 $0x80, s14;
	[tilespmem:s19+$0x14E00] =	vst v5  }
0x2cc: {  	s15 =	sadd.s32 $0x10, s15;
	s12 =	sadd.s32 $0x10, s12;
	s13 =	sadd.s32 $0x10, s13;
	[tilespmem:s19+$0x14E80] =	vst v4;
	v4 =	vmov v49  }
0x2cd: {  	s11 =	sshll.u32 s11, $0xD  }
0x2ce: {  	s11 =	sadd.s32 s1, s11  }
0x2cf: {  	s12 =	rddreg [dreg:$0x6];
	s11 =	sshrl.u32 s11, $0x3  }
0x2d0: {  	s14 =	simm.s32 $0xDB00;
	s11 =	sadd.s32 s12, s11  }
0x2d1: {  	[hbm4b:s11+s17] =	stream.strided.scatter [tilespmem:s14], [sflag:$0x2], $0x400, s31, s17, $0x38;
	[tilespmem:$0x1DB00] =	vst v63  }
0x2d2: {  	s13 =	simm.s32 $0xDF00;
	s15 =	sadd.s32 $0x80, s11  }
0x2d3: {  	[hbm4b:s15+s17] =	stream.strided.scatter [tilespmem:s13], [sflag:$0x2], $0x400, s31, s17, $0x38;
	[tilespmem:$0x1DB00] =	vst v63  }
0x2d4: {  	s19 =	simm.s32 $0xE300;
	s16 =	sadd.s32 $0x100, s11  }
0x2d5: {  	[hbm4b:s16+s17] =	stream.strided.scatter [tilespmem:s19], [sflag:$0x2], $0x400, s31, s17, $0x38;
	[tilespmem:$0x1DB00] =	vst v63  }
0x2d6: {  	s14 =	sadd.s32 $0x180, s11;
	s15 =	simm.s32 $0xE700  }
0x2d7: {  	[hbm4b:s14+s17] =	stream.strided.scatter [tilespmem:s15], [sflag:$0x2], $0x400, s31, s17, $0x38;
	[tilespmem:$0x1DB00] =	vst v63  }
0x2d8: {  	s16 =	sadd.s32 $0x8000, s11;
	s19 =	simm.s32 $0xEB00  }
0x2d9: {  	[hbm4b:s16+s17] =	stream.strided.scatter [tilespmem:s19], [sflag:$0x2], $0x400, s31, s17, $0x38;
	[tilespmem:$0x1DB00] =	vst v63  }
0x2da: {  	s14 =	sadd.s32 $0x8080, s11;
	s15 =	simm.s32 $0xEF00  }
0x2db: {  	[hbm4b:s14+s17] =	stream.strided.scatter [tilespmem:s15], [sflag:$0x2], $0x400, s31, s17, $0x38;
	[tilespmem:$0x1DB00] =	vst v63  }
0x2dc: {  	s16 =	sadd.s32 $0x8100, s11;
	s19 =	simm.s32 $0xF300  }
0x2dd: {  	[hbm4b:s16+s17] =	stream.strided.scatter [tilespmem:s19], [sflag:$0x2], $0x400, s31, s17, $0x38;
	[tilespmem:$0x1DB00] =	vst v63  }
0x2de: {  	s14 =	sadd.s32 $0x8180, s11;
	s15 =	simm.s32 $0xF700  }
0x2df: {  	[hbm4b:s14+s17] =	stream.strided.scatter [tilespmem:s15], [sflag:$0x2], $0x400, s31, s17, $0x38;
	[tilespmem:$0x1DB00] =	vst v63  }
0x2e0: {  	s12 =	sadd.s32 $0x10000, s11;
	s16 =	simm.s32 $0xFB00  }
0x2e1: {  	[hbm4b:s12+s17] =	stream.strided.scatter [tilespmem:s16], [sflag:$0x2], $0x400, s31, s17, $0x38;
	[tilespmem:$0x1DB00] =	vst v63  }
0x2e2: {  	s19 =	sadd.s32 $0x80, s12;
	s14 =	simm.s32 $0xFF00  }
0x2e3: {  	[hbm4b:s19+s17] =	stream.strided.scatter [tilespmem:s14], [sflag:$0x2], $0x400, s31, s17, $0x38;
	[tilespmem:$0x1DB00] =	vst v63  }
0x2e4: {  	s15 =	simm.s32 $0x10300;
	s14 =	sadd.s32 $0x100, s12  }
0x2e5: {  	[hbm4b:s14+s17] =	stream.strided.scatter [tilespmem:s15], [sflag:$0x2], $0x400, s31, s17, $0x38;
	[tilespmem:$0x1DB00] =	vst v63  }
0x2e6: {  	s16 =	simm.s32 $0x10700;
	s12 =	sadd.s32 $0x180, s12  }
0x2e7: {  	[hbm4b:s12+s17] =	stream.strided.scatter [tilespmem:s16], [sflag:$0x2], $0x400, s31, s17, $0x38;
	[tilespmem:$0x1DB00] =	vst v63  }
0x2e8: {  	s19 =	simm.s32 $0x10B00;
	s12 =	sadd.s32 $0x18000, s11  }
0x2e9: {  	[hbm4b:s12+s17] =	stream.strided.scatter [tilespmem:s19], [sflag:$0x2], $0x400, s31, s17, $0x38;
	[tilespmem:$0x1DB00] =	vst v63  }
0x2ea: {  	s15 =	simm.s32 $0x10F00;
	s14 =	sadd.s32 $0x80, s12  }
0x2eb: {  	[hbm4b:s14+s17] =	stream.strided.scatter [tilespmem:s15], [sflag:$0x2], $0x400, s31, s17, $0x38;
	[tilespmem:$0x1DB00] =	vst v63  }
0x2ec: {  	s16 =	sadd.s32 $0x100, s12;
	s19 =	simm.s32 $0x11300  }
0x2ed: {  	[hbm4b:s16+s17] =	stream.strided.scatter [tilespmem:s19], [sflag:$0x2], $0x400, s31, s17, $0x38;
	[tilespmem:$0x1DB00] =	vst v63  }
0x2ee: {  	s12 =	sadd.s32 $0x180, s12;
	s14 =	simm.s32 $0x11700  }
0x2ef: {  	[hbm4b:s12+s17] =	stream.strided.scatter [tilespmem:s14], [sflag:$0x2], $0x400, s31, s17, $0x38;
	[tilespmem:$0x1DB00] =	vst v63  }
0x2f0: {  	s15 =	simm.s32 $0x11B00;
	s12 =	sadd.s32 $0x20000, s11  }
0x2f1: {  	[hbm4b:s12+s17] =	stream.strided.scatter [tilespmem:s15], [sflag:$0x2], $0x400, s31, s17, $0x38;
	[tilespmem:$0x1DB00] =	vst v63  }
0x2f2: {  	s19 =	simm.s32 $0x11F00;
	s16 =	sadd.s32 $0x80, s12  }
0x2f3: {  	[hbm4b:s16+s17] =	stream.strided.scatter [tilespmem:s19], [sflag:$0x2], $0x400, s31, s17, $0x38;
	[tilespmem:$0x1DB00] =	vst v63  }
0x2f4: {  	s14 =	sadd.s32 $0x100, s12;
	s15 =	simm.s32 $0x12300  }
0x2f5: {  	[hbm4b:s14+s17] =	stream.strided.scatter [tilespmem:s15], [sflag:$0x2], $0x400, s31, s17, $0x38;
	[tilespmem:$0x1DB00] =	vst v63  }
0x2f6: {  	s12 =	sadd.s32 $0x180, s12;
	s16 =	simm.s32 $0x12700  }
0x2f7: {  	[hbm4b:s12+s17] =	stream.strided.scatter [tilespmem:s16], [sflag:$0x2], $0x400, s31, s17, $0x38;
	[tilespmem:$0x1DB00] =	vst v63  }
0x2f8: {  	s19 =	simm.s32 $0x12B00;
	s12 =	sadd.s32 $0x28000, s11  }
0x2f9: {  	[hbm4b:s12+s17] =	stream.strided.scatter [tilespmem:s19], [sflag:$0x2], $0x400, s31, s17, $0x38;
	[tilespmem:$0x1DB00] =	vst v63  }
0x2fa: {  	s15 =	simm.s32 $0x12F00;
	s14 =	sadd.s32 $0x80, s12  }
0x2fb: {  	[hbm4b:s14+s17] =	stream.strided.scatter [tilespmem:s15], [sflag:$0x2], $0x400, s31, s17, $0x38;
	[tilespmem:$0x1DB00] =	vst v63  }
0x2fc: {  	s16 =	sadd.s32 $0x100, s12;
	s19 =	simm.s32 $0x13300  }
0x2fd: {  	[hbm4b:s16+s17] =	stream.strided.scatter [tilespmem:s19], [sflag:$0x2], $0x400, s31, s17, $0x38;
	[tilespmem:$0x1DB00] =	vst v63  }
0x2fe: {  	s12 =	sadd.s32 $0x180, s12;
	s14 =	simm.s32 $0x13700  }
0x2ff: {  	[hbm4b:s12+s17] =	stream.strided.scatter [tilespmem:s14], [sflag:$0x2], $0x400, s31, s17, $0x38;
	[tilespmem:$0x1DB00] =	vst v63  }
0x300: {  	s15 =	simm.s32 $0x13B00;
	s12 =	sadd.s32 $0x30000, s11  }
0x301: {  	[hbm4b:s12+s17] =	stream.strided.scatter [tilespmem:s15], [sflag:$0x2], $0x400, s31, s17, $0x38;
	[tilespmem:$0x1DB00] =	vst v63  }
0x302: {  	s19 =	simm.s32 $0x13F00;
	s16 =	sadd.s32 $0x80, s12  }
0x303: {  	[hbm4b:s16+s17] =	stream.strided.scatter [tilespmem:s19], [sflag:$0x2], $0x400, s31, s17, $0x38;
	[tilespmem:$0x1DB00] =	vst v63  }
0x304: {  	s14 =	sadd.s32 $0x100, s12;
	s15 =	simm.s32 $0x14300  }
0x305: {  	[hbm4b:s14+s17] =	stream.strided.scatter [tilespmem:s15], [sflag:$0x2], $0x400, s31, s17, $0x38;
	[tilespmem:$0x1DB00] =	vst v63  }
0x306: {  	s12 =	sadd.s32 $0x180, s12;
	s16 =	simm.s32 $0x14700  }
0x307: {  	[hbm4b:s12+s17] =	stream.strided.scatter [tilespmem:s16], [sflag:$0x2], $0x400, s31, s17, $0x38;
	[tilespmem:$0x1DB00] =	vst v63  }
0x308: {  	s11 =	sadd.s32 $0x38000, s11;
	s19 =	simm.s32 $0x14B00  }
0x309: {  	[hbm4b:s11+s17] =	stream.strided.scatter [tilespmem:s19], [sflag:$0x2], $0x400, s31, s17, $0x38;
	[tilespmem:$0x1DB00] =	vst v63  }
0x30a: {  	s13 =	sadd.s32 $0x80, s11;
	s14 =	simm.s32 $0x14F00  }
0x30b: {  	[hbm4b:s13+s17] =	stream.strided.scatter [tilespmem:s14], [sflag:$0x2], $0x400, s31, s17, $0x38;
	[tilespmem:$0x1DB00] =	vst v63  }
0x30c: {  	s15 =	sadd.s32 $0x100, s11;
	s16 =	simm.s32 $0x15300  }
0x30d: {  	[hbm4b:s15+s17] =	stream.strided.scatter [tilespmem:s16], [sflag:$0x2], $0x400, s31, s17, $0x38;
	[tilespmem:$0x1DB00] =	vst v63  }
0x30e: {  	s11 =	sadd.s32 $0x180, s11;
	s19 =	simm.s32 $0x15700  }
0x30f: {  	[hbm4b:s11+s17] =	stream.strided.scatter [tilespmem:s19], [sflag:$0x2], $0x400, s31, s17, $0x38;
	[tilespmem:$0x1DB00] =	vst v63  }
0x310: {  	s11 =	simm.s32 @!p1 $0x3  }
0x311: {  	_ =	swait.ge @!p1 [sflag:s11], $0x8000  }
0x312: {  	[sflag:s11] =	ssyncset.done @!p1 $0x0  }
0x313: {  	[sflag:s11] =	ssyncadd.s32 @!p1 $0xFFFF8000  }
0x314: {  	v6 =	vld [tilespmem:s10+$0xCC00];
	_ =	sdelay $0x4  }
0x315: {  	v4 =	vshll.u32 v6, $0x3  }
0x316: {  	v5 =	vand.u32 $0x7F, v6;
	v4 =	vand.u32 $0xFFFFFC00, v4  }
0x317: {  	v5 =	vor.u32 v5, v4;
	_ =	sdelay $0x1  }
0x318: {  	v7 =	vor.u32 $0x80, v5  }
0x319: {  	v10 =	vor.u32 $0x100, v5  }
0x31a: {  	s13 =	simm.s32 $0x0;
	v4 =	vld [tilespmem:s10+$0xD480];
	v12 =	vor.u32 $0x180, v5  }
0x31b: {  	v8 =	vor.u32 $0x200, v5;
	v15 =	vld.idx.msk [tilespmem:v5+s13+$0x0], $0xffff  }
0x31c: {  	v9 =	vor.u32 $0x280, v5;
	v22 =	vld.idx.msk [tilespmem:v5+s31+$0x0], $0xffff  }
0x31d: {  	v11 =	vor.u32 $0x300, v5;
	v16 =	vld.idx.msk [tilespmem:v7+s13+$0x0], $0xffff  }
0x31e: {  	v18 =	vor.u32 $0x380, v5;
	v17 =	vld.idx.msk [tilespmem:v10+s13+$0x0], $0xffff  }
0x31f: {  	v20 =	vld.idx.msk [tilespmem:v12+s13+$0x0], $0xffff  }
0x320: {  	v13 =	vld.idx.msk [tilespmem:v8+s13+$0x0], $0xffff  }
0x321: {  	v14 =	vld.idx.msk [tilespmem:v9+s13+$0x0], $0xffff  }
0x322: {  	v8 =	vld.idx.msk [tilespmem:v11+s13+$0x0], $0xffff  }
0x323: {  	v11 =	vld.idx.msk [tilespmem:v18+s13+$0x0], $0xffff  }
0x324: {  	v9 =	vld.idx.msk [tilespmem:v7+s31+$0x0], $0xffff  }
0x325: {  	v7 =	vld.idx.msk [tilespmem:v10+s31+$0x0], $0xffff  }
0x326: {  	s12 =	simm.s32 $0x0;
	s11 =	sor.u32 $0x200, s10;
	s10 =	sadd.s32 $0x210, s10;
	v19 =	vld.idx.msk [tilespmem:v12+s31+$0x0], $0xffff  }
.LBB2_12:
0x327: {  	v5 =	vunpack.i.l.bf16.f32 v22;
	v10 =	vshll.u32 v6, $0x3  }
0x328: {  	v12 =	vunpack.i.u.bf16.f32 v22;
	v26 =	vunpack.i.u.bf16.f32 v15;
	v28 =	vunpack.i.u.bf16.f32 v16  }
0x329: {  	v15 =	vunpack.i.l.bf16.f32 v15;
	v16 =	vunpack.i.l.bf16.f32 v16;
	v18 =	vmul.f32 v5, v4  }
0x32a: {  	v5 =	vand.u32 $0x7F, v6;
	v6 =	vand.u32 $0xFFFFFC00, v10;
	v10 =	vmul.f32 v12, v4  }
0x32b: {  	v48 =	vunpack.i.u.bf16.f32 v20;
	v5 =	vor.u32 v5, v6;
	v6 =	vmul.f32 $1.442695020e+00, v18  }
0x32c: {  	v20 =	vunpack.i.l.bf16.f32 v20;
	v10 =	vmul.f32 $1.442695020e+00, v10;
	v18 =	vunpack.i.l.bf16.f32 v9  }
0x32d: {  	(erf) = vpow2.f32 v6;
	v6 =	vunpack.i.u.bf16.f32 v9;
	v9 =	vmul.f32 v18, v4  }
0x32e: {  	(erf) = vpow2.f32 v10;
	v6 =	vmul.f32 v6, v4;
	v10 =	vunpack.i.l.bf16.f32 v7  }
0x32f: {  	v7 =	vunpack.i.u.bf16.f32 v7;
	v9 =	vmul.f32 $1.442695020e+00, v9;
	v18 =	vmul.f32 v10, v4  }
0x330: {  	v24 =	vor.u32 $0x200, v5;
	v22 =	vmul.f32 v7, v4;
	v21 =	vmul.f32 $1.442695020e+00, v6  }
0x331: {  	v50 =	vunpack.i.u.bf16.f32 v13;
	(erf) = vpow2.f32 v9;
	v18 =	vmul.f32 $1.442695020e+00, v18  }
0x332: {  	v10 =	vadd.s32 $0x880, v5;
	v7 =	vadd.s32 $0x900, v5;
	(erf) = vpow2.f32 v21  }
0x333: {  	v21 =	vmul.f32 $1.442695020e+00, v22;
	(erf) = vpow2.f32 v18;
	v18 =	vunpack.i.l.bf16.f32 v19  }
0x334: {  	v29 =	vunpack.i.u.bf16.f32 v14;
	v19 =	vunpack.i.u.bf16.f32 v19;
	v18 =	vmul.f32 v18, v4  }
0x335: {  	v6 =	vadd.s32 $0x980, v5;
	v24 =	vld.idx.msk [tilespmem:v24+s31+$0x0], $0xffff;
	(erf) = vpow2.f32 v21;
	v21 =	vmul.f32 v19, v4  }
0x336: {  	v13 =	vunpack.i.l.bf16.f32 v13;
	v14 =	vunpack.i.l.bf16.f32 v14;
	v18 =	vmul.f32 $1.442695020e+00, v18  }
0x337: {  	v12 =	vadd.s32 $0x800, v5;
	v23 =	vadd.s32 $0xA80, v5;
	v31 =	vld.idx.msk [tilespmem:v10+s8+$0x0], $0xffff;
	v21 =	vmul.f32 $1.442695020e+00, v21  }
0x338: {  	v25 =	vor.u32 $0x280, v5;
	v52 =	vor.u32 $0x380, v5;
	v57 =	vld.idx.msk [tilespmem:v7+s8+$0x0], $0xffff;
	(erf) = vpow2.f32 v18  }
0x339: {  	v9 =	vadd.s32 $0xA00, v5;
	v22 =	vadd.s32 $0xB00, v5;
	v27 =	vpop (erf);
	(erf) = vpow2.f32 v21  }
0x33a: {  	v55 =	vunpack.i.l.bf16.f32 v24;
	v24 =	vunpack.i.u.bf16.f32 v24;
	v58 =	vld.idx.msk [tilespmem:v6+s8+$0x0], $0xffff;
	v26 =	vmul.f32 v27, v26;
	v45 =	vpop (erf)  }
0x33b: {  	v19 =	vadd.s32 $0xB80, v5;
	v24 =	vmul.f32 v24, v4;
	v18 =	vmul.f32 v28, v45;
	v46 =	vpop (erf)  }
0x33c: {  	v21 =	vor.u32 $0x300, v5;
	v15 =	vadd.f32 v26, v15;
	v62 =	vunpack.i.u.bf16.f32 v31;
	v47 =	vpop (erf)  }
0x33d: {  	v38 =	vunpack.i.l.bf16.f32 v57;
	v16 =	vadd.f32 v18, v16;
	v18 =	vunpack.i.u.bf16.f32 v17;
	v49 =	vpop (erf)  }
0x33e: {  	v32 =	vld.idx.msk [tilespmem:v9+s8+$0x0], $0xffff;
	v17 =	vunpack.i.l.bf16.f32 v17;
	v18 =	vmul.f32 v46, v18;
	v27 =	vmul.f32 v48, v47;
	v30 =	vpop (erf)  }
0x33f: {  	v53 =	vld.idx.msk [tilespmem:v12+s8+$0x0], $0xffff;
	v39 =	vunpack.i.u.bf16.f32 v58;
	v41 =	vunpack.i.l.bf16.f32 v58;
	v51 =	vmul.f32 v29, v30  }
0x340: {  	v17 =	vadd.f32 v18, v17;
	v18 =	vmul.f32 v49, v50;
	v27 =	vadd.f32 v27, v20;
	v20 =	vld.idx.msk [tilespmem:v25+s31+$0x0], $0xffff  }
0x341: {  	v33 =	vld.idx.msk [tilespmem:v23+s8+$0x0], $0xffff;
	v30 =	vmul.f32 v55, v4;
	v26 =	vadd.f32 v51, v14;
	v14 =	vunpack.i.u.bf16.f32 v8;
	v54 =	vpop (erf)  }
0x342: {  	v21 =	vld.idx.msk [tilespmem:v21+s31+$0x0], $0xffff;
	v13 =	vadd.f32 v18, v13;
	v18 =	vunpack.i.u.bf16.f32 v11;
	v14 =	vmul.f32 v54, v14;
	v56 =	vpop (erf)  }
0x343: {  	s14 =	sand.u32 $0x70, s13;
	s15 =	sand.u32 $0xC00, s12;
	v34 =	vld.idx.msk [tilespmem:v22+s8+$0x0], $0xffff;
	v42 =	vunpack.i.u.bf16.f32 v32;
	v8 =	vunpack.i.l.bf16.f32 v8;
	v18 =	vmul.f32 v18, v56  }
0x344: {  	s14 =	sor.u32 s14, s15;
	v36 =	vld.idx.msk [tilespmem:v19+s8+$0x0], $0xffff;
	v11 =	vunpack.i.l.bf16.f32 v11;
	v8 =	vadd.f32 v14, v8;
	v14 =	vmul.f32 $1.442695020e+00, v30  }
0x345: {  	s15 =	sadd.s32 $0x15B00, s14;
	v25 =	vld.idx.msk [tilespmem:v52+s31+$0x0], $0xffff;
	[tilespmem:s14+$0x15B00] =	vst v15;
	v59 =	vunpack.i.l.bf16.f32 v20;
	v11 =	vadd.f32 v18, v11;
	v18 =	vmul.f32 $1.442695020e+00, v24  }
0x346: {  	[tilespmem:s15+$0x80] =	vst v16;
	(erf) = vpow2.f32 v14;
	v14 =	vunpack.i.u.bf16.f32 v20;
	v20 =	vmul.f32 v59, v4  }
0x347: {  	[tilespmem:s15+$0x100] =	vst v17;
	(erf) = vpow2.f32 v18;
	v14 =	vmul.f32 v14, v4;
	v18 =	vunpack.i.l.bf16.f32 v21  }
0x348: {  	[tilespmem:s15+$0x180] =	vst v27;
	v21 =	vunpack.i.u.bf16.f32 v21;
	v20 =	vmul.f32 $1.442695020e+00, v20;
	v18 =	vmul.f32 v18, v4  }
0x349: {  	v45 =	vunpack.i.l.bf16.f32 v32;
	[tilespmem:s15+$0x200] =	vst v13;
	v35 =	vmul.f32 v21, v4;
	v14 =	vmul.f32 $1.442695020e+00, v14  }
0x34a: {  	s16 =	sor.u32 s12, s13;
	v46 =	vunpack.i.l.bf16.f32 v33;
	[tilespmem:s15+$0x280] =	vst v26;
	(erf) = vpow2.f32 v20;
	v37 =	vmul.f32 $1.442695020e+00, v18  }
0x34b: {  	s19 =	sor.u32 $0x380, s16;
	v15 =	vunpack.i.l.bf16.f32 v25;
	[tilespmem:s15+$0x300] =	vst v8;
	(erf) = vpow2.f32 v14;
	v14 =	vmul.f32 $1.442695020e+00, v35  }
0x34c: {  	v48 =	vunpack.i.u.bf16.f32 v34;
	v15 =	vmul.f32 v15, v4;
	[tilespmem:s19+$0x15B00] =	vst v11;
	(erf) = vpow2.f32 v37  }
0x34d: {  	v24 =	vadd.s32 $0x1000, v5;
	v12 =	vld.idx.msk [tilespmem:v12+s31+$0x0], $0xffff;
	(erf) = vpow2.f32 v14;
	v14 =	vunpack.i.u.bf16.f32 v25  }
0x34e: {  	v49 =	vunpack.i.l.bf16.f32 v34;
	v21 =	vadd.s32 $0x1080, v5;
	v10 =	vld.idx.msk [tilespmem:v10+s31+$0x0], $0xffff;
	v25 =	vmul.f32 v14, v4  }
0x34f: {  	v16 =	vadd.s32 $0x1280, v5;
	v52 =	vunpack.i.u.bf16.f32 v36;
	v61 =	vmul.f32 $1.442695020e+00, v15  }
0x350: {  	v36 =	vunpack.i.l.bf16.f32 v36;
	v17 =	vadd.s32 $0x1200, v5;
	v25 =	vmul.f32 $1.442695020e+00, v25  }
0x351: {  	v13 =	vunpack.i.u.bf16.f32 v53;
	v15 =	vadd.s32 $0x1380, v5;
	v60 =	vpop (erf);
	(erf) = vpow2.f32 v61  }
0x352: {  	v20 =	vadd.s32 $0x1100, v5;
	v18 =	vadd.s32 $0x1180, v5;
	v51 =	vld.idx.msk [tilespmem:v24+s8+$0x0], $0xffff;
	v63 =	vpop (erf);
	(erf) = vpow2.f32 v25  }
0x353: {  	v47 =	vunpack.i.l.bf16.f32 v12;
	v12 =	vunpack.i.u.bf16.f32 v12;
	v54 =	vld.idx.msk [tilespmem:v21+s8+$0x0], $0xffff;
	v55 =	vunpack.i.l.bf16.f32 v10  }
0x354: {  	v10 =	vunpack.i.u.bf16.f32 v10;
	v12 =	vmul.f32 v12, v4;
	v13 =	vmul.f32 v60, v13  }
0x355: {  	v11 =	vunpack.i.l.bf16.f32 v53;
	v35 =	vunpack.i.l.bf16.f32 v31;
	v10 =	vmul.f32 v10, v4  }
0x356: {  	v12 =	vmul.f32 $1.442695020e+00, v12;
	v11 =	vadd.f32 v13, v11;
	v13 =	vunpack.i.u.bf16.f32 v57;
	v37 =	vpop (erf)  }
0x357: {  	v14 =	vadd.s32 $0x1300, v5;
	v56 =	vld.idx.msk [tilespmem:v20+s8+$0x0], $0xffff;
	v10 =	vmul.f32 $1.442695020e+00, v10;
	v13 =	vmul.f32 v37, v13;
	v40 =	vpop (erf)  }
0x358: {  	v60 =	vunpack.i.u.bf16.f32 v51;
	v8 =	vmul.f32 v62, v63;
	v57 =	vld.idx.msk [tilespmem:v18+s8+$0x0], $0xffff;
	v62 =	vunpack.i.u.bf16.f32 v54;
	v43 =	vpop (erf)  }
0x359: {  	v7 =	vld.idx.msk [tilespmem:v7+s31+$0x0], $0xffff;
	v25 =	vmul.f32 v39, v40;
	v26 =	vadd.f32 v13, v38;
	v13 =	vunpack.i.u.bf16.f32 v33;
	v44 =	vpop (erf)  }
0x35a: {  	v58 =	vld.idx.msk [tilespmem:v17+s8+$0x0], $0xffff;
	v8 =	vadd.f32 v8, v35;
	v27 =	vmul.f32 v43, v42;
	v13 =	vmul.f32 v13, v44;
	v50 =	vpop (erf)  }
0x35b: {  	v38 =	vld.idx.msk [tilespmem:v16+s8+$0x0], $0xffff;
	v42 =	vunpack.i.l.bf16.f32 v54;
	v25 =	vadd.f32 v25, v41;
	v41 =	vunpack.i.l.bf16.f32 v51;
	v53 =	vpop (erf)  }
0x35c: {  	v30 =	vld.idx.msk [tilespmem:v14+s8+$0x0], $0xffff;
	v29 =	vadd.f32 v13, v46;
	v13 =	vmul.f32 v47, v4;
	v31 =	vmul.f32 v52, v53  }
0x35d: {  	v6 =	vld.idx.msk [tilespmem:v6+s31+$0x0], $0xffff;
	v44 =	vunpack.i.u.bf16.f32 v56;
	v33 =	vunpack.i.l.bf16.f32 v57;
	v28 =	vmul.f32 v50, v48  }
0x35e: {  	v27 =	vadd.f32 v27, v45;
	v13 =	vmul.f32 $1.442695020e+00, v13;
	v31 =	vadd.f32 v31, v36;
	v36 =	vld.idx.msk [tilespmem:v15+s8+$0x0], $0xffff;
	[tilespmem:s14+$0x16B00] =	vst v11  }
0x35f: {  	v45 =	vunpack.i.l.bf16.f32 v56;
	v28 =	vadd.f32 v28, v49;
	v49 =	vunpack.i.u.bf16.f32 v58;
	[tilespmem:s14+$0x16B80] =	vst v8  }
0x360: {  	v50 =	vunpack.i.u.bf16.f32 v38;
	(erf) = vpow2.f32 v13;
	v13 =	vmul.f32 v55, v4;
	[tilespmem:s14+$0x16C00] =	vst v26  }
0x361: {  	v54 =	vunpack.i.l.bf16.f32 v38;
	v53 =	vunpack.i.l.bf16.f32 v58;
	v55 =	vunpack.i.u.bf16.f32 v30;
	[tilespmem:s14+$0x16C80] =	vst v25  }
0x362: {  	(erf) = vpow2.f32 v12;
	v12 =	vunpack.i.l.bf16.f32 v7;
	[tilespmem:s14+$0x16D00] =	vst v27;
	v13 =	vmul.f32 $1.442695020e+00, v13  }
0x363: {  	v30 =	vunpack.i.l.bf16.f32 v30;
	v7 =	vunpack.i.u.bf16.f32 v7;
	[tilespmem:s14+$0x16D80] =	vst v29;
	v12 =	vmul.f32 v12, v4  }
0x364: {  	v11 =	vadd.s32 $0x1980, v5;
	[tilespmem:s14+$0x16E00] =	vst v28;
	v7 =	vmul.f32 v7, v4;
	(erf) = vpow2.f32 v13  }
0x365: {  	[tilespmem:s14+$0x16E80] =	vst v31;
	v12 =	vmul.f32 $1.442695020e+00, v12;
	(erf) = vpow2.f32 v10;
	v10 =	vunpack.i.l.bf16.f32 v6  }
0x366: {  	v7 =	vmul.f32 $1.442695020e+00, v7;
	v47 =	vld.idx.msk [tilespmem:v9+s31+$0x0], $0xffff;
	v6 =	vunpack.i.u.bf16.f32 v6;
	v39 =	vmul.f32 v10, v4  }
0x367: {  	v13 =	vadd.s32 $0x1800, v5;
	(erf) = vpow2.f32 v12;
	v8 =	vmul.f32 v6, v4  }
0x368: {  	v9 =	vunpack.i.u.bf16.f32 v57;
	(erf) = vpow2.f32 v7;
	v59 =	vmul.f32 $1.442695020e+00, v39  }
0x369: {  	v12 =	vadd.s32 $0x1880, v5;
	v10 =	vadd.s32 $0x1900, v5;
	v6 =	vadd.s32 $0x1A80, v5  }
0x36a: {  	v56 =	vunpack.i.u.bf16.f32 v36;
	v8 =	vmul.f32 $1.442695020e+00, v8;
	v61 =	vpop (erf);
	(erf) = vpow2.f32 v59  }
0x36b: {  	v36 =	vunpack.i.l.bf16.f32 v36;
	v58 =	vunpack.i.l.bf16.f32 v47;
	v25 =	vmul.f32 v61, v60  }
0x36c: {  	v23 =	vld.idx.msk [tilespmem:v23+s31+$0x0], $0xffff;
	v32 =	vunpack.i.u.bf16.f32 v47;
	v63 =	vpop (erf);
	v38 =	vmul.f32 v58, v4;
	(erf) = vpow2.f32 v8  }
0x36d: {  	v7 =	vadd.s32 $0x1A00, v5;
	v32 =	vmul.f32 v32, v4;
	v27 =	vmul.f32 v62, v63  }
0x36e: {  	v22 =	vld.idx.msk [tilespmem:v22+s31+$0x0], $0xffff;
	v8 =	vadd.s32 $0x1B00, v5;
	v25 =	vadd.f32 v25, v41;
	v62 =	vmul.f32 $1.442695020e+00, v38;
	v43 =	vpop (erf)  }
0x36f: {  	v61 =	vld.idx.msk [tilespmem:v10+s8+$0x0], $0xffff;
	v32 =	vmul.f32 $1.442695020e+00, v32;
	v27 =	vadd.f32 v27, v42;
	v42 =	vadd.s32 $0x2000, v5;
	v46 =	vpop (erf)  }
0x370: {  	v19 =	vld.idx.msk [tilespmem:v19+s31+$0x0], $0xffff;
	v26 =	vmul.f32 v43, v44;
	v44 =	vadd.s32 $0x2080, v5;
	v48 =	vpop (erf);
	v9 =	vmul.f32 v9, v46  }
0x371: {  	v60 =	vld.idx.msk [tilespmem:v12+s8+$0x0], $0xffff;
	v51 =	vpop (erf);
	v28 =	vmul.f32 v48, v49;
	v48 =	vunpack.i.l.bf16.f32 v23;
	v23 =	vunpack.i.u.bf16.f32 v23  }
0x372: {  	v40 =	vld.idx.msk [tilespmem:v7+s8+$0x0], $0xffff;
	v52 =	vmul.f32 v50, v51;
	v31 =	vadd.f32 v9, v33;
	v9 =	vadd.s32 $0x1B80, v5  }
0x373: {  	v63 =	vld.idx.msk [tilespmem:v11+s8+$0x0], $0xffff;
	v26 =	vadd.f32 v26, v45;
	v49 =	vmul.f32 v48, v4;
	v23 =	vmul.f32 v23, v4;
	v57 =	vpop (erf)  }
0x374: {  	v41 =	vld.idx.msk [tilespmem:v8+s8+$0x0], $0xffff;
	v58 =	vunpack.i.u.bf16.f32 v61;
	(erf) = vpow2.f32 v62;
	v34 =	vmul.f32 v57, v55  }
0x375: {  	v33 =	vld.idx.msk [tilespmem:v13+s8+$0x0], $0xffff;
	v50 =	vunpack.i.l.bf16.f32 v22;
	v22 =	vunpack.i.u.bf16.f32 v22;
	v59 =	vpop (erf);
	(erf) = vpow2.f32 v32  }
0x376: {  	v51 =	vld.idx.msk [tilespmem:v6+s8+$0x0], $0xffff;
	v32 =	vmul.f32 v50, v4;
	v30 =	vadd.f32 v34, v30;
	v34 =	vmul.f32 $1.442695020e+00, v49  }
0x377: {  	v37 =	vunpack.i.u.bf16.f32 v40;
	v22 =	vmul.f32 v22, v4;
	v23 =	vmul.f32 $1.442695020e+00, v23;
	v43 =	vld.idx.msk [tilespmem:v9+s8+$0x0], $0xffff;
	[tilespmem:s14+$0x17B00] =	vst v25  }
0x378: {  	v28 =	vadd.f32 v28, v53;
	v32 =	vmul.f32 $1.442695020e+00, v32;
	[tilespmem:s14+$0x17B80] =	vst v27;
	(erf) = vpow2.f32 v34  }
0x379: {  	v29 =	vadd.f32 v52, v54;
	v22 =	vmul.f32 $1.442695020e+00, v22;
	[tilespmem:s14+$0x17C00] =	vst v26;
	(erf) = vpow2.f32 v23  }
0x37a: {  	v52 =	vunpack.i.l.bf16.f32 v19;
	v35 =	vmul.f32 v56, v59;
	[tilespmem:s14+$0x17C80] =	vst v31;
	(erf) = vpow2.f32 v32  }
0x37b: {  	v19 =	vunpack.i.u.bf16.f32 v19;
	[tilespmem:s14+$0x17D00] =	vst v28;
	(erf) = vpow2.f32 v22;
	v22 =	vmul.f32 v52, v4  }
0x37c: {  	v46 =	vunpack.i.l.bf16.f32 v40;
	v19 =	vmul.f32 v19, v4;
	[tilespmem:s14+$0x17D80] =	vst v29;
	v35 =	vadd.f32 v35, v36  }
0x37d: {  	v55 =	vunpack.i.u.bf16.f32 v60;
	v57 =	vunpack.i.l.bf16.f32 v60;
	[tilespmem:s14+$0x17E00] =	vst v30;
	v22 =	vmul.f32 $1.442695020e+00, v22  }
0x37e: {  	v60 =	vunpack.i.l.bf16.f32 v61;
	v28 =	vadd.s32 $0x2300, v5;
	v19 =	vmul.f32 $1.442695020e+00, v19;
	[tilespmem:s14+$0x17E80] =	vst v35  }
0x37f: {  	v61 =	vunpack.i.u.bf16.f32 v63;
	v63 =	vunpack.i.l.bf16.f32 v63;
	v21 =	vld.idx.msk [tilespmem:v21+s31+$0x0], $0xffff;
	v54 =	vpop (erf);
	(erf) = vpow2.f32 v22  }
0x380: {  	v50 =	vunpack.i.l.bf16.f32 v41;
	v25 =	vadd.s32 $0x2100, v5;
	v56 =	vpop (erf);
	(erf) = vpow2.f32 v19;
	v19 =	vld.idx.msk [tilespmem:v24+s31+$0x0], $0xffff  }
0x381: {  	v26 =	vadd.s32 $0x2200, v5;
	v27 =	vadd.s32 $0x2280, v5;
	v53 =	vunpack.i.u.bf16.f32 v33  }
0x382: {  	v39 =	vunpack.i.u.bf16.f32 v51;
	v47 =	vunpack.i.l.bf16.f32 v51;
	v49 =	vunpack.i.u.bf16.f32 v41  }
0x383: {  	v30 =	vadd.s32 $0x2380, v5;
	v23 =	vadd.s32 $0x2180, v5;
	v28 =	vld.idx.msk [tilespmem:v28+s8+$0x0], $0xffff;
	v31 =	vmul.f32 v54, v53  }
0x384: {  	v53 =	vunpack.i.u.bf16.f32 v43;
	v29 =	vmul.f32 v55, v56;
	v22 =	vunpack.i.l.bf16.f32 v33  }
0x385: {  	v56 =	vunpack.i.l.bf16.f32 v21;
	v21 =	vunpack.i.u.bf16.f32 v21;
	v48 =	vunpack.i.l.bf16.f32 v19  }
0x386: {  	v52 =	vld.idx.msk [tilespmem:v42+s8+$0x0], $0xffff;
	v22 =	vadd.f32 v31, v22;
	v59 =	vpop (erf);
	v19 =	vunpack.i.u.bf16.f32 v19;
	v34 =	vmul.f32 v48, v4  }
0x387: {  	v20 =	vld.idx.msk [tilespmem:v20+s31+$0x0], $0xffff;
	v24 =	vadd.f32 v29, v57;
	v57 =	vmul.f32 v56, v4;
	v62 =	vpop (erf);
	v19 =	vmul.f32 v19, v4  }
0x388: {  	v55 =	vld.idx.msk [tilespmem:v44+s8+$0x0], $0xffff;
	v56 =	vunpack.i.u.bf16.f32 v28;
	v28 =	vunpack.i.l.bf16.f32 v28;
	v38 =	vpop (erf);
	v34 =	vmul.f32 $1.442695020e+00, v34  }
0x389: {  	v29 =	vmul.f32 v59, v58;
	v58 =	vunpack.i.l.bf16.f32 v43;
	v45 =	vpop (erf);
	v19 =	vmul.f32 $1.442695020e+00, v19  }
0x38a: {  	v18 =	vld.idx.msk [tilespmem:v18+s31+$0x0], $0xffff;
	v31 =	vmul.f32 v61, v62;
	v61 =	vadd.s32 $0x2980, v5;
	v51 =	vpop (erf);
	(erf) = vpow2.f32 v34  }
0x38b: {  	v25 =	vld.idx.msk [tilespmem:v25+s8+$0x0], $0xffff;
	v62 =	vunpack.i.u.bf16.f32 v52;
	v54 =	vpop (erf);
	(erf) = vpow2.f32 v19;
	v19 =	vmul.f32 v21, v4  }
0x38c: {  	v26 =	vld.idx.msk [tilespmem:v26+s8+$0x0], $0xffff;
	v34 =	vmul.f32 $1.442695020e+00, v57;
	v21 =	vunpack.i.l.bf16.f32 v20;
	v20 =	vunpack.i.u.bf16.f32 v20  }
0x38d: {  	v27 =	vld.idx.msk [tilespmem:v27+s8+$0x0], $0xffff;
	v41 =	vunpack.i.u.bf16.f32 v55;
	v20 =	vmul.f32 v20, v4;
	v19 =	vmul.f32 $1.442695020e+00, v19  }
0x38e: {  	v23 =	vld.idx.msk [tilespmem:v23+s8+$0x0], $0xffff;
	v44 =	vunpack.i.l.bf16.f32 v55;
	v33 =	vmul.f32 v38, v37;
	(erf) = vpow2.f32 v34  }
0x38f: {  	v29 =	vadd.f32 v29, v60;
	(erf) = vpow2.f32 v19;
	v19 =	vmul.f32 $1.442695020e+00, v20;
	v20 =	vld.idx.msk [tilespmem:v30+s8+$0x0], $0xffff;
	[tilespmem:s14+$0x18B00] =	vst v22  }
0x390: {  	v55 =	vadd.s32 $0x2B80, v5;
	v31 =	vadd.f32 v31, v63;
	v32 =	vmul.f32 v39, v45;
	[tilespmem:s14+$0x18B80] =	vst v24  }
0x391: {  	v60 =	vadd.s32 $0x2800, v5;
	v33 =	vadd.f32 v33, v46;
	v35 =	vmul.f32 v51, v49;
	[tilespmem:s14+$0x18C00] =	vst v29  }
0x392: {  	v32 =	vadd.f32 v32, v47;
	v37 =	vmul.f32 v53, v54;
	v21 =	vmul.f32 v21, v4;
	[tilespmem:s14+$0x18C80] =	vst v31  }
0x393: {  	v46 =	vunpack.i.u.bf16.f32 v25;
	v25 =	vunpack.i.l.bf16.f32 v25;
	v35 =	vadd.f32 v35, v50;
	[tilespmem:s14+$0x18D00] =	vst v33  }
0x394: {  	v48 =	vunpack.i.u.bf16.f32 v23;
	v59 =	vadd.f32 v37, v58;
	v21 =	vmul.f32 $1.442695020e+00, v21;
	[tilespmem:s14+$0x18D80] =	vst v32  }
0x395: {  	v23 =	vunpack.i.l.bf16.f32 v23;
	v51 =	vunpack.i.u.bf16.f32 v27;
	v27 =	vunpack.i.l.bf16.f32 v27;
	[tilespmem:s14+$0x18E00] =	vst v35  }
0x396: {  	v50 =	vunpack.i.u.bf16.f32 v26;
	[tilespmem:s14+$0x18E80] =	vst v59;
	(erf) = vpow2.f32 v21;
	v21 =	vunpack.i.l.bf16.f32 v18  }
0x397: {  	v18 =	vunpack.i.u.bf16.f32 v18;
	v17 =	vld.idx.msk [tilespmem:v17+s31+$0x0], $0xffff;
	(erf) = vpow2.f32 v19;
	v19 =	vmul.f32 v21, v4  }
0x398: {  	v26 =	vunpack.i.l.bf16.f32 v26;
	v22 =	vadd.s32 $0x2900, v5;
	v16 =	vld.idx.msk [tilespmem:v16+s31+$0x0], $0xffff;
	v18 =	vmul.f32 v18, v4  }
0x399: {  	v29 =	vadd.s32 $0x2A00, v5;
	v31 =	vadd.s32 $0x2A80, v5;
	v19 =	vmul.f32 $1.442695020e+00, v19;
	v63 =	vpop (erf)  }
0x39a: {  	v21 =	vadd.s32 $0x2880, v5;
	v18 =	vmul.f32 $1.442695020e+00, v18;
	v36 =	vmul.f32 v63, v62  }
0x39b: {  	v42 =	vpop (erf);
	v57 =	vunpack.i.u.bf16.f32 v20;
	(erf) = vpow2.f32 v19;
	v19 =	vunpack.i.l.bf16.f32 v52  }
0x39c: {  	v43 =	vmul.f32 v41, v42;
	v45 =	vpop (erf);
	v59 =	vunpack.i.l.bf16.f32 v17;
	v17 =	vunpack.i.u.bf16.f32 v17  }
0x39d: {  	v24 =	vld.idx.msk [tilespmem:v61+s8+$0x0], $0xffff;
	v61 =	vunpack.i.l.bf16.f32 v16;
	(erf) = vpow2.f32 v18;
	v33 =	vmul.f32 v45, v46  }
0x39e: {  	v30 =	vld.idx.msk [tilespmem:v60+s8+$0x0], $0xffff;
	v16 =	vunpack.i.u.bf16.f32 v16;
	v37 =	vmul.f32 v59, v4;
	v17 =	vmul.f32 v17, v4  }
0x39f: {  	v14 =	vld.idx.msk [tilespmem:v14+s31+$0x0], $0xffff;
	v19 =	vadd.f32 v36, v19;
	v36 =	vmul.f32 v61, v4;
	v16 =	vmul.f32 v16, v4  }
0x3a0: {  	v15 =	vld.idx.msk [tilespmem:v15+s31+$0x0], $0xffff;
	v18 =	vadd.s32 $0x2B00, v5;
	v47 =	vpop (erf);
	v37 =	vmul.f32 $1.442695020e+00, v37;
	v17 =	vmul.f32 $1.442695020e+00, v17  }
0x3a1: {  	v22 =	vld.idx.msk [tilespmem:v22+s8+$0x0], $0xffff;
	v20 =	vunpack.i.l.bf16.f32 v20;
	v36 =	vmul.f32 $1.442695020e+00, v36;
	v16 =	vmul.f32 $1.442695020e+00, v16;
	v49 =	vpop (erf)  }
0x3a2: {  	v29 =	vld.idx.msk [tilespmem:v29+s8+$0x0], $0xffff;
	v32 =	vadd.f32 v43, v44;
	v34 =	vmul.f32 v48, v47;
	v52 =	vpop (erf);
	v53 =	vmul.f32 v49, v50  }
0x3a3: {  	v31 =	vld.idx.msk [tilespmem:v31+s8+$0x0], $0xffff;
	v25 =	vadd.f32 v33, v25;
	(erf) = vpow2.f32 v37;
	v54 =	vmul.f32 v51, v52  }
0x3a4: {  	v21 =	vld.idx.msk [tilespmem:v21+s8+$0x0], $0xffff;
	v23 =	vadd.f32 v34, v23;
	(erf) = vpow2.f32 v17;
	v17 =	vunpack.i.l.bf16.f32 v14  }
0x3a5: {  	v18 =	vld.idx.msk [tilespmem:v18+s8+$0x0], $0xffff;
	v14 =	vunpack.i.u.bf16.f32 v14;
	v26 =	vadd.f32 v53, v26;
	v17 =	vmul.f32 v17, v4  }
0x3a6: {  	v34 =	vld.idx.msk [tilespmem:v55+s8+$0x0], $0xffff;
	[tilespmem:s14+$0x19B00] =	vst v19;
	(erf) = vpow2.f32 v36;
	v14 =	vmul.f32 v14, v4;
	v27 =	vadd.f32 v54, v27  }
0x3a7: {  	[tilespmem:s14+$0x19B80] =	vst v32;
	(erf) = vpow2.f32 v16;
	v16 =	vunpack.i.l.bf16.f32 v15;
	v58 =	vpop (erf);
	v17 =	vmul.f32 $1.442695020e+00, v17  }
0x3a8: {  	[tilespmem:s14+$0x19C00] =	vst v25;
	v15 =	vunpack.i.u.bf16.f32 v15;
	v14 =	vmul.f32 $1.442695020e+00, v14;
	v33 =	vmul.f32 v58, v56;
	v60 =	vpop (erf)  }
0x3a9: {  	[tilespmem:s14+$0x19C80] =	vst v23;
	v23 =	vadd.s32 $0x3000, v5;
	v15 =	vmul.f32 v15, v4;
	v35 =	vmul.f32 v57, v60  }
0x3aa: {  	[tilespmem:s14+$0x19D00] =	vst v26;
	(erf) = vpow2.f32 v17;
	v17 =	vadd.s32 $0x3080, v5;
	v19 =	vadd.f32 v33, v28  }
0x3ab: {  	[tilespmem:s14+$0x19D80] =	vst v27;
	(erf) = vpow2.f32 v14;
	v14 =	vmul.f32 $1.442695020e+00, v15;
	v15 =	vadd.f32 v35, v20  }
0x3ac: {  	v62 =	vadd.s32 $0x3300, v5;
	[tilespmem:s14+$0x19E00] =	vst v19  }
0x3ad: {  	v63 =	vadd.s32 $0x3380, v5;
	v42 =	vunpack.i.u.bf16.f32 v24;
	v16 =	vmul.f32 v16, v4;
	[tilespmem:s14+$0x19E80] =	vst v15  }
0x3ae: {  	v59 =	vadd.s32 $0x3880, v5;
	v40 =	vunpack.i.u.bf16.f32 v22;
	v22 =	vunpack.i.l.bf16.f32 v22;
	v23 =	vld.idx.msk [tilespmem:v23+s8+$0x0], $0xffff  }
0x3af: {  	v47 =	vunpack.i.u.bf16.f32 v29;
	v48 =	vunpack.i.l.bf16.f32 v29;
	v16 =	vmul.f32 $1.442695020e+00, v16;
	v17 =	vld.idx.msk [tilespmem:v17+s8+$0x0], $0xffff  }
0x3b0: {  	v37 =	vunpack.i.l.bf16.f32 v30;
	v50 =	vunpack.i.u.bf16.f32 v31;
	v31 =	vunpack.i.l.bf16.f32 v31;
	v13 =	vld.idx.msk [tilespmem:v13+s31+$0x0], $0xffff  }
0x3b1: {  	v38 =	vunpack.i.u.bf16.f32 v21;
	v20 =	vadd.s32 $0x3100, v5;
	(erf) = vpow2.f32 v16;
	v25 =	vld.idx.msk [tilespmem:v62+s8+$0x0], $0xffff  }
0x3b2: {  	v21 =	vunpack.i.l.bf16.f32 v21;
	v19 =	vadd.s32 $0x3200, v5;
	(erf) = vpow2.f32 v14;
	v14 =	vpop (erf);
	v12 =	vld.idx.msk [tilespmem:v12+s31+$0x0], $0xffff  }
0x3b3: {  	v36 =	vunpack.i.u.bf16.f32 v30;
	v52 =	vunpack.i.u.bf16.f32 v18;
	v16 =	vadd.s32 $0x3180, v5;
	v26 =	vld.idx.msk [tilespmem:v63+s8+$0x0], $0xffff;
	v39 =	vpop (erf)  }
0x3b4: {  	v53 =	vunpack.i.u.bf16.f32 v34;
	v15 =	vadd.s32 $0x3280, v5;
	v10 =	vld.idx.msk [tilespmem:v10+s31+$0x0], $0xffff;
	v14 =	vmul.f32 v14, v36;
	v41 =	vpop (erf)  }
0x3b5: {  	v18 =	vunpack.i.l.bf16.f32 v18;
	v56 =	vunpack.i.l.bf16.f32 v34;
	v58 =	vld.idx.msk [tilespmem:v11+s31+$0x0], $0xffff;
	v30 =	vmul.f32 v38, v39;
	v43 =	vpop (erf)  }
0x3b6: {  	v11 =	vadd.s32 $0x3800, v5;
	v20 =	vld.idx.msk [tilespmem:v20+s8+$0x0], $0xffff;
	v27 =	vmul.f32 v41, v40;
	v14 =	vadd.f32 v14, v37;
	v46 =	vpop (erf)  }
0x3b7: {  	v45 =	vld.idx.msk [tilespmem:v19+s8+$0x0], $0xffff;
	v44 =	vmul.f32 v42, v43;
	v19 =	vadd.f32 v30, v21;
	v21 =	vunpack.i.l.bf16.f32 v24;
	v49 =	vpop (erf)  }
0x3b8: {  	v16 =	vld.idx.msk [tilespmem:v16+s8+$0x0], $0xffff;
	v22 =	vadd.f32 v27, v22;
	v24 =	vmul.f32 v46, v47;
	v29 =	vmul.f32 v50, v49  }
0x3b9: {  	v15 =	vld.idx.msk [tilespmem:v15+s8+$0x0], $0xffff;
	v60 =	vunpack.i.l.bf16.f32 v13;
	[tilespmem:s14+$0x1AB00] =	vst v14;
	v14 =	vadd.s32 $0x3900, v5;
	v13 =	vunpack.i.u.bf16.f32 v13  }
0x3ba: {  	v21 =	vadd.f32 v44, v21;
	v51 =	vpop (erf);
	v29 =	vadd.f32 v29, v31;
	v31 =	vmul.f32 v60, v4  }
0x3bb: {  	[tilespmem:s14+$0x1AB80] =	vst v19;
	v13 =	vmul.f32 v13, v4;
	v19 =	vunpack.i.l.bf16.f32 v12;
	v27 =	vmul.f32 v51, v52  }
0x3bc: {  	v12 =	vunpack.i.u.bf16.f32 v12;
	[tilespmem:s14+$0x1AC00] =	vst v22;
	v19 =	vmul.f32 v19, v4;
	v22 =	vmul.f32 $1.442695020e+00, v31  }
0x3bd: {  	v54 =	vpop (erf);
	v24 =	vadd.f32 v24, v48;
	v12 =	vmul.f32 v12, v4;
	v13 =	vmul.f32 $1.442695020e+00, v13  }
0x3be: {  	v55 =	vmul.f32 v53, v54;
	v18 =	vadd.f32 v27, v18;
	(erf) = vpow2.f32 v22  }
0x3bf: {  	[tilespmem:s14+$0x1AC80] =	vst v21;
	v19 =	vmul.f32 $1.442695020e+00, v19;
	(erf) = vpow2.f32 v13;
	v13 =	vunpack.i.l.bf16.f32 v10  }
0x3c0: {  	[tilespmem:s14+$0x1AD00] =	vst v24;
	v12 =	vmul.f32 $1.442695020e+00, v12;
	v10 =	vunpack.i.u.bf16.f32 v10;
	v13 =	vmul.f32 v13, v4  }
0x3c1: {  	v57 =	vadd.f32 v55, v56;
	[tilespmem:s14+$0x1AD80] =	vst v29;
	(erf) = vpow2.f32 v19;
	v10 =	vmul.f32 v10, v4  }
0x3c2: {  	v61 =	vadd.s32 $0x3980, v5;
	[tilespmem:s14+$0x1AE00] =	vst v18;
	(erf) = vpow2.f32 v12;
	v13 =	vmul.f32 $1.442695020e+00, v13  }
0x3c3: {  	v18 =	vunpack.i.u.bf16.f32 v58;
	[tilespmem:s14+$0x1AE80] =	vst v57;
	v12 =	vunpack.i.l.bf16.f32 v58;
	v10 =	vmul.f32 $1.442695020e+00, v10  }
0x3c4: {  	v19 =	vld.idx.msk [tilespmem:v14+s8+$0x0], $0xffff;
	v14 =	vadd.s32 $0x3B80, v5;
	v12 =	vmul.f32 v12, v4;
	(erf) = vpow2.f32 v13  }
0x3c5: {  	v34 =	vadd.s32 $0x3B00, v5;
	v18 =	vmul.f32 v18, v4;
	v11 =	vld.idx.msk [tilespmem:v11+s8+$0x0], $0xffff;
	(erf) = vpow2.f32 v10  }
0x3c6: {  	v62 =	vadd.s32 $0x3A00, v5;
	v63 =	vadd.s32 $0x3A80, v5;
	v22 =	vld.idx.msk [tilespmem:v59+s8+$0x0], $0xffff;
	v5 =	vmul.f32 $1.442695020e+00, v12  }
0x3c7: {  	v21 =	vld.idx.msk [tilespmem:v61+s8+$0x0], $0xffff;
	v10 =	vmul.f32 $1.442695020e+00, v18  }
0x3c8: {  	v35 =	vunpack.i.u.bf16.f32 v23;
	v23 =	vunpack.i.l.bf16.f32 v23;
	v7 =	vld.idx.msk [tilespmem:v7+s31+$0x0], $0xffff;
	(erf) = vpow2.f32 v5;
	v13 =	vpop (erf)  }
0x3c9: {  	(erf) = vpow2.f32 v10;
	v10 =	vld.idx.msk [tilespmem:v14+s8+$0x0], $0xffff;
	v14 =	vunpack.i.u.bf16.f32 v17;
	v36 =	vpop (erf);
	v13 =	vmul.f32 v13, v35  }
0x3ca: {  	v38 =	vunpack.i.u.bf16.f32 v20;
	v39 =	vunpack.i.u.bf16.f32 v16;
	v41 =	vld.idx.msk [tilespmem:v6+s31+$0x0], $0xffff;
	v37 =	vpop (erf);
	v14 =	vmul.f32 v14, v36  }
0x3cb: {  	v8 =	vld.idx.msk [tilespmem:v8+s31+$0x0], $0xffff;
	v17 =	vunpack.i.l.bf16.f32 v17;
	v40 =	vpop (erf);
	v6 =	vadd.f32 v13, v23;
	v13 =	vmul.f32 v37, v38  }
0x3cc: {  	v9 =	vld.idx.msk [tilespmem:v9+s31+$0x0], $0xffff;
	v23 =	vmul.f32 v39, v40;
	v14 =	vadd.f32 v14, v17;
	v17 =	vunpack.i.l.bf16.f32 v20  }
0x3cd: {  	v16 =	vunpack.i.l.bf16.f32 v16;
	v12 =	vld.idx.msk [tilespmem:v63+s8+$0x0], $0xffff;
	v13 =	vadd.f32 v13, v17;
	v17 =	vunpack.i.u.bf16.f32 v45;
	v20 =	vpop (erf)  }
0x3ce: {  	v18 =	vld.idx.msk [tilespmem:v62+s8+$0x0], $0xffff;
	v16 =	vadd.f32 v23, v16;
	v23 =	vunpack.i.u.bf16.f32 v15;
	v17 =	vmul.f32 v20, v17;
	v20 =	vpop (erf)  }
0x3cf: {  	v5 =	vld.idx.msk [tilespmem:v34+s8+$0x0], $0xffff;
	[tilespmem:s14+$0x1BB80] =	vst v14;
	v14 =	vunpack.i.l.bf16.f32 v15;
	v15 =	vmul.f32 v23, v20;
	v20 =	vunpack.i.u.bf16.f32 v25;
	_ =	sdelay $0x1  }
0x3d0: {  	[tilespmem:s14+$0x1BB00] =	vst v6;
	v6 =	vunpack.i.l.bf16.f32 v45;
	v23 =	vpop (erf)  }
0x3d1: {  	[tilespmem:s14+$0x1BC00] =	vst v13;
	v13 =	vunpack.i.u.bf16.f32 v26;
	v6 =	vadd.f32 v17, v6;
	v17 =	vmul.f32 v23, v20;
	v20 =	vpop (erf)  }
0x3d2: {  	[tilespmem:s14+$0x1BC80] =	vst v16;
	v14 =	vadd.f32 v15, v14;
	v15 =	vunpack.i.l.bf16.f32 v25;
	v13 =	vmul.f32 v13, v20  }
0x3d3: {  	[tilespmem:s14+$0x1BD00] =	vst v6;
	v6 =	vunpack.i.l.bf16.f32 v26;
	v15 =	vadd.f32 v17, v15  }
0x3d4: {  	s16 =	sadd.s32 s13, s10;
	s15 =	sadd.s32 $0x10, s13;
	[tilespmem:s14+$0x1BD80] =	vst v14;
	v6 =	vadd.f32 v13, v6  }
0x3d5: {  	s13 =	sand.u32 $0xF80, s16;
	s19 =	sand.u32 $0x70, s15;
	[tilespmem:s14+$0x1BE00] =	vst v15  }
0x3d6: {  	s13 =	sor.u32 s19, s13;
	[tilespmem:s14+$0x1BE80] =	vst v6  }
0x3d7: {  	v6 =	vld [tilespmem:s13+$0xCA00];
	_ =	sdelay $0x4  }
0x3d8: {  	v13 =	vshll.u32 v6, $0x3  }
0x3d9: {  	v14 =	vand.u32 $0x7F, v6;
	v13 =	vand.u32 $0xFFFFFC00, v13  }
0x3da: {  	v23 =	vor.u32 v14, v13;
	v13 =	vunpack.i.l.bf16.f32 v7  }
0x3db: {  	v15 =	vunpack.i.u.bf16.f32 v41;
	v7 =	vunpack.i.u.bf16.f32 v7;
	v13 =	vmul.f32 v13, v4  }
0x3dc: {  	v15 =	vmul.f32 v15, v4;
	v14 =	vunpack.i.l.bf16.f32 v41;
	v7 =	vmul.f32 v7, v4  }
0x3dd: {  	v14 =	vmul.f32 v14, v4;
	v13 =	vmul.f32 $1.442695020e+00, v13  }
0x3de: {  	v42 =	vor.u32 $0x80, v23;
	v43 =	vor.u32 $0x100, v23;
	v7 =	vmul.f32 $1.442695020e+00, v7  }
0x3df: {  	v44 =	vor.u32 $0x180, v23;
	(erf) = vpow2.f32 v13;
	v13 =	vmul.f32 $1.442695020e+00, v14  }
0x3e0: {  	v14 =	vunpack.i.l.bf16.f32 v8;
	(erf) = vpow2.f32 v7;
	v7 =	vmul.f32 $1.442695020e+00, v15  }
0x3e1: {  	v8 =	vunpack.i.u.bf16.f32 v8;
	(erf) = vpow2.f32 v13;
	v13 =	vmul.f32 v14, v4  }
0x3e2: {  	(erf) = vpow2.f32 v7;
	v7 =	vmul.f32 v8, v4;
	v8 =	vunpack.i.l.bf16.f32 v9  }
0x3e3: {  	v9 =	vunpack.i.u.bf16.f32 v9;
	v13 =	vmul.f32 $1.442695020e+00, v13;
	v8 =	vmul.f32 v8, v4  }
0x3e4: {  	v47 =	vld [tilespmem:s13+$0xD280];
	v46 =	vor.u32 $0x280, v23;
	v4 =	vmul.f32 v9, v4;
	v7 =	vmul.f32 $1.442695020e+00, v7  }
0x3e5: {  	v45 =	vor.u32 $0x200, v23;
	v15 =	vld.idx.msk [tilespmem:v23+s8+$0x0], $0xffff;
	(erf) = vpow2.f32 v13;
	v8 =	vmul.f32 $1.442695020e+00, v8  }
0x3e6: {  	v16 =	vld.idx.msk [tilespmem:v42+s8+$0x0], $0xffff;
	v9 =	vor.u32 $0x380, v23;
	v4 =	vmul.f32 $1.442695020e+00, v4;
	(erf) = vpow2.f32 v7  }
0x3e7: {  	v17 =	vld.idx.msk [tilespmem:v43+s8+$0x0], $0xffff;
	(erf) = vpow2.f32 v8  }
0x3e8: {  	v48 =	vor.u32 $0x300, v23;
	v20 =	vld.idx.msk [tilespmem:v44+s8+$0x0], $0xffff;
	v7 =	vpop (erf);
	(erf) = vpow2.f32 v4  }
0x3e9: {  	v14 =	vld.idx.msk [tilespmem:v46+s8+$0x0], $0xffff  }
0x3ea: {  	v49 =	vunpack.i.u.bf16.f32 v11;
	v13 =	vld.idx.msk [tilespmem:v45+s8+$0x0], $0xffff  }
0x3eb: {  	v50 =	vunpack.i.l.bf16.f32 v11;
	v52 =	vunpack.i.l.bf16.f32 v22;
	v11 =	vld.idx.msk [tilespmem:v9+s8+$0x0], $0xffff;
	v9 =	vunpack.i.u.bf16.f32 v22;
	v4 =	vpop (erf)  }
0x3ec: {  	v54 =	vunpack.i.u.bf16.f32 v21;
	v22 =	vld.idx.msk [tilespmem:v23+s31+$0x0], $0xffff;
	v23 =	vunpack.i.u.bf16.f32 v19;
	v51 =	vpop (erf);
	v4 =	vmul.f32 v9, v4  }
0x3ed: {  	v21 =	vunpack.i.l.bf16.f32 v21;
	v56 =	vunpack.i.l.bf16.f32 v19;
	v8 =	vld.idx.msk [tilespmem:v48+s8+$0x0], $0xffff;
	v53 =	vpop (erf);
	v23 =	vmul.f32 v51, v23  }
0x3ee: {  	v60 =	vunpack.i.u.bf16.f32 v12;
	v19 =	vld.idx.msk [tilespmem:v44+s31+$0x0], $0xffff;
	v7 =	vmul.f32 v7, v49;
	v4 =	vadd.f32 v4, v52;
	v57 =	vpop (erf)  }
0x3ef: {  	v58 =	vunpack.i.u.bf16.f32 v18;
	v18 =	vunpack.i.l.bf16.f32 v18;
	v9 =	vld.idx.msk [tilespmem:v42+s31+$0x0], $0xffff;
	v23 =	vadd.f32 v23, v56;
	v59 =	vpop (erf)  }
0x3f0: {  	v55 =	vadd.f32 v7, v50;
	v7 =	vld.idx.msk [tilespmem:v43+s31+$0x0], $0xffff;
	[tilespmem:s14+$0x1CB80] =	vst v4;
	v4 =	vunpack.i.l.bf16.f32 v12;
	v61 =	vpop (erf);
	v12 =	vmul.f32 v60, v59  }
0x3f1: {  	v62 =	vunpack.i.u.bf16.f32 v5;
	v27 =	vmul.f32 v54, v53;
	[tilespmem:s14+$0x1CC00] =	vst v23;
	v23 =	vunpack.i.u.bf16.f32 v10;
	v63 =	vpop (erf)  }
0x3f2: {  	v25 =	vmul.f32 v57, v58;
	v4 =	vadd.f32 v12, v4;
	v12 =	vmul.f32 v23, v63  }
0x3f3: {  	p1 =	sne.s32 s12, $0xF80;
	[tilespmem:s14+$0x1CB00] =	vst v55;
	v21 =	vadd.f32 v27, v21;
	v10 =	vunpack.i.l.bf16.f32 v10;
	v24 =	vmul.f32 v61, v62  }
.Ltmp4:
0x3f4: {  	v5 =	vunpack.i.l.bf16.f32 v5;
	v18 =	vadd.f32 v25, v18;
	[tilespmem:s14+$0x1CD80] =	vst v4;
	v4 =	vadd.f32 v12, v10;
	(pc) =	sbr.rel @p1 .LBB2_12-.Ltmp4, $4  }
0x3f5: {  	[tilespmem:s14+$0x1CC80] =	vst v21;
	v5 =	vadd.f32 v24, v5  }
0x3f6: {  	[tilespmem:s14+$0x1CD00] =	vst v18  }
0x3f7: {  	[tilespmem:s14+$0x1CE00] =	vst v5  }
0x3f8: {  	s12 =	sadd.s32 $0x80, s12;
	s13 =	smov.u32 s15;
	[tilespmem:s14+$0x1CE80] =	vst v4;
	v4 =	vmov v47  }
0x3f9: {  	s10 =	sadd.s32 s6, s11;
	s14 =	simm.s32 $0x15B00  }
0x3fa: {  	[hbm4b:s10+s17] =	stream.strided.scatter [tilespmem:s14], [sflag:$0x3], $0x400, s31, s17, $0x38;
	[tilespmem:$0x1DB00] =	vst v63  }
0x3fb: {  	s12 =	simm.s32 $0x15F00;
	s15 =	sadd.s32 $0x80, s10  }
0x3fc: {  	[hbm4b:s15+s17] =	stream.strided.scatter [tilespmem:s12], [sflag:$0x3], $0x400, s31, s17, $0x38;
	[tilespmem:$0x1DB00] =	vst v63  }
0x3fd: {  	s19 =	simm.s32 $0x16300;
	s16 =	sadd.s32 $0x100, s10  }
0x3fe: {  	[hbm4b:s16+s17] =	stream.strided.scatter [tilespmem:s19], [sflag:$0x3], $0x400, s31, s17, $0x38;
	[tilespmem:$0x1DB00] =	vst v63  }
0x3ff: {  	s13 =	simm.s32 $0x16700;
	s12 =	sadd.s32 $0x180, s10  }
0x400: {  	[hbm4b:s12+s17] =	stream.strided.scatter [tilespmem:s13], [sflag:$0x3], $0x400, s31, s17, $0x38;
	[tilespmem:$0x1DB00] =	vst v63  }
0x401: {  	s14 =	sadd.s32 $0x8000, s10;
	s15 =	simm.s32 $0x16B00  }
0x402: {  	[hbm4b:s14+s17] =	stream.strided.scatter [tilespmem:s15], [sflag:$0x3], $0x400, s31, s17, $0x38;
	[tilespmem:$0x1DB00] =	vst v63  }
0x403: {  	s16 =	sadd.s32 $0x8080, s10;
	s19 =	simm.s32 $0x16F00  }
0x404: {  	[hbm4b:s16+s17] =	stream.strided.scatter [tilespmem:s19], [sflag:$0x3], $0x400, s31, s17, $0x38;
	[tilespmem:$0x1DB00] =	vst v63  }
0x405: {  	s13 =	sadd.s32 $0x8100, s10;
	s14 =	simm.s32 $0x17300  }
0x406: {  	[hbm4b:s13+s17] =	stream.strided.scatter [tilespmem:s14], [sflag:$0x3], $0x400, s31, s17, $0x38;
	[tilespmem:$0x1DB00] =	vst v63  }
0x407: {  	s15 =	sadd.s32 $0x8180, s10;
	s16 =	simm.s32 $0x17700  }
0x408: {  	[hbm4b:s15+s17] =	stream.strided.scatter [tilespmem:s16], [sflag:$0x3], $0x400, s31, s17, $0x38;
	[tilespmem:$0x1DB00] =	vst v63  }
0x409: {  	s19 =	sadd.s32 $0x10000, s10;
	s13 =	simm.s32 $0x17B00  }
0x40a: {  	[hbm4b:s19+s17] =	stream.strided.scatter [tilespmem:s13], [sflag:$0x3], $0x400, s31, s17, $0x38;
	[tilespmem:$0x1DB00] =	vst v63  }
0x40b: {  	s14 =	sadd.s32 $0x80, s19;
	s13 =	simm.s32 $0x17F00  }
0x40c: {  	[hbm4b:s14+s17] =	stream.strided.scatter [tilespmem:s13], [sflag:$0x3], $0x400, s31, s17, $0x38;
	[tilespmem:$0x1DB00] =	vst v63  }
0x40d: {  	s15 =	sadd.s32 $0x100, s19;
	s16 =	simm.s32 $0x18300  }
0x40e: {  	[hbm4b:s15+s17] =	stream.strided.scatter [tilespmem:s16], [sflag:$0x3], $0x400, s31, s17, $0x38;
	[tilespmem:$0x1DB00] =	vst v63  }
0x40f: {  	s11 =	sadd.s32 $0x180, s19;
	s19 =	simm.s32 $0x18700  }
0x410: {  	[hbm4b:s11+s17] =	stream.strided.scatter [tilespmem:s19], [sflag:$0x3], $0x400, s31, s17, $0x38;
	[tilespmem:$0x1DB00] =	vst v63  }
0x411: {  	s13 =	simm.s32 $0x18B00;
	s11 =	sadd.s32 $0x18000, s10  }
0x412: {  	[hbm4b:s11+s17] =	stream.strided.scatter [tilespmem:s13], [sflag:$0x3], $0x400, s31, s17, $0x38;
	[tilespmem:$0x1DB00] =	vst v63  }
0x413: {  	s15 =	simm.s32 $0x18F00;
	s14 =	sadd.s32 $0x80, s11  }
0x414: {  	[hbm4b:s14+s17] =	stream.strided.scatter [tilespmem:s15], [sflag:$0x3], $0x400, s31, s17, $0x38;
	[tilespmem:$0x1DB00] =	vst v63  }
0x415: {  	s19 =	simm.s32 $0x19300;
	s16 =	sadd.s32 $0x100, s11  }
0x416: {  	[hbm4b:s16+s17] =	stream.strided.scatter [tilespmem:s19], [sflag:$0x3], $0x400, s31, s17, $0x38;
	[tilespmem:$0x1DB00] =	vst v63  }
0x417: {  	s11 =	sadd.s32 $0x180, s11;
	s14 =	simm.s32 $0x19700  }
0x418: {  	[hbm4b:s11+s17] =	stream.strided.scatter [tilespmem:s14], [sflag:$0x3], $0x400, s31, s17, $0x38;
	[tilespmem:$0x1DB00] =	vst v63  }
0x419: {  	s15 =	simm.s32 $0x19B00;
	s11 =	sadd.s32 $0x20000, s10  }
0x41a: {  	[hbm4b:s11+s17] =	stream.strided.scatter [tilespmem:s15], [sflag:$0x3], $0x400, s31, s17, $0x38;
	[tilespmem:$0x1DB00] =	vst v63  }
0x41b: {  	s19 =	simm.s32 $0x19F00;
	s16 =	sadd.s32 $0x80, s11  }
0x41c: {  	[hbm4b:s16+s17] =	stream.strided.scatter [tilespmem:s19], [sflag:$0x3], $0x400, s31, s17, $0x38;
	[tilespmem:$0x1DB00] =	vst v63  }
0x41d: {  	s14 =	sadd.s32 $0x100, s11  }
0x41e: {  	[hbm4b:s14+s17] =	stream.strided.scatter [tilespmem:s29], [sflag:$0x3], $0x400, s31, s17, $0x38;
	[tilespmem:$0x1DB00] =	vst v63  }
0x41f: {  	s11 =	sadd.s32 $0x180, s11  }
0x420: {  	[hbm4b:s11+s17] =	stream.strided.scatter [tilespmem:s0], [sflag:$0x3], $0x400, s31, s17, $0x38;
	[tilespmem:$0x1DB00] =	vst v63  }
0x421: {  	s15 =	sadd.s32 $0x28000, s10  }
0x422: {  	[hbm4b:s15+s17] =	stream.strided.scatter [tilespmem:s2], [sflag:$0x3], $0x400, s31, s17, $0x38;
	[tilespmem:$0x1DB00] =	vst v63  }
0x423: {  	s16 =	sadd.s32 $0x80, s15  }
0x424: {  	[hbm4b:s16+s17] =	stream.strided.scatter [tilespmem:s3], [sflag:$0x3], $0x400, s31, s17, $0x38;
	[tilespmem:$0x1DB00] =	vst v63  }
0x425: {  	s19 =	sadd.s32 $0x100, s15  }
0x426: {  	[hbm4b:s19+s17] =	stream.strided.scatter [tilespmem:s4], [sflag:$0x3], $0x400, s31, s17, $0x38;
	[tilespmem:$0x1DB00] =	vst v63  }
0x427: {  	s11 =	sadd.s32 $0x180, s15  }
0x428: {  	[hbm4b:s11+s17] =	stream.strided.scatter [tilespmem:s5], [sflag:$0x3], $0x400, s31, s17, $0x38;
	[tilespmem:$0x1DB00] =	vst v63  }
0x429: {  	s13 =	sadd.s32 $0x30000, s10  }
0x42a: {  	[hbm4b:s13+s17] =	stream.strided.scatter [tilespmem:s20], [sflag:$0x3], $0x400, s31, s17, $0x38;
	[tilespmem:$0x1DB00] =	vst v63  }
0x42b: {  	s14 =	sadd.s32 $0x80, s13  }
0x42c: {  	[hbm4b:s14+s17] =	stream.strided.scatter [tilespmem:s21], [sflag:$0x3], $0x400, s31, s17, $0x38;
	[tilespmem:$0x1DB00] =	vst v63  }
0x42d: {  	s15 =	sadd.s32 $0x100, s13  }
0x42e: {  	[hbm4b:s15+s17] =	stream.strided.scatter [tilespmem:s22], [sflag:$0x3], $0x400, s31, s17, $0x38;
	[tilespmem:$0x1DB00] =	vst v63  }
0x42f: {  	s11 =	sadd.s32 $0x180, s13  }
0x430: {  	[hbm4b:s11+s17] =	stream.strided.scatter [tilespmem:s7], [sflag:$0x3], $0x400, s31, s17, $0x38;
	[tilespmem:$0x1DB00] =	vst v63  }
0x431: {  	s10 =	sadd.s32 $0x38000, s10  }
0x432: {  	[hbm4b:s10+s17] =	stream.strided.scatter [tilespmem:s23], [sflag:$0x3], $0x400, s31, s17, $0x38;
	[tilespmem:$0x1DB00] =	vst v63  }
0x433: {  	s16 =	sadd.s32 $0x80, s10  }
0x434: {  	[hbm4b:s16+s17] =	stream.strided.scatter [tilespmem:s24], [sflag:$0x3], $0x400, s31, s17, $0x38;
	[tilespmem:$0x1DB00] =	vst v63  }
.Ltmp5:
0x435: {  	_ = 	snop;
	(pc) =	sbr.rel @p0 .LBB2_9-.Ltmp5, $4  }
0x436: {  	s19 =	sadd.s32 $0x100, s10  }
0x437: {  	[hbm4b:s19+s17] =	stream.strided.scatter [tilespmem:s25], [sflag:$0x3], $0x400, s31, s17, $0x38;
	[tilespmem:$0x1DB00] =	vst v63  }
0x438: {  	p2 =	por $0x0, $0x0;
	s11 =	simm.s32 $0x1;
	s10 =	sadd.s32 $0x180, s10  }
0x439: {  	[hbm4b:s10+s17] =	stream.strided.scatter [tilespmem:s26], [sflag:$0x3], $0x400, s31, s17, $0x38;
	[tilespmem:$0x1DB00] =	vst v63  }
0x43a: {  	s30 =	sadd.s32 $0x1, s30  }
0x43b: {  	p0 =	sne.s32 s30, $0x4  }
.Ltmp6:
0x43c: {  	_ = 	snop;
	(pc) =	sbr.rel @p0 .LBB2_2-.Ltmp6, $1  }
0x43d: {  	_ =	sdelay $0x3  }
0x43e: {  	s1 =	simm.s32 $0x2  }
0x43f: {  	_ =	swait.ge [sflag:s1], $0x8000  }
0x440: {  	[sflag:s1] =	ssyncset.done $0x0  }
0x441: {  	s6 =	simm.s32 $0x3;
	[sflag:s1] =	ssyncadd.s32 $0xFFFF8000  }
0x442: {  	_ =	swait.ge [sflag:s6], $0x8000  }
0x443: {  	s9 =	rddreg [dreg:$0x10]  }
0x444: {  	s30 =	rddreg [dreg:$0xf];
	s9 =	sadd.s32 $0x1, s9  }
0x445: {  	p0 =	sne.s32 s9, s30  }
.Ltmp7:
0x446: {  	_ = 	snop;
	(pc) =	sbr.rel @p0 .LBB2_1-.Ltmp7, $3  }
0x447: {  	_ =	sdelay $0x1  }
0x448: {  	[sflag:s6] =	ssyncset.done $0x0  }
0x449: {  	[sflag:s6] =	ssyncadd.s32 $0xFFFF8000  }
0x44a: {  	_ =	sfence.sel $0x180000  }
0x44b: {  	[bflag:$0x0] =	sbarrier.arrive $0xFFFF  }
0x44c: {  	_ =	strace $0x90000047  }
0x44d: {  	s0 =	stileid.u32;
	[bflag:$0x2] =	sbarrier.arrive $0xFFFF  }
0x44e: {  	p0 =	sne.s32 s0, $0x0;
	s0 =	rddreg [dreg:$0x7]  }
0x44f: {  	s0 =	sadd.s32 @!p0 $0x100000, s0  }
0x450: {  	[sflag:s0] =	ssyncadd.tile.s32 @!p0 $0x1;
	_ =	shalt  }
.Lfunc_end2:
_tile_overlayer_lowered:
.L_overlay_start_2:
0x451: {  	(tag) =	ssettag $0x2  }
0x452: {  	s0 =	rddreg [dreg:$0x0];
	s2 =	stileid.u32  }
0x453: {  	s1 =	rddreg [dreg:$0x1];
	p0 =	sne.s32 s2, $0x0  }
0x454: {  	s3 =	rddreg [dreg:$0x2];
	[bflag:$0x3] =	sbarrier.arrive $0xFFFF;
	s2 =	simm.s32 @!p0 $0x1C04  }
0x455: {  	[timem:s3], [sflag:s2] =	dma.local @!p0 [hbm:s0], s1  }
0x456: {  	s0 =	simm.s32 @!p0 $0x4  }
0x457: {  	_ =	swait.ge @!p0 [sflag:s0], s1  }
0x458: {  	s1 =	ssub.s32 @!p0 $0x0, s1;
	[sflag:s0] =	ssyncset.done @!p0 $0x0  }
0x459: {  	[sflag:s0] =	ssyncadd.s32 @!p0 s1  }
0x45a: {  	[bflag:$0x3] =	sbarrier.arrive $0xFFFF  }
0x45b: {  	_ =	shalt  }

</sc_bundles>
